<compile_context>
chip_gen: v7x
topology: tpu7x:2x2x1
jax: 0.10.2.dev20260603
libtpu: 0.0.44.dev20260713+nightly
codegen_flags: <defaults>
</compile_context>

<pallas_src>
import functools

import jax
import jax.numpy as jnp
from jax import lax
from jax.experimental import pallas as pl
from jax.experimental.pallas import tpu as pltpu
from jax.experimental.pallas import tpu_sc as plsc

N = 10000
D_IN = 128
D_OUT = 200
E = 320000

NC = 2
NS = 16
NW = NC * NS

CHUNK = 128
CHUNKS_PER_W = 80
NQ = 4
H = CHUNKS_PER_W // NQ
NBUF = 2
E_PAD = NW * CHUNKS_PER_W * CHUNK
N_PAD = 10240
ROWS_PER_TILE = N_PAD // NS

_mesh = plsc.VectorSubcoreMesh(
    core_axis_name="c", subcore_axis_name="s", num_cores=NC, num_subcores=NS
)


@functools.partial(
    pl.kernel,
    out_type=jax.ShapeDtypeStruct((NC, N_PAD, D_IN), jnp.float32),
    mesh=_mesh,
    scratch_types=[
        pltpu.VMEM((H, CHUNK), jnp.int32),
        pltpu.VMEM((H, CHUNK), jnp.int32),
        pltpu.VMEM((H, CHUNK), jnp.float32),
        pltpu.VMEM((NBUF, CHUNK, D_IN), jnp.float32),
        pltpu.VMEM_SHARED((N_PAD, D_IN), jnp.float32),
        pltpu.SemaphoreType.DMA,
        pltpu.SemaphoreType.DMA,
        pltpu.SemaphoreType.DMA,
        pltpu.SemaphoreType.DMA,
    ],
)
def _sc_message_pass(x_hbm, src_hbm, dst_hbm, w_hbm, zeros_hbm, part_hbm,
                     src_v, dst_v, w_v, rows_v, acc_s,
                     g0, g1, s0, s1):
    c = lax.axis_index("c")
    s = lax.axis_index("s")
    wid = c * NS + s

    stripe = pl.ds(s * ROWS_PER_TILE, ROWS_PER_TILE)
    pltpu.sync_copy(zeros_hbm.at[stripe], acc_s.at[stripe])
    plsc.subcore_barrier()

    def scale(b, k):
        def group_body(g, carry2):
            wv = w_v[k, pl.ds(g * 16, 16)]
            for t in range(16):
                i = g * 16 + t
                w = wv[t]
                for j in range(D_IN // 16):
                    sl = pl.ds(j * 16, 16)
                    rows_v[b, i, sl] = rows_v[b, i, sl] * w
            return carry2

        lax.fori_loop(0, CHUNK // 16, group_body, 0)

    @pl.loop(0, NQ)
    def quarter_body(qh):
        pltpu.sync_copy(src_hbm.at[wid, qh], src_v)
        pltpu.sync_copy(dst_hbm.at[wid, qh], dst_v)
        pltpu.sync_copy(w_hbm.at[wid, qh], w_v)

        pltpu.async_copy(x_hbm.at[src_v.at[0]], rows_v.at[0], g0)

        @pl.loop(0, H, step=2)
        def chunk_round(k0):
            k1 = k0 + 1
            pltpu.make_async_copy(x_hbm.at[src_v.at[k0]], rows_v.at[0],
                                  g0).wait()
            @pl.when(k0 > 0)
            def _():
                pltpu.make_async_copy(rows_v.at[1],
                                      acc_s.at[dst_v.at[k0 - 1]],
                                      s1).wait()
            pltpu.async_copy(x_hbm.at[src_v.at[k1]], rows_v.at[1], g1)
            scale(0, k0)
            pltpu.async_copy(rows_v.at[0], acc_s.at[dst_v.at[k0]], s0,
                             add=True)
            pltpu.make_async_copy(x_hbm.at[src_v.at[k1]], rows_v.at[1],
                                  g1).wait()
            pltpu.make_async_copy(rows_v.at[0], acc_s.at[dst_v.at[k0]],
                                  s0).wait()
            @pl.when(k1 < H - 1)
            def _():
                pltpu.async_copy(x_hbm.at[src_v.at[k0 + 2]], rows_v.at[0],
                                 g0)
            scale(1, k1)
            pltpu.async_copy(rows_v.at[1], acc_s.at[dst_v.at[k1]], s1,
                             add=True)

        pltpu.make_async_copy(rows_v.at[1], acc_s.at[dst_v.at[H - 1]],
                              s1).wait()

    plsc.subcore_barrier()

    pltpu.sync_copy(acc_s.at[stripe], part_hbm.at[c, stripe])


R_BLK = 1000


def _dense_body(p0_ref, p1_ref, x_ref, wrel_ref, brel_ref, wroot_ref,
                wdec_ref, bdec_ref, out_ref):
    agg = p0_ref[...] + p1_ref[...]
    z = (jnp.dot(agg, wrel_ref[...], preferred_element_type=jnp.float32)
         + jnp.dot(x_ref[...], wroot_ref[...], preferred_element_type=jnp.float32)
         + brel_ref[...])
    z = jnp.maximum(z, 0.0)
    out_ref[...] = (jnp.dot(z, wdec_ref[...], preferred_element_type=jnp.float32)
                    + bdec_ref[...])


def _dense(p0, p1, x, W_rel, b_rel2, W_root, W_dec, b_dec2):
    row = lambda r, cc: pl.BlockSpec((r, cc), lambda i: (i, 0))
    full = lambda a, b: pl.BlockSpec((a, b), lambda i: (0, 0))
    return pl.pallas_call(
        _dense_body,
        grid=(N // R_BLK,),
        in_specs=[row(R_BLK, D_IN), row(R_BLK, D_IN), row(R_BLK, D_IN),
                  full(D_IN, D_OUT), full(1, D_OUT), full(D_IN, D_OUT),
                  full(D_OUT, D_IN), full(1, D_IN)],
        out_specs=row(R_BLK, D_IN),
        out_shape=jax.ShapeDtypeStruct((N, D_IN), jnp.float32),
    )(p0, p1, x, W_rel, b_rel2, W_root, W_dec, b_dec2)


def kernel(x, edge_index, edge_weight, W_rel, b_rel, W_root, W_dec, b_dec):
    src = edge_index[0]
    dst = edge_index[1]
    pad = E_PAD - E
    src_r = jnp.pad(src, (0, pad)).reshape(NW, NQ, H, CHUNK)
    dst_r = jnp.pad(dst, (0, pad)).reshape(NW, NQ, H, CHUNK)
    w_r = jnp.pad(edge_weight, (0, pad)).reshape(NW, NQ, H, CHUNK)
    zeros = jnp.zeros((N_PAD, D_IN), jnp.float32)

    parts = _sc_message_pass(x, src_r, dst_r, w_r, zeros)
    return _dense(parts[0, :N], parts[1, :N], x, W_rel, b_rel.reshape(1, D_OUT),
                  W_root, W_dec, b_dec.reshape(1, D_IN))

# --- scband reference (transcript-rebuilt; emitter-appended) ---
"""Pipeline reference for scband-gae-graph-conv-1314259992767 (READ-ONLY COPY).

The authoritative reference and input builder live on the scoring server;
editing this copy changes nothing except your own understanding.
"""

import jax, jax.numpy as jnp
import numpy as np

N = 10000
E = 320000
D_IN = 128
D_OUT = 200


def setup_inputs(seed: int = 0) -> dict:
    key = jax.random.key(seed)
    ks = jax.random.split(key, 9)
    x = jax.random.normal(ks[0], (N, D_IN), dtype=jnp.float32)
    edge_index = jax.random.randint(ks[1], (2, E), 0, N, dtype=jnp.int32)
    edge_weight = jax.random.uniform(ks[2], (E,), dtype=jnp.float32)
    # GraphConv params: lin_rel (weight+bias), lin_root (weight, no bias)
    s_in = 1.0 / np.sqrt(D_IN)
    W_rel = jax.random.uniform(ks[3], (D_IN, D_OUT), dtype=jnp.float32, minval=-s_in, maxval=s_in)
    b_rel = jax.random.uniform(ks[4], (D_OUT,), dtype=jnp.float32, minval=-s_in, maxval=s_in)
    W_root = jax.random.uniform(ks[5], (D_IN, D_OUT), dtype=jnp.float32, minval=-s_in, maxval=s_in)
    # decoder: Linear(out_channels, in_channels)
    s_out = 1.0 / np.sqrt(D_OUT)
    W_dec = jax.random.uniform(ks[6], (D_OUT, D_IN), dtype=jnp.float32, minval=-s_out, maxval=s_out)
    b_dec = jax.random.uniform(ks[7], (D_IN,), dtype=jnp.float32, minval=-s_out, maxval=s_out)
    return {"x": x, "edge_index": edge_index, "edge_weight": edge_weight,
            "W_rel": W_rel, "b_rel": b_rel, "W_root": W_root,
            "W_dec": W_dec, "b_dec": b_dec}


def reference(x, edge_index, edge_weight, W_rel, b_rel, W_root, W_dec, b_dec):
    # PyG GraphConv (aggr='add'): out = lin_rel(sum_{j in N(i)} w_ji * x_j) + lin_root(x_i)
    src = edge_index[0]
    dst = edge_index[1]
    msgs = edge_weight[:, None] * jnp.take(x, src, axis=0)   # gather [E, D_IN]
    agg = jax.ops.segment_sum(msgs, dst, num_segments=N)     # scatter-add [N, D_IN]
    z = agg @ W_rel + b_rel + x @ W_root                     # [N, D_OUT]
    z = jax.nn.relu(z)
    out = z @ W_dec + b_dec                                  # decoder -> [N, D_IN]
    return out

if __name__ == "__main__":
    import jax
    _d = setup_inputs()
    print(jax.jit(kernel)(*tuple(_d.values())))

</pallas_src>

<mosaic_0001>
#map = affine_map<(d0, d1) -> (0, 0)>
#map1 = affine_map<(d0, d1) -> (0, 0, 0, 0)>
#map2 = affine_map<(d0, d1) -> (0, 0, 0)>
module attributes {stable_mosaic.version = 14 : i64} {
  func.func @_sc_message_pass(%arg0: i32, %arg1: i32, %arg2: memref<10000x128xf32, #tpu.memory_space<hbm>>, %arg3: memref<32x4x20x128xi32, #tpu.memory_space<hbm>>, %arg4: memref<32x4x20x128xi32, #tpu.memory_space<hbm>>, %arg5: memref<32x4x20x128xf32, #tpu.memory_space<hbm>>, %arg6: memref<10240x128xf32, #tpu.memory_space<hbm>>, %arg7: memref<2x10240x128xf32, #tpu.memory_space<hbm>>, %arg8: memref<20x128xi32, #tpu.memory_space<vmem>>, %arg9: memref<20x128xi32, #tpu.memory_space<vmem>>, %arg10: memref<20x128xf32, #tpu.memory_space<vmem>>, %arg11: memref<2x128x128xf32, #tpu.memory_space<vmem>>, %arg12: memref<10240x128xf32, #tpu.memory_space<vmem_shared>>, %arg13: memref<!tpu.dma_semaphore, #tpu.memory_space<semaphore_mem>>, %arg14: memref<!tpu.dma_semaphore, #tpu.memory_space<semaphore_mem>>, %arg15: memref<!tpu.dma_semaphore, #tpu.memory_space<semaphore_mem>>, %arg16: memref<!tpu.dma_semaphore, #tpu.memory_space<semaphore_mem>>) attributes {dimension_semantics = [#tpu.dimension_semantics<core_parallel>, #tpu.dimension_semantics<subcore_parallel>], iteration_bounds = array<i64: 2, 16>, scalar_prefetch = 0 : i64, scratch_operands = 9 : i64, tpu.core_type = #tpu.core_type<sc_vector_subcore>, window_params = [{transform_indices = #map}, {transform_indices = #map1}, {transform_indices = #map1}, {transform_indices = #map1}, {transform_indices = #map}, {transform_indices = #map2}]} {
    %mul3A = arith.constant 16 : i32
    %mul3A_0 = arith.muli %arg0, %mul3A : i32
    %add3A = arith.addi %mul3A_0, %arg1 : i32
    %mul3A_1 = arith.constant 640 : i32
    %mul3A_2 = arith.muli %arg1, %mul3A_1 : i32
    "tpu.region"() ({
      %run_scoped3A = tpu.sem_alloc : memref<!tpu.dma_semaphore, #tpu.memory_space<semaphore_mem>>
      %dma_start3A = arith.constant 0 : i32
      %dma_start3A_8 = tpu.memref_slice %arg12[%mul3A_2, %dma_start3A] : memref<10240x128xf32, #tpu.memory_space<vmem_shared>> -> memref<640x128xf32, #tpu.memory_space<vmem_shared>>
      %dma_start3A_9 = arith.constant 0 : i32
      %dma_start3A_10 = tpu.memref_slice %arg6[%mul3A_2, %dma_start3A_9] : memref<10240x128xf32, #tpu.memory_space<hbm>> -> memref<640x128xf32, #tpu.memory_space<hbm>>
      tpu.enqueue_dma source(%dma_start3A_10 : memref<640x128xf32, #tpu.memory_space<hbm>>) target(%dma_start3A_8 : memref<640x128xf32, #tpu.memory_space<vmem_shared>>) target_semaphore(%run_scoped3A : memref<!tpu.dma_semaphore, #tpu.memory_space<semaphore_mem>>)
      %dma_wait3A = arith.constant 0 : i32
      %dma_wait3A_11 = tpu.memref_slice %arg12[%mul3A_2, %dma_wait3A] : memref<10240x128xf32, #tpu.memory_space<vmem_shared>> -> memref<640x128xf32, #tpu.memory_space<vmem_shared>>
      %dma_wait3A_12 = arith.constant 0 : i32
      %dma_wait3A_13 = tpu.memref_slice %arg6[%mul3A_2, %dma_wait3A_12] : memref<10240x128xf32, #tpu.memory_space<hbm>> -> memref<640x128xf32, #tpu.memory_space<hbm>>
      tpu.wait_dma2 semaphore(%run_scoped3A : memref<!tpu.dma_semaphore, #tpu.memory_space<semaphore_mem>>) src(%dma_wait3A_13 : memref<640x128xf32, #tpu.memory_space<hbm>>) dst(%dma_wait3A_11 : memref<640x128xf32, #tpu.memory_space<vmem_shared>>)
      tpu.yield
    }) : () -> ()
    %barrier3A = arith.constant 0 : index
    tpu.barrier barrier_id(%barrier3A)
    %scan3A = arith.constant 0 : i32
    %scan3A_3 = arith.constant 4 : i32
    %scan3A_4 = arith.addi %scan3A, %scan3A_3 : i32
    %scan3A_5 = arith.constant 1 : i32
    scf.for %scan3A_8 = %scan3A to %scan3A_4 step %scan3A_5  : i32 {
      %mul3A_9 = arith.constant 1 : i32
      %mul3A_10 = arith.muli %scan3A_8, %mul3A_9 : i32
      %add3A_11 = arith.constant 0 : i32
      %add3A_12 = arith.addi %add3A_11, %mul3A_10 : i32
      "tpu.region"() ({
        %run_scoped3A = tpu.sem_alloc : memref<!tpu.dma_semaphore, #tpu.memory_space<semaphore_mem>>
        %dma_start3A_40 = arith.constant 0 : i32
        %dma_start3A_41 = arith.constant 0 : i32
        %dma_start3A_42 = tpu.memref_slice %arg3[%add3A, %add3A_12, %dma_start3A_40, %dma_start3A_41] : memref<32x4x20x128xi32, #tpu.memory_space<hbm>> -> memref<1x1x20x128xi32, #tpu.memory_space<hbm>>
        %dma_start3A_43 = tpu.memref_squeeze %dma_start3A_42 : memref<1x1x20x128xi32, #tpu.memory_space<hbm>> -> memref<20x128xi32, #tpu.memory_space<hbm>>
        %dma_start3A_44 = arith.constant 0 : i32
        %dma_start3A_45 = arith.constant 0 : i32
        %dma_start3A_46 = tpu.memref_slice %arg3[%add3A, %add3A_12, %dma_start3A_44, %dma_start3A_45] : memref<32x4x20x128xi32, #tpu.memory_space<hbm>> -> memref<1x1x20x128xi32, #tpu.memory_space<hbm>>
        %dma_start3A_47 = tpu.memref_squeeze %dma_start3A_46 : memref<1x1x20x128xi32, #tpu.memory_space<hbm>> -> memref<20x128xi32, #tpu.memory_space<hbm>>
        tpu.enqueue_dma source(%dma_start3A_47 : memref<20x128xi32, #tpu.memory_space<hbm>>) target(%arg8 : memref<20x128xi32, #tpu.memory_space<vmem>>) target_semaphore(%run_scoped3A : memref<!tpu.dma_semaphore, #tpu.memory_space<semaphore_mem>>)
        %dma_wait3A_48 = arith.constant 0 : i32
        %dma_wait3A_49 = arith.constant 0 : i32
        %dma_wait3A_50 = tpu.memref_slice %arg3[%add3A, %add3A_12, %dma_wait3A_48, %dma_wait3A_49] : memref<32x4x20x128xi32, #tpu.memory_space<hbm>> -> memref<1x1x20x128xi32, #tpu.memory_space<hbm>>
        %dma_wait3A_51 = tpu.memref_squeeze %dma_wait3A_50 : memref<1x1x20x128xi32, #tpu.memory_space<hbm>> -> memref<20x128xi32, #tpu.memory_space<hbm>>
        %dma_wait3A_52 = arith.constant 0 : i32
        %dma_wait3A_53 = arith.constant 0 : i32
        %dma_wait3A_54 = tpu.memref_slice %arg3[%add3A, %add3A_12, %dma_wait3A_52, %dma_wait3A_53] : memref<32x4x20x128xi32, #tpu.memory_space<hbm>> -> memref<1x1x20x128xi32, #tpu.memory_space<hbm>>
        %dma_wait3A_55 = tpu.memref_squeeze %dma_wait3A_54 : memref<1x1x20x128xi32, #tpu.memory_space<hbm>> -> memref<20x128xi32, #tpu.memory_space<hbm>>
        tpu.wait_dma2 semaphore(%run_scoped3A : memref<!tpu.dma_semaphore, #tpu.memory_space<semaphore_mem>>) src(%dma_wait3A_55 : memref<20x128xi32, #tpu.memory_space<hbm>>) dst(%arg8 : memref<20x128xi32, #tpu.memory_space<vmem>>)
        tpu.yield
      }) : () -> ()
      "tpu.region"() ({
        %run_scoped3A = tpu.sem_alloc : memref<!tpu.dma_semaphore, #tpu.memory_space<semaphore_mem>>
        %dma_start3A_40 = arith.constant 0 : i32
        %dma_start3A_41 = arith.constant 0 : i32
        %dma_start3A_42 = tpu.memref_slice %arg4[%add3A, %add3A_12, %dma_start3A_40, %dma_start3A_41] : memref<32x4x20x128xi32, #tpu.memory_space<hbm>> -> memref<1x1x20x128xi32, #tpu.memory_space<hbm>>
        %dma_start3A_43 = tpu.memref_squeeze %dma_start3A_42 : memref<1x1x20x128xi32, #tpu.memory_space<hbm>> -> memref<20x128xi32, #tpu.memory_space<hbm>>
        %dma_start3A_44 = arith.constant 0 : i32
        %dma_start3A_45 = arith.constant 0 : i32
        %dma_start3A_46 = tpu.memref_slice %arg4[%add3A, %add3A_12, %dma_start3A_44, %dma_start3A_45] : memref<32x4x20x128xi32, #tpu.memory_space<hbm>> -> memref<1x1x20x128xi32, #tpu.memory_space<hbm>>
        %dma_start3A_47 = tpu.memref_squeeze %dma_start3A_46 : memref<1x1x20x128xi32, #tpu.memory_space<hbm>> -> memref<20x128xi32, #tpu.memory_space<hbm>>
        tpu.enqueue_dma source(%dma_start3A_47 : memref<20x128xi32, #tpu.memory_space<hbm>>) target(%arg9 : memref<20x128xi32, #tpu.memory_space<vmem>>) target_semaphore(%run_scoped3A : memref<!tpu.dma_semaphore, #tpu.memory_space<semaphore_mem>>)
        %dma_wait3A_48 = arith.constant 0 : i32
        %dma_wait3A_49 = arith.constant 0 : i32
        %dma_wait3A_50 = tpu.memref_slice %arg4[%add3A, %add3A_12, %dma_wait3A_48, %dma_wait3A_49] : memref<32x4x20x128xi32, #tpu.memory_space<hbm>> -> memref<1x1x20x128xi32, #tpu.memory_space<hbm>>
        %dma_wait3A_51 = tpu.memref_squeeze %dma_wait3A_50 : memref<1x1x20x128xi32, #tpu.memory_space<hbm>> -> memref<20x128xi32, #tpu.memory_space<hbm>>
        %dma_wait3A_52 = arith.constant 0 : i32
        %dma_wait3A_53 = arith.constant 0 : i32
        %dma_wait3A_54 = tpu.memref_slice %arg4[%add3A, %add3A_12, %dma_wait3A_52, %dma_wait3A_53] : memref<32x4x20x128xi32, #tpu.memory_space<hbm>> -> memref<1x1x20x128xi32, #tpu.memory_space<hbm>>
        %dma_wait3A_55 = tpu.memref_squeeze %dma_wait3A_54 : memref<1x1x20x128xi32, #tpu.memory_space<hbm>> -> memref<20x128xi32, #tpu.memory_space<hbm>>
        tpu.wait_dma2 semaphore(%run_scoped3A : memref<!tpu.dma_semaphore, #tpu.memory_space<semaphore_mem>>) src(%dma_wait3A_55 : memref<20x128xi32, #tpu.memory_space<hbm>>) dst(%arg9 : memref<20x128xi32, #tpu.memory_space<vmem>>)
        tpu.yield
      }) : () -> ()
      "tpu.region"() ({
        %run_scoped3A = tpu.sem_alloc : memref<!tpu.dma_semaphore, #tpu.memory_space<semaphore_mem>>
        %dma_start3A_40 = arith.constant 0 : i32
        %dma_start3A_41 = arith.constant 0 : i32
        %dma_start3A_42 = tpu.memref_slice %arg5[%add3A, %add3A_12, %dma_start3A_40, %dma_start3A_41] : memref<32x4x20x128xf32, #tpu.memory_space<hbm>> -> memref<1x1x20x128xf32, #tpu.memory_space<hbm>>
        %dma_start3A_43 = tpu.memref_squeeze %dma_start3A_42 : memref<1x1x20x128xf32, #tpu.memory_space<hbm>> -> memref<20x128xf32, #tpu.memory_space<hbm>>
        %dma_start3A_44 = arith.constant 0 : i32
        %dma_start3A_45 = arith.constant 0 : i32
        %dma_start3A_46 = tpu.memref_slice %arg5[%add3A, %add3A_12, %dma_start3A_44, %dma_start3A_45] : memref<32x4x20x128xf32, #tpu.memory_space<hbm>> -> memref<1x1x20x128xf32, #tpu.memory_space<hbm>>
        %dma_start3A_47 = tpu.memref_squeeze %dma_start3A_46 : memref<1x1x20x128xf32, #tpu.memory_space<hbm>> -> memref<20x128xf32, #tpu.memory_space<hbm>>
        tpu.enqueue_dma source(%dma_start3A_47 : memref<20x128xf32, #tpu.memory_space<hbm>>) target(%arg10 : memref<20x128xf32, #tpu.memory_space<vmem>>) target_semaphore(%run_scoped3A : memref<!tpu.dma_semaphore, #tpu.memory_space<semaphore_mem>>)
        %dma_wait3A_48 = arith.constant 0 : i32
        %dma_wait3A_49 = arith.constant 0 : i32
        %dma_wait3A_50 = tpu.memref_slice %arg5[%add3A, %add3A_12, %dma_wait3A_48, %dma_wait3A_49] : memref<32x4x20x128xf32, #tpu.memory_space<hbm>> -> memref<1x1x20x128xf32, #tpu.memory_space<hbm>>
        %dma_wait3A_51 = tpu.memref_squeeze %dma_wait3A_50 : memref<1x1x20x128xf32, #tpu.memory_space<hbm>> -> memref<20x128xf32, #tpu.memory_space<hbm>>
        %dma_wait3A_52 = arith.constant 0 : i32
        %dma_wait3A_53 = arith.constant 0 : i32
        %dma_wait3A_54 = tpu.memref_slice %arg5[%add3A, %add3A_12, %dma_wait3A_52, %dma_wait3A_53] : memref<32x4x20x128xf32, #tpu.memory_space<hbm>> -> memref<1x1x20x128xf32, #tpu.memory_space<hbm>>
        %dma_wait3A_55 = tpu.memref_squeeze %dma_wait3A_54 : memref<1x1x20x128xf32, #tpu.memory_space<hbm>> -> memref<20x128xf32, #tpu.memory_space<hbm>>
        tpu.wait_dma2 semaphore(%run_scoped3A : memref<!tpu.dma_semaphore, #tpu.memory_space<semaphore_mem>>) src(%dma_wait3A_55 : memref<20x128xf32, #tpu.memory_space<hbm>>) dst(%arg10 : memref<20x128xf32, #tpu.memory_space<vmem>>)
        tpu.yield
      }) : () -> ()
      %dma_start3A = arith.constant 0 : i32
      %dma_start3A_13 = arith.constant 0 : i32
      %dma_start3A_14 = arith.constant 0 : i32
      %dma_start3A_15 = arith.constant 0 : i32
      %dma_start3A_16 = tpu.memref_slice %arg11[%dma_start3A_13, %dma_start3A_14, %dma_start3A_15] : memref<2x128x128xf32, #tpu.memory_space<vmem>> -> memref<1x128x128xf32, #tpu.memory_space<vmem>>
      %dma_start3A_17 = tpu.memref_squeeze %dma_start3A_16 : memref<1x128x128xf32, #tpu.memory_space<vmem>> -> memref<128x128xf32, #tpu.memory_space<vmem>>
      %dma_start3A_18 = arith.constant 0 : i32
      %dma_start3A_19 = tpu.memref_slice %arg8[%dma_start3A, %dma_start3A_18] : memref<20x128xi32, #tpu.memory_space<vmem>> -> memref<1x128xi32, #tpu.memory_space<vmem>>
      %dma_start3A_20 = tpu.memref_squeeze %dma_start3A_19 : memref<1x128xi32, #tpu.memory_space<vmem>> -> memref<128xi32, #tpu.memory_space<vmem>>
      %dma_start3A_21 = arith.constant 0 : i32
      %dma_start3A_22 = arith.constant 0 : i32
      %dma_start3A_23 = tpu.memref_slice %arg2[%dma_start3A_21, %dma_start3A_22] : memref<10000x128xf32, #tpu.memory_space<hbm>> -> memref<10000x128xf32, #tpu.memory_space<hbm>>
      tpu.enqueue_indirect_dma source(%dma_start3A_23 : memref<10000x128xf32, #tpu.memory_space<hbm>>) target(%dma_start3A_17 : memref<128x128xf32, #tpu.memory_space<vmem>>) offsets(%dma_start3A_20 : memref<128xi32, #tpu.memory_space<vmem>>) semaphore(%arg13 : memref<!tpu.dma_semaphore, #tpu.memory_space<semaphore_mem>>)
      %scan3A_24 = arith.constant 0 : i32
      %scan3A_25 = arith.constant 10 : i32
      %scan3A_26 = arith.addi %scan3A_24, %scan3A_25 : i32
      %scan3A_27 = arith.constant 1 : i32
      scf.for %scan3A_40 = %scan3A_24 to %scan3A_26 step %scan3A_27  : i32 {
        %mul3A_41 = arith.constant 2 : i32
        %mul3A_42 = arith.muli %scan3A_40, %mul3A_41 : i32
        %add3A_43 = arith.constant 0 : i32
        %add3A_44 = arith.addi %add3A_43, %mul3A_42 : i32
        %add3A_45 = arith.constant 1 : i32
        %add3A_46 = arith.addi %add3A_44, %add3A_45 : i32
        %dma_wait3A_47 = arith.constant 0 : i32
        %dma_wait3A_48 = arith.constant 0 : i32
        %dma_wait3A_49 = arith.constant 0 : i32
        %dma_wait3A_50 = tpu.memref_slice %arg11[%dma_wait3A_47, %dma_wait3A_48, %dma_wait3A_49] : memref<2x128x128xf32, #tpu.memory_space<vmem>> -> memref<1x128x128xf32, #tpu.memory_space<vmem>>
        %dma_wait3A_51 = tpu.memref_squeeze %dma_wait3A_50 : memref<1x128x128xf32, #tpu.memory_space<vmem>> -> memref<128x128xf32, #tpu.memory_space<vmem>>
        %dma_wait3A_52 = arith.constant 0 : i32
        %dma_wait3A_53 = tpu.memref_slice %arg8[%add3A_44, %dma_wait3A_52] : memref<20x128xi32, #tpu.memory_space<vmem>> -> memref<1x128xi32, #tpu.memory_space<vmem>>
        %dma_wait3A_54 = tpu.memref_squeeze %dma_wait3A_53 : memref<1x128xi32, #tpu.memory_space<vmem>> -> memref<128xi32, #tpu.memory_space<vmem>>
        %dma_wait3A_55 = arith.constant 0 : i32
        %dma_wait3A_56 = arith.constant 0 : i32
        %dma_wait3A_57 = tpu.memref_slice %arg2[%dma_wait3A_55, %dma_wait3A_56] : memref<10000x128xf32, #tpu.memory_space<hbm>> -> memref<10000x128xf32, #tpu.memory_space<hbm>>
        tpu.wait_indirect_dma semaphore(%arg13 : memref<!tpu.dma_semaphore, #tpu.memory_space<semaphore_mem>>) src(%dma_wait3A_57 : memref<10000x128xf32, #tpu.memory_space<hbm>>) dst(%dma_wait3A_51 : memref<128x128xf32, #tpu.memory_space<vmem>>)
        %gt3A = arith.constant 0 : i32
        %gt3A_58 = arith.cmpi sgt, %add3A_44, %gt3A : i32
        %convert_element_type3A = arith.extui %gt3A_58 : i1 to i32
        %cond3A = arith.constant 0 : i32
        %cond3A_59 = arith.cmpi ne, %convert_element_type3A, %cond3A : i32
        scf.if %cond3A_59 {
          %sub3A = arith.constant 1 : i32
          %sub3A_131 = arith.subi %add3A_44, %sub3A : i32
          %dma_wait3A_132 = arith.constant 1 : i32
          %dma_wait3A_133 = arith.constant 0 : i32
          %dma_wait3A_134 = arith.constant 0 : i32
          %dma_wait3A_135 = tpu.memref_slice %arg11[%dma_wait3A_132, %dma_wait3A_133, %dma_wait3A_134] : memref<2x128x128xf32, #tpu.memory_space<vmem>> -> memref<1x128x128xf32, #tpu.memory_space<vmem>>
          %dma_wait3A_136 = tpu.memref_squeeze %dma_wait3A_135 : memref<1x128x128xf32, #tpu.memory_space<vmem>> -> memref<128x128xf32, #tpu.memory_space<vmem>>
          %dma_wait3A_137 = arith.constant 0 : i32
          %dma_wait3A_138 = tpu.memref_slice %arg9[%sub3A_131, %dma_wait3A_137] : memref<20x128xi32, #tpu.memory_space<vmem>> -> memref<1x128xi32, #tpu.memory_space<vmem>>
          %dma_wait3A_139 = tpu.memref_squeeze %dma_wait3A_138 : memref<1x128xi32, #tpu.memory_space<vmem>> -> memref<128xi32, #tpu.memory_space<vmem>>
          %dma_wait3A_140 = arith.constant 0 : i32
          %dma_wait3A_141 = arith.constant 0 : i32
          %dma_wait3A_142 = tpu.memref_slice %arg12[%dma_wait3A_140, %dma_wait3A_141] : memref<10240x128xf32, #tpu.memory_space<vmem_shared>> -> memref<10240x128xf32, #tpu.memory_space<vmem_shared>>
          tpu.wait_indirect_dma semaphore(%arg16 : memref<!tpu.dma_semaphore, #tpu.memory_space<semaphore_mem>>) src(%dma_wait3A_136 : memref<128x128xf32, #tpu.memory_space<vmem>>) dst(%dma_wait3A_142 : memref<10240x128xf32, #tpu.memory_space<vmem_shared>>)
        } else {
        }
        %dma_start3A_60 = arith.constant 1 : i32
        %dma_start3A_61 = arith.constant 0 : i32
        %dma_start3A_62 = arith.constant 0 : i32
        %dma_start3A_63 = tpu.memref_slice %arg11[%dma_start3A_60, %dma_start3A_61, %dma_start3A_62] : memref<2x128x128xf32, #tpu.memory_space<vmem>> -> memref<1x128x128xf32, #tpu.memory_space<vmem>>
        %dma_start3A_64 = tpu.memref_squeeze %dma_start3A_63 : memref<1x128x128xf32, #tpu.memory_space<vmem>> -> memref<128x128xf32, #tpu.memory_space<vmem>>
        %dma_start3A_65 = arith.constant 0 : i32
        %dma_start3A_66 = tpu.memref_slice %arg8[%add3A_46, %dma_start3A_65] : memref<20x128xi32, #tpu.memory_space<vmem>> -> memref<1x128xi32, #tpu.memory_space<vmem>>
        %dma_start3A_67 = tpu.memref_squeeze %dma_start3A_66 : memref<1x128xi32, #tpu.memory_space<vmem>> -> memref<128xi32, #tpu.memory_space<vmem>>
        %dma_start3A_68 = arith.constant 0 : i32
        %dma_start3A_69 = arith.constant 0 : i32
        %dma_start3A_70 = tpu.memref_slice %arg2[%dma_start3A_68, %dma_start3A_69] : memref<10000x128xf32, #tpu.memory_space<hbm>> -> memref<10000x128xf32, #tpu.memory_space<hbm>>
        tpu.enqueue_indirect_dma source(%dma_start3A_70 : memref<10000x128xf32, #tpu.memory_space<hbm>>) target(%dma_start3A_64 : memref<128x128xf32, #tpu.memory_space<vmem>>) offsets(%dma_start3A_67 : memref<128xi32, #tpu.memory_space<vmem>>) semaphore(%arg14 : memref<!tpu.dma_semaphore, #tpu.memory_space<semaphore_mem>>)
        %scan3A_71 = arith.constant 0 : i32
        %scan3A_72 = arith.constant 0 : i32
        %scan3A_73 = arith.constant 8 : i32
        %scan3A_74 = arith.addi %scan3A_72, %scan3A_73 : i32
        %scan3A_75 = arith.constant 1 : i32
        scf.for %scan3A_131 = %scan3A_72 to %scan3A_74 step %scan3A_75  : i32 {
          %mul3A_132 = arith.constant 16 : i32
          %mul3A_133 = arith.muli %scan3A_131, %mul3A_132 : i32
          %get3A = arith.index_cast %add3A_44 : i32 to index
          %get3A_134 = arith.index_cast %mul3A_133 : i32 to index
          %get3A_135 = tpu.vector_load %arg10[%get3A, %get3A_134] {strides = array<i32>} : memref<20x128xf32, #tpu.memory_space<vmem>>, vector<1x16xf32>,
          %get3A_136 = vector.shape_cast %get3A_135 : vector<1x16xf32> to vector<16xf32>
          %mul3A_137 = arith.constant 16 : i32
          %mul3A_138 = arith.muli %scan3A_131, %mul3A_137 : i32
          %add3A_139 = arith.constant 0 : i32
          %add3A_140 = arith.addi %mul3A_138, %add3A_139 : i32
          %slice3A = vector.extract_strided_slice %get3A_136 {offsets = [0], sizes = [1], strides = [1]} : vector<16xf32> to vector<1xf32>
          %squeeze3A = vector.extract %slice3A[0] : f32 from vector<1xf32>
          %get3A_141 = arith.constant 0 : i32
          %get3A_142 = arith.index_cast %get3A_141 : i32 to index
          %get3A_143 = arith.index_cast %add3A_140 : i32 to index
          %get3A_144 = arith.constant 0 : index
          %get3A_145 = tpu.vector_load %arg11[%get3A_142, %get3A_143, %get3A_144] {strides = array<i32>} : memref<2x128x128xf32, #tpu.memory_space<vmem>>, vector<1x1x16xf32>,
          %get3A_146 = vector.shape_cast %get3A_145 : vector<1x1x16xf32> to vector<16xf32>
          %mul3A_147 = vector.broadcast %squeeze3A : f32 to vector<16xf32>
          %mul3A_148 = arith.mulf %get3A_146, %mul3A_147 : vector<16xf32>
          %swap3A = arith.constant 0 : i32
          %swap3A_149 = arith.index_cast %swap3A : i32 to index
          %swap3A_150 = arith.index_cast %add3A_140 : i32 to index
          %swap3A_151 = arith.constant 0 : index
          %swap3A_152 = tpu.vector_load %arg11[%swap3A_149, %swap3A_150, %swap3A_151] {strides = array<i32>} : memref<2x128x128xf32, #tpu.memory_space<vmem>>, vector<1x1x16xf32>,
          %swap3A_153 = vector.shape_cast %swap3A_152 : vector<1x1x16xf32> to vector<16xf32>
          %swap3A_154 = vector.shape_cast %mul3A_148 : vector<16xf32> to vector<1x1x16xf32>
          tpu.vector_store %arg11[%swap3A_149, %swap3A_150, %swap3A_151], %swap3A_154 {strides = array<i32>} : memref<2x128x128xf32, #tpu.memory_space<vmem>>, vector<1x1x16xf32>,
          %get3A_155 = arith.constant 0 : i32
          %get3A_156 = arith.index_cast %get3A_155 : i32 to index
          %get3A_157 = arith.index_cast %add3A_140 : i32 to index
          %get3A_158 = arith.constant 16 : index
          %get3A_159 = tpu.vector_load %arg11[%get3A_156, %get3A_157, %get3A_158] {strides = array<i32>} : memref<2x128x128xf32, #tpu.memory_space<vmem>>, vector<1x1x16xf32>,
          %get3A_160 = vector.shape_cast %get3A_159 : vector<1x1x16xf32> to vector<16xf32>
          %mul3A_161 = vector.broadcast %squeeze3A : f32 to vector<16xf32>
          %mul3A_162 = arith.mulf %get3A_160, %mul3A_161 : vector<16xf32>
          %swap3A_163 = arith.constant 0 : i32
          %swap3A_164 = arith.index_cast %swap3A_163 : i32 to index
          %swap3A_165 = arith.index_cast %add3A_140 : i32 to index
          %swap3A_166 = arith.constant 16 : index
          %swap3A_167 = tpu.vector_load %arg11[%swap3A_164, %swap3A_165, %swap3A_166] {strides = array<i32>} : memref<2x128x128xf32, #tpu.memory_space<vmem>>, vector<1x1x16xf32>,
          %swap3A_168 = vector.shape_cast %swap3A_167 : vector<1x1x16xf32> to vector<16xf32>
          %swap3A_169 = vector.shape_cast %mul3A_162 : vector<16xf32> to vector<1x1x16xf32>
          tpu.vector_store %arg11[%swap3A_164, %swap3A_165, %swap3A_166], %swap3A_169 {strides = array<i32>} : memref<2x128x128xf32, #tpu.memory_space<vmem>>, vector<1x1x16xf32>,
          %get3A_170 = arith.constant 0 : i32
          %get3A_171 = arith.index_cast %get3A_170 : i32 to index
          %get3A_172 = arith.index_cast %add3A_140 : i32 to index
          %get3A_173 = arith.constant 32 : index
          %get3A_174 = tpu.vector_load %arg11[%get3A_171, %get3A_172, %get3A_173] {strides = array<i32>} : memref<2x128x128xf32, #tpu.memory_space<vmem>>, vector<1x1x16xf32>,
          %get3A_175 = vector.shape_cast %get3A_174 : vector<1x1x16xf32> to vector<16xf32>
          %mul3A_176 = vector.broadcast %squeeze3A : f32 to vector<16xf32>
          %mul3A_177 = arith.mulf %get3A_175, %mul3A_176 : vector<16xf32>
          %swap3A_178 = arith.constant 0 : i32
          %swap3A_179 = arith.index_cast %swap3A_178 : i32 to index
          %swap3A_180 = arith.index_cast %add3A_140 : i32 to index
          %swap3A_181 = arith.constant 32 : index
          %swap3A_182 = tpu.vector_load %arg11[%swap3A_179, %swap3A_180, %swap3A_181] {strides = array<i32>} : memref<2x128x128xf32, #tpu.memory_space<vmem>>, vector<1x1x16xf32>,
          %swap3A_183 = vector.shape_cast %swap3A_182 : vector<1x1x16xf32> to vector<16xf32>
          %swap3A_184 = vector.shape_cast %mul3A_177 : vector<16xf32> to vector<1x1x16xf32>
          tpu.vector_store %arg11[%swap3A_179, %swap3A_180, %swap3A_181], %swap3A_184 {strides = array<i32>} : memref<2x128x128xf32, #tpu.memory_space<vmem>>, vector<1x1x16xf32>,
          %get3A_185 = arith.constant 0 : i32
          %get3A_186 = arith.index_cast %get3A_185 : i32 to index
          %get3A_187 = arith.index_cast %add3A_140 : i32 to index
          %get3A_188 = arith.constant 48 : index
          %get3A_189 = tpu.vector_load %arg11[%get3A_186, %get3A_187, %get3A_188] {strides = array<i32>} : memref<2x128x128xf32, #tpu.memory_space<vmem>>, vector<1x1x16xf32>,
          %get3A_190 = vector.shape_cast %get3A_189 : vector<1x1x16xf32> to vector<16xf32>
          %mul3A_191 = vector.broadcast %squeeze3A : f32 to vector<16xf32>
          %mul3A_192 = arith.mulf %get3A_190, %mul3A_191 : vector<16xf32>
          %swap3A_193 = arith.constant 0 : i32
          %swap3A_194 = arith.index_cast %swap3A_193 : i32 to index
          %swap3A_195 = arith.index_cast %add3A_140 : i32 to index
          %swap3A_196 = arith.constant 48 : index
          %swap3A_197 = tpu.vector_load %arg11[%swap3A_194, %swap3A_195, %swap3A_196] {strides = array<i32>} : memref<2x128x128xf32, #tpu.memory_space<vmem>>, vector<1x1x16xf32>,
          %swap3A_198 = vector.shape_cast %swap3A_197 : vector<1x1x16xf32> to vector<16xf32>
          %swap3A_199 = vector.shape_cast %mul3A_192 : vector<16xf32> to vector<1x1x16xf32>
          tpu.vector_store %arg11[%swap3A_194, %swap3A_195, %swap3A_196], %swap3A_199 {strides = array<i32>} : memref<2x128x128xf32, #tpu.memory_space<vmem>>, vector<1x1x16xf32>,
          %get3A_200 = arith.constant 0 : i32
          %get3A_201 = arith.index_cast %get3A_200 : i32 to index
          %get3A_202 = arith.index_cast %add3A_140 : i32 to index
          %get3A_203 = arith.constant 64 : index
          %get3A_204 = tpu.vector_load %arg11[%get3A_201, %get3A_202, %get3A_203] {strides = array<i32>} : memref<2x128x128xf32, #tpu.memory_space<vmem>>, vector<1x1x16xf32>,
          %get3A_205 = vector.shape_cast %get3A_204 : vector<1x1x16xf32> to vector<16xf32>
          %mul3A_206 = vector.broadcast %squeeze3A : f32 to vector<16xf32>
          %mul3A_207 = arith.mulf %get3A_205, %mul3A_206 : vector<16xf32>
          %swap3A_208 = arith.constant 0 : i32
          %swap3A_209 = arith.index_cast %swap3A_208 : i32 to index
          %swap3A_210 = arith.index_cast %add3A_140 : i32 to index
          %swap3A_211 = arith.constant 64 : index
          %swap3A_212 = tpu.vector_load %arg11[%swap3A_209, %swap3A_210, %swap3A_211] {strides = array<i32>} : memref<2x128x128xf32, #tpu.memory_space<vmem>>, vector<1x1x16xf32>,
          %swap3A_213 = vector.shape_cast %swap3A_212 : vector<1x1x16xf32> to vector<16xf32>
          %swap3A_214 = vector.shape_cast %mul3A_207 : vector<16xf32> to vector<1x1x16xf32>
          tpu.vector_store %arg11[%swap3A_209, %swap3A_210, %swap3A_211], %swap3A_214 {strides = array<i32>} : memref<2x128x128xf32, #tpu.memory_space<vmem>>, vector<1x1x16xf32>,
          %get3A_215 = arith.constant 0 : i32
          %get3A_216 = arith.index_cast %get3A_215 : i32 to index
          %get3A_217 = arith.index_cast %add3A_140 : i32 to index
          %get3A_218 = arith.constant 80 : index
          %get3A_219 = tpu.vector_load %arg11[%get3A_216, %get3A_217, %get3A_218] {strides = array<i32>} : memref<2x128x128xf32, #tpu.memory_space<vmem>>, vector<1x1x16xf32>,
          %get3A_220 = vector.shape_cast %get3A_219 : vector<1x1x16xf32> to vector<16xf32>
          %mul3A_221 = vector.broadcast %squeeze3A : f32 to vector<16xf32>
          %mul3A_222 = arith.mulf %get3A_220, %mul3A_221 : vector<16xf32>
          %swap3A_223 = arith.constant 0 : i32
          %swap3A_224 = arith.index_cast %swap3A_223 : i32 to index
          %swap3A_225 = arith.index_cast %add3A_140 : i32 to index
          %swap3A_226 = arith.constant 80 : index
          %swap3A_227 = tpu.vector_load %arg11[%swap3A_224, %swap3A_225, %swap3A_226] {strides = array<i32>} : memref<2x128x128xf32, #tpu.memory_space<vmem>>, vector<1x1x16xf32>,
          %swap3A_228 = vector.shape_cast %swap3A_227 : vector<1x1x16xf32> to vector<16xf32>
          %swap3A_229 = vector.shape_cast %mul3A_222 : vector<16xf32> to vector<1x1x16xf32>
          tpu.vector_store %arg11[%swap3A_224, %swap3A_225, %swap3A_226], %swap3A_229 {strides = array<i32>} : memref<2x128x128xf32, #tpu.memory_space<vmem>>, vector<1x1x16xf32>,
          %get3A_230 = arith.constant 0 : i32
          %get3A_231 = arith.index_cast %get3A_230 : i32 to index
          %get3A_232 = arith.index_cast %add3A_140 : i32 to index
          %get3A_233 = arith.constant 96 : index
          %get3A_234 = tpu.vector_load %arg11[%get3A_231, %get3A_232, %get3A_233] {strides = array<i32>} : memref<2x128x128xf32, #tpu.memory_space<vmem>>, vector<1x1x16xf32>,
          %get3A_235 = vector.shape_cast %get3A_234 : vector<1x1x16xf32> to vector<16xf32>
          %mul3A_236 = vector.broadcast %squeeze3A : f32 to vector<16xf32>
          %mul3A_237 = arith.mulf %get3A_235, %mul3A_236 : vector<16xf32>
          %swap3A_238 = arith.constant 0 : i32
          %swap3A_239 = arith.index_cast %swap3A_238 : i32 to index
          %swap3A_240 = arith.index_cast %add3A_140 : i32 to index
          %swap3A_241 = arith.constant 96 : index
          %swap3A_242 = tpu.vector_load %arg11[%swap3A_239, %swap3A_240, %swap3A_241] {strides = array<i32>} : memref<2x128x128xf32, #tpu.memory_space<vmem>>, vector<1x1x16xf32>,
          %swap3A_243 = vector.shape_cast %swap3A_242 : vector<1x1x16xf32> to vector<16xf32>
          %swap3A_244 = vector.shape_cast %mul3A_237 : vector<16xf32> to vector<1x1x16xf32>
          tpu.vector_store %arg11[%swap3A_239, %swap3A_240, %swap3A_241], %swap3A_244 {strides = array<i32>} : memref<2x128x128xf32, #tpu.memory_space<vmem>>, vector<1x1x16xf32>,
          %get3A_245 = arith.constant 0 : i32
          %get3A_246 = arith.index_cast %get3A_245 : i32 to index
          %get3A_247 = arith.index_cast %add3A_140 : i32 to index
          %get3A_248 = arith.constant 112 : index
          %get3A_249 = tpu.vector_load %arg11[%get3A_246, %get3A_247, %get3A_248] {strides = array<i32>} : memref<2x128x128xf32, #tpu.memory_space<vmem>>, vector<1x1x16xf32>,
          %get3A_250 = vector.shape_cast %get3A_249 : vector<1x1x16xf32> to vector<16xf32>
          %mul3A_251 = vector.broadcast %squeeze3A : f32 to vector<16xf32>
          %mul3A_252 = arith.mulf %get3A_250, %mul3A_251 : vector<16xf32>
          %swap3A_253 = arith.constant 0 : i32
          %swap3A_254 = arith.index_cast %swap3A_253 : i32 to index
          %swap3A_255 = arith.index_cast %add3A_140 : i32 to index
          %swap3A_256 = arith.constant 112 : index
          %swap3A_257 = tpu.vector_load %arg11[%swap3A_254, %swap3A_255, %swap3A_256] {strides = array<i32>} : memref<2x128x128xf32, #tpu.memory_space<vmem>>, vector<1x1x16xf32>,
          %swap3A_258 = vector.shape_cast %swap3A_257 : vector<1x1x16xf32> to vector<16xf32>
          %swap3A_259 = vector.shape_cast %mul3A_252 : vector<16xf32> to vector<1x1x16xf32>
          tpu.vector_store %arg11[%swap3A_254, %swap3A_255, %swap3A_256], %swap3A_259 {strides = array<i32>} : memref<2x128x128xf32, #tpu.memory_space<vmem>>, vector<1x1x16xf32>,
          %mul3A_260 = arith.constant 16 : i32
          %mul3A_261 = arith.muli %scan3A_131, %mul3A_260 : i32
          %add3A_262 = arith.constant 1 : i32
          %add3A_263 = arith.addi %mul3A_261, %add3A_262 : i32
          %slice3A_264 = vector.extract_strided_slice %get3A_136 {offsets = [1], sizes = [1], strides = [1]} : vector<16xf32> to vector<1xf32>
          %squeeze3A_265 = vector.extract %slice3A_264[0] : f32 from vector<1xf32>
          %get3A_266 = arith.constant 0 : i32
          %get3A_267 = arith.index_cast %get3A_266 : i32 to index
          %get3A_268 = arith.index_cast %add3A_263 : i32 to index
          %get3A_269 = arith.constant 0 : index
          %get3A_270 = tpu.vector_load %arg11[%get3A_267, %get3A_268, %get3A_269] {strides = array<i32>} : memref<2x128x128xf32, #tpu.memory_space<vmem>>, vector<1x1x16xf32>,
          %get3A_271 = vector.shape_cast %get3A_270 : vector<1x1x16xf32> to vector<16xf32>
          %mul3A_272 = vector.broadcast %squeeze3A_265 : f32 to vector<16xf32>
          %mul3A_273 = arith.mulf %get3A_271, %mul3A_272 : vector<16xf32>
          %swap3A_274 = arith.constant 0 : i32
          %swap3A_275 = arith.index_cast %swap3A_274 : i32 to index
          %swap3A_276 = arith.index_cast %add3A_263 : i32 to index
          %swap3A_277 = arith.constant 0 : index
          %swap3A_278 = tpu.vector_load %arg11[%swap3A_275, %swap3A_276, %swap3A_277] {strides = array<i32>} : memref<2x128x128xf32, #tpu.memory_space<vmem>>, vector<1x1x16xf32>,
          %swap3A_279 = vector.shape_cast %swap3A_278 : vector<1x1x16xf32> to vector<16xf32>
          %swap3A_280 = vector.shape_cast %mul3A_273 : vector<16xf32> to vector<1x1x16xf32>
          tpu.vector_store %arg11[%swap3A_275, %swap3A_276, %swap3A_277], %swap3A_280 {strides = array<i32>} : memref<2x128x128xf32, #tpu.memory_space<vmem>>, vector<1x1x16xf32>,
          %get3A_281 = arith.constant 0 : i32
          %get3A_282 = arith.index_cast %get3A_281 : i32 to index
          %get3A_283 = arith.index_cast %add3A_263 : i32 to index
          %get3A_284 = arith.constant 16 : index
          %get3A_285 = tpu.vector_load %arg11[%get3A_282, %get3A_283, %get3A_284] {strides = array<i32>} : memref<2x128x128xf32, #tpu.memory_space<vmem>>, vector<1x1x16xf32>,
          %get3A_286 = vector.shape_cast %get3A_285 : vector<1x1x16xf32> to vector<16xf32>
          %mul3A_287 = vector.broadcast %squeeze3A_265 : f32 to vector<16xf32>
          %mul3A_288 = arith.mulf %get3A_286, %mul3A_287 : vector<16xf32>
          %swap3A_289 = arith.constant 0 : i32
          %swap3A_290 = arith.index_cast %swap3A_289 : i32 to index
          %swap3A_291 = arith.index_cast %add3A_263 : i32 to index
          %swap3A_292 = arith.constant 16 : index
          %swap3A_293 = tpu.vector_load %arg11[%swap3A_290, %swap3A_291, %swap3A_292] {strides = array<i32>} : memref<2x128x128xf32, #tpu.memory_space<vmem>>, vector<1x1x16xf32>,
          %swap3A_294 = vector.shape_cast %swap3A_293 : vector<1x1x16xf32> to vector<16xf32>
          %swap3A_295 = vector.shape_cast %mul3A_288 : vector<16xf32> to vector<1x1x16xf32>
          tpu.vector_store %arg11[%swap3A_290, %swap3A_291, %swap3A_292], %swap3A_295 {strides = array<i32>} : memref<2x128x128xf32, #tpu.memory_space<vmem>>, vector<1x1x16xf32>,
          %get3A_296 = arith.constant 0 : i32
          %get3A_297 = arith.index_cast %get3A_296 : i32 to index
          %get3A_298 = arith.index_cast %add3A_263 : i32 to index
          %get3A_299 = arith.constant 32 : index
          %get3A_300 = tpu.vector_load %arg11[%get3A_297, %get3A_298, %get3A_299] {strides = array<i32>} : memref<2x128x128xf32, #tpu.memory_space<vmem>>, vector<1x1x16xf32>,
          %get3A_301 = vector.shape_cast %get3A_300 : vector<1x1x16xf32> to vector<16xf32>
          %mul3A_302 = vector.broadcast %squeeze3A_265 : f32 to vector<16xf32>
          %mul3A_303 = arith.mulf %get3A_301, %mul3A_302 : vector<16xf32>
          %swap3A_304 = arith.constant 0 : i32
          %swap3A_305 = arith.index_cast %swap3A_304 : i32 to index
          %swap3A_306 = arith.index_cast %add3A_263 : i32 to index
          %swap3A_307 = arith.constant 32 : index
          %swap3A_308 = tpu.vector_load %arg11[%swap3A_305, %swap3A_306, %swap3A_307] {strides = array<i32>} : memref<2x128x128xf32, #tpu.memory_space<vmem>>, vector<1x1x16xf32>,
          %swap3A_309 = vector.shape_cast %swap3A_308 : vector<1x1x16xf32> to vector<16xf32>
          %swap3A_310 = vector.shape_cast %mul3A_303 : vector<16xf32> to vector<1x1x16xf32>
          tpu.vector_store %arg11[%swap3A_305, %swap3A_306, %swap3A_307], %swap3A_310 {strides = array<i32>} : memref<2x128x128xf32, #tpu.memory_space<vmem>>, vector<1x1x16xf32>,
          %get3A_311 = arith.constant 0 : i32
          %get3A_312 = arith.index_cast %get3A_311 : i32 to index
          %get3A_313 = arith.index_cast %add3A_263 : i32 to index
          %get3A_314 = arith.constant 48 : index
          %get3A_315 = tpu.vector_load %arg11[%get3A_312, %get3A_313, %get3A_314] {strides = array<i32>} : memref<2x128x128xf32, #tpu.memory_space<vmem>>, vector<1x1x16xf32>,
          %get3A_316 = vector.shape_cast %get3A_315 : vector<1x1x16xf32> to vector<16xf32>
          %mul3A_317 = vector.broadcast %squeeze3A_265 : f32 to vector<16xf32>
          %mul3A_318 = arith.mulf %get3A_316, %mul3A_317 : vector<16xf32>
          %swap3A_319 = arith.constant 0 : i32
          %swap3A_320 = arith.index_cast %swap3A_319 : i32 to index
          %swap3A_321 = arith.index_cast %add3A_263 : i32 to index
          %swap3A_322 = arith.constant 48 : index
          %swap3A_323 = tpu.vector_load %arg11[%swap3A_320, %swap3A_321, %swap3A_322] {strides = array<i32>} : memref<2x128x128xf32, #tpu.memory_space<vmem>>, vector<1x1x16xf32>,
          %swap3A_324 = vector.shape_cast %swap3A_323 : vector<1x1x16xf32> to vector<16xf32>
          %swap3A_325 = vector.shape_cast %mul3A_318 : vector<16xf32> to vector<1x1x16xf32>
          tpu.vector_store %arg11[%swap3A_320, %swap3A_321, %swap3A_322], %swap3A_325 {strides = array<i32>} : memref<2x128x128xf32, #tpu.memory_space<vmem>>, vector<1x1x16xf32>,
          %get3A_326 = arith.constant 0 : i32
          %get3A_327 = arith.index_cast %get3A_326 : i32 to index
          %get3A_328 = arith.index_cast %add3A_263 : i32 to index
          %get3A_329 = arith.constant 64 : index
          %get3A_330 = tpu.vector_load %arg11[%get3A_327, %get3A_328, %get3A_329] {strides = array<i32>} : memref<2x128x128xf32, #tpu.memory_space<vmem>>, vector<1x1x16xf32>,
          %get3A_331 = vector.shape_cast %get3A_330 : vector<1x1x16xf32> to vector<16xf32>
          %mul3A_332 = vector.broadcast %squeeze3A_265 : f32 to vector<16xf32>
          %mul3A_333 = arith.mulf %get3A_331, %mul3A_332 : vector<16xf32>
          %swap3A_334 = arith.constant 0 : i32
          %swap3A_335 = arith.index_cast %swap3A_334 : i32 to index
          %swap3A_336 = arith.index_cast %add3A_263 : i32 to index
          %swap3A_337 = arith.constant 64 : index
          %swap3A_338 = tpu.vector_load %arg11[%swap3A_335, %swap3A_336, %swap3A_337] {strides = array<i32>} : memref<2x128x128xf32, #tpu.memory_space<vmem>>, vector<1x1x16xf32>,
          %swap3A_339 = vector.shape_cast %swap3A_338 : vector<1x1x16xf32> to vector<16xf32>
          %swap3A_340 = vector.shape_cast %mul3A_333 : vector<16xf32> to vector<1x1x16xf32>
          tpu.vector_store %arg11[%swap3A_335, %swap3A_336, %swap3A_337], %swap3A_340 {strides = array<i32>} : memref<2x128x128xf32, #tpu.memory_space<vmem>>, vector<1x1x16xf32>,
          %get3A_341 = arith.constant 0 : i32
          %get3A_342 = arith.index_cast %get3A_341 : i32 to index
          %get3A_343 = arith.index_cast %add3A_263 : i32 to index
          %get3A_344 = arith.constant 80 : index
          %get3A_345 = tpu.vector_load %arg11[%get3A_342, %get3A_343, %get3A_344] {strides = array<i32>} : memref<2x128x128xf32, #tpu.memory_space<vmem>>, vector<1x1x16xf32>,
          %get3A_346 = vector.shape_cast %get3A_345 : vector<1x1x16xf32> to vector<16xf32>
          %mul3A_347 = vector.broadcast %squeeze3A_265 : f32 to vector<16xf32>
          %mul3A_348 = arith.mulf %get3A_346, %mul3A_347 : vector<16xf32>
          %swap3A_349 = arith.constant 0 : i32
          %swap3A_350 = arith.index_cast %swap3A_349 : i32 to index
          %swap3A_351 = arith.index_cast %add3A_263 : i32 to index
          %swap3A_352 = arith.constant 80 : index
          %swap3A_353 = tpu.vector_load %arg11[%swap3A_350, %swap3A_351, %swap3A_352] {strides = array<i32>} : memref<2x128x128xf32, #tpu.memory_space<vmem>>, vector<1x1x16xf32>,
          %swap3A_354 = vector.shape_cast %swap3A_353 : vector<1x1x16xf32> to vector<16xf32>
          %swap3A_355 = vector.shape_cast %mul3A_348 : vector<16xf32> to vector<1x1x16xf32>
          tpu.vector_store %arg11[%swap3A_350, %swap3A_351, %swap3A_352], %swap3A_355 {strides = array<i32>} : memref<2x128x128xf32, #tpu.memory_space<vmem>>, vector<1x1x16xf32>,
          %get3A_356 = arith.constant 0 : i32
          %get3A_357 = arith.index_cast %get3A_356 : i32 to index
          %get3A_358 = arith.index_cast %add3A_263 : i32 to index
          %get3A_359 = arith.constant 96 : index
          %get3A_360 = tpu.vector_load %arg11[%get3A_357, %get3A_358, %get3A_359] {strides = array<i32>} : memref<2x128x128xf32, #tpu.memory_space<vmem>>, vector<1x1x16xf32>,
          %get3A_361 = vector.shape_cast %get3A_360 : vector<1x1x16xf32> to vector<16xf32>
          %mul3A_362 = vector.broadcast %squeeze3A_265 : f32 to vector<16xf32>
          %mul3A_363 = arith.mulf %get3A_361, %mul3A_362 : vector<16xf32>
          %swap3A_364 = arith.constant 0 : i32
          %swap3A_365 = arith.index_cast %swap3A_364 : i32 to index
          %swap3A_366 = arith.index_cast %add3A_263 : i32 to index
          %swap3A_367 = arith.constant 96 : index
          %swap3A_368 = tpu.vector_load %arg11[%swap3A_365, %swap3A_366, %swap3A_367] {strides = array<i32>} : memref<2x128x128xf32, #tpu.memory_space<vmem>>, vector<1x1x16xf32>,
          %swap3A_369 = vector.shape_cast %swap3A_368 : vector<1x1x16xf32> to vector<16xf32>
          %swap3A_370 = vector.shape_cast %mul3A_363 : vector<16xf32> to vector<1x1x16xf32>
          tpu.vector_store %arg11[%swap3A_365, %swap3A_366, %swap3A_367], %swap3A_370 {strides = array<i32>} : memref<2x128x128xf32, #tpu.memory_space<vmem>>, vector<1x1x16xf32>,
          %get3A_371 = arith.constant 0 : i32
          %get3A_372 = arith.index_cast %get3A_371 : i32 to index
          %get3A_373 = arith.index_cast %add3A_263 : i32 to index
          %get3A_374 = arith.constant 112 : index
          %get3A_375 = tpu.vector_load %arg11[%get3A_372, %get3A_373, %get3A_374] {strides = array<i32>} : memref<2x128x128xf32, #tpu.memory_space<vmem>>, vector<1x1x16xf32>,
          %get3A_376 = vector.shape_cast %get3A_375 : vector<1x1x16xf32> to vector<16xf32>
          %mul3A_377 = vector.broadcast %squeeze3A_265 : f32 to vector<16xf32>
          %mul3A_378 = arith.mulf %get3A_376, %mul3A_377 : vector<16xf32>
          %swap3A_379 = arith.constant 0 : i32
          %swap3A_380 = arith.index_cast %swap3A_379 : i32 to index
          %swap3A_381 = arith.index_cast %add3A_263 : i32 to index
          %swap3A_382 = arith.constant 112 : index
          %swap3A_383 = tpu.vector_load %arg11[%swap3A_380, %swap3A_381, %swap3A_382] {strides = array<i32>} : memref<2x128x128xf32, #tpu.memory_space<vmem>>, vector<1x1x16xf32>,
          %swap3A_384 = vector.shape_cast %swap3A_383 : vector<1x1x16xf32> to vector<16xf32>
          %swap3A_385 = vector.shape_cast %mul3A_378 : vector<16xf32> to vector<1x1x16xf32>
          tpu.vector_store %arg11[%swap3A_380, %swap3A_381, %swap3A_382], %swap3A_385 {strides = array<i32>} : memref<2x128x128xf32, #tpu.memory_space<vmem>>, vector<1x1x16xf32>,
          %mul3A_386 = arith.constant 16 : i32
          %mul3A_387 = arith.muli %scan3A_131, %mul3A_386 : i32
          %add3A_388 = arith.constant 2 : i32
          %add3A_389 = arith.addi %mul3A_387, %add3A_388 : i32
          %slice3A_390 = vector.extract_strided_slice %get3A_136 {offsets = [2], sizes = [1], strides = [1]} : vector<16xf32> to vector<1xf32>
          %squeeze3A_391 = vector.extract %slice3A_390[0] : f32 from vector<1xf32>
          %get3A_392 = arith.constant 0 : i32
          %get3A_393 = arith.index_cast %get3A_392 : i32 to index
          %get3A_394 = arith.index_cast %add3A_389 : i32 to index
          %get3A_395 = arith.constant 0 : index
          %get3A_396 = tpu.vector_load %arg11[%get3A_393, %get3A_394, %get3A_395] {strides = array<i32>} : memref<2x128x128xf32, #tpu.memory_space<vmem>>, vector<1x1x16xf32>,
          %get3A_397 = vector.shape_cast %get3A_396 : vector<1x1x16xf32> to vector<16xf32>
          %mul3A_398 = vector.broadcast %squeeze3A_391 : f32 to vector<16xf32>
          %mul3A_399 = arith.mulf %get3A_397, %mul3A_398 : vector<16xf32>
          %swap3A_400 = arith.constant 0 : i32
          %swap3A_401 = arith.index_cast %swap3A_400 : i32 to index
          %swap3A_402 = arith.index_cast %add3A_389 : i32 to index
          %swap3A_403 = arith.constant 0 : index
          %swap3A_404 = tpu.vector_load %arg11[%swap3A_401, %swap3A_402, %swap3A_403] {strides = array<i32>} : memref<2x128x128xf32, #tpu.memory_space<vmem>>, vector<1x1x16xf32>,
          %swap3A_405 = vector.shape_cast %swap3A_404 : vector<1x1x16xf32> to vector<16xf32>
          %swap3A_406 = vector.shape_cast %mul3A_399 : vector<16xf32> to vector<1x1x16xf32>
          tpu.vector_store %arg11[%swap3A_401, %swap3A_402, %swap3A_403], %swap3A_406 {strides = array<i32>} : memref<2x128x128xf32, #tpu.memory_space<vmem>>, vector<1x1x16xf32>,
          %get3A_407 = arith.constant 0 : i32
          %get3A_408 = arith.index_cast %get3A_407 : i32 to index
          %get3A_409 = arith.index_cast %add3A_389 : i32 to index
          %get3A_410 = arith.constant 16 : index
          %get3A_411 = tpu.vector_load %arg11[%get3A_408, %get3A_409, %get3A_410] {strides = array<i32>} : memref<2x128x128xf32, #tpu.memory_space<vmem>>, vector<1x1x16xf32>,
          %get3A_412 = vector.shape_cast %get3A_411 : vector<1x1x16xf32> to vector<16xf32>
          %mul3A_413 = vector.broadcast %squeeze3A_391 : f32 to vector<16xf32>
          %mul3A_414 = arith.mulf %get3A_412, %mul3A_413 : vector<16xf32>
          %swap3A_415 = arith.constant 0 : i32
          %swap3A_416 = arith.index_cast %swap3A_415 : i32 to index
          %swap3A_417 = arith.index_cast %add3A_389 : i32 to index
          %swap3A_418 = arith.constant 16 : index
          %swap3A_419 = tpu.vector_load %arg11[%swap3A_416, %swap3A_417, %swap3A_418] {strides = array<i32>} : memref<2x128x128xf32, #tpu.memory_space<vmem>>, vector<1x1x16xf32>,
          %swap3A_420 = vector.shape_cast %swap3A_419 : vector<1x1x16xf32> to vector<16xf32>
          %swap3A_421 = vector.shape_cast %mul3A_414 : vector<16xf32> to vector<1x1x16xf32>
          tpu.vector_store %arg11[%swap3A_416, %swap3A_417, %swap3A_418], %swap3A_421 {strides = array<i32>} : memref<2x128x128xf32, #tpu.memory_space<vmem>>, vector<1x1x16xf32>,
          %get3A_422 = arith.constant 0 : i32
          %get3A_423 = arith.index_cast %get3A_422 : i32 to index
          %get3A_424 = arith.index_cast %add3A_389 : i32 to index
          %get3A_425 = arith.constant 32 : index
          %get3A_426 = tpu.vector_load %arg11[%get3A_423, %get3A_424, %get3A_425] {strides = array<i32>} : memref<2x128x128xf32, #tpu.memory_space<vmem>>, vector<1x1x16xf32>,
          %get3A_427 = vector.shape_cast %get3A_426 : vector<1x1x16xf32> to vector<16xf32>
          %mul3A_428 = vector.broadcast %squeeze3A_391 : f32 to vector<16xf32>
          %mul3A_429 = arith.mulf %get3A_427, %mul3A_428 : vector<16xf32>
          %swap3A_430 = arith.constant 0 : i32
          %swap3A_431 = arith.index_cast %swap3A_430 : i32 to index
          %swap3A_432 = arith.index_cast %add3A_389 : i32 to index
          %swap3A_433 = arith.constant 32 : index
          %swap3A_434 = tpu.vector_load %arg11[%swap3A_431, %swap3A_432, %swap3A_433] {strides = array<i32>} : memref<2x128x128xf32, #tpu.memory_space<vmem>>, vector<1x1x16xf32>,
          %swap3A_435 = vector.shape_cast %swap3A_434 : vector<1x1x16xf32> to vector<16xf32>
          %swap3A_436 = vector.shape_cast %mul3A_429 : vector<16xf32> to vector<1x1x16xf32>
          tpu.vector_store %arg11[%swap3A_431, %swap3A_432, %swap3A_433], %swap3A_436 {strides = array<i32>} : memref<2x128x128xf32, #tpu.memory_space<vmem>>, vector<1x1x16xf32>,
          %get3A_437 = arith.constant 0 : i32
          %get3A_438 = arith.index_cast %get3A_437 : i32 to index
          %get3A_439 = arith.index_cast %add3A_389 : i32 to index
          %get3A_440 = arith.constant 48 : index
          %get3A_441 = tpu.vector_load %arg11[%get3A_438, %get3A_439, %get3A_440] {strides = array<i32>} : memref<2x128x128xf32, #tpu.memory_space<vmem>>, vector<1x1x16xf32>,
          %get3A_442 = vector.shape_cast %get3A_441 : vector<1x1x16xf32> to vector<16xf32>
          %mul3A_443 = vector.broadcast %squeeze3A_391 : f32 to vector<16xf32>
          %mul3A_444 = arith.mulf %get3A_442, %mul3A_443 : vector<16xf32>
          %swap3A_445 = arith.constant 0 : i32
          %swap3A_446 = arith.index_cast %swap3A_445 : i32 to index
          %swap3A_447 = arith.index_cast %add3A_389 : i32 to index
          %swap3A_448 = arith.constant 48 : index
          %swap3A_449 = tpu.vector_load %arg11[%swap3A_446, %swap3A_447, %swap3A_448] {strides = array<i32>} : memref<2x128x128xf32, #tpu.memory_space<vmem>>, vector<1x1x16xf32>,
          %swap3A_450 = vector.shape_cast %swap3A_449 : vector<1x1x16xf32> to vector<16xf32>
          %swap3A_451 = vector.shape_cast %mul3A_444 : vector<16xf32> to vector<1x1x16xf32>
          tpu.vector_store %arg11[%swap3A_446, %swap3A_447, %swap3A_448], %swap3A_451 {strides = array<i32>} : memref<2x128x128xf32, #tpu.memory_space<vmem>>, vector<1x1x16xf32>,
          %get3A_452 = arith.constant 0 : i32
          %get3A_453 = arith.index_cast %get3A_452 : i32 to index
          %get3A_454 = arith.index_cast %add3A_389 : i32 to index
          %get3A_455 = arith.constant 64 : index
          %get3A_456 = tpu.vector_load %arg11[%get3A_453, %get3A_454, %get3A_455] {strides = array<i32>} : memref<2x128x128xf32, #tpu.memory_space<vmem>>, vector<1x1x16xf32>,
          %get3A_457 = vector.shape_cast %get3A_456 : vector<1x1x16xf32> to vector<16xf32>
          %mul3A_458 = vector.broadcast %squeeze3A_391 : f32 to vector<16xf32>
          %mul3A_459 = arith.mulf %get3A_457, %mul3A_458 : vector<16xf32>
          %swap3A_460 = arith.constant 0 : i32
          %swap3A_461 = arith.index_cast %swap3A_460 : i32 to index
          %swap3A_462 = arith.index_cast %add3A_389 : i32 to index
          %swap3A_463 = arith.constant 64 : index
          %swap3A_464 = tpu.vector_load %arg11[%swap3A_461, %swap3A_462, %swap3A_463] {strides = array<i32>} : memref<2x128x128xf32, #tpu.memory_space<vmem>>, vector<1x1x16xf32>,
          %swap3A_465 = vector.shape_cast %swap3A_464 : vector<1x1x16xf32> to vector<16xf32>
          %swap3A_466 = vector.shape_cast %mul3A_459 : vector<16xf32> to vector<1x1x16xf32>
          tpu.vector_store %arg11[%swap3A_461, %swap3A_462, %swap3A_463], %swap3A_466 {strides = array<i32>} : memref<2x128x128xf32, #tpu.memory_space<vmem>>, vector<1x1x16xf32>,
          %get3A_467 = arith.constant 0 : i32
          %get3A_468 = arith.index_cast %get3A_467 : i32 to index
          %get3A_469 = arith.index_cast %add3A_389 : i32 to index
          %get3A_470 = arith.constant 80 : index
          %get3A_471 = tpu.vector_load %arg11[%get3A_468, %get3A_469, %get3A_470] {strides = array<i32>} : memref<2x128x128xf32, #tpu.memory_space<vmem>>, vector<1x1x16xf32>,
          %get3A_472 = vector.shape_cast %get3A_471 : vector<1x1x16xf32> to vector<16xf32>
          %mul3A_473 = vector.broadcast %squeeze3A_391 : f32 to vector<16xf32>
          %mul3A_474 = arith.mulf %get3A_472, %mul3A_473 : vector<16xf32>
          %swap3A_475 = arith.constant 0 : i32
          %swap3A_476 = arith.index_cast %swap3A_475 : i32 to index
          %swap3A_477 = arith.index_cast %add3A_389 : i32 to index
          %swap3A_478 = arith.constant 80 : index
          %swap3A_479 = tpu.vector_load %arg11[%swap3A_476, %swap3A_477, %swap3A_478] {strides = array<i32>} : memref<2x128x128xf32, #tpu.memory_space<vmem>>, vector<1x1x16xf32>,
          %swap3A_480 = vector.shape_cast %swap3A_479 : vector<1x1x16xf32> to vector<16xf32>
          %swap3A_481 = vector.shape_cast %mul3A_474 : vector<16xf32> to vector<1x1x16xf32>
          tpu.vector_store %arg11[%swap3A_476, %swap3A_477, %swap3A_478], %swap3A_481 {strides = array<i32>} : memref<2x128x128xf32, #tpu.memory_space<vmem>>, vector<1x1x16xf32>,
          %get3A_482 = arith.constant 0 : i32
          %get3A_483 = arith.index_cast %get3A_482 : i32 to index
          %get3A_484 = arith.index_cast %add3A_389 : i32 to index
          %get3A_485 = arith.constant 96 : index
          %get3A_486 = tpu.vector_load %arg11[%get3A_483, %get3A_484, %get3A_485] {strides = array<i32>} : memref<2x128x128xf32, #tpu.memory_space<vmem>>, vector<1x1x16xf32>,
          %get3A_487 = vector.shape_cast %get3A_486 : vector<1x1x16xf32> to vector<16xf32>
          %mul3A_488 = vector.broadcast %squeeze3A_391 : f32 to vector<16xf32>
          %mul3A_489 = arith.mulf %get3A_487, %mul3A_488 : vector<16xf32>
          %swap3A_490 = arith.constant 0 : i32
          %swap3A_491 = arith.index_cast %swap3A_490 : i32 to index
          %swap3A_492 = arith.index_cast %add3A_389 : i32 to index
          %swap3A_493 = arith.constant 96 : index
          %swap3A_494 = tpu.vector_load %arg11[%swap3A_491, %swap3A_492, %swap3A_493] {strides = array<i32>} : memref<2x128x128xf32, #tpu.memory_space<vmem>>, vector<1x1x16xf32>,
          %swap3A_495 = vector.shape_cast %swap3A_494 : vector<1x1x16xf32> to vector<16xf32>
          %swap3A_496 = vector.shape_cast %mul3A_489 : vector<16xf32> to vector<1x1x16xf32>
          tpu.vector_store %arg11[%swap3A_491, %swap3A_492, %swap3A_493], %swap3A_496 {strides = array<i32>} : memref<2x128x128xf32, #tpu.memory_space<vmem>>, vector<1x1x16xf32>,
          %get3A_497 = arith.constant 0 : i32
          %get3A_498 = arith.index_cast %get3A_497 : i32 to index
          %get3A_499 = arith.index_cast %add3A_389 : i32 to index
          %get3A_500 = arith.constant 112 : index
          %get3A_501 = tpu.vector_load %arg11[%get3A_498, %get3A_499, %get3A_500] {strides = array<i32>} : memref<2x128x128xf32, #tpu.memory_space<vmem>>, vector<1x1x16xf32>,
          %get3A_502 = vector.shape_cast %get3A_501 : vector<1x1x16xf32> to vector<16xf32>
          %mul3A_503 = vector.broadcast %squeeze3A_391 : f32 to vector<16xf32>
          %mul3A_504 = arith.mulf %get3A_502, %mul3A_503 : vector<16xf32>
          %swap3A_505 = arith.constant 0 : i32
          %swap3A_506 = arith.index_cast %swap3A_505 : i32 to index
          %swap3A_507 = arith.index_cast %add3A_389 : i32 to index
          %swap3A_508 = arith.constant 112 : index
          %swap3A_509 = tpu.vector_load %arg11[%swap3A_506, %swap3A_507, %swap3A_508] {strides = array<i32>} : memref<2x128x128xf32, #tpu.memory_space<vmem>>, vector<1x1x16xf32>,
          %swap3A_510 = vector.shape_cast %swap3A_509 : vector<1x1x16xf32> to vector<16xf32>
          %swap3A_511 = vector.shape_cast %mul3A_504 : vector<16xf32> to vector<1x1x16xf32>
          tpu.vector_store %arg11[%swap3A_506, %swap3A_507, %swap3A_508], %swap3A_511 {strides = array<i32>} : memref<2x128x128xf32, #tpu.memory_space<vmem>>, vector<1x1x16xf32>,
          %mul3A_512 = arith.constant 16 : i32
          %mul3A_513 = arith.muli %scan3A_131, %mul3A_512 : i32
          %add3A_514 = arith.constant 3 : i32
          %add3A_515 = arith.addi %mul3A_513, %add3A_514 : i32
          %slice3A_516 = vector.extract_strided_slice %get3A_136 {offsets = [3], sizes = [1], strides = [1]} : vector<16xf32> to vector<1xf32>
          %squeeze3A_517 = vector.extract %slice3A_516[0] : f32 from vector<1xf32>
          %get3A_518 = arith.constant 0 : i32
          %get3A_519 = arith.index_cast %get3A_518 : i32 to index
          %get3A_520 = arith.index_cast %add3A_515 : i32 to index
          %get3A_521 = arith.constant 0 : index
          %get3A_522 = tpu.vector_load %arg11[%get3A_519, %get3A_520, %get3A_521] {strides = array<i32>} : memref<2x128x128xf32, #tpu.memory_space<vmem>>, vector<1x1x16xf32>,
          %get3A_523 = vector.shape_cast %get3A_522 : vector<1x1x16xf32> to vector<16xf32>
          %mul3A_524 = vector.broadcast %squeeze3A_517 : f32 to vector<16xf32>
          %mul3A_525 = arith.mulf %get3A_523, %mul3A_524 : vector<16xf32>
          %swap3A_526 = arith.constant 0 : i32
          %swap3A_527 = arith.index_cast %swap3A_526 : i32 to index
          %swap3A_528 = arith.index_cast %add3A_515 : i32 to index
          %swap3A_529 = arith.constant 0 : index
          %swap3A_530 = tpu.vector_load %arg11[%swap3A_527, %swap3A_528, %swap3A_529] {strides = array<i32>} : memref<2x128x128xf32, #tpu.memory_space<vmem>>, vector<1x1x16xf32>,
          %swap3A_531 = vector.shape_cast %swap3A_530 : vector<1x1x16xf32> to vector<16xf32>
          %swap3A_532 = vector.shape_cast %mul3A_525 : vector<16xf32> to vector<1x1x16xf32>
          tpu.vector_store %arg11[%swap3A_527, %swap3A_528, %swap3A_529], %swap3A_532 {strides = array<i32>} : memref<2x128x128xf32, #tpu.memory_space<vmem>>, vector<1x1x16xf32>,
          %get3A_533 = arith.constant 0 : i32
          %get3A_534 = arith.index_cast %get3A_533 : i32 to index
          %get3A_535 = arith.index_cast %add3A_515 : i32 to index
          %get3A_536 = arith.constant 16 : index
          %get3A_537 = tpu.vector_load %arg11[%get3A_534, %get3A_535, %get3A_536] {strides = array<i32>} : memref<2x128x128xf32, #tpu.memory_space<vmem>>, vector<1x1x16xf32>,
          %get3A_538 = vector.shape_cast %get3A_537 : vector<1x1x16xf32> to vector<16xf32>
          %mul3A_539 = vector.broadcast %squeeze3A_517 : f32 to vector<16xf32>
          %mul3A_540 = arith.mulf %get3A_538, %mul3A_539 : vector<16xf32>
          %swap3A_541 = arith.constant 0 : i32
          %swap3A_542 = arith.index_cast %swap3A_541 : i32 to index
          %swap3A_543 = arith.index_cast %add3A_515 : i32 to index
          %swap3A_544 = arith.constant 16 : index
          %swap3A_545 = tpu.vector_load %arg11[%swap3A_542, %swap3A_543, %swap3A_544] {strides = array<i32>} : memref<2x128x128xf32, #tpu.memory_space<vmem>>, vector<1x1x16xf32>,
          %swap3A_546 = vector.shape_cast %swap3A_545 : vector<1x1x16xf32> to vector<16xf32>
          %swap3A_547 = vector.shape_cast %mul3A_540 : vector<16xf32> to vector<1x1x16xf32>
          tpu.vector_store %arg11[%swap3A_542, %swap3A_543, %swap3A_544], %swap3A_547 {strides = array<i32>} : memref<2x128x128xf32, #tpu.memory_space<vmem>>, vector<1x1x16xf32>,
          %get3A_548 = arith.constant 0 : i32
          %get3A_549 = arith.index_cast %get3A_548 : i32 to index
          %get3A_550 = arith.index_cast %add3A_515 : i32 to index
          %get3A_551 = arith.constant 32 : index
          %get3A_552 = tpu.vector_load %arg11[%get3A_549, %get3A_550, %get3A_551] {strides = array<i32>} : memref<2x128x128xf32, #tpu.memory_space<vmem>>, vector<1x1x16xf32>,
          %get3A_553 = vector.shape_cast %get3A_552 : vector<1x1x16xf32> to vector<16xf32>
          %mul3A_554 = vector.broadcast %squeeze3A_517 : f32 to vector<16xf32>
          %mul3A_555 = arith.mulf %get3A_553, %mul3A_554 : vector<16xf32>
          %swap3A_556 = arith.constant 0 : i32
          %swap3A_557 = arith.index_cast %swap3A_556 : i32 to index
          %swap3A_558 = arith.index_cast %add3A_515 : i32 to index
          %swap3A_559 = arith.constant 32 : index
          %swap3A_560 = tpu.vector_load %arg11[%swap3A_557, %swap3A_558, %swap3A_559] {strides = array<i32>} : memref<2x128x128xf32, #tpu.memory_space<vmem>>, vector<1x1x16xf32>,
          %swap3A_561 = vector.shape_cast %swap3A_560 : vector<1x1x16xf32> to vector<16xf32>
          %swap3A_562 = vector.shape_cast %mul3A_555 : vector<16xf32> to vector<1x1x16xf32>
          tpu.vector_store %arg11[%swap3A_557, %swap3A_558, %swap3A_559], %swap3A_562 {strides = array<i32>} : memref<2x128x128xf32, #tpu.memory_space<vmem>>, vector<1x1x16xf32>,
          %get3A_563 = arith.constant 0 : i32
          %get3A_564 = arith.index_cast %get3A_563 : i32 to index
          %get3A_565 = arith.index_cast %add3A_515 : i32 to index
          %get3A_566 = arith.constant 48 : index
          %get3A_567 = tpu.vector_load %arg11[%get3A_564, %get3A_565, %get3A_566] {strides = array<i32>} : memref<2x128x128xf32, #tpu.memory_space<vmem>>, vector<1x1x16xf32>,
          %get3A_568 = vector.shape_cast %get3A_567 : vector<1x1x16xf32> to vector<16xf32>
          %mul3A_569 = vector.broadcast %squeeze3A_517 : f32 to vector<16xf32>
          %mul3A_570 = arith.mulf %get3A_568, %mul3A_569 : vector<16xf32>
          %swap3A_571 = arith.constant 0 : i32
          %swap3A_572 = arith.index_cast %swap3A_571 : i32 to index
          %swap3A_573 = arith.index_cast %add3A_515 : i32 to index
          %swap3A_574 = arith.constant 48 : index
          %swap3A_575 = tpu.vector_load %arg11[%swap3A_572, %swap3A_573, %swap3A_574] {strides = array<i32>} : memref<2x128x128xf32, #tpu.memory_space<vmem>>, vector<1x1x16xf32>,
          %swap3A_576 = vector.shape_cast %swap3A_575 : vector<1x1x16xf32> to vector<16xf32>
          %swap3A_577 = vector.shape_cast %mul3A_570 : vector<16xf32> to vector<1x1x16xf32>
          tpu.vector_store %arg11[%swap3A_572, %swap3A_573, %swap3A_574], %swap3A_577 {strides = array<i32>} : memref<2x128x128xf32, #tpu.memory_space<vmem>>, vector<1x1x16xf32>,
          %get3A_578 = arith.constant 0 : i32
          %get3A_579 = arith.index_cast %get3A_578 : i32 to index
          %get3A_580 = arith.index_cast %add3A_515 : i32 to index
          %get3A_581 = arith.constant 64 : index
          %get3A_582 = tpu.vector_load %arg11[%get3A_579, %get3A_580, %get3A_581] {strides = array<i32>} : memref<2x128x128xf32, #tpu.memory_space<vmem>>, vector<1x1x16xf32>,
          %get3A_583 = vector.shape_cast %get3A_582 : vector<1x1x16xf32> to vector<16xf32>
          %mul3A_584 = vector.broadcast %squeeze3A_517 : f32 to vector<16xf32>
          %mul3A_585 = arith.mulf %get3A_583, %mul3A_584 : vector<16xf32>
          %swap3A_586 = arith.constant 0 : i32
          %swap3A_587 = arith.index_cast %swap3A_586 : i32 to index
          %swap3A_588 = arith.index_cast %add3A_515 : i32 to index
          %swap3A_589 = arith.constant 64 : index
          %swap3A_590 = tpu.vector_load %arg11[%swap3A_587, %swap3A_588, %swap3A_589] {strides = array<i32>} : memref<2x128x128xf32, #tpu.memory_space<vmem>>, vector<1x1x16xf32>,
          %swap3A_591 = vector.shape_cast %swap3A_590 : vector<1x1x16xf32> to vector<16xf32>
          %swap3A_592 = vector.shape_cast %mul3A_585 : vector<16xf32> to vector<1x1x16xf32>
          tpu.vector_store %arg11[%swap3A_587, %swap3A_588, %swap3A_589], %swap3A_592 {strides = array<i32>} : memref<2x128x128xf32, #tpu.memory_space<vmem>>, vector<1x1x16xf32>,
          %get3A_593 = arith.constant 0 : i32
          %get3A_594 = arith.index_cast %get3A_593 : i32 to index
          %get3A_595 = arith.index_cast %add3A_515 : i32 to index
          %get3A_596 = arith.constant 80 : index
          %get3A_597 = tpu.vector_load %arg11[%get3A_594, %get3A_595, %get3A_596] {strides = array<i32>} : memref<2x128x128xf32, #tpu.memory_space<vmem>>, vector<1x1x16xf32>,
          %get3A_598 = vector.shape_cast %get3A_597 : vector<1x1x16xf32> to vector<16xf32>
          %mul3A_599 = vector.broadcast %squeeze3A_517 : f32 to vector<16xf32>
          %mul3A_600 = arith.mulf %get3A_598, %mul3A_599 : vector<16xf32>
          %swap3A_601 = arith.constant 0 : i32
          %swap3A_602 = arith.index_cast %swap3A_601 : i32 to index
          %swap3A_603 = arith.index_cast %add3A_515 : i32 to index
          %swap3A_604 = arith.constant 80 : index
          %swap3A_605 = tpu.vector_load %arg11[%swap3A_602, %swap3A_603, %swap3A_604] {strides = array<i32>} : memref<2x128x128xf32, #tpu.memory_space<vmem>>, vector<1x1x16xf32>,
          %swap3A_606 = vector.shape_cast %swap3A_605 : vector<1x1x16xf32> to vector<16xf32>
          %swap3A_607 = vector.shape_cast %mul3A_600 : vector<16xf32> to vector<1x1x16xf32>
          tpu.vector_store %arg11[%swap3A_602, %swap3A_603, %swap3A_604], %swap3A_607 {strides = array<i32>} : memref<2x128x128xf32, #tpu.memory_space<vmem>>, vector<1x1x16xf32>,
          %get3A_608 = arith.constant 0 : i32
          %get3A_609 = arith.index_cast %get3A_608 : i32 to index
          %get3A_610 = arith.index_cast %add3A_515 : i32 to index
          %get3A_611 = arith.constant 96 : index
          %get3A_612 = tpu.vector_load %arg11[%get3A_609, %get3A_610, %get3A_611] {strides = array<i32>} : memref<2x128x128xf32, #tpu.memory_space<vmem>>, vector<1x1x16xf32>,
          %get3A_613 = vector.shape_cast %get3A_612 : vector<1x1x16xf32> to vector<16xf32>
          %mul3A_614 = vector.broadcast %squeeze3A_517 : f32 to vector<16xf32>
          %mul3A_615 = arith.mulf %get3A_613, %mul3A_614 : vector<16xf32>
          %swap3A_616 = arith.constant 0 : i32
          %swap3A_617 = arith.index_cast %swap3A_616 : i32 to index
          %swap3A_618 = arith.index_cast %add3A_515 : i32 to index
          %swap3A_619 = arith.constant 96 : index
          %swap3A_620 = tpu.vector_load %arg11[%swap3A_617, %swap3A_618, %swap3A_619] {strides = array<i32>} : memref<2x128x128xf32, #tpu.memory_space<vmem>>, vector<1x1x16xf32>,
          %swap3A_621 = vector.shape_cast %swap3A_620 : vector<1x1x16xf32> to vector<16xf32>
          %swap3A_622 = vector.shape_cast %mul3A_615 : vector<16xf32> to vector<1x1x16xf32>
          tpu.vector_store %arg11[%swap3A_617, %swap3A_618, %swap3A_619], %swap3A_622 {strides = array<i32>} : memref<2x128x128xf32, #tpu.memory_space<vmem>>, vector<1x1x16xf32>,
          %get3A_623 = arith.constant 0 : i32
          %get3A_624 = arith.index_cast %get3A_623 : i32 to index
          %get3A_625 = arith.index_cast %add3A_515 : i32 to index
          %get3A_626 = arith.constant 112 : index
          %get3A_627 = tpu.vector_load %arg11[%get3A_624, %get3A_625, %get3A_626] {strides = array<i32>} : memref<2x128x128xf32, #tpu.memory_space<vmem>>, vector<1x1x16xf32>,
          %get3A_628 = vector.shape_cast %get3A_627 : vector<1x1x16xf32> to vector<16xf32>
          %mul3A_629 = vector.broadcast %squeeze3A_517 : f32 to vector<16xf32>
          %mul3A_630 = arith.mulf %get3A_628, %mul3A_629 : vector<16xf32>
          %swap3A_631 = arith.constant 0 : i32
          %swap3A_632 = arith.index_cast %swap3A_631 : i32 to index
          %swap3A_633 = arith.index_cast %add3A_515 : i32 to index
          %swap3A_634 = arith.constant 112 : index
          %swap3A_635 = tpu.vector_load %arg11[%swap3A_632, %swap3A_633, %swap3A_634] {strides = array<i32>} : memref<2x128x128xf32, #tpu.memory_space<vmem>>, vector<1x1x16xf32>,
          %swap3A_636 = vector.shape_cast %swap3A_635 : vector<1x1x16xf32> to vector<16xf32>
          %swap3A_637 = vector.shape_cast %mul3A_630 : vector<16xf32> to vector<1x1x16xf32>
          tpu.vector_store %arg11[%swap3A_632, %swap3A_633, %swap3A_634], %swap3A_637 {strides = array<i32>} : memref<2x128x128xf32, #tpu.memory_space<vmem>>, vector<1x1x16xf32>,
          %mul3A_638 = arith.constant 16 : i32
          %mul3A_639 = arith.muli %scan3A_131, %mul3A_638 : i32
          %add3A_640 = arith.constant 4 : i32
          %add3A_641 = arith.addi %mul3A_639, %add3A_640 : i32
          %slice3A_642 = vector.extract_strided_slice %get3A_136 {offsets = [4], sizes = [1], strides = [1]} : vector<16xf32> to vector<1xf32>
          %squeeze3A_643 = vector.extract %slice3A_642[0] : f32 from vector<1xf32>
          %get3A_644 = arith.constant 0 : i32
          %get3A_645 = arith.index_cast %get3A_644 : i32 to index
          %get3A_646 = arith.index_cast %add3A_641 : i32 to index
          %get3A_647 = arith.constant 0 : index
          %get3A_648 = tpu.vector_load %arg11[%get3A_645, %get3A_646, %get3A_647] {strides = array<i32>} : memref<2x128x128xf32, #tpu.memory_space<vmem>>, vector<1x1x16xf32>,
          %get3A_649 = vector.shape_cast %get3A_648 : vector<1x1x16xf32> to vector<16xf32>
          %mul3A_650 = vector.broadcast %squeeze3A_643 : f32 to vector<16xf32>
          %mul3A_651 = arith.mulf %get3A_649, %mul3A_650 : vector<16xf32>
          %swap3A_652 = arith.constant 0 : i32
          %swap3A_653 = arith.index_cast %swap3A_652 : i32 to index
          %swap3A_654 = arith.index_cast %add3A_641 : i32 to index
          %swap3A_655 = arith.constant 0 : index
          %swap3A_656 = tpu.vector_load %arg11[%swap3A_653, %swap3A_654, %swap3A_655] {strides = array<i32>} : memref<2x128x128xf32, #tpu.memory_space<vmem>>, vector<1x1x16xf32>,
          %swap3A_657 = vector.shape_cast %swap3A_656 : vector<1x1x16xf32> to vector<16xf32>
          %swap3A_658 = vector.shape_cast %mul3A_651 : vector<16xf32> to vector<1x1x16xf32>
          tpu.vector_store %arg11[%swap3A_653, %swap3A_654, %swap3A_655], %swap3A_658 {strides = array<i32>} : memref<2x128x128xf32, #tpu.memory_space<vmem>>, vector<1x1x16xf32>,
          %get3A_659 = arith.constant 0 : i32
          %get3A_660 = arith.index_cast %get3A_659 : i32 to index
          %get3A_661 = arith.index_cast %add3A_641 : i32 to index
          %get3A_662 = arith.constant 16 : index
          %get3A_663 = tpu.vector_load %arg11[%get3A_660, %get3A_661, %get3A_662] {strides = array<i32>} : memref<2x128x128xf32, #tpu.memory_space<vmem>>, vector<1x1x16xf32>,
          %get3A_664 = vector.shape_cast %get3A_663 : vector<1x1x16xf32> to vector<16xf32>
          %mul3A_665 = vector.broadcast %squeeze3A_643 : f32 to vector<16xf32>
          %mul3A_666 = arith.mulf %get3A_664, %mul3A_665 : vector<16xf32>
          %swap3A_667 = arith.constant 0 : i32
          %swap3A_668 = arith.index_cast %swap3A_667 : i32 to index
          %swap3A_669 = arith.index_cast %add3A_641 : i32 to index
          %swap3A_670 = arith.constant 16 : index
          %swap3A_671 = tpu.vector_load %arg11[%swap3A_668, %swap3A_669, %swap3A_670] {strides = array<i32>} : memref<2x128x128xf32, #tpu.memory_space<vmem>>, vector<1x1x16xf32>,
          %swap3A_672 = vector.shape_cast %swap3A_671 : vector<1x1x16xf32> to vector<16xf32>
          %swap3A_673 = vector.shape_cast %mul3A_666 : vector<16xf32> to vector<1x1x16xf32>
          tpu.vector_store %arg11[%swap3A_668, %swap3A_669, %swap3A_670], %swap3A_673 {strides = array<i32>} : memref<2x128x128xf32, #tpu.memory_space<vmem>>, vector<1x1x16xf32>,
          %get3A_674 = arith.constant 0 : i32
          %get3A_675 = arith.index_cast %get3A_674 : i32 to index
          %get3A_676 = arith.index_cast %add3A_641 : i32 to index
          %get3A_677 = arith.constant 32 : index
          %get3A_678 = tpu.vector_load %arg11[%get3A_675, %get3A_676, %get3A_677] {strides = array<i32>} : memref<2x128x128xf32, #tpu.memory_space<vmem>>, vector<1x1x16xf32>,
          %get3A_679 = vector.shape_cast %get3A_678 : vector<1x1x16xf32> to vector<16xf32>
          %mul3A_680 = vector.broadcast %squeeze3A_643 : f32 to vector<16xf32>
          %mul3A_681 = arith.mulf %get3A_679, %mul3A_680 : vector<16xf32>
          %swap3A_682 = arith.constant 0 : i32
          %swap3A_683 = arith.index_cast %swap3A_682 : i32 to index
          %swap3A_684 = arith.index_cast %add3A_641 : i32 to index
          %swap3A_685 = arith.constant 32 : index
          %swap3A_686 = tpu.vector_load %arg11[%swap3A_683, %swap3A_684, %swap3A_685] {strides = array<i32>} : memref<2x128x128xf32, #tpu.memory_space<vmem>>, vector<1x1x16xf32>,
          %swap3A_687 = vector.shape_cast %swap3A_686 : vector<1x1x16xf32> to vector<16xf32>
          %swap3A_688 = vector.shape_cast %mul3A_681 : vector<16xf32> to vector<1x1x16xf32>
          tpu.vector_store %arg11[%swap3A_683, %swap3A_684, %swap3A_685], %swap3A_688 {strides = array<i32>} : memref<2x128x128xf32, #tpu.memory_space<vmem>>, vector<1x1x16xf32>,
          %get3A_689 = arith.constant 0 : i32
          %get3A_690 = arith.index_cast %get3A_689 : i32 to index
          %get3A_691 = arith.index_cast %add3A_641 : i32 to index
          %get3A_692 = arith.constant 48 : index
          %get3A_693 = tpu.vector_load %arg11[%get3A_690, %get3A_691, %get3A_692] {strides = array<i32>} : memref<2x128x128xf32, #tpu.memory_space<vmem>>, vector<1x1x16xf32>,
          %get3A_694 = vector.shape_cast %get3A_693 : vector<1x1x16xf32> to vector<16xf32>
          %mul3A_695 = vector.broadcast %squeeze3A_643 : f32 to vector<16xf32>
          %mul3A_696 = arith.mulf %get3A_694, %mul3A_695 : vector<16xf32>
          %swap3A_697 = arith.constant 0 : i32
          %swap3A_698 = arith.index_cast %swap3A_697 : i32 to index
          %swap3A_699 = arith.index_cast %add3A_641 : i32 to index
          %swap3A_700 = arith.constant 48 : index
          %swap3A_701 = tpu.vector_load %arg11[%swap3A_698, %swap3A_699, %swap3A_700] {strides = array<i32>} : memref<2x128x128xf32, #tpu.memory_space<vmem>>, vector<1x1x16xf32>,
          %swap3A_702 = vector.shape_cast %swap3A_701 : vector<1x1x16xf32> to vector<16xf32>
          %swap3A_703 = vector.shape_cast %mul3A_696 : vector<16xf32> to vector<1x1x16xf32>
          tpu.vector_store %arg11[%swap3A_698, %swap3A_699, %swap3A_700], %swap3A_703 {strides = array<i32>} : memref<2x128x128xf32, #tpu.memory_space<vmem>>, vector<1x1x16xf32>,
          %get3A_704 = arith.constant 0 : i32
          %get3A_705 = arith.index_cast %get3A_704 : i32 to index
          %get3A_706 = arith.index_cast %add3A_641 : i32 to index
          %get3A_707 = arith.constant 64 : index
          %get3A_708 = tpu.vector_load %arg11[%get3A_705, %get3A_706, %get3A_707] {strides = array<i32>} : memref<2x128x128xf32, #tpu.memory_space<vmem>>, vector<1x1x16xf32>,
          %get3A_709 = vector.shape_cast %get3A_708 : vector<1x1x16xf32> to vector<16xf32>
          %mul3A_710 = vector.broadcast %squeeze3A_643 : f32 to vector<16xf32>
          %mul3A_711 = arith.mulf %get3A_709, %mul3A_710 : vector<16xf32>
          %swap3A_712 = arith.constant 0 : i32
          %swap3A_713 = arith.index_cast %swap3A_712 : i32 to index
          %swap3A_714 = arith.index_cast %add3A_641 : i32 to index
          %swap3A_715 = arith.constant 64 : index
          %swap3A_716 = tpu.vector_load %arg11[%swap3A_713, %swap3A_714, %swap3A_715] {strides = array<i32>} : memref<2x128x128xf32, #tpu.memory_space<vmem>>, vector<1x1x16xf32>,
          %swap3A_717 = vector.shape_cast %swap3A_716 : vector<1x1x16xf32> to vector<16xf32>
          %swap3A_718 = vector.shape_cast %mul3A_711 : vector<16xf32> to vector<1x1x16xf32>
          tpu.vector_store %arg11[%swap3A_713, %swap3A_714, %swap3A_715], %swap3A_718 {strides = array<i32>} : memref<2x128x128xf32, #tpu.memory_space<vmem>>, vector<1x1x16xf32>,
          %get3A_719 = arith.constant 0 : i32
          %get3A_720 = arith.index_cast %get3A_719 : i32 to index
          %get3A_721 = arith.index_cast %add3A_641 : i32 to index
          %get3A_722 = arith.constant 80 : index
          %get3A_723 = tpu.vector_load %arg11[%get3A_720, %get3A_721, %get3A_722] {strides = array<i32>} : memref<2x128x128xf32, #tpu.memory_space<vmem>>, vector<1x1x16xf32>,
          %get3A_724 = vector.shape_cast %get3A_723 : vector<1x1x16xf32> to vector<16xf32>
          %mul3A_725 = vector.broadcast %squeeze3A_643 : f32 to vector<16xf32>
          %mul3A_726 = arith.mulf %get3A_724, %mul3A_725 : vector<16xf32>
          %swap3A_727 = arith.constant 0 : i32
          %swap3A_728 = arith.index_cast %swap3A_727 : i32 to index
          %swap3A_729 = arith.index_cast %add3A_641 : i32 to index
          %swap3A_730 = arith.constant 80 : index
          %swap3A_731 = tpu.vector_load %arg11[%swap3A_728, %swap3A_729, %swap3A_730] {strides = array<i32>} : memref<2x128x128xf32, #tpu.memory_space<vmem>>, vector<1x1x16xf32>,
          %swap3A_732 = vector.shape_cast %swap3A_731 : vector<1x1x16xf32> to vector<16xf32>
          %swap3A_733 = vector.shape_cast %mul3A_726 : vector<16xf32> to vector<1x1x16xf32>
          tpu.vector_store %arg11[%swap3A_728, %swap3A_729, %swap3A_730], %swap3A_733 {strides = array<i32>} : memref<2x128x128xf32, #tpu.memory_space<vmem>>, vector<1x1x16xf32>,
          %get3A_734 = arith.constant 0 : i32
          %get3A_735 = arith.index_cast %get3A_734 : i32 to index
          %get3A_736 = arith.index_cast %add3A_641 : i32 to index
          %get3A_737 = arith.constant 96 : index
          %get3A_738 = tpu.vector_load %arg11[%get3A_735, %get3A_736, %get3A_737] {strides = array<i32>} : memref<2x128x128xf32, #tpu.memory_space<vmem>>, vector<1x1x16xf32>,
          %get3A_739 = vector.shape_cast %get3A_738 : vector<1x1x16xf32> to vector<16xf32>
          %mul3A_740 = vector.broadcast %squeeze3A_643 : f32 to vector<16xf32>
          %mul3A_741 = arith.mulf %get3A_739, %mul3A_740 : vector<16xf32>
          %swap3A_742 = arith.constant 0 : i32
          %swap3A_743 = arith.index_cast %swap3A_742 : i32 to index
          %swap3A_744 = arith.index_cast %add3A_641 : i32 to index
          %swap3A_745 = arith.constant 96 : index
          %swap3A_746 = tpu.vector_load %arg11[%swap3A_743, %swap3A_744, %swap3A_745] {strides = array<i32>} : memref<2x128x128xf32, #tpu.memory_space<vmem>>, vector<1x1x16xf32>,
          %swap3A_747 = vector.shape_cast %swap3A_746 : vector<1x1x16xf32> to vector<16xf32>
          %swap3A_748 = vector.shape_cast %mul3A_741 : vector<16xf32> to vector<1x1x16xf32>
          tpu.vector_store %arg11[%swap3A_743, %swap3A_744, %swap3A_745], %swap3A_748 {strides = array<i32>} : memref<2x128x128xf32, #tpu.memory_space<vmem>>, vector<1x1x16xf32>,
          %get3A_749 = arith.constant 0 : i32
          %get3A_750 = arith.index_cast %get3A_749 : i32 to index
          %get3A_751 = arith.index_cast %add3A_641 : i32 to index
          %get3A_752 = arith.constant 112 : index
          %get3A_753 = tpu.vector_load %arg11[%get3A_750, %get3A_751, %get3A_752] {strides = array<i32>} : memref<2x128x128xf32, #tpu.memory_space<vmem>>, vector<1x1x16xf32>,
          %get3A_754 = vector.shape_cast %get3A_753 : vector<1x1x16xf32> to vector<16xf32>
          %mul3A_755 = vector.broadcast %squeeze3A_643 : f32 to vector<16xf32>
          %mul3A_756 = arith.mulf %get3A_754, %mul3A_755 : vector<16xf32>
          %swap3A_757 = arith.constant 0 : i32
          %swap3A_758 = arith.index_cast %swap3A_757 : i32 to index
          %swap3A_759 = arith.index_cast %add3A_641 : i32 to index
          %swap3A_760 = arith.constant 112 : index
          %swap3A_761 = tpu.vector_load %arg11[%swap3A_758, %swap3A_759, %swap3A_760] {strides = array<i32>} : memref<2x128x128xf32, #tpu.memory_space<vmem>>, vector<1x1x16xf32>,
          %swap3A_762 = vector.shape_cast %swap3A_761 : vector<1x1x16xf32> to vector<16xf32>
          %swap3A_763 = vector.shape_cast %mul3A_756 : vector<16xf32> to vector<1x1x16xf32>
          tpu.vector_store %arg11[%swap3A_758, %swap3A_759, %swap3A_760], %swap3A_763 {strides = array<i32>} : memref<2x128x128xf32, #tpu.memory_space<vmem>>, vector<1x1x16xf32>,
          %mul3A_764 = arith.constant 16 : i32
          %mul3A_765 = arith.muli %scan3A_131, %mul3A_764 : i32
          %add3A_766 = arith.constant 5 : i32
          %add3A_767 = arith.addi %mul3A_765, %add3A_766 : i32
          %slice3A_768 = vector.extract_strided_slice %get3A_136 {offsets = [5], sizes = [1], strides = [1]} : vector<16xf32> to vector<1xf32>
          %squeeze3A_769 = vector.extract %slice3A_768[0] : f32 from vector<1xf32>
          %get3A_770 = arith.constant 0 : i32
          %get3A_771 = arith.index_cast %get3A_770 : i32 to index
          %get3A_772 = arith.index_cast %add3A_767 : i32 to index
          %get3A_773 = arith.constant 0 : index
          %get3A_774 = tpu.vector_load %arg11[%get3A_771, %get3A_772, %get3A_773] {strides = array<i32>} : memref<2x128x128xf32, #tpu.memory_space<vmem>>, vector<1x1x16xf32>,
          %get3A_775 = vector.shape_cast %get3A_774 : vector<1x1x16xf32> to vector<16xf32>
          %mul3A_776 = vector.broadcast %squeeze3A_769 : f32 to vector<16xf32>
          %mul3A_777 = arith.mulf %get3A_775, %mul3A_776 : vector<16xf32>
          %swap3A_778 = arith.constant 0 : i32
          %swap3A_779 = arith.index_cast %swap3A_778 : i32 to index
          %swap3A_780 = arith.index_cast %add3A_767 : i32 to index
          %swap3A_781 = arith.constant 0 : index
          %swap3A_782 = tpu.vector_load %arg11[%swap3A_779, %swap3A_780, %swap3A_781] {strides = array<i32>} : memref<2x128x128xf32, #tpu.memory_space<vmem>>, vector<1x1x16xf32>,
          %swap3A_783 = vector.shape_cast %swap3A_782 : vector<1x1x16xf32> to vector<16xf32>
          %swap3A_784 = vector.shape_cast %mul3A_777 : vector<16xf32> to vector<1x1x16xf32>
          tpu.vector_store %arg11[%swap3A_779, %swap3A_780, %swap3A_781], %swap3A_784 {strides = array<i32>} : memref<2x128x128xf32, #tpu.memory_space<vmem>>, vector<1x1x16xf32>,
          %get3A_785 = arith.constant 0 : i32
          %get3A_786 = arith.index_cast %get3A_785 : i32 to index
          %get3A_787 = arith.index_cast %add3A_767 : i32 to index
          %get3A_788 = arith.constant 16 : index
          %get3A_789 = tpu.vector_load %arg11[%get3A_786, %get3A_787, %get3A_788] {strides = array<i32>} : memref<2x128x128xf32, #tpu.memory_space<vmem>>, vector<1x1x16xf32>,
          %get3A_790 = vector.shape_cast %get3A_789 : vector<1x1x16xf32> to vector<16xf32>
          %mul3A_791 = vector.broadcast %squeeze3A_769 : f32 to vector<16xf32>
          %mul3A_792 = arith.mulf %get3A_790, %mul3A_791 : vector<16xf32>
          %swap3A_793 = arith.constant 0 : i32
          %swap3A_794 = arith.index_cast %swap3A_793 : i32 to index
          %swap3A_795 = arith.index_cast %add3A_767 : i32 to index
          %swap3A_796 = arith.constant 16 : index
          %swap3A_797 = tpu.vector_load %arg11[%swap3A_794, %swap3A_795, %swap3A_796] {strides = array<i32>} : memref<2x128x128xf32, #tpu.memory_space<vmem>>, vector<1x1x16xf32>,
          %swap3A_798 = vector.shape_cast %swap3A_797 : vector<1x1x16xf32> to vector<16xf32>
          %swap3A_799 = vector.shape_cast %mul3A_792 : vector<16xf32> to vector<1x1x16xf32>
          tpu.vector_store %arg11[%swap3A_794, %swap3A_795, %swap3A_796], %swap3A_799 {strides = array<i32>} : memref<2x128x128xf32, #tpu.memory_space<vmem>>, vector<1x1x16xf32>,
          %get3A_800 = arith.constant 0 : i32
          %get3A_801 = arith.index_cast %get3A_800 : i32 to index
          %get3A_802 = arith.index_cast %add3A_767 : i32 to index
          %get3A_803 = arith.constant 32 : index
          %get3A_804 = tpu.vector_load %arg11[%get3A_801, %get3A_802, %get3A_803] {strides = array<i32>} : memref<2x128x128xf32, #tpu.memory_space<vmem>>, vector<1x1x16xf32>,
          %get3A_805 = vector.shape_cast %get3A_804 : vector<1x1x16xf32> to vector<16xf32>
          %mul3A_806 = vector.broadcast %squeeze3A_769 : f32 to vector<16xf32>
          %mul3A_807 = arith.mulf %get3A_805, %mul3A_806 : vector<16xf32>
          %swap3A_808 = arith.constant 0 : i32
          %swap3A_809 = arith.index_cast %swap3A_808 : i32 to index
          %swap3A_810 = arith.index_cast %add3A_767 : i32 to index
          %swap3A_811 = arith.constant 32 : index
          %swap3A_812 = tpu.vector_load %arg11[%swap3A_809, %swap3A_810, %swap3A_811] {strides = array<i32>} : memref<2x128x128xf32, #tpu.memory_space<vmem>>, vector<1x1x16xf32>,
          %swap3A_813 = vector.shape_cast %swap3A_812 : vector<1x1x16xf32> to vector<16xf32>
          %swap3A_814 = vector.shape_cast %mul3A_807 : vector<16xf32> to vector<1x1x16xf32>
          tpu.vector_store %arg11[%swap3A_809, %swap3A_810, %swap3A_811], %swap3A_814 {strides = array<i32>} : memref<2x128x128xf32, #tpu.memory_space<vmem>>, vector<1x1x16xf32>,
          %get3A_815 = arith.constant 0 : i32
          %get3A_816 = arith.index_cast %get3A_815 : i32 to index
          %get3A_817 = arith.index_cast %add3A_767 : i32 to index
          %get3A_818 = arith.constant 48 : index
          %get3A_819 = tpu.vector_load %arg11[%get3A_816, %get3A_817, %get3A_818] {strides = array<i32>} : memref<2x128x128xf32, #tpu.memory_space<vmem>>, vector<1x1x16xf32>,
          %get3A_820 = vector.shape_cast %get3A_819 : vector<1x1x16xf32> to vector<16xf32>
          %mul3A_821 = vector.broadcast %squeeze3A_769 : f32 to vector<16xf32>
          %mul3A_822 = arith.mulf %get3A_820, %mul3A_821 : vector<16xf32>
          %swap3A_823 = arith.constant 0 : i32
          %swap3A_824 = arith.index_cast %swap3A_823 : i32 to index
          %swap3A_825 = arith.index_cast %add3A_767 : i32 to index
          %swap3A_826 = arith.constant 48 : index
          %swap3A_827 = tpu.vector_load %arg11[%swap3A_824, %swap3A_825, %swap3A_826] {strides = array<i32>} : memref<2x128x128xf32, #tpu.memory_space<vmem>>, vector<1x1x16xf32>,
          %swap3A_828 = vector.shape_cast %swap3A_827 : vector<1x1x16xf32> to vector<16xf32>
          %swap3A_829 = vector.shape_cast %mul3A_822 : vector<16xf32> to vector<1x1x16xf32>
          tpu.vector_store %arg11[%swap3A_824, %swap3A_825, %swap3A_826], %swap3A_829 {strides = array<i32>} : memref<2x128x128xf32, #tpu.memory_space<vmem>>, vector<1x1x16xf32>,
          %get3A_830 = arith.constant 0 : i32
          %get3A_831 = arith.index_cast %get3A_830 : i32 to index
          %get3A_832 = arith.index_cast %add3A_767 : i32 to index
          %get3A_833 = arith.constant 64 : index
          %get3A_834 = tpu.vector_load %arg11[%get3A_831, %get3A_832, %get3A_833] {strides = array<i32>} : memref<2x128x128xf32, #tpu.memory_space<vmem>>, vector<1x1x16xf32>,
          %get3A_835 = vector.shape_cast %get3A_834 : vector<1x1x16xf32> to vector<16xf32>
          %mul3A_836 = vector.broadcast %squeeze3A_769 : f32 to vector<16xf32>
          %mul3A_837 = arith.mulf %get3A_835, %mul3A_836 : vector<16xf32>
          %swap3A_838 = arith.constant 0 : i32
          %swap3A_839 = arith.index_cast %swap3A_838 : i32 to index
          %swap3A_840 = arith.index_cast %add3A_767 : i32 to index
          %swap3A_841 = arith.constant 64 : index
          %swap3A_842 = tpu.vector_load %arg11[%swap3A_839, %swap3A_840, %swap3A_841] {strides = array<i32>} : memref<2x128x128xf32, #tpu.memory_space<vmem>>, vector<1x1x16xf32>,
          %swap3A_843 = vector.shape_cast %swap3A_842 : vector<1x1x16xf32> to vector<16xf32>
          %swap3A_844 = vector.shape_cast %mul3A_837 : vector<16xf32> to vector<1x1x16xf32>
          tpu.vector_store %arg11[%swap3A_839, %swap3A_840, %swap3A_841], %swap3A_844 {strides = array<i32>} : memref<2x128x128xf32, #tpu.memory_space<vmem>>, vector<1x1x16xf32>,
          %get3A_845 = arith.constant 0 : i32
          %get3A_846 = arith.index_cast %get3A_845 : i32 to index
          %get3A_847 = arith.index_cast %add3A_767 : i32 to index
          %get3A_848 = arith.constant 80 : index
          %get3A_849 = tpu.vector_load %arg11[%get3A_846, %get3A_847, %get3A_848] {strides = array<i32>} : memref<2x128x128xf32, #tpu.memory_space<vmem>>, vector<1x1x16xf32>,
          %get3A_850 = vector.shape_cast %get3A_849 : vector<1x1x16xf32> to vector<16xf32>
          %mul3A_851 = vector.broadcast %squeeze3A_769 : f32 to vector<16xf32>
          %mul3A_852 = arith.mulf %get3A_850, %mul3A_851 : vector<16xf32>
          %swap3A_853 = arith.constant 0 : i32
          %swap3A_854 = arith.index_cast %swap3A_853 : i32 to index
          %swap3A_855 = arith.index_cast %add3A_767 : i32 to index
          %swap3A_856 = arith.constant 80 : index
          %swap3A_857 = tpu.vector_load %arg11[%swap3A_854, %swap3A_855, %swap3A_856] {strides = array<i32>} : memref<2x128x128xf32, #tpu.memory_space<vmem>>, vector<1x1x16xf32>,
          %swap3A_858 = vector.shape_cast %swap3A_857 : vector<1x1x16xf32> to vector<16xf32>
          %swap3A_859 = vector.shape_cast %mul3A_852 : vector<16xf32> to vector<1x1x16xf32>
          tpu.vector_store %arg11[%swap3A_854, %swap3A_855, %swap3A_856], %swap3A_859 {strides = array<i32>} : memref<2x128x128xf32, #tpu.memory_space<vmem>>, vector<1x1x16xf32>,
          %get3A_860 = arith.constant 0 : i32
          %get3A_861 = arith.index_cast %get3A_860 : i32 to index
          %get3A_862 = arith.index_cast %add3A_767 : i32 to index
          %get3A_863 = arith.constant 96 : index
          %get3A_864 = tpu.vector_load %arg11[%get3A_861, %get3A_862, %get3A_863] {strides = array<i32>} : memref<2x128x128xf32, #tpu.memory_space<vmem>>, vector<1x1x16xf32>,
          %get3A_865 = vector.shape_cast %get3A_864 : vector<1x1x16xf32> to vector<16xf32>
          %mul3A_866 = vector.broadcast %squeeze3A_769 : f32 to vector<16xf32>
          %mul3A_867 = arith.mulf %get3A_865, %mul3A_866 : vector<16xf32>
          %swap3A_868 = arith.constant 0 : i32
          %swap3A_869 = arith.index_cast %swap3A_868 : i32 to index
          %swap3A_870 = arith.index_cast %add3A_767 : i32 to index
          %swap3A_871 = arith.constant 96 : index
          %swap3A_872 = tpu.vector_load %arg11[%swap3A_869, %swap3A_870, %swap3A_871] {strides = array<i32>} : memref<2x128x128xf32, #tpu.memory_space<vmem>>, vector<1x1x16xf32>,
          %swap3A_873 = vector.shape_cast %swap3A_872 : vector<1x1x16xf32> to vector<16xf32>
          %swap3A_874 = vector.shape_cast %mul3A_867 : vector<16xf32> to vector<1x1x16xf32>
          tpu.vector_store %arg11[%swap3A_869, %swap3A_870, %swap3A_871], %swap3A_874 {strides = array<i32>} : memref<2x128x128xf32, #tpu.memory_space<vmem>>, vector<1x1x16xf32>,
          %get3A_875 = arith.constant 0 : i32
          %get3A_876 = arith.index_cast %get3A_875 : i32 to index
          %get3A_877 = arith.index_cast %add3A_767 : i32 to index
          %get3A_878 = arith.constant 112 : index
          %get3A_879 = tpu.vector_load %arg11[%get3A_876, %get3A_877, %get3A_878] {strides = array<i32>} : memref<2x128x128xf32, #tpu.memory_space<vmem>>, vector<1x1x16xf32>,
          %get3A_880 = vector.shape_cast %get3A_879 : vector<1x1x16xf32> to vector<16xf32>
          %mul3A_881 = vector.broadcast %squeeze3A_769 : f32 to vector<16xf32>
          %mul3A_882 = arith.mulf %get3A_880, %mul3A_881 : vector<16xf32>
          %swap3A_883 = arith.constant 0 : i32
          %swap3A_884 = arith.index_cast %swap3A_883 : i32 to index
          %swap3A_885 = arith.index_cast %add3A_767 : i32 to index
          %swap3A_886 = arith.constant 112 : index
          %swap3A_887 = tpu.vector_load %arg11[%swap3A_884, %swap3A_885, %swap3A_886] {strides = array<i32>} : memref<2x128x128xf32, #tpu.memory_space<vmem>>, vector<1x1x16xf32>,
          %swap3A_888 = vector.shape_cast %swap3A_887 : vector<1x1x16xf32> to vector<16xf32>
          %swap3A_889 = vector.shape_cast %mul3A_882 : vector<16xf32> to vector<1x1x16xf32>
          tpu.vector_store %arg11[%swap3A_884, %swap3A_885, %swap3A_886], %swap3A_889 {strides = array<i32>} : memref<2x128x128xf32, #tpu.memory_space<vmem>>, vector<1x1x16xf32>,
          %mul3A_890 = arith.constant 16 : i32
          %mul3A_891 = arith.muli %scan3A_131, %mul3A_890 : i32
          %add3A_892 = arith.constant 6 : i32
          %add3A_893 = arith.addi %mul3A_891, %add3A_892 : i32
          %slice3A_894 = vector.extract_strided_slice %get3A_136 {offsets = [6], sizes = [1], strides = [1]} : vector<16xf32> to vector<1xf32>
          %squeeze3A_895 = vector.extract %slice3A_894[0] : f32 from vector<1xf32>
          %get3A_896 = arith.constant 0 : i32
          %get3A_897 = arith.index_cast %get3A_896 : i32 to index
          %get3A_898 = arith.index_cast %add3A_893 : i32 to index
          %get3A_899 = arith.constant 0 : index
          %get3A_900 = tpu.vector_load %arg11[%get3A_897, %get3A_898, %get3A_899] {strides = array<i32>} : memref<2x128x128xf32, #tpu.memory_space<vmem>>, vector<1x1x16xf32>,
          %get3A_901 = vector.shape_cast %get3A_900 : vector<1x1x16xf32> to vector<16xf32>
          %mul3A_902 = vector.broadcast %squeeze3A_895 : f32 to vector<16xf32>
          %mul3A_903 = arith.mulf %get3A_901, %mul3A_902 : vector<16xf32>
          %swap3A_904 = arith.constant 0 : i32
          %swap3A_905 = arith.index_cast %swap3A_904 : i32 to index
          %swap3A_906 = arith.index_cast %add3A_893 : i32 to index
          %swap3A_907 = arith.constant 0 : index
          %swap3A_908 = tpu.vector_load %arg11[%swap3A_905, %swap3A_906, %swap3A_907] {strides = array<i32>} : memref<2x128x128xf32, #tpu.memory_space<vmem>>, vector<1x1x16xf32>,
          %swap3A_909 = vector.shape_cast %swap3A_908 : vector<1x1x16xf32> to vector<16xf32>
          %swap3A_910 = vector.shape_cast %mul3A_903 : vector<16xf32> to vector<1x1x16xf32>
          tpu.vector_store %arg11[%swap3A_905, %swap3A_906, %swap3A_907], %swap3A_910 {strides = array<i32>} : memref<2x128x128xf32, #tpu.memory_space<vmem>>, vector<1x1x16xf32>,
          %get3A_911 = arith.constant 0 : i32
          %get3A_912 = arith.index_cast %get3A_911 : i32 to index
          %get3A_913 = arith.index_cast %add3A_893 : i32 to index
          %get3A_914 = arith.constant 16 : index
          %get3A_915 = tpu.vector_load %arg11[%get3A_912, %get3A_913, %get3A_914] {strides = array<i32>} : memref<2x128x128xf32, #tpu.memory_space<vmem>>, vector<1x1x16xf32>,
          %get3A_916 = vector.shape_cast %get3A_915 : vector<1x1x16xf32> to vector<16xf32>
          %mul3A_917 = vector.broadcast %squeeze3A_895 : f32 to vector<16xf32>
          %mul3A_918 = arith.mulf %get3A_916, %mul3A_917 : vector<16xf32>
          %swap3A_919 = arith.constant 0 : i32
          %swap3A_920 = arith.index_cast %swap3A_919 : i32 to index
          %swap3A_921 = arith.index_cast %add3A_893 : i32 to index
          %swap3A_922 = arith.constant 16 : index
          %swap3A_923 = tpu.vector_load %arg11[%swap3A_920, %swap3A_921, %swap3A_922] {strides = array<i32>} : memref<2x128x128xf32, #tpu.memory_space<vmem>>, vector<1x1x16xf32>,
          %swap3A_924 = vector.shape_cast %swap3A_923 : vector<1x1x16xf32> to vector<16xf32>
          %swap3A_925 = vector.shape_cast %mul3A_918 : vector<16xf32> to vector<1x1x16xf32>
          tpu.vector_store %arg11[%swap3A_920, %swap3A_921, %swap3A_922], %swap3A_925 {strides = array<i32>} : memref<2x128x128xf32, #tpu.memory_space<vmem>>, vector<1x1x16xf32>,
          %get3A_926 = arith.constant 0 : i32
          %get3A_927 = arith.index_cast %get3A_926 : i32 to index
          %get3A_928 = arith.index_cast %add3A_893 : i32 to index
          %get3A_929 = arith.constant 32 : index
          %get3A_930 = tpu.vector_load %arg11[%get3A_927, %get3A_928, %get3A_929] {strides = array<i32>} : memref<2x128x128xf32, #tpu.memory_space<vmem>>, vector<1x1x16xf32>,
          %get3A_931 = vector.shape_cast %get3A_930 : vector<1x1x16xf32> to vector<16xf32>
          %mul3A_932 = vector.broadcast %squeeze3A_895 : f32 to vector<16xf32>
          %mul3A_933 = arith.mulf %get3A_931, %mul3A_932 : vector<16xf32>
          %swap3A_934 = arith.constant 0 : i32
          %swap3A_935 = arith.index_cast %swap3A_934 : i32 to index
          %swap3A_936 = arith.index_cast %add3A_893 : i32 to index
          %swap3A_937 = arith.constant 32 : index
          %swap3A_938 = tpu.vector_load %arg11[%swap3A_935, %swap3A_936, %swap3A_937] {strides = array<i32>} : memref<2x128x128xf32, #tpu.memory_space<vmem>>, vector<1x1x16xf32>,
          %swap3A_939 = vector.shape_cast %swap3A_938 : vector<1x1x16xf32> to vector<16xf32>
          %swap3A_940 = vector.shape_cast %mul3A_933 : vector<16xf32> to vector<1x1x16xf32>
          tpu.vector_store %arg11[%swap3A_935, %swap3A_936, %swap3A_937], %swap3A_940 {strides = array<i32>} : memref<2x128x128xf32, #tpu.memory_space<vmem>>, vector<1x1x16xf32>,
          %get3A_941 = arith.constant 0 : i32
          %get3A_942 = arith.index_cast %get3A_941 : i32 to index
          %get3A_943 = arith.index_cast %add3A_893 : i32 to index
          %get3A_944 = arith.constant 48 : index
          %get3A_945 = tpu.vector_load %arg11[%get3A_942, %get3A_943, %get3A_944] {strides = array<i32>} : memref<2x128x128xf32, #tpu.memory_space<vmem>>, vector<1x1x16xf32>,
          %get3A_946 = vector.shape_cast %get3A_945 : vector<1x1x16xf32> to vector<16xf32>
          %mul3A_947 = vector.broadcast %squeeze3A_895 : f32 to vector<16xf32>
          %mul3A_948 = arith.mulf %get3A_946, %mul3A_947 : vector<16xf32>
          %swap3A_949 = arith.constant 0 : i32
          %swap3A_950 = arith.index_cast %swap3A_949 : i32 to index
          %swap3A_951 = arith.index_cast %add3A_893 : i32 to index
          %swap3A_952 = arith.constant 48 : index
          %swap3A_953 = tpu.vector_load %arg11[%swap3A_950, %swap3A_951, %swap3A_952] {strides = array<i32>} : memref<2x128x128xf32, #tpu.memory_space<vmem>>, vector<1x1x16xf32>,
          %swap3A_954 = vector.shape_cast %swap3A_953 : vector<1x1x16xf32> to vector<16xf32>
          %swap3A_955 = vector.shape_cast %mul3A_948 : vector<16xf32> to vector<1x1x16xf32>
          tpu.vector_store %arg11[%swap3A_950, %swap3A_951, %swap3A_952], %swap3A_955 {strides = array<i32>} : memref<2x128x128xf32, #tpu.memory_space<vmem>>, vector<1x1x16xf32>,
          %get3A_956 = arith.constant 0 : i32
          %get3A_957 = arith.index_cast %get3A_956 : i32 to index
          %get3A_958 = arith.index_cast %add3A_893 : i32 to index
          %get3A_959 = arith.constant 64 : index
          %get3A_960 = tpu.vector_load %arg11[%get3A_957, %get3A_958, %get3A_959] {strides = array<i32>} : memref<2x128x128xf32, #tpu.memory_space<vmem>>, vector<1x1x16xf32>,
          %get3A_961 = vector.shape_cast %get3A_960 : vector<1x1x16xf32> to vector<16xf32>
          %mul3A_962 = vector.broadcast %squeeze3A_895 : f32 to vector<16xf32>
          %mul3A_963 = arith.mulf %get3A_961, %mul3A_962 : vector<16xf32>
          %swap3A_964 = arith.constant 0 : i32
          %swap3A_965 = arith.index_cast %swap3A_964 : i32 to index
          %swap3A_966 = arith.index_cast %add3A_893 : i32 to index
          %swap3A_967 = arith.constant 64 : index
          %swap3A_968 = tpu.vector_load %arg11[%swap3A_965, %swap3A_966, %swap3A_967] {strides = array<i32>} : memref<2x128x128xf32, #tpu.memory_space<vmem>>, vector<1x1x16xf32>,
          %swap3A_969 = vector.shape_cast %swap3A_968 : vector<1x1x16xf32> to vector<16xf32>
          %swap3A_970 = vector.shape_cast %mul3A_963 : vector<16xf32> to vector<1x1x16xf32>
          tpu.vector_store %arg11[%swap3A_965, %swap3A_966, %swap3A_967], %swap3A_970 {strides = array<i32>} : memref<2x128x128xf32, #tpu.memory_space<vmem>>, vector<1x1x16xf32>,
          %get3A_971 = arith.constant 0 : i32
          %get3A_972 = arith.index_cast %get3A_971 : i32 to index
          %get3A_973 = arith.index_cast %add3A_893 : i32 to index
          %get3A_974 = arith.constant 80 : index
          %get3A_975 = tpu.vector_load %arg11[%get3A_972, %get3A_973, %get3A_974] {strides = array<i32>} : memref<2x128x128xf32, #tpu.memory_space<vmem>>, vector<1x1x16xf32>,
          %get3A_976 = vector.shape_cast %get3A_975 : vector<1x1x16xf32> to vector<16xf32>
          %mul3A_977 = vector.broadcast %squeeze3A_895 : f32 to vector<16xf32>
          %mul3A_978 = arith.mulf %get3A_976, %mul3A_977 : vector<16xf32>
          %swap3A_979 = arith.constant 0 : i32
          %swap3A_980 = arith.index_cast %swap3A_979 : i32 to index
          %swap3A_981 = arith.index_cast %add3A_893 : i32 to index
          %swap3A_982 = arith.constant 80 : index
          %swap3A_983 = tpu.vector_load %arg11[%swap3A_980, %swap3A_981, %swap3A_982] {strides = array<i32>} : memref<2x128x128xf32, #tpu.memory_space<vmem>>, vector<1x1x16xf32>,
          %swap3A_984 = vector.shape_cast %swap3A_983 : vector<1x1x16xf32> to vector<16xf32>
          %swap3A_985 = vector.shape_cast %mul3A_978 : vector<16xf32> to vector<1x1x16xf32>
          tpu.vector_store %arg11[%swap3A_980, %swap3A_981, %swap3A_982], %swap3A_985 {strides = array<i32>} : memref<2x128x128xf32, #tpu.memory_space<vmem>>, vector<1x1x16xf32>,
          %get3A_986 = arith.constant 0 : i32
          %get3A_987 = arith.index_cast %get3A_986 : i32 to index
          %get3A_988 = arith.index_cast %add3A_893 : i32 to index
          %get3A_989 = arith.constant 96 : index
          %get3A_990 = tpu.vector_load %arg11[%get3A_987, %get3A_988, %get3A_989] {strides = array<i32>} : memref<2x128x128xf32, #tpu.memory_space<vmem>>, vector<1x1x16xf32>,
          %get3A_991 = vector.shape_cast %get3A_990 : vector<1x1x16xf32> to vector<16xf32>
          %mul3A_992 = vector.broadcast %squeeze3A_895 : f32 to vector<16xf32>
          %mul3A_993 = arith.mulf %get3A_991, %mul3A_992 : vector<16xf32>
          %swap3A_994 = arith.constant 0 : i32
          %swap3A_995 = arith.index_cast %swap3A_994 : i32 to index
          %swap3A_996 = arith.index_cast %add3A_893 : i32 to index
          %swap3A_997 = arith.constant 96 : index
          %swap3A_998 = tpu.vector_load %arg11[%swap3A_995, %swap3A_996, %swap3A_997] {strides = array<i32>} : memref<2x128x128xf32, #tpu.memory_space<vmem>>, vector<1x1x16xf32>,
          %swap3A_999 = vector.shape_cast %swap3A_998 : vector<1x1x16xf32> to vector<16xf32>
          %swap3A_1000 = vector.shape_cast %mul3A_993 : vector<16xf32> to vector<1x1x16xf32>
          tpu.vector_store %arg11[%swap3A_995, %swap3A_996, %swap3A_997], %swap3A_1000 {strides = array<i32>} : memref<2x128x128xf32, #tpu.memory_space<vmem>>, vector<1x1x16xf32>,
          %get3A_1001 = arith.constant 0 : i32
          %get3A_1002 = arith.index_cast %get3A_1001 : i32 to index
          %get3A_1003 = arith.index_cast %add3A_893 : i32 to index
          %get3A_1004 = arith.constant 112 : index
          %get3A_1005 = tpu.vector_load %arg11[%get3A_1002, %get3A_1003, %get3A_1004] {strides = array<i32>} : memref<2x128x128xf32, #tpu.memory_space<vmem>>, vector<1x1x16xf32>,
          %get3A_1006 = vector.shape_cast %get3A_1005 : vector<1x1x16xf32> to vector<16xf32>
          %mul3A_1007 = vector.broadcast %squeeze3A_895 : f32 to vector<16xf32>
          %mul3A_1008 = arith.mulf %get3A_1006, %mul3A_1007 : vector<16xf32>
          %swap3A_1009 = arith.constant 0 : i32
          %swap3A_1010 = arith.index_cast %swap3A_1009 : i32 to index
          %swap3A_1011 = arith.index_cast %add3A_893 : i32 to index
          %swap3A_1012 = arith.constant 112 : index
          %swap3A_1013 = tpu.vector_load %arg11[%swap3A_1010, %swap3A_1011, %swap3A_1012] {strides = array<i32>} : memref<2x128x128xf32, #tpu.memory_space<vmem>>, vector<1x1x16xf32>,
          %swap3A_1014 = vector.shape_cast %swap3A_1013 : vector<1x1x16xf32> to vector<16xf32>
          %swap3A_1015 = vector.shape_cast %mul3A_1008 : vector<16xf32> to vector<1x1x16xf32>
          tpu.vector_store %arg11[%swap3A_1010, %swap3A_1011, %swap3A_1012], %swap3A_1015 {strides = array<i32>} : memref<2x128x128xf32, #tpu.memory_space<vmem>>, vector<1x1x16xf32>,
          %mul3A_1016 = arith.constant 16 : i32
          %mul3A_1017 = arith.muli %scan3A_131, %mul3A_1016 : i32
          %add3A_1018 = arith.constant 7 : i32
          %add3A_1019 = arith.addi %mul3A_1017, %add3A_1018 : i32
          %slice3A_1020 = vector.extract_strided_slice %get3A_136 {offsets = [7], sizes = [1], strides = [1]} : vector<16xf32> to vector<1xf32>
          %squeeze3A_1021 = vector.extract %slice3A_1020[0] : f32 from vector<1xf32>
          %get3A_1022 = arith.constant 0 : i32
          %get3A_1023 = arith.index_cast %get3A_1022 : i32 to index
          %get3A_1024 = arith.index_cast %add3A_1019 : i32 to index
          %get3A_1025 = arith.constant 0 : index
          %get3A_1026 = tpu.vector_load %arg11[%get3A_1023, %get3A_1024, %get3A_1025] {strides = array<i32>} : memref<2x128x128xf32, #tpu.memory_space<vmem>>, vector<1x1x16xf32>,
          %get3A_1027 = vector.shape_cast %get3A_1026 : vector<1x1x16xf32> to vector<16xf32>
          %mul3A_1028 = vector.broadcast %squeeze3A_1021 : f32 to vector<16xf32>
          %mul3A_1029 = arith.mulf %get3A_1027, %mul3A_1028 : vector<16xf32>
          %swap3A_1030 = arith.constant 0 : i32
          %swap3A_1031 = arith.index_cast %swap3A_1030 : i32 to index
          %swap3A_1032 = arith.index_cast %add3A_1019 : i32 to index
          %swap3A_1033 = arith.constant 0 : index
          %swap3A_1034 = tpu.vector_load %arg11[%swap3A_1031, %swap3A_1032, %swap3A_1033] {strides = array<i32>} : memref<2x128x128xf32, #tpu.memory_space<vmem>>, vector<1x1x16xf32>,
          %swap3A_1035 = vector.shape_cast %swap3A_1034 : vector<1x1x16xf32> to vector<16xf32>
          %swap3A_1036 = vector.shape_cast %mul3A_1029 : vector<16xf32> to vector<1x1x16xf32>
          tpu.vector_store %arg11[%swap3A_1031, %swap3A_1032, %swap3A_1033], %swap3A_1036 {strides = array<i32>} : memref<2x128x128xf32, #tpu.memory_space<vmem>>, vector<1x1x16xf32>,
          %get3A_1037 = arith.constant 0 : i32
          %get3A_1038 = arith.index_cast %get3A_1037 : i32 to index
          %get3A_1039 = arith.index_cast %add3A_1019 : i32 to index
          %get3A_1040 = arith.constant 16 : index
          %get3A_1041 = tpu.vector_load %arg11[%get3A_1038, %get3A_1039, %get3A_1040] {strides = array<i32>} : memref<2x128x128xf32, #tpu.memory_space<vmem>>, vector<1x1x16xf32>,
          %get3A_1042 = vector.shape_cast %get3A_1041 : vector<1x1x16xf32> to vector<16xf32>
          %mul3A_1043 = vector.broadcast %squeeze3A_1021 : f32 to vector<16xf32>
          %mul3A_1044 = arith.mulf %get3A_1042, %mul3A_1043 : vector<16xf32>
          %swap3A_1045 = arith.constant 0 : i32
          %swap3A_1046 = arith.index_cast %swap3A_1045 : i32 to index
          %swap3A_1047 = arith.index_cast %add3A_1019 : i32 to index
          %swap3A_1048 = arith.constant 16 : index
          %swap3A_1049 = tpu.vector_load %arg11[%swap3A_1046, %swap3A_1047, %swap3A_1048] {strides = array<i32>} : memref<2x128x128xf32, #tpu.memory_space<vmem>>, vector<1x1x16xf32>,
          %swap3A_1050 = vector.shape_cast %swap3A_1049 : vector<1x1x16xf32> to vector<16xf32>
          %swap3A_1051 = vector.shape_cast %mul3A_1044 : vector<16xf32> to vector<1x1x16xf32>
          tpu.vector_store %arg11[%swap3A_1046, %swap3A_1047, %swap3A_1048], %swap3A_1051 {strides = array<i32>} : memref<2x128x128xf32, #tpu.memory_space<vmem>>, vector<1x1x16xf32>,
          %get3A_1052 = arith.constant 0 : i32
          %get3A_1053 = arith.index_cast %get3A_1052 : i32 to index
          %get3A_1054 = arith.index_cast %add3A_1019 : i32 to index
          %get3A_1055 = arith.constant 32 : index
          %get3A_1056 = tpu.vector_load %arg11[%get3A_1053, %get3A_1054, %get3A_1055] {strides = array<i32>} : memref<2x128x128xf32, #tpu.memory_space<vmem>>, vector<1x1x16xf32>,
          %get3A_1057 = vector.shape_cast %get3A_1056 : vector<1x1x16xf32> to vector<16xf32>
          %mul3A_1058 = vector.broadcast %squeeze3A_1021 : f32 to vector<16xf32>
          %mul3A_1059 = arith.mulf %get3A_1057, %mul3A_1058 : vector<16xf32>
          %swap3A_1060 = arith.constant 0 : i32
          %swap3A_1061 = arith.index_cast %swap3A_1060 : i32 to index
          %swap3A_1062 = arith.index_cast %add3A_1019 : i32 to index
          %swap3A_1063 = arith.constant 32 : index
          %swap3A_1064 = tpu.vector_load %arg11[%swap3A_1061, %swap3A_1062, %swap3A_1063] {strides = array<i32>} : memref<2x128x128xf32, #tpu.memory_space<vmem>>, vector<1x1x16xf32>,
          %swap3A_1065 = vector.shape_cast %swap3A_1064 : vector<1x1x16xf32> to vector<16xf32>
          %swap3A_1066 = vector.shape_cast %mul3A_1059 : vector<16xf32> to vector<1x1x16xf32>
          tpu.vector_store %arg11[%swap3A_1061, %swap3A_1062, %swap3A_1063], %swap3A_1066 {strides = array<i32>} : memref<2x128x128xf32, #tpu.memory_space<vmem>>, vector<1x1x16xf32>,
          %get3A_1067 = arith.constant 0 : i32
          %get3A_1068 = arith.index_cast %get3A_1067 : i32 to index
          %get3A_1069 = arith.index_cast %add3A_1019 : i32 to index
          %get3A_1070 = arith.constant 48 : index
          %get3A_1071 = tpu.vector_load %arg11[%get3A_1068, %get3A_1069, %get3A_1070] {strides = array<i32>} : memref<2x128x128xf32, #tpu.memory_space<vmem>>, vector<1x1x16xf32>,
          %get3A_1072 = vector.shape_cast %get3A_1071 : vector<1x1x16xf32> to vector<16xf32>
          %mul3A_1073 = vector.broadcast %squeeze3A_1021 : f32 to vector<16xf32>
          %mul3A_1074 = arith.mulf %get3A_1072, %mul3A_1073 : vector<16xf32>
          %swap3A_1075 = arith.constant 0 : i32
          %swap3A_1076 = arith.index_cast %swap3A_1075 : i32 to index
          %swap3A_1077 = arith.index_cast %add3A_1019 : i32 to index
          %swap3A_1078 = arith.constant 48 : index
          %swap3A_1079 = tpu.vector_load %arg11[%swap3A_1076, %swap3A_1077, %swap3A_1078] {strides = array<i32>} : memref<2x128x128xf32, #tpu.memory_space<vmem>>, vector<1x1x16xf32>,
          %swap3A_1080 = vector.shape_cast %swap3A_1079 : vector<1x1x16xf32> to vector<16xf32>
          %swap3A_1081 = vector.shape_cast %mul3A_1074 : vector<16xf32> to vector<1x1x16xf32>
          tpu.vector_store %arg11[%swap3A_1076, %swap3A_1077, %swap3A_1078], %swap3A_1081 {strides = array<i32>} : memref<2x128x128xf32, #tpu.memory_space<vmem>>, vector<1x1x16xf32>,
          %get3A_1082 = arith.constant 0 : i32
          %get3A_1083 = arith.index_cast %get3A_1082 : i32 to index
          %get3A_1084 = arith.index_cast %add3A_1019 : i32 to index
          %get3A_1085 = arith.constant 64 : index
          %get3A_1086 = tpu.vector_load %arg11[%get3A_1083, %get3A_1084, %get3A_1085] {strides = array<i32>} : memref<2x128x128xf32, #tpu.memory_space<vmem>>, vector<1x1x16xf32>,
          %get3A_1087 = vector.shape_cast %get3A_1086 : vector<1x1x16xf32> to vector<16xf32>
          %mul3A_1088 = vector.broadcast %squeeze3A_1021 : f32 to vector<16xf32>
          %mul3A_1089 = arith.mulf %get3A_1087, %mul3A_1088 : vector<16xf32>
          %swap3A_1090 = arith.constant 0 : i32
          %swap3A_1091 = arith.index_cast %swap3A_1090 : i32 to index
          %swap3A_1092 = arith.index_cast %add3A_1019 : i32 to index
          %swap3A_1093 = arith.constant 64 : index
          %swap3A_1094 = tpu.vector_load %arg11[%swap3A_1091, %swap3A_1092, %swap3A_1093] {strides = array<i32>} : memref<2x128x128xf32, #tpu.memory_space<vmem>>, vector<1x1x16xf32>,
          %swap3A_1095 = vector.shape_cast %swap3A_1094 : vector<1x1x16xf32> to vector<16xf32>
          %swap3A_1096 = vector.shape_cast %mul3A_1089 : vector<16xf32> to vector<1x1x16xf32>
          tpu.vector_store %arg11[%swap3A_1091, %swap3A_1092, %swap3A_1093], %swap3A_1096 {strides = array<i32>} : memref<2x128x128xf32, #tpu.memory_space<vmem>>, vector<1x1x16xf32>,
          %get3A_1097 = arith.constant 0 : i32
          %get3A_1098 = arith.index_cast %get3A_1097 : i32 to index
          %get3A_1099 = arith.index_cast %add3A_1019 : i32 to index
          %get3A_1100 = arith.constant 80 : index
          %get3A_1101 = tpu.vector_load %arg11[%get3A_1098, %get3A_1099, %get3A_1100] {strides = array<i32>} : memref<2x128x128xf32, #tpu.memory_space<vmem>>, vector<1x1x16xf32>,
          %get3A_1102 = vector.shape_cast %get3A_1101 : vector<1x1x16xf32> to vector<16xf32>
          %mul3A_1103 = vector.broadcast %squeeze3A_1021 : f32 to vector<16xf32>
          %mul3A_1104 = arith.mulf %get3A_1102, %mul3A_1103 : vector<16xf32>
          %swap3A_1105 = arith.constant 0 : i32
          %swap3A_1106 = arith.index_cast %swap3A_1105 : i32 to index
          %swap3A_1107 = arith.index_cast %add3A_1019 : i32 to index
          %swap3A_1108 = arith.constant 80 : index
          %swap3A_1109 = tpu.vector_load %arg11[%swap3A_1106, %swap3A_1107, %swap3A_1108] {strides = array<i32>} : memref<2x128x128xf32, #tpu.memory_space<vmem>>, vector<1x1x16xf32>,
          %swap3A_1110 = vector.shape_cast %swap3A_1109 : vector<1x1x16xf32> to vector<16xf32>
          %swap3A_1111 = vector.shape_cast %mul3A_1104 : vector<16xf32> to vector<1x1x16xf32>
          tpu.vector_store %arg11[%swap3A_1106, %swap3A_1107, %swap3A_1108], %swap3A_1111 {strides = array<i32>} : memref<2x128x128xf32, #tpu.memory_space<vmem>>, vector<1x1x16xf32>,
          %get3A_1112 = arith.constant 0 : i32
          %get3A_1113 = arith.index_cast %get3A_1112 : i32 to index
          %get3A_1114 = arith.index_cast %add3A_1019 : i32 to index
          %get3A_1115 = arith.constant 96 : index
          %get3A_1116 = tpu.vector_load %arg11[%get3A_1113, %get3A_1114, %get3A_1115] {strides = array<i32>} : memref<2x128x128xf32, #tpu.memory_space<vmem>>, vector<1x1x16xf32>,
          %get3A_1117 = vector.shape_cast %get3A_1116 : vector<1x1x16xf32> to vector<16xf32>
          %mul3A_1118 = vector.broadcast %squeeze3A_1021 : f32 to vector<16xf32>
          %mul3A_1119 = arith.mulf %get3A_1117, %mul3A_1118 : vector<16xf32>
          %swap3A_1120 = arith.constant 0 : i32
          %swap3A_1121 = arith.index_cast %swap3A_1120 : i32 to index
          %swap3A_1122 = arith.index_cast %add3A_1019 : i32 to index
          %swap3A_1123 = arith.constant 96 : index
          %swap3A_1124 = tpu.vector_load %arg11[%swap3A_1121, %swap3A_1122, %swap3A_1123] {strides = array<i32>} : memref<2x128x128xf32, #tpu.memory_space<vmem>>, vector<1x1x16xf32>,
          %swap3A_1125 = vector.shape_cast %swap3A_1124 : vector<1x1x16xf32> to vector<16xf32>
          %swap3A_1126 = vector.shape_cast %mul3A_1119 : vector<16xf32> to vector<1x1x16xf32>
          tpu.vector_store %arg11[%swap3A_1121, %swap3A_1122, %swap3A_1123], %swap3A_1126 {strides = array<i32>} : memref<2x128x128xf32, #tpu.memory_space<vmem>>, vector<1x1x16xf32>,
          %get3A_1127 = arith.constant 0 : i32
          %get3A_1128 = arith.index_cast %get3A_1127 : i32 to index
          %get3A_1129 = arith.index_cast %add3A_1019 : i32 to index
          %get3A_1130 = arith.constant 112 : index
          %get3A_1131 = tpu.vector_load %arg11[%get3A_1128, %get3A_1129, %get3A_1130] {strides = array<i32>} : memref<2x128x128xf32, #tpu.memory_space<vmem>>, vector<1x1x16xf32>,
          %get3A_1132 = vector.shape_cast %get3A_1131 : vector<1x1x16xf32> to vector<16xf32>
          %mul3A_1133 = vector.broadcast %squeeze3A_1021 : f32 to vector<16xf32>
          %mul3A_1134 = arith.mulf %get3A_1132, %mul3A_1133 : vector<16xf32>
          %swap3A_1135 = arith.constant 0 : i32
          %swap3A_1136 = arith.index_cast %swap3A_1135 : i32 to index
          %swap3A_1137 = arith.index_cast %add3A_1019 : i32 to index
          %swap3A_1138 = arith.constant 112 : index
          %swap3A_1139 = tpu.vector_load %arg11[%swap3A_1136, %swap3A_1137, %swap3A_1138] {strides = array<i32>} : memref<2x128x128xf32, #tpu.memory_space<vmem>>, vector<1x1x16xf32>,
          %swap3A_1140 = vector.shape_cast %swap3A_1139 : vector<1x1x16xf32> to vector<16xf32>
          %swap3A_1141 = vector.shape_cast %mul3A_1134 : vector<16xf32> to vector<1x1x16xf32>
          tpu.vector_store %arg11[%swap3A_1136, %swap3A_1137, %swap3A_1138], %swap3A_1141 {strides = array<i32>} : memref<2x128x128xf32, #tpu.memory_space<vmem>>, vector<1x1x16xf32>,
          %mul3A_1142 = arith.constant 16 : i32
          %mul3A_1143 = arith.muli %scan3A_131, %mul3A_1142 : i32
          %add3A_1144 = arith.constant 8 : i32
          %add3A_1145 = arith.addi %mul3A_1143, %add3A_1144 : i32
          %slice3A_1146 = vector.extract_strided_slice %get3A_136 {offsets = [8], sizes = [1], strides = [1]} : vector<16xf32> to vector<1xf32>
          %squeeze3A_1147 = vector.extract %slice3A_1146[0] : f32 from vector<1xf32>
          %get3A_1148 = arith.constant 0 : i32
          %get3A_1149 = arith.index_cast %get3A_1148 : i32 to index
          %get3A_1150 = arith.index_cast %add3A_1145 : i32 to index
          %get3A_1151 = arith.constant 0 : index
          %get3A_1152 = tpu.vector_load %arg11[%get3A_1149, %get3A_1150, %get3A_1151] {strides = array<i32>} : memref<2x128x128xf32, #tpu.memory_space<vmem>>, vector<1x1x16xf32>,
          %get3A_1153 = vector.shape_cast %get3A_1152 : vector<1x1x16xf32> to vector<16xf32>
          %mul3A_1154 = vector.broadcast %squeeze3A_1147 : f32 to vector<16xf32>
          %mul3A_1155 = arith.mulf %get3A_1153, %mul3A_1154 : vector<16xf32>
          %swap3A_1156 = arith.constant 0 : i32
          %swap3A_1157 = arith.index_cast %swap3A_1156 : i32 to index
          %swap3A_1158 = arith.index_cast %add3A_1145 : i32 to index
          %swap3A_1159 = arith.constant 0 : index
          %swap3A_1160 = tpu.vector_load %arg11[%swap3A_1157, %swap3A_1158, %swap3A_1159] {strides = array<i32>} : memref<2x128x128xf32, #tpu.memory_space<vmem>>, vector<1x1x16xf32>,
          %swap3A_1161 = vector.shape_cast %swap3A_1160 : vector<1x1x16xf32> to vector<16xf32>
          %swap3A_1162 = vector.shape_cast %mul3A_1155 : vector<16xf32> to vector<1x1x16xf32>
          tpu.vector_store %arg11[%swap3A_1157, %swap3A_1158, %swap3A_1159], %swap3A_1162 {strides = array<i32>} : memref<2x128x128xf32, #tpu.memory_space<vmem>>, vector<1x1x16xf32>,
          %get3A_1163 = arith.constant 0 : i32
          %get3A_1164 = arith.index_cast %get3A_1163 : i32 to index
          %get3A_1165 = arith.index_cast %add3A_1145 : i32 to index
          %get3A_1166 = arith.constant 16 : index
          %get3A_1167 = tpu.vector_load %arg11[%get3A_1164, %get3A_1165, %get3A_1166] {strides = array<i32>} : memref<2x128x128xf32, #tpu.memory_space<vmem>>, vector<1x1x16xf32>,
          %get3A_1168 = vector.shape_cast %get3A_1167 : vector<1x1x16xf32> to vector<16xf32>
          %mul3A_1169 = vector.broadcast %squeeze3A_1147 : f32 to vector<16xf32>
          %mul3A_1170 = arith.mulf %get3A_1168, %mul3A_1169 : vector<16xf32>
          %swap3A_1171 = arith.constant 0 : i32
          %swap3A_1172 = arith.index_cast %swap3A_1171 : i32 to index
          %swap3A_1173 = arith.index_cast %add3A_1145 : i32 to index
          %swap3A_1174 = arith.constant 16 : index
          %swap3A_1175 = tpu.vector_load %arg11[%swap3A_1172, %swap3A_1173, %swap3A_1174] {strides = array<i32>} : memref<2x128x128xf32, #tpu.memory_space<vmem>>, vector<1x1x16xf32>,
          %swap3A_1176 = vector.shape_cast %swap3A_1175 : vector<1x1x16xf32> to vector<16xf32>
          %swap3A_1177 = vector.shape_cast %mul3A_1170 : vector<16xf32> to vector<1x1x16xf32>
          tpu.vector_store %arg11[%swap3A_1172, %swap3A_1173, %swap3A_1174], %swap3A_1177 {strides = array<i32>} : memref<2x128x128xf32, #tpu.memory_space<vmem>>, vector<1x1x16xf32>,
          %get3A_1178 = arith.constant 0 : i32
          %get3A_1179 = arith.index_cast %get3A_1178 : i32 to index
          %get3A_1180 = arith.index_cast %add3A_1145 : i32 to index
          %get3A_1181 = arith.constant 32 : index
          %get3A_1182 = tpu.vector_load %arg11[%get3A_1179, %get3A_1180, %get3A_1181] {strides = array<i32>} : memref<2x128x128xf32, #tpu.memory_space<vmem>>, vector<1x1x16xf32>,
          %get3A_1183 = vector.shape_cast %get3A_1182 : vector<1x1x16xf32> to vector<16xf32>
          %mul3A_1184 = vector.broadcast %squeeze3A_1147 : f32 to vector<16xf32>
          %mul3A_1185 = arith.mulf %get3A_1183, %mul3A_1184 : vector<16xf32>
          %swap3A_1186 = arith.constant 0 : i32
          %swap3A_1187 = arith.index_cast %swap3A_1186 : i32 to index
          %swap3A_1188 = arith.index_cast %add3A_1145 : i32 to index
          %swap3A_1189 = arith.constant 32 : index
          %swap3A_1190 = tpu.vector_load %arg11[%swap3A_1187, %swap3A_1188, %swap3A_1189] {strides = array<i32>} : memref<2x128x128xf32, #tpu.memory_space<vmem>>, vector<1x1x16xf32>,
          %swap3A_1191 = vector.shape_cast %swap3A_1190 : vector<1x1x16xf32> to vector<16xf32>
          %swap3A_1192 = vector.shape_cast %mul3A_1185 : vector<16xf32> to vector<1x1x16xf32>
          tpu.vector_store %arg11[%swap3A_1187, %swap3A_1188, %swap3A_1189], %swap3A_1192 {strides = array<i32>} : memref<2x128x128xf32, #tpu.memory_space<vmem>>, vector<1x1x16xf32>,
          %get3A_1193 = arith.constant 0 : i32
          %get3A_1194 = arith.index_cast %get3A_1193 : i32 to index
          %get3A_1195 = arith.index_cast %add3A_1145 : i32 to index
          %get3A_1196 = arith.constant 48 : index
          %get3A_1197 = tpu.vector_load %arg11[%get3A_1194, %get3A_1195, %get3A_1196] {strides = array<i32>} : memref<2x128x128xf32, #tpu.memory_space<vmem>>, vector<1x1x16xf32>,
          %get3A_1198 = vector.shape_cast %get3A_1197 : vector<1x1x16xf32> to vector<16xf32>
          %mul3A_1199 = vector.broadcast %squeeze3A_1147 : f32 to vector<16xf32>
          %mul3A_1200 = arith.mulf %get3A_1198, %mul3A_1199 : vector<16xf32>
          %swap3A_1201 = arith.constant 0 : i32
          %swap3A_1202 = arith.index_cast %swap3A_1201 : i32 to index
          %swap3A_1203 = arith.index_cast %add3A_1145 : i32 to index
          %swap3A_1204 = arith.constant 48 : index
          %swap3A_1205 = tpu.vector_load %arg11[%swap3A_1202, %swap3A_1203, %swap3A_1204] {strides = array<i32>} : memref<2x128x128xf32, #tpu.memory_space<vmem>>, vector<1x1x16xf32>,
          %swap3A_1206 = vector.shape_cast %swap3A_1205 : vector<1x1x16xf32> to vector<16xf32>
          %swap3A_1207 = vector.shape_cast %mul3A_1200 : vector<16xf32> to vector<1x1x16xf32>
          tpu.vector_store %arg11[%swap3A_1202, %swap3A_1203, %swap3A_1204], %swap3A_1207 {strides = array<i32>} : memref<2x128x128xf32, #tpu.memory_space<vmem>>, vector<1x1x16xf32>,
          %get3A_1208 = arith.constant 0 : i32
          %get3A_1209 = arith.index_cast %get3A_1208 : i32 to index
          %get3A_1210 = arith.index_cast %add3A_1145 : i32 to index
          %get3A_1211 = arith.constant 64 : index
          %get3A_1212 = tpu.vector_load %arg11[%get3A_1209, %get3A_1210, %get3A_1211] {strides = array<i32>} : memref<2x128x128xf32, #tpu.memory_space<vmem>>, vector<1x1x16xf32>,
          %get3A_1213 = vector.shape_cast %get3A_1212 : vector<1x1x16xf32> to vector<16xf32>
          %mul3A_1214 = vector.broadcast %squeeze3A_1147 : f32 to vector<16xf32>
          %mul3A_1215 = arith.mulf %get3A_1213, %mul3A_1214 : vector<16xf32>
          %swap3A_1216 = arith.constant 0 : i32
          %swap3A_1217 = arith.index_cast %swap3A_1216 : i32 to index
          %swap3A_1218 = arith.index_cast %add3A_1145 : i32 to index
          %swap3A_1219 = arith.constant 64 : index
          %swap3A_1220 = tpu.vector_load %arg11[%swap3A_1217, %swap3A_1218, %swap3A_1219] {strides = array<i32>} : memref<2x128x128xf32, #tpu.memory_space<vmem>>, vector<1x1x16xf32>,
          %swap3A_1221 = vector.shape_cast %swap3A_1220 : vector<1x1x16xf32> to vector<16xf32>
          %swap3A_1222 = vector.shape_cast %mul3A_1215 : vector<16xf32> to vector<1x1x16xf32>
          tpu.vector_store %arg11[%swap3A_1217, %swap3A_1218, %swap3A_1219], %swap3A_1222 {strides = array<i32>} : memref<2x128x128xf32, #tpu.memory_space<vmem>>, vector<1x1x16xf32>,
          %get3A_1223 = arith.constant 0 : i32
          %get3A_1224 = arith.index_cast %get3A_1223 : i32 to index
          %get3A_1225 = arith.index_cast %add3A_1145 : i32 to index
          %get3A_1226 = arith.constant 80 : index
          %get3A_1227 = tpu.vector_load %arg11[%get3A_1224, %get3A_1225, %get3A_1226] {strides = array<i32>} : memref<2x128x128xf32, #tpu.memory_space<vmem>>, vector<1x1x16xf32>,
          %get3A_1228 = vector.shape_cast %get3A_1227 : vector<1x1x16xf32> to vector<16xf32>
          %mul3A_1229 = vector.broadcast %squeeze3A_1147 : f32 to vector<16xf32>
          %mul3A_1230 = arith.mulf %get3A_1228, %mul3A_1229 : vector<16xf32>
          %swap3A_1231 = arith.constant 0 : i32
          %swap3A_1232 = arith.index_cast %swap3A_1231 : i32 to index
          %swap3A_1233 = arith.index_cast %add3A_1145 : i32 to index
          %swap3A_1234 = arith.constant 80 : index
          %swap3A_1235 = tpu.vector_load %arg11[%swap3A_1232, %swap3A_1233, %swap3A_1234] {strides = array<i32>} : memref<2x128x128xf32, #tpu.memory_space<vmem>>, vector<1x1x16xf32>,
          %swap3A_1236 = vector.shape_cast %swap3A_1235 : vector<1x1x16xf32> to vector<16xf32>
          %swap3A_1237 = vector.shape_cast %mul3A_1230 : vector<16xf32> to vector<1x1x16xf32>
          tpu.vector_store %arg11[%swap3A_1232, %swap3A_1233, %swap3A_1234], %swap3A_1237 {strides = array<i32>} : memref<2x128x128xf32, #tpu.memory_space<vmem>>, vector<1x1x16xf32>,
          %get3A_1238 = arith.constant 0 : i32
          %get3A_1239 = arith.index_cast %get3A_1238 : i32 to index
          %get3A_1240 = arith.index_cast %add3A_1145 : i32 to index
          %get3A_1241 = arith.constant 96 : index
          %get3A_1242 = tpu.vector_load %arg11[%get3A_1239, %get3A_1240, %get3A_1241] {strides = array<i32>} : memref<2x128x128xf32, #tpu.memory_space<vmem>>, vector<1x1x16xf32>,
          %get3A_1243 = vector.shape_cast %get3A_1242 : vector<1x1x16xf32> to vector<16xf32>
          %mul3A_1244 = vector.broadcast %squeeze3A_1147 : f32 to vector<16xf32>
          %mul3A_1245 = arith.mulf %get3A_1243, %mul3A_1244 : vector<16xf32>
          %swap3A_1246 = arith.constant 0 : i32
          %swap3A_1247 = arith.index_cast %swap3A_1246 : i32 to index
          %swap3A_1248 = arith.index_cast %add3A_1145 : i32 to index
          %swap3A_1249 = arith.constant 96 : index
          %swap3A_1250 = tpu.vector_load %arg11[%swap3A_1247, %swap3A_1248, %swap3A_1249] {strides = array<i32>} : memref<2x128x128xf32, #tpu.memory_space<vmem>>, vector<1x1x16xf32>,
          %swap3A_1251 = vector.shape_cast %swap3A_1250 : vector<1x1x16xf32> to vector<16xf32>
          %swap3A_1252 = vector.shape_cast %mul3A_1245 : vector<16xf32> to vector<1x1x16xf32>
          tpu.vector_store %arg11[%swap3A_1247, %swap3A_1248, %swap3A_1249], %swap3A_1252 {strides = array<i32>} : memref<2x128x128xf32, #tpu.memory_space<vmem>>, vector<1x1x16xf32>,
          %get3A_1253 = arith.constant 0 : i32
          %get3A_1254 = arith.index_cast %get3A_1253 : i32 to index
          %get3A_1255 = arith.index_cast %add3A_1145 : i32 to index
          %get3A_1256 = arith.constant 112 : index
          %get3A_1257 = tpu.vector_load %arg11[%get3A_1254, %get3A_1255, %get3A_1256] {strides = array<i32>} : memref<2x128x128xf32, #tpu.memory_space<vmem>>, vector<1x1x16xf32>,
          %get3A_1258 = vector.shape_cast %get3A_1257 : vector<1x1x16xf32> to vector<16xf32>
          %mul3A_1259 = vector.broadcast %squeeze3A_1147 : f32 to vector<16xf32>
          %mul3A_1260 = arith.mulf %get3A_1258, %mul3A_1259 : vector<16xf32>
          %swap3A_1261 = arith.constant 0 : i32
          %swap3A_1262 = arith.index_cast %swap3A_1261 : i32 to index
          %swap3A_1263 = arith.index_cast %add3A_1145 : i32 to index
          %swap3A_1264 = arith.constant 112 : index
          %swap3A_1265 = tpu.vector_load %arg11[%swap3A_1262, %swap3A_1263, %swap3A_1264] {strides = array<i32>} : memref<2x128x128xf32, #tpu.memory_space<vmem>>, vector<1x1x16xf32>,
          %swap3A_1266 = vector.shape_cast %swap3A_1265 : vector<1x1x16xf32> to vector<16xf32>
          %swap3A_1267 = vector.shape_cast %mul3A_1260 : vector<16xf32> to vector<1x1x16xf32>
          tpu.vector_store %arg11[%swap3A_1262, %swap3A_1263, %swap3A_1264], %swap3A_1267 {strides = array<i32>} : memref<2x128x128xf32, #tpu.memory_space<vmem>>, vector<1x1x16xf32>,
          %mul3A_1268 = arith.constant 16 : i32
          %mul3A_1269 = arith.muli %scan3A_131, %mul3A_1268 : i32
          %add3A_1270 = arith.constant 9 : i32
          %add3A_1271 = arith.addi %mul3A_1269, %add3A_1270 : i32
          %slice3A_1272 = vector.extract_strided_slice %get3A_136 {offsets = [9], sizes = [1], strides = [1]} : vector<16xf32> to vector<1xf32>
          %squeeze3A_1273 = vector.extract %slice3A_1272[0] : f32 from vector<1xf32>
          %get3A_1274 = arith.constant 0 : i32
          %get3A_1275 = arith.index_cast %get3A_1274 : i32 to index
          %get3A_1276 = arith.index_cast %add3A_1271 : i32 to index
          %get3A_1277 = arith.constant 0 : index
          %get3A_1278 = tpu.vector_load %arg11[%get3A_1275, %get3A_1276, %get3A_1277] {strides = array<i32>} : memref<2x128x128xf32, #tpu.memory_space<vmem>>, vector<1x1x16xf32>,
          %get3A_1279 = vector.shape_cast %get3A_1278 : vector<1x1x16xf32> to vector<16xf32>
          %mul3A_1280 = vector.broadcast %squeeze3A_1273 : f32 to vector<16xf32>
          %mul3A_1281 = arith.mulf %get3A_1279, %mul3A_1280 : vector<16xf32>
          %swap3A_1282 = arith.constant 0 : i32
          %swap3A_1283 = arith.index_cast %swap3A_1282 : i32 to index
          %swap3A_1284 = arith.index_cast %add3A_1271 : i32 to index
          %swap3A_1285 = arith.constant 0 : index
          %swap3A_1286 = tpu.vector_load %arg11[%swap3A_1283, %swap3A_1284, %swap3A_1285] {strides = array<i32>} : memref<2x128x128xf32, #tpu.memory_space<vmem>>, vector<1x1x16xf32>,
          %swap3A_1287 = vector.shape_cast %swap3A_1286 : vector<1x1x16xf32> to vector<16xf32>
          %swap3A_1288 = vector.shape_cast %mul3A_1281 : vector<16xf32> to vector<1x1x16xf32>
          tpu.vector_store %arg11[%swap3A_1283, %swap3A_1284, %swap3A_1285], %swap3A_1288 {strides = array<i32>} : memref<2x128x128xf32, #tpu.memory_space<vmem>>, vector<1x1x16xf32>,
          %get3A_1289 = arith.constant 0 : i32
          %get3A_1290 = arith.index_cast %get3A_1289 : i32 to index
          %get3A_1291 = arith.index_cast %add3A_1271 : i32 to index
          %get3A_1292 = arith.constant 16 : index
          %get3A_1293 = tpu.vector_load %arg11[%get3A_1290, %get3A_1291, %get3A_1292] {strides = array<i32>} : memref<2x128x128xf32, #tpu.memory_space<vmem>>, vector<1x1x16xf32>,
          %get3A_1294 = vector.shape_cast %get3A_1293 : vector<1x1x16xf32> to vector<16xf32>
          %mul3A_1295 = vector.broadcast %squeeze3A_1273 : f32 to vector<16xf32>
          %mul3A_1296 = arith.mulf %get3A_1294, %mul3A_1295 : vector<16xf32>
          %swap3A_1297 = arith.constant 0 : i32
          %swap3A_1298 = arith.index_cast %swap3A_1297 : i32 to index
          %swap3A_1299 = arith.index_cast %add3A_1271 : i32 to index
          %swap3A_1300 = arith.constant 16 : index
          %swap3A_1301 = tpu.vector_load %arg11[%swap3A_1298, %swap3A_1299, %swap3A_1300] {strides = array<i32>} : memref<2x128x128xf32, #tpu.memory_space<vmem>>, vector<1x1x16xf32>,
          %swap3A_1302 = vector.shape_cast %swap3A_1301 : vector<1x1x16xf32> to vector<16xf32>
          %swap3A_1303 = vector.shape_cast %mul3A_1296 : vector<16xf32> to vector<1x1x16xf32>
          tpu.vector_store %arg11[%swap3A_1298, %swap3A_1299, %swap3A_1300], %swap3A_1303 {strides = array<i32>} : memref<2x128x128xf32, #tpu.memory_space<vmem>>, vector<1x1x16xf32>,
          %get3A_1304 = arith.constant 0 : i32
          %get3A_1305 = arith.index_cast %get3A_1304 : i32 to index
          %get3A_1306 = arith.index_cast %add3A_1271 : i32 to index
          %get3A_1307 = arith.constant 32 : index
          %get3A_1308 = tpu.vector_load %arg11[%get3A_1305, %get3A_1306, %get3A_1307] {strides = array<i32>} : memref<2x128x128xf32, #tpu.memory_space<vmem>>, vector<1x1x16xf32>,
          %get3A_1309 = vector.shape_cast %get3A_1308 : vector<1x1x16xf32> to vector<16xf32>
          %mul3A_1310 = vector.broadcast %squeeze3A_1273 : f32 to vector<16xf32>
          %mul3A_1311 = arith.mulf %get3A_1309, %mul3A_1310 : vector<16xf32>
          %swap3A_1312 = arith.constant 0 : i32
          %swap3A_1313 = arith.index_cast %swap3A_1312 : i32 to index
          %swap3A_1314 = arith.index_cast %add3A_1271 : i32 to index
          %swap3A_1315 = arith.constant 32 : index
          %swap3A_1316 = tpu.vector_load %arg11[%swap3A_1313, %swap3A_1314, %swap3A_1315] {strides = array<i32>} : memref<2x128x128xf32, #tpu.memory_space<vmem>>, vector<1x1x16xf32>,
          %swap3A_1317 = vector.shape_cast %swap3A_1316 : vector<1x1x16xf32> to vector<16xf32>
          %swap3A_1318 = vector.shape_cast %mul3A_1311 : vector<16xf32> to vector<1x1x16xf32>
          tpu.vector_store %arg11[%swap3A_1313, %swap3A_1314, %swap3A_1315], %swap3A_1318 {strides = array<i32>} : memref<2x128x128xf32, #tpu.memory_space<vmem>>, vector<1x1x16xf32>,
          %get3A_1319 = arith.constant 0 : i32
          %get3A_1320 = arith.index_cast %get3A_1319 : i32 to index
          %get3A_1321 = arith.index_cast %add3A_1271 : i32 to index
          %get3A_1322 = arith.constant 48 : index
          %get3A_1323 = tpu.vector_load %arg11[%get3A_1320, %get3A_1321, %get3A_1322] {strides = array<i32>} : memref<2x128x128xf32, #tpu.memory_space<vmem>>, vector<1x1x16xf32>,
          %get3A_1324 = vector.shape_cast %get3A_1323 : vector<1x1x16xf32> to vector<16xf32>
          %mul3A_1325 = vector.broadcast %squeeze3A_1273 : f32 to vector<16xf32>
          %mul3A_1326 = arith.mulf %get3A_1324, %mul3A_1325 : vector<16xf32>
          %swap3A_1327 = arith.constant 0 : i32
          %swap3A_1328 = arith.index_cast %swap3A_1327 : i32 to index
          %swap3A_1329 = arith.index_cast %add3A_1271 : i32 to index
          %swap3A_1330 = arith.constant 48 : index
          %swap3A_1331 = tpu.vector_load %arg11[%swap3A_1328, %swap3A_1329, %swap3A_1330] {strides = array<i32>} : memref<2x128x128xf32, #tpu.memory_space<vmem>>, vector<1x1x16xf32>,
          %swap3A_1332 = vector.shape_cast %swap3A_1331 : vector<1x1x16xf32> to vector<16xf32>
          %swap3A_1333 = vector.shape_cast %mul3A_1326 : vector<16xf32> to vector<1x1x16xf32>
          tpu.vector_store %arg11[%swap3A_1328, %swap3A_1329, %swap3A_1330], %swap3A_1333 {strides = array<i32>} : memref<2x128x128xf32, #tpu.memory_space<vmem>>, vector<1x1x16xf32>,
          %get3A_1334 = arith.constant 0 : i32
          %get3A_1335 = arith.index_cast %get3A_1334 : i32 to index
          %get3A_1336 = arith.index_cast %add3A_1271 : i32 to index
          %get3A_1337 = arith.constant 64 : index
          %get3A_1338 = tpu.vector_load %arg11[%get3A_1335, %get3A_1336, %get3A_1337] {strides = array<i32>} : memref<2x128x128xf32, #tpu.memory_space<vmem>>, vector<1x1x16xf32>,
          %get3A_1339 = vector.shape_cast %get3A_1338 : vector<1x1x16xf32> to vector<16xf32>
          %mul3A_1340 = vector.broadcast %squeeze3A_1273 : f32 to vector<16xf32>
          %mul3A_1341 = arith.mulf %get3A_1339, %mul3A_1340 : vector<16xf32>
          %swap3A_1342 = arith.constant 0 : i32
          %swap3A_1343 = arith.index_cast %swap3A_1342 : i32 to index
          %swap3A_1344 = arith.index_cast %add3A_1271 : i32 to index
          %swap3A_1345 = arith.constant 64 : index
          %swap3A_1346 = tpu.vector_load %arg11[%swap3A_1343, %swap3A_1344, %swap3A_1345] {strides = array<i32>} : memref<2x128x128xf32, #tpu.memory_space<vmem>>, vector<1x1x16xf32>,
          %swap3A_1347 = vector.shape_cast %swap3A_1346 : vector<1x1x16xf32> to vector<16xf32>
          %swap3A_1348 = vector.shape_cast %mul3A_1341 : vector<16xf32> to vector<1x1x16xf32>
          tpu.vector_store %arg11[%swap3A_1343, %swap3A_1344, %swap3A_1345], %swap3A_1348 {strides = array<i32>} : memref<2x128x128xf32, #tpu.memory_space<vmem>>, vector<1x1x16xf32>,
          %get3A_1349 = arith.constant 0 : i32
          %get3A_1350 = arith.index_cast %get3A_1349 : i32 to index
          %get3A_1351 = arith.index_cast %add3A_1271 : i32 to index
          %get3A_1352 = arith.constant 80 : index
          %get3A_1353 = tpu.vector_load %arg11[%get3A_1350, %get3A_1351, %get3A_1352] {strides = array<i32>} : memref<2x128x128xf32, #tpu.memory_space<vmem>>, vector<1x1x16xf32>,
          %get3A_1354 = vector.shape_cast %get3A_1353 : vector<1x1x16xf32> to vector<16xf32>
          %mul3A_1355 = vector.broadcast %squeeze3A_1273 : f32 to vector<16xf32>
          %mul3A_1356 = arith.mulf %get3A_1354, %mul3A_1355 : vector<16xf32>
          %swap3A_1357 = arith.constant 0 : i32
          %swap3A_1358 = arith.index_cast %swap3A_1357 : i32 to index
          %swap3A_1359 = arith.index_cast %add3A_1271 : i32 to index
          %swap3A_1360 = arith.constant 80 : index
          %swap3A_1361 = tpu.vector_load %arg11[%swap3A_1358, %swap3A_1359, %swap3A_1360] {strides = array<i32>} : memref<2x128x128xf32, #tpu.memory_space<vmem>>, vector<1x1x16xf32>,
          %swap3A_1362 = vector.shape_cast %swap3A_1361 : vector<1x1x16xf32> to vector<16xf32>
          %swap3A_1363 = vector.shape_cast %mul3A_1356 : vector<16xf32> to vector<1x1x16xf32>
          tpu.vector_store %arg11[%swap3A_1358, %swap3A_1359, %swap3A_1360], %swap3A_1363 {strides = array<i32>} : memref<2x128x128xf32, #tpu.memory_space<vmem>>, vector<1x1x16xf32>,
          %get3A_1364 = arith.constant 0 : i32
          %get3A_1365 = arith.index_cast %get3A_1364 : i32 to index
          %get3A_1366 = arith.index_cast %add3A_1271 : i32 to index
          %get3A_1367 = arith.constant 96 : index
          %get3A_1368 = tpu.vector_load %arg11[%get3A_1365, %get3A_1366, %get3A_1367] {strides = array<i32>} : memref<2x128x128xf32, #tpu.memory_space<vmem>>, vector<1x1x16xf32>,
          %get3A_1369 = vector.shape_cast %get3A_1368 : vector<1x1x16xf32> to vector<16xf32>
          %mul3A_1370 = vector.broadcast %squeeze3A_1273 : f32 to vector<16xf32>
          %mul3A_1371 = arith.mulf %get3A_1369, %mul3A_1370 : vector<16xf32>
          %swap3A_1372 = arith.constant 0 : i32
          %swap3A_1373 = arith.index_cast %swap3A_1372 : i32 to index
          %swap3A_1374 = arith.index_cast %add3A_1271 : i32 to index
          %swap3A_1375 = arith.constant 96 : index
          %swap3A_1376 = tpu.vector_load %arg11[%swap3A_1373, %swap3A_1374, %swap3A_1375] {strides = array<i32>} : memref<2x128x128xf32, #tpu.memory_space<vmem>>, vector<1x1x16xf32>,
          %swap3A_1377 = vector.shape_cast %swap3A_1376 : vector<1x1x16xf32> to vector<16xf32>
          %swap3A_1378 = vector.shape_cast %mul3A_1371 : vector<16xf32> to vector<1x1x16xf32>
          tpu.vector_store %arg11[%swap3A_1373, %swap3A_1374, %swap3A_1375], %swap3A_1378 {strides = array<i32>} : memref<2x128x128xf32, #tpu.memory_space<vmem>>, vector<1x1x16xf32>,
          %get3A_1379 = arith.constant 0 : i32
          %get3A_1380 = arith.index_cast %get3A_1379 : i32 to index
          %get3A_1381 = arith.index_cast %add3A_1271 : i32 to index
          %get3A_1382 = arith.constant 112 : index
          %get3A_1383 = tpu.vector_load %arg11[%get3A_1380, %get3A_1381, %get3A_1382] {strides = array<i32>} : memref<2x128x128xf32, #tpu.memory_space<vmem>>, vector<1x1x16xf32>,
          %get3A_1384 = vector.shape_cast %get3A_1383 : vector<1x1x16xf32> to vector<16xf32>
          %mul3A_1385 = vector.broadcast %squeeze3A_1273 : f32 to vector<16xf32>
          %mul3A_1386 = arith.mulf %get3A_1384, %mul3A_1385 : vector<16xf32>
          %swap3A_1387 = arith.constant 0 : i32
          %swap3A_1388 = arith.index_cast %swap3A_1387 : i32 to index
          %swap3A_1389 = arith.index_cast %add3A_1271 : i32 to index
          %swap3A_1390 = arith.constant 112 : index
          %swap3A_1391 = tpu.vector_load %arg11[%swap3A_1388, %swap3A_1389, %swap3A_1390] {strides = array<i32>} : memref<2x128x128xf32, #tpu.memory_space<vmem>>, vector<1x1x16xf32>,
          %swap3A_1392 = vector.shape_cast %swap3A_1391 : vector<1x1x16xf32> to vector<16xf32>
          %swap3A_1393 = vector.shape_cast %mul3A_1386 : vector<16xf32> to vector<1x1x16xf32>
          tpu.vector_store %arg11[%swap3A_1388, %swap3A_1389, %swap3A_1390], %swap3A_1393 {strides = array<i32>} : memref<2x128x128xf32, #tpu.memory_space<vmem>>, vector<1x1x16xf32>,
          %mul3A_1394 = arith.constant 16 : i32
          %mul3A_1395 = arith.muli %scan3A_131, %mul3A_1394 : i32
          %add3A_1396 = arith.constant 10 : i32
          %add3A_1397 = arith.addi %mul3A_1395, %add3A_1396 : i32
          %slice3A_1398 = vector.extract_strided_slice %get3A_136 {offsets = [10], sizes = [1], strides = [1]} : vector<16xf32> to vector<1xf32>
          %squeeze3A_1399 = vector.extract %slice3A_1398[0] : f32 from vector<1xf32>
          %get3A_1400 = arith.constant 0 : i32
          %get3A_1401 = arith.index_cast %get3A_1400 : i32 to index
          %get3A_1402 = arith.index_cast %add3A_1397 : i32 to index
          %get3A_1403 = arith.constant 0 : index
          %get3A_1404 = tpu.vector_load %arg11[%get3A_1401, %get3A_1402, %get3A_1403] {strides = array<i32>} : memref<2x128x128xf32, #tpu.memory_space<vmem>>, vector<1x1x16xf32>,
          %get3A_1405 = vector.shape_cast %get3A_1404 : vector<1x1x16xf32> to vector<16xf32>
          %mul3A_1406 = vector.broadcast %squeeze3A_1399 : f32 to vector<16xf32>
          %mul3A_1407 = arith.mulf %get3A_1405, %mul3A_1406 : vector<16xf32>
          %swap3A_1408 = arith.constant 0 : i32
          %swap3A_1409 = arith.index_cast %swap3A_1408 : i32 to index
          %swap3A_1410 = arith.index_cast %add3A_1397 : i32 to index
          %swap3A_1411 = arith.constant 0 : index
          %swap3A_1412 = tpu.vector_load %arg11[%swap3A_1409, %swap3A_1410, %swap3A_1411] {strides = array<i32>} : memref<2x128x128xf32, #tpu.memory_space<vmem>>, vector<1x1x16xf32>,
          %swap3A_1413 = vector.shape_cast %swap3A_1412 : vector<1x1x16xf32> to vector<16xf32>
          %swap3A_1414 = vector.shape_cast %mul3A_1407 : vector<16xf32> to vector<1x1x16xf32>
          tpu.vector_store %arg11[%swap3A_1409, %swap3A_1410, %swap3A_1411], %swap3A_1414 {strides = array<i32>} : memref<2x128x128xf32, #tpu.memory_space<vmem>>, vector<1x1x16xf32>,
          %get3A_1415 = arith.constant 0 : i32
          %get3A_1416 = arith.index_cast %get3A_1415 : i32 to index
          %get3A_1417 = arith.index_cast %add3A_1397 : i32 to index
          %get3A_1418 = arith.constant 16 : index
          %get3A_1419 = tpu.vector_load %arg11[%get3A_1416, %get3A_1417, %get3A_1418] {strides = array<i32>} : memref<2x128x128xf32, #tpu.memory_space<vmem>>, vector<1x1x16xf32>,
          %get3A_1420 = vector.shape_cast %get3A_1419 : vector<1x1x16xf32> to vector<16xf32>
          %mul3A_1421 = vector.broadcast %squeeze3A_1399 : f32 to vector<16xf32>
          %mul3A_1422 = arith.mulf %get3A_1420, %mul3A_1421 : vector<16xf32>
          %swap3A_1423 = arith.constant 0 : i32
          %swap3A_1424 = arith.index_cast %swap3A_1423 : i32 to index
          %swap3A_1425 = arith.index_cast %add3A_1397 : i32 to index
          %swap3A_1426 = arith.constant 16 : index
          %swap3A_1427 = tpu.vector_load %arg11[%swap3A_1424, %swap3A_1425, %swap3A_1426] {strides = array<i32>} : memref<2x128x128xf32, #tpu.memory_space<vmem>>, vector<1x1x16xf32>,
          %swap3A_1428 = vector.shape_cast %swap3A_1427 : vector<1x1x16xf32> to vector<16xf32>
          %swap3A_1429 = vector.shape_cast %mul3A_1422 : vector<16xf32> to vector<1x1x16xf32>
          tpu.vector_store %arg11[%swap3A_1424, %swap3A_1425, %swap3A_1426], %swap3A_1429 {strides = array<i32>} : memref<2x128x128xf32, #tpu.memory_space<vmem>>, vector<1x1x16xf32>,
          %get3A_1430 = arith.constant 0 : i32
          %get3A_1431 = arith.index_cast %get3A_1430 : i32 to index
          %get3A_1432 = arith.index_cast %add3A_1397 : i32 to index
          %get3A_1433 = arith.constant 32 : index
          %get3A_1434 = tpu.vector_load %arg11[%get3A_1431, %get3A_1432, %get3A_1433] {strides = array<i32>} : memref<2x128x128xf32, #tpu.memory_space<vmem>>, vector<1x1x16xf32>,
          %get3A_1435 = vector.shape_cast %get3A_1434 : vector<1x1x16xf32> to vector<16xf32>
          %mul3A_1436 = vector.broadcast %squeeze3A_1399 : f32 to vector<16xf32>
          %mul3A_1437 = arith.mulf %get3A_1435, %mul3A_1436 : vector<16xf32>
          %swap3A_1438 = arith.constant 0 : i32
          %swap3A_1439 = arith.index_cast %swap3A_1438 : i32 to index
          %swap3A_1440 = arith.index_cast %add3A_1397 : i32 to index
          %swap3A_1441 = arith.constant 32 : index
          %swap3A_1442 = tpu.vector_load %arg11[%swap3A_1439, %swap3A_1440, %swap3A_1441] {strides = array<i32>} : memref<2x128x128xf32, #tpu.memory_space<vmem>>, vector<1x1x16xf32>,
          %swap3A_1443 = vector.shape_cast %swap3A_1442 : vector<1x1x16xf32> to vector<16xf32>
          %swap3A_1444 = vector.shape_cast %mul3A_1437 : vector<16xf32> to vector<1x1x16xf32>
          tpu.vector_store %arg11[%swap3A_1439, %swap3A_1440, %swap3A_1441], %swap3A_1444 {strides = array<i32>} : memref<2x128x128xf32, #tpu.memory_space<vmem>>, vector<1x1x16xf32>,
          %get3A_1445 = arith.constant 0 : i32
          %get3A_1446 = arith.index_cast %get3A_1445 : i32 to index
          %get3A_1447 = arith.index_cast %add3A_1397 : i32 to index
          %get3A_1448 = arith.constant 48 : index
          %get3A_1449 = tpu.vector_load %arg11[%get3A_1446, %get3A_1447, %get3A_1448] {strides = array<i32>} : memref<2x128x128xf32, #tpu.memory_space<vmem>>, vector<1x1x16xf32>,
          %get3A_1450 = vector.shape_cast %get3A_1449 : vector<1x1x16xf32> to vector<16xf32>
          %mul3A_1451 = vector.broadcast %squeeze3A_1399 : f32 to vector<16xf32>
          %mul3A_1452 = arith.mulf %get3A_1450, %mul3A_1451 : vector<16xf32>
          %swap3A_1453 = arith.constant 0 : i32
          %swap3A_1454 = arith.index_cast %swap3A_1453 : i32 to index
          %swap3A_1455 = arith.index_cast %add3A_1397 : i32 to index
          %swap3A_1456 = arith.constant 48 : index
          %swap3A_1457 = tpu.vector_load %arg11[%swap3A_1454, %swap3A_1455, %swap3A_1456] {strides = array<i32>} : memref<2x128x128xf32, #tpu.memory_space<vmem>>, vector<1x1x16xf32>,
          %swap3A_1458 = vector.shape_cast %swap3A_1457 : vector<1x1x16xf32> to vector<16xf32>
          %swap3A_1459 = vector.shape_cast %mul3A_1452 : vector<16xf32> to vector<1x1x16xf32>
          tpu.vector_store %arg11[%swap3A_1454, %swap3A_1455, %swap3A_1456], %swap3A_1459 {strides = array<i32>} : memref<2x128x128xf32, #tpu.memory_space<vmem>>, vector<1x1x16xf32>,
          %get3A_1460 = arith.constant 0 : i32
          %get3A_1461 = arith.index_cast %get3A_1460 : i32 to index
          %get3A_1462 = arith.index_cast %add3A_1397 : i32 to index
          %get3A_1463 = arith.constant 64 : index
          %get3A_1464 = tpu.vector_load %arg11[%get3A_1461, %get3A_1462, %get3A_1463] {strides = array<i32>} : memref<2x128x128xf32, #tpu.memory_space<vmem>>, vector<1x1x16xf32>,
          %get3A_1465 = vector.shape_cast %get3A_1464 : vector<1x1x16xf32> to vector<16xf32>
          %mul3A_1466 = vector.broadcast %squeeze3A_1399 : f32 to vector<16xf32>
          %mul3A_1467 = arith.mulf %get3A_1465, %mul3A_1466 : vector<16xf32>
          %swap3A_1468 = arith.constant 0 : i32
          %swap3A_1469 = arith.index_cast %swap3A_1468 : i32 to index
          %swap3A_1470 = arith.index_cast %add3A_1397 : i32 to index
          %swap3A_1471 = arith.constant 64 : index
          %swap3A_1472 = tpu.vector_load %arg11[%swap3A_1469, %swap3A_1470, %swap3A_1471] {strides = array<i32>} : memref<2x128x128xf32, #tpu.memory_space<vmem>>, vector<1x1x16xf32>,
          %swap3A_1473 = vector.shape_cast %swap3A_1472 : vector<1x1x16xf32> to vector<16xf32>
          %swap3A_1474 = vector.shape_cast %mul3A_1467 : vector<16xf32> to vector<1x1x16xf32>
          tpu.vector_store %arg11[%swap3A_1469, %swap3A_1470, %swap3A_1471], %swap3A_1474 {strides = array<i32>} : memref<2x128x128xf32, #tpu.memory_space<vmem>>, vector<1x1x16xf32>,
          %get3A_1475 = arith.constant 0 : i32
          %get3A_1476 = arith.index_cast %get3A_1475 : i32 to index
          %get3A_1477 = arith.index_cast %add3A_1397 : i32 to index
          %get3A_1478 = arith.constant 80 : index
          %get3A_1479 = tpu.vector_load %arg11[%get3A_1476, %get3A_1477, %get3A_1478] {strides = array<i32>} : memref<2x128x128xf32, #tpu.memory_space<vmem>>, vector<1x1x16xf32>,
          %get3A_1480 = vector.shape_cast %get3A_1479 : vector<1x1x16xf32> to vector<16xf32>
          %mul3A_1481 = vector.broadcast %squeeze3A_1399 : f32 to vector<16xf32>
          %mul3A_1482 = arith.mulf %get3A_1480, %mul3A_1481 : vector<16xf32>
          %swap3A_1483 = arith.constant 0 : i32
          %swap3A_1484 = arith.index_cast %swap3A_1483 : i32 to index
          %swap3A_1485 = arith.index_cast %add3A_1397 : i32 to index
          %swap3A_1486 = arith.constant 80 : index
          %swap3A_1487 = tpu.vector_load %arg11[%swap3A_1484, %swap3A_1485, %swap3A_1486] {strides = array<i32>} : memref<2x128x128xf32, #tpu.memory_space<vmem>>, vector<1x1x16xf32>,
          %swap3A_1488 = vector.shape_cast %swap3A_1487 : vector<1x1x16xf32> to vector<16xf32>
          %swap3A_1489 = vector.shape_cast %mul3A_1482 : vector<16xf32> to vector<1x1x16xf32>
          tpu.vector_store %arg11[%swap3A_1484, %swap3A_1485, %swap3A_1486], %swap3A_1489 {strides = array<i32>} : memref<2x128x128xf32, #tpu.memory_space<vmem>>, vector<1x1x16xf32>,
          %get3A_1490 = arith.constant 0 : i32
          %get3A_1491 = arith.index_cast %get3A_1490 : i32 to index
          %get3A_1492 = arith.index_cast %add3A_1397 : i32 to index
          %get3A_1493 = arith.constant 96 : index
          %get3A_1494 = tpu.vector_load %arg11[%get3A_1491, %get3A_1492, %get3A_1493] {strides = array<i32>} : memref<2x128x128xf32, #tpu.memory_space<vmem>>, vector<1x1x16xf32>,
          %get3A_1495 = vector.shape_cast %get3A_1494 : vector<1x1x16xf32> to vector<16xf32>
          %mul3A_1496 = vector.broadcast %squeeze3A_1399 : f32 to vector<16xf32>
          %mul3A_1497 = arith.mulf %get3A_1495, %mul3A_1496 : vector<16xf32>
          %swap3A_1498 = arith.constant 0 : i32
          %swap3A_1499 = arith.index_cast %swap3A_1498 : i32 to index
          %swap3A_1500 = arith.index_cast %add3A_1397 : i32 to index
          %swap3A_1501 = arith.constant 96 : index
          %swap3A_1502 = tpu.vector_load %arg11[%swap3A_1499, %swap3A_1500, %swap3A_1501] {strides = array<i32>} : memref<2x128x128xf32, #tpu.memory_space<vmem>>, vector<1x1x16xf32>,
          %swap3A_1503 = vector.shape_cast %swap3A_1502 : vector<1x1x16xf32> to vector<16xf32>
          %swap3A_1504 = vector.shape_cast %mul3A_1497 : vector<16xf32> to vector<1x1x16xf32>
          tpu.vector_store %arg11[%swap3A_1499, %swap3A_1500, %swap3A_1501], %swap3A_1504 {strides = array<i32>} : memref<2x128x128xf32, #tpu.memory_space<vmem>>, vector<1x1x16xf32>,
          %get3A_1505 = arith.constant 0 : i32
          %get3A_1506 = arith.index_cast %get3A_1505 : i32 to index
          %get3A_1507 = arith.index_cast %add3A_1397 : i32 to index
          %get3A_1508 = arith.constant 112 : index
          %get3A_1509 = tpu.vector_load %arg11[%get3A_1506, %get3A_1507, %get3A_1508] {strides = array<i32>} : memref<2x128x128xf32, #tpu.memory_space<vmem>>, vector<1x1x16xf32>,
          %get3A_1510 = vector.shape_cast %get3A_1509 : vector<1x1x16xf32> to vector<16xf32>
          %mul3A_1511 = vector.broadcast %squeeze3A_1399 : f32 to vector<16xf32>
          %mul3A_1512 = arith.mulf %get3A_1510, %mul3A_1511 : vector<16xf32>
          %swap3A_1513 = arith.constant 0 : i32
          %swap3A_1514 = arith.index_cast %swap3A_1513 : i32 to index
          %swap3A_1515 = arith.index_cast %add3A_1397 : i32 to index
          %swap3A_1516 = arith.constant 112 : index
          %swap3A_1517 = tpu.vector_load %arg11[%swap3A_1514, %swap3A_1515, %swap3A_1516] {strides = array<i32>} : memref<2x128x128xf32, #tpu.memory_space<vmem>>, vector<1x1x16xf32>,
          %swap3A_1518 = vector.shape_cast %swap3A_1517 : vector<1x1x16xf32> to vector<16xf32>
          %swap3A_1519 = vector.shape_cast %mul3A_1512 : vector<16xf32> to vector<1x1x16xf32>
          tpu.vector_store %arg11[%swap3A_1514, %swap3A_1515, %swap3A_1516], %swap3A_1519 {strides = array<i32>} : memref<2x128x128xf32, #tpu.memory_space<vmem>>, vector<1x1x16xf32>,
          %mul3A_1520 = arith.constant 16 : i32
          %mul3A_1521 = arith.muli %scan3A_131, %mul3A_1520 : i32
          %add3A_1522 = arith.constant 11 : i32
          %add3A_1523 = arith.addi %mul3A_1521, %add3A_1522 : i32
          %slice3A_1524 = vector.extract_strided_slice %get3A_136 {offsets = [11], sizes = [1], strides = [1]} : vector<16xf32> to vector<1xf32>
          %squeeze3A_1525 = vector.extract %slice3A_1524[0] : f32 from vector<1xf32>
          %get3A_1526 = arith.constant 0 : i32
          %get3A_1527 = arith.index_cast %get3A_1526 : i32 to index
          %get3A_1528 = arith.index_cast %add3A_1523 : i32 to index
          %get3A_1529 = arith.constant 0 : index
          %get3A_1530 = tpu.vector_load %arg11[%get3A_1527, %get3A_1528, %get3A_1529] {strides = array<i32>} : memref<2x128x128xf32, #tpu.memory_space<vmem>>, vector<1x1x16xf32>,
          %get3A_1531 = vector.shape_cast %get3A_1530 : vector<1x1x16xf32> to vector<16xf32>
          %mul3A_1532 = vector.broadcast %squeeze3A_1525 : f32 to vector<16xf32>
          %mul3A_1533 = arith.mulf %get3A_1531, %mul3A_1532 : vector<16xf32>
          %swap3A_1534 = arith.constant 0 : i32
          %swap3A_1535 = arith.index_cast %swap3A_1534 : i32 to index
          %swap3A_1536 = arith.index_cast %add3A_1523 : i32 to index
          %swap3A_1537 = arith.constant 0 : index
          %swap3A_1538 = tpu.vector_load %arg11[%swap3A_1535, %swap3A_1536, %swap3A_1537] {strides = array<i32>} : memref<2x128x128xf32, #tpu.memory_space<vmem>>, vector<1x1x16xf32>,
          %swap3A_1539 = vector.shape_cast %swap3A_1538 : vector<1x1x16xf32> to vector<16xf32>
          %swap3A_1540 = vector.shape_cast %mul3A_1533 : vector<16xf32> to vector<1x1x16xf32>
          tpu.vector_store %arg11[%swap3A_1535, %swap3A_1536, %swap3A_1537], %swap3A_1540 {strides = array<i32>} : memref<2x128x128xf32, #tpu.memory_space<vmem>>, vector<1x1x16xf32>,
          %get3A_1541 = arith.constant 0 : i32
          %get3A_1542 = arith.index_cast %get3A_1541 : i32 to index
          %get3A_1543 = arith.index_cast %add3A_1523 : i32 to index
          %get3A_1544 = arith.constant 16 : index
          %get3A_1545 = tpu.vector_load %arg11[%get3A_1542, %get3A_1543, %get3A_1544] {strides = array<i32>} : memref<2x128x128xf32, #tpu.memory_space<vmem>>, vector<1x1x16xf32>,
          %get3A_1546 = vector.shape_cast %get3A_1545 : vector<1x1x16xf32> to vector<16xf32>
          %mul3A_1547 = vector.broadcast %squeeze3A_1525 : f32 to vector<16xf32>
          %mul3A_1548 = arith.mulf %get3A_1546, %mul3A_1547 : vector<16xf32>
          %swap3A_1549 = arith.constant 0 : i32
          %swap3A_1550 = arith.index_cast %swap3A_1549 : i32 to index
          %swap3A_1551 = arith.index_cast %add3A_1523 : i32 to index
          %swap3A_1552 = arith.constant 16 : index
          %swap3A_1553 = tpu.vector_load %arg11[%swap3A_1550, %swap3A_1551, %swap3A_1552] {strides = array<i32>} : memref<2x128x128xf32, #tpu.memory_space<vmem>>, vector<1x1x16xf32>,
          %swap3A_1554 = vector.shape_cast %swap3A_1553 : vector<1x1x16xf32> to vector<16xf32>
          %swap3A_1555 = vector.shape_cast %mul3A_1548 : vector<16xf32> to vector<1x1x16xf32>
          tpu.vector_store %arg11[%swap3A_1550, %swap3A_1551, %swap3A_1552], %swap3A_1555 {strides = array<i32>} : memref<2x128x128xf32, #tpu.memory_space<vmem>>, vector<1x1x16xf32>,
          %get3A_1556 = arith.constant 0 : i32
          %get3A_1557 = arith.index_cast %get3A_1556 : i32 to index
          %get3A_1558 = arith.index_cast %add3A_1523 : i32 to index
          %get3A_1559 = arith.constant 32 : index
          %get3A_1560 = tpu.vector_load %arg11[%get3A_1557, %get3A_1558, %get3A_1559] {strides = array<i32>} : memref<2x128x128xf32, #tpu.memory_space<vmem>>, vector<1x1x16xf32>,
          %get3A_1561 = vector.shape_cast %get3A_1560 : vector<1x1x16xf32> to vector<16xf32>
          %mul3A_1562 = vector.broadcast %squeeze3A_1525 : f32 to vector<16xf32>
          %mul3A_1563 = arith.mulf %get3A_1561, %mul3A_1562 : vector<16xf32>
          %swap3A_1564 = arith.constant 0 : i32
          %swap3A_1565 = arith.index_cast %swap3A_1564 : i32 to index
          %swap3A_1566 = arith.index_cast %add3A_1523 : i32 to index
          %swap3A_1567 = arith.constant 32 : index
          %swap3A_1568 = tpu.vector_load %arg11[%swap3A_1565, %swap3A_1566, %swap3A_1567] {strides = array<i32>} : memref<2x128x128xf32, #tpu.memory_space<vmem>>, vector<1x1x16xf32>,
          %swap3A_1569 = vector.shape_cast %swap3A_1568 : vector<1x1x16xf32> to vector<16xf32>
          %swap3A_1570 = vector.shape_cast %mul3A_1563 : vector<16xf32> to vector<1x1x16xf32>
          tpu.vector_store %arg11[%swap3A_1565, %swap3A_1566, %swap3A_1567], %swap3A_1570 {strides = array<i32>} : memref<2x128x128xf32, #tpu.memory_space<vmem>>, vector<1x1x16xf32>,
          %get3A_1571 = arith.constant 0 : i32
          %get3A_1572 = arith.index_cast %get3A_1571 : i32 to index
          %get3A_1573 = arith.index_cast %add3A_1523 : i32 to index
          %get3A_1574 = arith.constant 48 : index
          %get3A_1575 = tpu.vector_load %arg11[%get3A_1572, %get3A_1573, %get3A_1574] {strides = array<i32>} : memref<2x128x128xf32, #tpu.memory_space<vmem>>, vector<1x1x16xf32>,
          %get3A_1576 = vector.shape_cast %get3A_1575 : vector<1x1x16xf32> to vector<16xf32>
          %mul3A_1577 = vector.broadcast %squeeze3A_1525 : f32 to vector<16xf32>
          %mul3A_1578 = arith.mulf %get3A_1576, %mul3A_1577 : vector<16xf32>
          %swap3A_1579 = arith.constant 0 : i32
          %swap3A_1580 = arith.index_cast %swap3A_1579 : i32 to index
          %swap3A_1581 = arith.index_cast %add3A_1523 : i32 to index
          %swap3A_1582 = arith.constant 48 : index
          %swap3A_1583 = tpu.vector_load %arg11[%swap3A_1580, %swap3A_1581, %swap3A_1582] {strides = array<i32>} : memref<2x128x128xf32, #tpu.memory_space<vmem>>, vector<1x1x16xf32>,
          %swap3A_1584 = vector.shape_cast %swap3A_1583 : vector<1x1x16xf32> to vector<16xf32>
          %swap3A_1585 = vector.shape_cast %mul3A_1578 : vector<16xf32> to vector<1x1x16xf32>
          tpu.vector_store %arg11[%swap3A_1580, %swap3A_1581, %swap3A_1582], %swap3A_1585 {strides = array<i32>} : memref<2x128x128xf32, #tpu.memory_space<vmem>>, vector<1x1x16xf32>,
          %get3A_1586 = arith.constant 0 : i32
          %get3A_1587 = arith.index_cast %get3A_1586 : i32 to index
          %get3A_1588 = arith.index_cast %add3A_1523 : i32 to index
          %get3A_1589 = arith.constant 64 : index
          %get3A_1590 = tpu.vector_load %arg11[%get3A_1587, %get3A_1588, %get3A_1589] {strides = array<i32>} : memref<2x128x128xf32, #tpu.memory_space<vmem>>, vector<1x1x16xf32>,
          %get3A_1591 = vector.shape_cast %get3A_1590 : vector<1x1x16xf32> to vector<16xf32>
          %mul3A_1592 = vector.broadcast %squeeze3A_1525 : f32 to vector<16xf32>
          %mul3A_1593 = arith.mulf %get3A_1591, %mul3A_1592 : vector<16xf32>
          %swap3A_1594 = arith.constant 0 : i32
          %swap3A_1595 = arith.index_cast %swap3A_1594 : i32 to index
          %swap3A_1596 = arith.index_cast %add3A_1523 : i32 to index
          %swap3A_1597 = arith.constant 64 : index
          %swap3A_1598 = tpu.vector_load %arg11[%swap3A_1595, %swap3A_1596, %swap3A_1597] {strides = array<i32>} : memref<2x128x128xf32, #tpu.memory_space<vmem>>, vector<1x1x16xf32>,
          %swap3A_1599 = vector.shape_cast %swap3A_1598 : vector<1x1x16xf32> to vector<16xf32>
          %swap3A_1600 = vector.shape_cast %mul3A_1593 : vector<16xf32> to vector<1x1x16xf32>
          tpu.vector_store %arg11[%swap3A_1595, %swap3A_1596, %swap3A_1597], %swap3A_1600 {strides = array<i32>} : memref<2x128x128xf32, #tpu.memory_space<vmem>>, vector<1x1x16xf32>,
          %get3A_1601 = arith.constant 0 : i32
          %get3A_1602 = arith.index_cast %get3A_1601 : i32 to index
          %get3A_1603 = arith.index_cast %add3A_1523 : i32 to index
          %get3A_1604 = arith.constant 80 : index
          %get3A_1605 = tpu.vector_load %arg11[%get3A_1602, %get3A_1603, %get3A_1604] {strides = array<i32>} : memref<2x128x128xf32, #tpu.memory_space<vmem>>, vector<1x1x16xf32>,
          %get3A_1606 = vector.shape_cast %get3A_1605 : vector<1x1x16xf32> to vector<16xf32>
          %mul3A_1607 = vector.broadcast %squeeze3A_1525 : f32 to vector<16xf32>
          %mul3A_1608 = arith.mulf %get3A_1606, %mul3A_1607 : vector<16xf32>
          %swap3A_1609 = arith.constant 0 : i32
          %swap3A_1610 = arith.index_cast %swap3A_1609 : i32 to index
          %swap3A_1611 = arith.index_cast %add3A_1523 : i32 to index
          %swap3A_1612 = arith.constant 80 : index
          %swap3A_1613 = tpu.vector_load %arg11[%swap3A_1610, %swap3A_1611, %swap3A_1612] {strides = array<i32>} : memref<2x128x128xf32, #tpu.memory_space<vmem>>, vector<1x1x16xf32>,
          %swap3A_1614 = vector.shape_cast %swap3A_1613 : vector<1x1x16xf32> to vector<16xf32>
          %swap3A_1615 = vector.shape_cast %mul3A_1608 : vector<16xf32> to vector<1x1x16xf32>
          tpu.vector_store %arg11[%swap3A_1610, %swap3A_1611, %swap3A_1612], %swap3A_1615 {strides = array<i32>} : memref<2x128x128xf32, #tpu.memory_space<vmem>>, vector<1x1x16xf32>,
          %get3A_1616 = arith.constant 0 : i32
          %get3A_1617 = arith.index_cast %get3A_1616 : i32 to index
          %get3A_1618 = arith.index_cast %add3A_1523 : i32 to index
          %get3A_1619 = arith.constant 96 : index
          %get3A_1620 = tpu.vector_load %arg11[%get3A_1617, %get3A_1618, %get3A_1619] {strides = array<i32>} : memref<2x128x128xf32, #tpu.memory_space<vmem>>, vector<1x1x16xf32>,
          %get3A_1621 = vector.shape_cast %get3A_1620 : vector<1x1x16xf32> to vector<16xf32>
          %mul3A_1622 = vector.broadcast %squeeze3A_1525 : f32 to vector<16xf32>
          %mul3A_1623 = arith.mulf %get3A_1621, %mul3A_1622 : vector<16xf32>
          %swap3A_1624 = arith.constant 0 : i32
          %swap3A_1625 = arith.index_cast %swap3A_1624 : i32 to index
          %swap3A_1626 = arith.index_cast %add3A_1523 : i32 to index
          %swap3A_1627 = arith.constant 96 : index
          %swap3A_1628 = tpu.vector_load %arg11[%swap3A_1625, %swap3A_1626, %swap3A_1627] {strides = array<i32>} : memref<2x128x128xf32, #tpu.memory_space<vmem>>, vector<1x1x16xf32>,
          %swap3A_1629 = vector.shape_cast %swap3A_1628 : vector<1x1x16xf32> to vector<16xf32>
          %swap3A_1630 = vector.shape_cast %mul3A_1623 : vector<16xf32> to vector<1x1x16xf32>
          tpu.vector_store %arg11[%swap3A_1625, %swap3A_1626, %swap3A_1627], %swap3A_1630 {strides = array<i32>} : memref<2x128x128xf32, #tpu.memory_space<vmem>>, vector<1x1x16xf32>,
          %get3A_1631 = arith.constant 0 : i32
          %get3A_1632 = arith.index_cast %get3A_1631 : i32 to index
          %get3A_1633 = arith.index_cast %add3A_1523 : i32 to index
          %get3A_1634 = arith.constant 112 : index
          %get3A_1635 = tpu.vector_load %arg11[%get3A_1632, %get3A_1633, %get3A_1634] {strides = array<i32>} : memref<2x128x128xf32, #tpu.memory_space<vmem>>, vector<1x1x16xf32>,
          %get3A_1636 = vector.shape_cast %get3A_1635 : vector<1x1x16xf32> to vector<16xf32>
          %mul3A_1637 = vector.broadcast %squeeze3A_1525 : f32 to vector<16xf32>
          %mul3A_1638 = arith.mulf %get3A_1636, %mul3A_1637 : vector<16xf32>
          %swap3A_1639 = arith.constant 0 : i32
          %swap3A_1640 = arith.index_cast %swap3A_1639 : i32 to index
          %swap3A_1641 = arith.index_cast %add3A_1523 : i32 to index
          %swap3A_1642 = arith.constant 112 : index
          %swap3A_1643 = tpu.vector_load %arg11[%swap3A_1640, %swap3A_1641, %swap3A_1642] {strides = array<i32>} : memref<2x128x128xf32, #tpu.memory_space<vmem>>, vector<1x1x16xf32>,
          %swap3A_1644 = vector.shape_cast %swap3A_1643 : vector<1x1x16xf32> to vector<16xf32>
          %swap3A_1645 = vector.shape_cast %mul3A_1638 : vector<16xf32> to vector<1x1x16xf32>
          tpu.vector_store %arg11[%swap3A_1640, %swap3A_1641, %swap3A_1642], %swap3A_1645 {strides = array<i32>} : memref<2x128x128xf32, #tpu.memory_space<vmem>>, vector<1x1x16xf32>,
          %mul3A_1646 = arith.constant 16 : i32
          %mul3A_1647 = arith.muli %scan3A_131, %mul3A_1646 : i32
          %add3A_1648 = arith.constant 12 : i32
          %add3A_1649 = arith.addi %mul3A_1647, %add3A_1648 : i32
          %slice3A_1650 = vector.extract_strided_slice %get3A_136 {offsets = [12], sizes = [1], strides = [1]} : vector<16xf32> to vector<1xf32>
          %squeeze3A_1651 = vector.extract %slice3A_1650[0] : f32 from vector<1xf32>
          %get3A_1652 = arith.constant 0 : i32
          %get3A_1653 = arith.index_cast %get3A_1652 : i32 to index
          %get3A_1654 = arith.index_cast %add3A_1649 : i32 to index
          %get3A_1655 = arith.constant 0 : index
          %get3A_1656 = tpu.vector_load %arg11[%get3A_1653, %get3A_1654, %get3A_1655] {strides = array<i32>} : memref<2x128x128xf32, #tpu.memory_space<vmem>>, vector<1x1x16xf32>,
          %get3A_1657 = vector.shape_cast %get3A_1656 : vector<1x1x16xf32> to vector<16xf32>
          %mul3A_1658 = vector.broadcast %squeeze3A_1651 : f32 to vector<16xf32>
          %mul3A_1659 = arith.mulf %get3A_1657, %mul3A_1658 : vector<16xf32>
          %swap3A_1660 = arith.constant 0 : i32
          %swap3A_1661 = arith.index_cast %swap3A_1660 : i32 to index
          %swap3A_1662 = arith.index_cast %add3A_1649 : i32 to index
          %swap3A_1663 = arith.constant 0 : index
          %swap3A_1664 = tpu.vector_load %arg11[%swap3A_1661, %swap3A_1662, %swap3A_1663] {strides = array<i32>} : memref<2x128x128xf32, #tpu.memory_space<vmem>>, vector<1x1x16xf32>,
          %swap3A_1665 = vector.shape_cast %swap3A_1664 : vector<1x1x16xf32> to vector<16xf32>
          %swap3A_1666 = vector.shape_cast %mul3A_1659 : vector<16xf32> to vector<1x1x16xf32>
          tpu.vector_store %arg11[%swap3A_1661, %swap3A_1662, %swap3A_1663], %swap3A_1666 {strides = array<i32>} : memref<2x128x128xf32, #tpu.memory_space<vmem>>, vector<1x1x16xf32>,
          %get3A_1667 = arith.constant 0 : i32
          %get3A_1668 = arith.index_cast %get3A_1667 : i32 to index
          %get3A_1669 = arith.index_cast %add3A_1649 : i32 to index
          %get3A_1670 = arith.constant 16 : index
          %get3A_1671 = tpu.vector_load %arg11[%get3A_1668, %get3A_1669, %get3A_1670] {strides = array<i32>} : memref<2x128x128xf32, #tpu.memory_space<vmem>>, vector<1x1x16xf32>,
          %get3A_1672 = vector.shape_cast %get3A_1671 : vector<1x1x16xf32> to vector<16xf32>
          %mul3A_1673 = vector.broadcast %squeeze3A_1651 : f32 to vector<16xf32>
          %mul3A_1674 = arith.mulf %get3A_1672, %mul3A_1673 : vector<16xf32>
          %swap3A_1675 = arith.constant 0 : i32
          %swap3A_1676 = arith.index_cast %swap3A_1675 : i32 to index
          %swap3A_1677 = arith.index_cast %add3A_1649 : i32 to index
          %swap3A_1678 = arith.constant 16 : index
          %swap3A_1679 = tpu.vector_load %arg11[%swap3A_1676, %swap3A_1677, %swap3A_1678] {strides = array<i32>} : memref<2x128x128xf32, #tpu.memory_space<vmem>>, vector<1x1x16xf32>,
          %swap3A_1680 = vector.shape_cast %swap3A_1679 : vector<1x1x16xf32> to vector<16xf32>
          %swap3A_1681 = vector.shape_cast %mul3A_1674 : vector<16xf32> to vector<1x1x16xf32>
          tpu.vector_store %arg11[%swap3A_1676, %swap3A_1677, %swap3A_1678], %swap3A_1681 {strides = array<i32>} : memref<2x128x128xf32, #tpu.memory_space<vmem>>, vector<1x1x16xf32>,
          %get3A_1682 = arith.constant 0 : i32
          %get3A_1683 = arith.index_cast %get3A_1682 : i32 to index
          %get3A_1684 = arith.index_cast %add3A_1649 : i32 to index
          %get3A_1685 = arith.constant 32 : index
          %get3A_1686 = tpu.vector_load %arg11[%get3A_1683, %get3A_1684, %get3A_1685] {strides = array<i32>} : memref<2x128x128xf32, #tpu.memory_space<vmem>>, vector<1x1x16xf32>,
          %get3A_1687 = vector.shape_cast %get3A_1686 : vector<1x1x16xf32> to vector<16xf32>
          %mul3A_1688 = vector.broadcast %squeeze3A_1651 : f32 to vector<16xf32>
          %mul3A_1689 = arith.mulf %get3A_1687, %mul3A_1688 : vector<16xf32>
          %swap3A_1690 = arith.constant 0 : i32
          %swap3A_1691 = arith.index_cast %swap3A_1690 : i32 to index
          %swap3A_1692 = arith.index_cast %add3A_1649 : i32 to index
          %swap3A_1693 = arith.constant 32 : index
          %swap3A_1694 = tpu.vector_load %arg11[%swap3A_1691, %swap3A_1692, %swap3A_1693] {strides = array<i32>} : memref<2x128x128xf32, #tpu.memory_space<vmem>>, vector<1x1x16xf32>,
          %swap3A_1695 = vector.shape_cast %swap3A_1694 : vector<1x1x16xf32> to vector<16xf32>
          %swap3A_1696 = vector.shape_cast %mul3A_1689 : vector<16xf32> to vector<1x1x16xf32>
          tpu.vector_store %arg11[%swap3A_1691, %swap3A_1692, %swap3A_1693], %swap3A_1696 {strides = array<i32>} : memref<2x128x128xf32, #tpu.memory_space<vmem>>, vector<1x1x16xf32>,
          %get3A_1697 = arith.constant 0 : i32
          %get3A_1698 = arith.index_cast %get3A_1697 : i32 to index
          %get3A_1699 = arith.index_cast %add3A_1649 : i32 to index
          %get3A_1700 = arith.constant 48 : index
          %get3A_1701 = tpu.vector_load %arg11[%get3A_1698, %get3A_1699, %get3A_1700] {strides = array<i32>} : memref<2x128x128xf32, #tpu.memory_space<vmem>>, vector<1x1x16xf32>,
          %get3A_1702 = vector.shape_cast %get3A_1701 : vector<1x1x16xf32> to vector<16xf32>
          %mul3A_1703 = vector.broadcast %squeeze3A_1651 : f32 to vector<16xf32>
          %mul3A_1704 = arith.mulf %get3A_1702, %mul3A_1703 : vector<16xf32>
          %swap3A_1705 = arith.constant 0 : i32
          %swap3A_1706 = arith.index_cast %swap3A_1705 : i32 to index
          %swap3A_1707 = arith.index_cast %add3A_1649 : i32 to index
          %swap3A_1708 = arith.constant 48 : index
          %swap3A_1709 = tpu.vector_load %arg11[%swap3A_1706, %swap3A_1707, %swap3A_1708] {strides = array<i32>} : memref<2x128x128xf32, #tpu.memory_space<vmem>>, vector<1x1x16xf32>,
          %swap3A_1710 = vector.shape_cast %swap3A_1709 : vector<1x1x16xf32> to vector<16xf32>
          %swap3A_1711 = vector.shape_cast %mul3A_1704 : vector<16xf32> to vector<1x1x16xf32>
          tpu.vector_store %arg11[%swap3A_1706, %swap3A_1707, %swap3A_1708], %swap3A_1711 {strides = array<i32>} : memref<2x128x128xf32, #tpu.memory_space<vmem>>, vector<1x1x16xf32>,
          %get3A_1712 = arith.constant 0 : i32
          %get3A_1713 = arith.index_cast %get3A_1712 : i32 to index
          %get3A_1714 = arith.index_cast %add3A_1649 : i32 to index
          %get3A_1715 = arith.constant 64 : index
          %get3A_1716 = tpu.vector_load %arg11[%get3A_1713, %get3A_1714, %get3A_1715] {strides = array<i32>} : memref<2x128x128xf32, #tpu.memory_space<vmem>>, vector<1x1x16xf32>,
          %get3A_1717 = vector.shape_cast %get3A_1716 : vector<1x1x16xf32> to vector<16xf32>
          %mul3A_1718 = vector.broadcast %squeeze3A_1651 : f32 to vector<16xf32>
          %mul3A_1719 = arith.mulf %get3A_1717, %mul3A_1718 : vector<16xf32>
          %swap3A_1720 = arith.constant 0 : i32
          %swap3A_1721 = arith.index_cast %swap3A_1720 : i32 to index
          %swap3A_1722 = arith.index_cast %add3A_1649 : i32 to index
          %swap3A_1723 = arith.constant 64 : index
          %swap3A_1724 = tpu.vector_load %arg11[%swap3A_1721, %swap3A_1722, %swap3A_1723] {strides = array<i32>} : memref<2x128x128xf32, #tpu.memory_space<vmem>>, vector<1x1x16xf32>,
          %swap3A_1725 = vector.shape_cast %swap3A_1724 : vector<1x1x16xf32> to vector<16xf32>
          %swap3A_1726 = vector.shape_cast %mul3A_1719 : vector<16xf32> to vector<1x1x16xf32>
          tpu.vector_store %arg11[%swap3A_1721, %swap3A_1722, %swap3A_1723], %swap3A_1726 {strides = array<i32>} : memref<2x128x128xf32, #tpu.memory_space<vmem>>, vector<1x1x16xf32>,
          %get3A_1727 = arith.constant 0 : i32
          %get3A_1728 = arith.index_cast %get3A_1727 : i32 to index
          %get3A_1729 = arith.index_cast %add3A_1649 : i32 to index
          %get3A_1730 = arith.constant 80 : index
          %get3A_1731 = tpu.vector_load %arg11[%get3A_1728, %get3A_1729, %get3A_1730] {strides = array<i32>} : memref<2x128x128xf32, #tpu.memory_space<vmem>>, vector<1x1x16xf32>,
          %get3A_1732 = vector.shape_cast %get3A_1731 : vector<1x1x16xf32> to vector<16xf32>
          %mul3A_1733 = vector.broadcast %squeeze3A_1651 : f32 to vector<16xf32>
          %mul3A_1734 = arith.mulf %get3A_1732, %mul3A_1733 : vector<16xf32>
          %swap3A_1735 = arith.constant 0 : i32
          %swap3A_1736 = arith.index_cast %swap3A_1735 : i32 to index
          %swap3A_1737 = arith.index_cast %add3A_1649 : i32 to index
          %swap3A_1738 = arith.constant 80 : index
          %swap3A_1739 = tpu.vector_load %arg11[%swap3A_1736, %swap3A_1737, %swap3A_1738] {strides = array<i32>} : memref<2x128x128xf32, #tpu.memory_space<vmem>>, vector<1x1x16xf32>,
          %swap3A_1740 = vector.shape_cast %swap3A_1739 : vector<1x1x16xf32> to vector<16xf32>
          %swap3A_1741 = vector.shape_cast %mul3A_1734 : vector<16xf32> to vector<1x1x16xf32>
          tpu.vector_store %arg11[%swap3A_1736, %swap3A_1737, %swap3A_1738], %swap3A_1741 {strides = array<i32>} : memref<2x128x128xf32, #tpu.memory_space<vmem>>, vector<1x1x16xf32>,
          %get3A_1742 = arith.constant 0 : i32
          %get3A_1743 = arith.index_cast %get3A_1742 : i32 to index
          %get3A_1744 = arith.index_cast %add3A_1649 : i32 to index
          %get3A_1745 = arith.constant 96 : index
          %get3A_1746 = tpu.vector_load %arg11[%get3A_1743, %get3A_1744, %get3A_1745] {strides = array<i32>} : memref<2x128x128xf32, #tpu.memory_space<vmem>>, vector<1x1x16xf32>,
          %get3A_1747 = vector.shape_cast %get3A_1746 : vector<1x1x16xf32> to vector<16xf32>
          %mul3A_1748 = vector.broadcast %squeeze3A_1651 : f32 to vector<16xf32>
          %mul3A_1749 = arith.mulf %get3A_1747, %mul3A_1748 : vector<16xf32>
          %swap3A_1750 = arith.constant 0 : i32
          %swap3A_1751 = arith.index_cast %swap3A_1750 : i32 to index
          %swap3A_1752 = arith.index_cast %add3A_1649 : i32 to index
          %swap3A_1753 = arith.constant 96 : index
          %swap3A_1754 = tpu.vector_load %arg11[%swap3A_1751, %swap3A_1752, %swap3A_1753] {strides = array<i32>} : memref<2x128x128xf32, #tpu.memory_space<vmem>>, vector<1x1x16xf32>,
          %swap3A_1755 = vector.shape_cast %swap3A_1754 : vector<1x1x16xf32> to vector<16xf32>
          %swap3A_1756 = vector.shape_cast %mul3A_1749 : vector<16xf32> to vector<1x1x16xf32>
          tpu.vector_store %arg11[%swap3A_1751, %swap3A_1752, %swap3A_1753], %swap3A_1756 {strides = array<i32>} : memref<2x128x128xf32, #tpu.memory_space<vmem>>, vector<1x1x16xf32>,
          %get3A_1757 = arith.constant 0 : i32
          %get3A_1758 = arith.index_cast %get3A_1757 : i32 to index
          %get3A_1759 = arith.index_cast %add3A_1649 : i32 to index
          %get3A_1760 = arith.constant 112 : index
          %get3A_1761 = tpu.vector_load %arg11[%get3A_1758, %get3A_1759, %get3A_1760] {strides = array<i32>} : memref<2x128x128xf32, #tpu.memory_space<vmem>>, vector<1x1x16xf32>,
          %get3A_1762 = vector.shape_cast %get3A_1761 : vector<1x1x16xf32> to vector<16xf32>
          %mul3A_1763 = vector.broadcast %squeeze3A_1651 : f32 to vector<16xf32>
          %mul3A_1764 = arith.mulf %get3A_1762, %mul3A_1763 : vector<16xf32>
          %swap3A_1765 = arith.constant 0 : i32
          %swap3A_1766 = arith.index_cast %swap3A_1765 : i32 to index
          %swap3A_1767 = arith.index_cast %add3A_1649 : i32 to index
          %swap3A_1768 = arith.constant 112 : index
          %swap3A_1769 = tpu.vector_load %arg11[%swap3A_1766, %swap3A_1767, %swap3A_1768] {strides = array<i32>} : memref<2x128x128xf32, #tpu.memory_space<vmem>>, vector<1x1x16xf32>,
          %swap3A_1770 = vector.shape_cast %swap3A_1769 : vector<1x1x16xf32> to vector<16xf32>
          %swap3A_1771 = vector.shape_cast %mul3A_1764 : vector<16xf32> to vector<1x1x16xf32>
          tpu.vector_store %arg11[%swap3A_1766, %swap3A_1767, %swap3A_1768], %swap3A_1771 {strides = array<i32>} : memref<2x128x128xf32, #tpu.memory_space<vmem>>, vector<1x1x16xf32>,
          %mul3A_1772 = arith.constant 16 : i32
          %mul3A_1773 = arith.muli %scan3A_131, %mul3A_1772 : i32
          %add3A_1774 = arith.constant 13 : i32
          %add3A_1775 = arith.addi %mul3A_1773, %add3A_1774 : i32
          %slice3A_1776 = vector.extract_strided_slice %get3A_136 {offsets = [13], sizes = [1], strides = [1]} : vector<16xf32> to vector<1xf32>
          %squeeze3A_1777 = vector.extract %slice3A_1776[0] : f32 from vector<1xf32>
          %get3A_1778 = arith.constant 0 : i32
          %get3A_1779 = arith.index_cast %get3A_1778 : i32 to index
          %get3A_1780 = arith.index_cast %add3A_1775 : i32 to index
          %get3A_1781 = arith.constant 0 : index
          %get3A_1782 = tpu.vector_load %arg11[%get3A_1779, %get3A_1780, %get3A_1781] {strides = array<i32>} : memref<2x128x128xf32, #tpu.memory_space<vmem>>, vector<1x1x16xf32>,
          %get3A_1783 = vector.shape_cast %get3A_1782 : vector<1x1x16xf32> to vector<16xf32>
          %mul3A_1784 = vector.broadcast %squeeze3A_1777 : f32 to vector<16xf32>
          %mul3A_1785 = arith.mulf %get3A_1783, %mul3A_1784 : vector<16xf32>
          %swap3A_1786 = arith.constant 0 : i32
          %swap3A_1787 = arith.index_cast %swap3A_1786 : i32 to index
          %swap3A_1788 = arith.index_cast %add3A_1775 : i32 to index
          %swap3A_1789 = arith.constant 0 : index
          %swap3A_1790 = tpu.vector_load %arg11[%swap3A_1787, %swap3A_1788, %swap3A_1789] {strides = array<i32>} : memref<2x128x128xf32, #tpu.memory_space<vmem>>, vector<1x1x16xf32>,
          %swap3A_1791 = vector.shape_cast %swap3A_1790 : vector<1x1x16xf32> to vector<16xf32>
          %swap3A_1792 = vector.shape_cast %mul3A_1785 : vector<16xf32> to vector<1x1x16xf32>
          tpu.vector_store %arg11[%swap3A_1787, %swap3A_1788, %swap3A_1789], %swap3A_1792 {strides = array<i32>} : memref<2x128x128xf32, #tpu.memory_space<vmem>>, vector<1x1x16xf32>,
          %get3A_1793 = arith.constant 0 : i32
          %get3A_1794 = arith.index_cast %get3A_1793 : i32 to index
          %get3A_1795 = arith.index_cast %add3A_1775 : i32 to index
          %get3A_1796 = arith.constant 16 : index
          %get3A_1797 = tpu.vector_load %arg11[%get3A_1794, %get3A_1795, %get3A_1796] {strides = array<i32>} : memref<2x128x128xf32, #tpu.memory_space<vmem>>, vector<1x1x16xf32>,
          %get3A_1798 = vector.shape_cast %get3A_1797 : vector<1x1x16xf32> to vector<16xf32>
          %mul3A_1799 = vector.broadcast %squeeze3A_1777 : f32 to vector<16xf32>
          %mul3A_1800 = arith.mulf %get3A_1798, %mul3A_1799 : vector<16xf32>
          %swap3A_1801 = arith.constant 0 : i32
          %swap3A_1802 = arith.index_cast %swap3A_1801 : i32 to index
          %swap3A_1803 = arith.index_cast %add3A_1775 : i32 to index
          %swap3A_1804 = arith.constant 16 : index
          %swap3A_1805 = tpu.vector_load %arg11[%swap3A_1802, %swap3A_1803, %swap3A_1804] {strides = array<i32>} : memref<2x128x128xf32, #tpu.memory_space<vmem>>, vector<1x1x16xf32>,
          %swap3A_1806 = vector.shape_cast %swap3A_1805 : vector<1x1x16xf32> to vector<16xf32>
          %swap3A_1807 = vector.shape_cast %mul3A_1800 : vector<16xf32> to vector<1x1x16xf32>
          tpu.vector_store %arg11[%swap3A_1802, %swap3A_1803, %swap3A_1804], %swap3A_1807 {strides = array<i32>} : memref<2x128x128xf32, #tpu.memory_space<vmem>>, vector<1x1x16xf32>,
          %get3A_1808 = arith.constant 0 : i32
          %get3A_1809 = arith.index_cast %get3A_1808 : i32 to index
          %get3A_1810 = arith.index_cast %add3A_1775 : i32 to index
          %get3A_1811 = arith.constant 32 : index
          %get3A_1812 = tpu.vector_load %arg11[%get3A_1809, %get3A_1810, %get3A_1811] {strides = array<i32>} : memref<2x128x128xf32, #tpu.memory_space<vmem>>, vector<1x1x16xf32>,
          %get3A_1813 = vector.shape_cast %get3A_1812 : vector<1x1x16xf32> to vector<16xf32>
          %mul3A_1814 = vector.broadcast %squeeze3A_1777 : f32 to vector<16xf32>
          %mul3A_1815 = arith.mulf %get3A_1813, %mul3A_1814 : vector<16xf32>
          %swap3A_1816 = arith.constant 0 : i32
          %swap3A_1817 = arith.index_cast %swap3A_1816 : i32 to index
          %swap3A_1818 = arith.index_cast %add3A_1775 : i32 to index
          %swap3A_1819 = arith.constant 32 : index
          %swap3A_1820 = tpu.vector_load %arg11[%swap3A_1817, %swap3A_1818, %swap3A_1819] {strides = array<i32>} : memref<2x128x128xf32, #tpu.memory_space<vmem>>, vector<1x1x16xf32>,
          %swap3A_1821 = vector.shape_cast %swap3A_1820 : vector<1x1x16xf32> to vector<16xf32>
          %swap3A_1822 = vector.shape_cast %mul3A_1815 : vector<16xf32> to vector<1x1x16xf32>
          tpu.vector_store %arg11[%swap3A_1817, %swap3A_1818, %swap3A_1819], %swap3A_1822 {strides = array<i32>} : memref<2x128x128xf32, #tpu.memory_space<vmem>>, vector<1x1x16xf32>,
          %get3A_1823 = arith.constant 0 : i32
          %get3A_1824 = arith.index_cast %get3A_1823 : i32 to index
          %get3A_1825 = arith.index_cast %add3A_1775 : i32 to index
          %get3A_1826 = arith.constant 48 : index
          %get3A_1827 = tpu.vector_load %arg11[%get3A_1824, %get3A_1825, %get3A_1826] {strides = array<i32>} : memref<2x128x128xf32, #tpu.memory_space<vmem>>, vector<1x1x16xf32>,
          %get3A_1828 = vector.shape_cast %get3A_1827 : vector<1x1x16xf32> to vector<16xf32>
          %mul3A_1829 = vector.broadcast %squeeze3A_1777 : f32 to vector<16xf32>
          %mul3A_1830 = arith.mulf %get3A_1828, %mul3A_1829 : vector<16xf32>
          %swap3A_1831 = arith.constant 0 : i32
          %swap3A_1832 = arith.index_cast %swap3A_1831 : i32 to index
          %swap3A_1833 = arith.index_cast %add3A_1775 : i32 to index
          %swap3A_1834 = arith.constant 48 : index
          %swap3A_1835 = tpu.vector_load %arg11[%swap3A_1832, %swap3A_1833, %swap3A_1834] {strides = array<i32>} : memref<2x128x128xf32, #tpu.memory_space<vmem>>, vector<1x1x16xf32>,
          %swap3A_1836 = vector.shape_cast %swap3A_1835 : vector<1x1x16xf32> to vector<16xf32>
          %swap3A_1837 = vector.shape_cast %mul3A_1830 : vector<16xf32> to vector<1x1x16xf32>
          tpu.vector_store %arg11[%swap3A_1832, %swap3A_1833, %swap3A_1834], %swap3A_1837 {strides = array<i32>} : memref<2x128x128xf32, #tpu.memory_space<vmem>>, vector<1x1x16xf32>,
          %get3A_1838 = arith.constant 0 : i32
          %get3A_1839 = arith.index_cast %get3A_1838 : i32 to index
          %get3A_1840 = arith.index_cast %add3A_1775 : i32 to index
          %get3A_1841 = arith.constant 64 : index
          %get3A_1842 = tpu.vector_load %arg11[%get3A_1839, %get3A_1840, %get3A_1841] {strides = array<i32>} : memref<2x128x128xf32, #tpu.memory_space<vmem>>, vector<1x1x16xf32>,
          %get3A_1843 = vector.shape_cast %get3A_1842 : vector<1x1x16xf32> to vector<16xf32>
          %mul3A_1844 = vector.broadcast %squeeze3A_1777 : f32 to vector<16xf32>
          %mul3A_1845 = arith.mulf %get3A_1843, %mul3A_1844 : vector<16xf32>
          %swap3A_1846 = arith.constant 0 : i32
          %swap3A_1847 = arith.index_cast %swap3A_1846 : i32 to index
          %swap3A_1848 = arith.index_cast %add3A_1775 : i32 to index
          %swap3A_1849 = arith.constant 64 : index
          %swap3A_1850 = tpu.vector_load %arg11[%swap3A_1847, %swap3A_1848, %swap3A_1849] {strides = array<i32>} : memref<2x128x128xf32, #tpu.memory_space<vmem>>, vector<1x1x16xf32>,
          %swap3A_1851 = vector.shape_cast %swap3A_1850 : vector<1x1x16xf32> to vector<16xf32>
          %swap3A_1852 = vector.shape_cast %mul3A_1845 : vector<16xf32> to vector<1x1x16xf32>
          tpu.vector_store %arg11[%swap3A_1847, %swap3A_1848, %swap3A_1849], %swap3A_1852 {strides = array<i32>} : memref<2x128x128xf32, #tpu.memory_space<vmem>>, vector<1x1x16xf32>,
          %get3A_1853 = arith.constant 0 : i32
          %get3A_1854 = arith.index_cast %get3A_1853 : i32 to index
          %get3A_1855 = arith.index_cast %add3A_1775 : i32 to index
          %get3A_1856 = arith.constant 80 : index
          %get3A_1857 = tpu.vector_load %arg11[%get3A_1854, %get3A_1855, %get3A_1856] {strides = array<i32>} : memref<2x128x128xf32, #tpu.memory_space<vmem>>, vector<1x1x16xf32>,
          %get3A_1858 = vector.shape_cast %get3A_1857 : vector<1x1x16xf32> to vector<16xf32>
          %mul3A_1859 = vector.broadcast %squeeze3A_1777 : f32 to vector<16xf32>
          %mul3A_1860 = arith.mulf %get3A_1858, %mul3A_1859 : vector<16xf32>
          %swap3A_1861 = arith.constant 0 : i32
          %swap3A_1862 = arith.index_cast %swap3A_1861 : i32 to index
          %swap3A_1863 = arith.index_cast %add3A_1775 : i32 to index
          %swap3A_1864 = arith.constant 80 : index
          %swap3A_1865 = tpu.vector_load %arg11[%swap3A_1862, %swap3A_1863, %swap3A_1864] {strides = array<i32>} : memref<2x128x128xf32, #tpu.memory_space<vmem>>, vector<1x1x16xf32>,
          %swap3A_1866 = vector.shape_cast %swap3A_1865 : vector<1x1x16xf32> to vector<16xf32>
          %swap3A_1867 = vector.shape_cast %mul3A_1860 : vector<16xf32> to vector<1x1x16xf32>
          tpu.vector_store %arg11[%swap3A_1862, %swap3A_1863, %swap3A_1864], %swap3A_1867 {strides = array<i32>} : memref<2x128x128xf32, #tpu.memory_space<vmem>>, vector<1x1x16xf32>,
          %get3A_1868 = arith.constant 0 : i32
          %get3A_1869 = arith.index_cast %get3A_1868 : i32 to index
          %get3A_1870 = arith.index_cast %add3A_1775 : i32 to index
          %get3A_1871 = arith.constant 96 : index
          %get3A_1872 = tpu.vector_load %arg11[%get3A_1869, %get3A_1870, %get3A_1871] {strides = array<i32>} : memref<2x128x128xf32, #tpu.memory_space<vmem>>, vector<1x1x16xf32>,
          %get3A_1873 = vector.shape_cast %get3A_1872 : vector<1x1x16xf32> to vector<16xf32>
          %mul3A_1874 = vector.broadcast %squeeze3A_1777 : f32 to vector<16xf32>
          %mul3A_1875 = arith.mulf %get3A_1873, %mul3A_1874 : vector<16xf32>
          %swap3A_1876 = arith.constant 0 : i32
          %swap3A_1877 = arith.index_cast %swap3A_1876 : i32 to index
          %swap3A_1878 = arith.index_cast %add3A_1775 : i32 to index
          %swap3A_1879 = arith.constant 96 : index
          %swap3A_1880 = tpu.vector_load %arg11[%swap3A_1877, %swap3A_1878, %swap3A_1879] {strides = array<i32>} : memref<2x128x128xf32, #tpu.memory_space<vmem>>, vector<1x1x16xf32>,
          %swap3A_1881 = vector.shape_cast %swap3A_1880 : vector<1x1x16xf32> to vector<16xf32>
          %swap3A_1882 = vector.shape_cast %mul3A_1875 : vector<16xf32> to vector<1x1x16xf32>
          tpu.vector_store %arg11[%swap3A_1877, %swap3A_1878, %swap3A_1879], %swap3A_1882 {strides = array<i32>} : memref<2x128x128xf32, #tpu.memory_space<vmem>>, vector<1x1x16xf32>,
          %get3A_1883 = arith.constant 0 : i32
          %get3A_1884 = arith.index_cast %get3A_1883 : i32 to index
          %get3A_1885 = arith.index_cast %add3A_1775 : i32 to index
          %get3A_1886 = arith.constant 112 : index
          %get3A_1887 = tpu.vector_load %arg11[%get3A_1884, %get3A_1885, %get3A_1886] {strides = array<i32>} : memref<2x128x128xf32, #tpu.memory_space<vmem>>, vector<1x1x16xf32>,
          %get3A_1888 = vector.shape_cast %get3A_1887 : vector<1x1x16xf32> to vector<16xf32>
          %mul3A_1889 = vector.broadcast %squeeze3A_1777 : f32 to vector<16xf32>
          %mul3A_1890 = arith.mulf %get3A_1888, %mul3A_1889 : vector<16xf32>
          %swap3A_1891 = arith.constant 0 : i32
          %swap3A_1892 = arith.index_cast %swap3A_1891 : i32 to index
          %swap3A_1893 = arith.index_cast %add3A_1775 : i32 to index
          %swap3A_1894 = arith.constant 112 : index
          %swap3A_1895 = tpu.vector_load %arg11[%swap3A_1892, %swap3A_1893, %swap3A_1894] {strides = array<i32>} : memref<2x128x128xf32, #tpu.memory_space<vmem>>, vector<1x1x16xf32>,
          %swap3A_1896 = vector.shape_cast %swap3A_1895 : vector<1x1x16xf32> to vector<16xf32>
          %swap3A_1897 = vector.shape_cast %mul3A_1890 : vector<16xf32> to vector<1x1x16xf32>
          tpu.vector_store %arg11[%swap3A_1892, %swap3A_1893, %swap3A_1894], %swap3A_1897 {strides = array<i32>} : memref<2x128x128xf32, #tpu.memory_space<vmem>>, vector<1x1x16xf32>,
          %mul3A_1898 = arith.constant 16 : i32
          %mul3A_1899 = arith.muli %scan3A_131, %mul3A_1898 : i32
          %add3A_1900 = arith.constant 14 : i32
          %add3A_1901 = arith.addi %mul3A_1899, %add3A_1900 : i32
          %slice3A_1902 = vector.extract_strided_slice %get3A_136 {offsets = [14], sizes = [1], strides = [1]} : vector<16xf32> to vector<1xf32>
          %squeeze3A_1903 = vector.extract %slice3A_1902[0] : f32 from vector<1xf32>
          %get3A_1904 = arith.constant 0 : i32
          %get3A_1905 = arith.index_cast %get3A_1904 : i32 to index
          %get3A_1906 = arith.index_cast %add3A_1901 : i32 to index
          %get3A_1907 = arith.constant 0 : index
          %get3A_1908 = tpu.vector_load %arg11[%get3A_1905, %get3A_1906, %get3A_1907] {strides = array<i32>} : memref<2x128x128xf32, #tpu.memory_space<vmem>>, vector<1x1x16xf32>,
          %get3A_1909 = vector.shape_cast %get3A_1908 : vector<1x1x16xf32> to vector<16xf32>
          %mul3A_1910 = vector.broadcast %squeeze3A_1903 : f32 to vector<16xf32>
          %mul3A_1911 = arith.mulf %get3A_1909, %mul3A_1910 : vector<16xf32>
          %swap3A_1912 = arith.constant 0 : i32
          %swap3A_1913 = arith.index_cast %swap3A_1912 : i32 to index
          %swap3A_1914 = arith.index_cast %add3A_1901 : i32 to index
          %swap3A_1915 = arith.constant 0 : index
          %swap3A_1916 = tpu.vector_load %arg11[%swap3A_1913, %swap3A_1914, %swap3A_1915] {strides = array<i32>} : memref<2x128x128xf32, #tpu.memory_space<vmem>>, vector<1x1x16xf32>,
          %swap3A_1917 = vector.shape_cast %swap3A_1916 : vector<1x1x16xf32> to vector<16xf32>
          %swap3A_1918 = vector.shape_cast %mul3A_1911 : vector<16xf32> to vector<1x1x16xf32>
          tpu.vector_store %arg11[%swap3A_1913, %swap3A_1914, %swap3A_1915], %swap3A_1918 {strides = array<i32>} : memref<2x128x128xf32, #tpu.memory_space<vmem>>, vector<1x1x16xf32>,
          %get3A_1919 = arith.constant 0 : i32
          %get3A_1920 = arith.index_cast %get3A_1919 : i32 to index
          %get3A_1921 = arith.index_cast %add3A_1901 : i32 to index
          %get3A_1922 = arith.constant 16 : index
          %get3A_1923 = tpu.vector_load %arg11[%get3A_1920, %get3A_1921, %get3A_1922] {strides = array<i32>} : memref<2x128x128xf32, #tpu.memory_space<vmem>>, vector<1x1x16xf32>,
          %get3A_1924 = vector.shape_cast %get3A_1923 : vector<1x1x16xf32> to vector<16xf32>
          %mul3A_1925 = vector.broadcast %squeeze3A_1903 : f32 to vector<16xf32>
          %mul3A_1926 = arith.mulf %get3A_1924, %mul3A_1925 : vector<16xf32>
          %swap3A_1927 = arith.constant 0 : i32
          %swap3A_1928 = arith.index_cast %swap3A_1927 : i32 to index
          %swap3A_1929 = arith.index_cast %add3A_1901 : i32 to index
          %swap3A_1930 = arith.constant 16 : index
          %swap3A_1931 = tpu.vector_load %arg11[%swap3A_1928, %swap3A_1929, %swap3A_1930] {strides = array<i32>} : memref<2x128x128xf32, #tpu.memory_space<vmem>>, vector<1x1x16xf32>,
          %swap3A_1932 = vector.shape_cast %swap3A_1931 : vector<1x1x16xf32> to vector<16xf32>
          %swap3A_1933 = vector.shape_cast %mul3A_1926 : vector<16xf32> to vector<1x1x16xf32>
          tpu.vector_store %arg11[%swap3A_1928, %swap3A_1929, %swap3A_1930], %swap3A_1933 {strides = array<i32>} : memref<2x128x128xf32, #tpu.memory_space<vmem>>, vector<1x1x16xf32>,
          %get3A_1934 = arith.constant 0 : i32
          %get3A_1935 = arith.index_cast %get3A_1934 : i32 to index
          %get3A_1936 = arith.index_cast %add3A_1901 : i32 to index
          %get3A_1937 = arith.constant 32 : index
          %get3A_1938 = tpu.vector_load %arg11[%get3A_1935, %get3A_1936, %get3A_1937] {strides = array<i32>} : memref<2x128x128xf32, #tpu.memory_space<vmem>>, vector<1x1x16xf32>,
          %get3A_1939 = vector.shape_cast %get3A_1938 : vector<1x1x16xf32> to vector<16xf32>
          %mul3A_1940 = vector.broadcast %squeeze3A_1903 : f32 to vector<16xf32>
          %mul3A_1941 = arith.mulf %get3A_1939, %mul3A_1940 : vector<16xf32>
          %swap3A_1942 = arith.constant 0 : i32
          %swap3A_1943 = arith.index_cast %swap3A_1942 : i32 to index
          %swap3A_1944 = arith.index_cast %add3A_1901 : i32 to index
          %swap3A_1945 = arith.constant 32 : index
          %swap3A_1946 = tpu.vector_load %arg11[%swap3A_1943, %swap3A_1944, %swap3A_1945] {strides = array<i32>} : memref<2x128x128xf32, #tpu.memory_space<vmem>>, vector<1x1x16xf32>,
          %swap3A_1947 = vector.shape_cast %swap3A_1946 : vector<1x1x16xf32> to vector<16xf32>
          %swap3A_1948 = vector.shape_cast %mul3A_1941 : vector<16xf32> to vector<1x1x16xf32>
          tpu.vector_store %arg11[%swap3A_1943, %swap3A_1944, %swap3A_1945], %swap3A_1948 {strides = array<i32>} : memref<2x128x128xf32, #tpu.memory_space<vmem>>, vector<1x1x16xf32>,
          %get3A_1949 = arith.constant 0 : i32
          %get3A_1950 = arith.index_cast %get3A_1949 : i32 to index
          %get3A_1951 = arith.index_cast %add3A_1901 : i32 to index
          %get3A_1952 = arith.constant 48 : index
          %get3A_1953 = tpu.vector_load %arg11[%get3A_1950, %get3A_1951, %get3A_1952] {strides = array<i32>} : memref<2x128x128xf32, #tpu.memory_space<vmem>>, vector<1x1x16xf32>,
          %get3A_1954 = vector.shape_cast %get3A_1953 : vector<1x1x16xf32> to vector<16xf32>
          %mul3A_1955 = vector.broadcast %squeeze3A_1903 : f32 to vector<16xf32>
          %mul3A_1956 = arith.mulf %get3A_1954, %mul3A_1955 : vector<16xf32>
          %swap3A_1957 = arith.constant 0 : i32
          %swap3A_1958 = arith.index_cast %swap3A_1957 : i32 to index
          %swap3A_1959 = arith.index_cast %add3A_1901 : i32 to index
          %swap3A_1960 = arith.constant 48 : index
          %swap3A_1961 = tpu.vector_load %arg11[%swap3A_1958, %swap3A_1959, %swap3A_1960] {strides = array<i32>} : memref<2x128x128xf32, #tpu.memory_space<vmem>>, vector<1x1x16xf32>,
          %swap3A_1962 = vector.shape_cast %swap3A_1961 : vector<1x1x16xf32> to vector<16xf32>
          %swap3A_1963 = vector.shape_cast %mul3A_1956 : vector<16xf32> to vector<1x1x16xf32>
          tpu.vector_store %arg11[%swap3A_1958, %swap3A_1959, %swap3A_1960], %swap3A_1963 {strides = array<i32>} : memref<2x128x128xf32, #tpu.memory_space<vmem>>, vector<1x1x16xf32>,
          %get3A_1964 = arith.constant 0 : i32
          %get3A_1965 = arith.index_cast %get3A_1964 : i32 to index
          %get3A_1966 = arith.index_cast %add3A_1901 : i32 to index
          %get3A_1967 = arith.constant 64 : index
          %get3A_1968 = tpu.vector_load %arg11[%get3A_1965, %get3A_1966, %get3A_1967] {strides = array<i32>} : memref<2x128x128xf32, #tpu.memory_space<vmem>>, vector<1x1x16xf32>,
          %get3A_1969 = vector.shape_cast %get3A_1968 : vector<1x1x16xf32> to vector<16xf32>
          %mul3A_1970 = vector.broadcast %squeeze3A_1903 : f32 to vector<16xf32>
          %mul3A_1971 = arith.mulf %get3A_1969, %mul3A_1970 : vector<16xf32>
          %swap3A_1972 = arith.constant 0 : i32
          %swap3A_1973 = arith.index_cast %swap3A_1972 : i32 to index
          %swap3A_1974 = arith.index_cast %add3A_1901 : i32 to index
          %swap3A_1975 = arith.constant 64 : index
          %swap3A_1976 = tpu.vector_load %arg11[%swap3A_1973, %swap3A_1974, %swap3A_1975] {strides = array<i32>} : memref<2x128x128xf32, #tpu.memory_space<vmem>>, vector<1x1x16xf32>,
          %swap3A_1977 = vector.shape_cast %swap3A_1976 : vector<1x1x16xf32> to vector<16xf32>
          %swap3A_1978 = vector.shape_cast %mul3A_1971 : vector<16xf32> to vector<1x1x16xf32>
          tpu.vector_store %arg11[%swap3A_1973, %swap3A_1974, %swap3A_1975], %swap3A_1978 {strides = array<i32>} : memref<2x128x128xf32, #tpu.memory_space<vmem>>, vector<1x1x16xf32>,
          %get3A_1979 = arith.constant 0 : i32
          %get3A_1980 = arith.index_cast %get3A_1979 : i32 to index
          %get3A_1981 = arith.index_cast %add3A_1901 : i32 to index
          %get3A_1982 = arith.constant 80 : index
          %get3A_1983 = tpu.vector_load %arg11[%get3A_1980, %get3A_1981, %get3A_1982] {strides = array<i32>} : memref<2x128x128xf32, #tpu.memory_space<vmem>>, vector<1x1x16xf32>,
          %get3A_1984 = vector.shape_cast %get3A_1983 : vector<1x1x16xf32> to vector<16xf32>
          %mul3A_1985 = vector.broadcast %squeeze3A_1903 : f32 to vector<16xf32>
          %mul3A_1986 = arith.mulf %get3A_1984, %mul3A_1985 : vector<16xf32>
          %swap3A_1987 = arith.constant 0 : i32
          %swap3A_1988 = arith.index_cast %swap3A_1987 : i32 to index
          %swap3A_1989 = arith.index_cast %add3A_1901 : i32 to index
          %swap3A_1990 = arith.constant 80 : index
          %swap3A_1991 = tpu.vector_load %arg11[%swap3A_1988, %swap3A_1989, %swap3A_1990] {strides = array<i32>} : memref<2x128x128xf32, #tpu.memory_space<vmem>>, vector<1x1x16xf32>,
          %swap3A_1992 = vector.shape_cast %swap3A_1991 : vector<1x1x16xf32> to vector<16xf32>
          %swap3A_1993 = vector.shape_cast %mul3A_1986 : vector<16xf32> to vector<1x1x16xf32>
          tpu.vector_store %arg11[%swap3A_1988, %swap3A_1989, %swap3A_1990], %swap3A_1993 {strides = array<i32>} : memref<2x128x128xf32, #tpu.memory_space<vmem>>, vector<1x1x16xf32>,
          %get3A_1994 = arith.constant 0 : i32
          %get3A_1995 = arith.index_cast %get3A_1994 : i32 to index
          %get3A_1996 = arith.index_cast %add3A_1901 : i32 to index
          %get3A_1997 = arith.constant 96 : index
          %get3A_1998 = tpu.vector_load %arg11[%get3A_1995, %get3A_1996, %get3A_1997] {strides = array<i32>} : memref<2x128x128xf32, #tpu.memory_space<vmem>>, vector<1x1x16xf32>,
          %get3A_1999 = vector.shape_cast %get3A_1998 : vector<1x1x16xf32> to vector<16xf32>
          %mul3A_2000 = vector.broadcast %squeeze3A_1903 : f32 to vector<16xf32>
          %mul3A_2001 = arith.mulf %get3A_1999, %mul3A_2000 : vector<16xf32>
          %swap3A_2002 = arith.constant 0 : i32
          %swap3A_2003 = arith.index_cast %swap3A_2002 : i32 to index
          %swap3A_2004 = arith.index_cast %add3A_1901 : i32 to index
          %swap3A_2005 = arith.constant 96 : index
          %swap3A_2006 = tpu.vector_load %arg11[%swap3A_2003, %swap3A_2004, %swap3A_2005] {strides = array<i32>} : memref<2x128x128xf32, #tpu.memory_space<vmem>>, vector<1x1x16xf32>,
          %swap3A_2007 = vector.shape_cast %swap3A_2006 : vector<1x1x16xf32> to vector<16xf32>
          %swap3A_2008 = vector.shape_cast %mul3A_2001 : vector<16xf32> to vector<1x1x16xf32>
          tpu.vector_store %arg11[%swap3A_2003, %swap3A_2004, %swap3A_2005], %swap3A_2008 {strides = array<i32>} : memref<2x128x128xf32, #tpu.memory_space<vmem>>, vector<1x1x16xf32>,
          %get3A_2009 = arith.constant 0 : i32
          %get3A_2010 = arith.index_cast %get3A_2009 : i32 to index
          %get3A_2011 = arith.index_cast %add3A_1901 : i32 to index
          %get3A_2012 = arith.constant 112 : index
          %get3A_2013 = tpu.vector_load %arg11[%get3A_2010, %get3A_2011, %get3A_2012] {strides = array<i32>} : memref<2x128x128xf32, #tpu.memory_space<vmem>>, vector<1x1x16xf32>,
          %get3A_2014 = vector.shape_cast %get3A_2013 : vector<1x1x16xf32> to vector<16xf32>
          %mul3A_2015 = vector.broadcast %squeeze3A_1903 : f32 to vector<16xf32>
          %mul3A_2016 = arith.mulf %get3A_2014, %mul3A_2015 : vector<16xf32>
          %swap3A_2017 = arith.constant 0 : i32
          %swap3A_2018 = arith.index_cast %swap3A_2017 : i32 to index
          %swap3A_2019 = arith.index_cast %add3A_1901 : i32 to index
          %swap3A_2020 = arith.constant 112 : index
          %swap3A_2021 = tpu.vector_load %arg11[%swap3A_2018, %swap3A_2019, %swap3A_2020] {strides = array<i32>} : memref<2x128x128xf32, #tpu.memory_space<vmem>>, vector<1x1x16xf32>,
          %swap3A_2022 = vector.shape_cast %swap3A_2021 : vector<1x1x16xf32> to vector<16xf32>
          %swap3A_2023 = vector.shape_cast %mul3A_2016 : vector<16xf32> to vector<1x1x16xf32>
          tpu.vector_store %arg11[%swap3A_2018, %swap3A_2019, %swap3A_2020], %swap3A_2023 {strides = array<i32>} : memref<2x128x128xf32, #tpu.memory_space<vmem>>, vector<1x1x16xf32>,
          %mul3A_2024 = arith.constant 16 : i32
          %mul3A_2025 = arith.muli %scan3A_131, %mul3A_2024 : i32
          %add3A_2026 = arith.constant 15 : i32
          %add3A_2027 = arith.addi %mul3A_2025, %add3A_2026 : i32
          %slice3A_2028 = vector.extract_strided_slice %get3A_136 {offsets = [15], sizes = [1], strides = [1]} : vector<16xf32> to vector<1xf32>
          %squeeze3A_2029 = vector.extract %slice3A_2028[0] : f32 from vector<1xf32>
          %get3A_2030 = arith.constant 0 : i32
          %get3A_2031 = arith.index_cast %get3A_2030 : i32 to index
          %get3A_2032 = arith.index_cast %add3A_2027 : i32 to index
          %get3A_2033 = arith.constant 0 : index
          %get3A_2034 = tpu.vector_load %arg11[%get3A_2031, %get3A_2032, %get3A_2033] {strides = array<i32>} : memref<2x128x128xf32, #tpu.memory_space<vmem>>, vector<1x1x16xf32>,
          %get3A_2035 = vector.shape_cast %get3A_2034 : vector<1x1x16xf32> to vector<16xf32>
          %mul3A_2036 = vector.broadcast %squeeze3A_2029 : f32 to vector<16xf32>
          %mul3A_2037 = arith.mulf %get3A_2035, %mul3A_2036 : vector<16xf32>
          %swap3A_2038 = arith.constant 0 : i32
          %swap3A_2039 = arith.index_cast %swap3A_2038 : i32 to index
          %swap3A_2040 = arith.index_cast %add3A_2027 : i32 to index
          %swap3A_2041 = arith.constant 0 : index
          %swap3A_2042 = tpu.vector_load %arg11[%swap3A_2039, %swap3A_2040, %swap3A_2041] {strides = array<i32>} : memref<2x128x128xf32, #tpu.memory_space<vmem>>, vector<1x1x16xf32>,
          %swap3A_2043 = vector.shape_cast %swap3A_2042 : vector<1x1x16xf32> to vector<16xf32>
          %swap3A_2044 = vector.shape_cast %mul3A_2037 : vector<16xf32> to vector<1x1x16xf32>
          tpu.vector_store %arg11[%swap3A_2039, %swap3A_2040, %swap3A_2041], %swap3A_2044 {strides = array<i32>} : memref<2x128x128xf32, #tpu.memory_space<vmem>>, vector<1x1x16xf32>,
          %get3A_2045 = arith.constant 0 : i32
          %get3A_2046 = arith.index_cast %get3A_2045 : i32 to index
          %get3A_2047 = arith.index_cast %add3A_2027 : i32 to index
          %get3A_2048 = arith.constant 16 : index
          %get3A_2049 = tpu.vector_load %arg11[%get3A_2046, %get3A_2047, %get3A_2048] {strides = array<i32>} : memref<2x128x128xf32, #tpu.memory_space<vmem>>, vector<1x1x16xf32>,
          %get3A_2050 = vector.shape_cast %get3A_2049 : vector<1x1x16xf32> to vector<16xf32>
          %mul3A_2051 = vector.broadcast %squeeze3A_2029 : f32 to vector<16xf32>
          %mul3A_2052 = arith.mulf %get3A_2050, %mul3A_2051 : vector<16xf32>
          %swap3A_2053 = arith.constant 0 : i32
          %swap3A_2054 = arith.index_cast %swap3A_2053 : i32 to index
          %swap3A_2055 = arith.index_cast %add3A_2027 : i32 to index
          %swap3A_2056 = arith.constant 16 : index
          %swap3A_2057 = tpu.vector_load %arg11[%swap3A_2054, %swap3A_2055, %swap3A_2056] {strides = array<i32>} : memref<2x128x128xf32, #tpu.memory_space<vmem>>, vector<1x1x16xf32>,
          %swap3A_2058 = vector.shape_cast %swap3A_2057 : vector<1x1x16xf32> to vector<16xf32>
          %swap3A_2059 = vector.shape_cast %mul3A_2052 : vector<16xf32> to vector<1x1x16xf32>
          tpu.vector_store %arg11[%swap3A_2054, %swap3A_2055, %swap3A_2056], %swap3A_2059 {strides = array<i32>} : memref<2x128x128xf32, #tpu.memory_space<vmem>>, vector<1x1x16xf32>,
          %get3A_2060 = arith.constant 0 : i32
          %get3A_2061 = arith.index_cast %get3A_2060 : i32 to index
          %get3A_2062 = arith.index_cast %add3A_2027 : i32 to index
          %get3A_2063 = arith.constant 32 : index
          %get3A_2064 = tpu.vector_load %arg11[%get3A_2061, %get3A_2062, %get3A_2063] {strides = array<i32>} : memref<2x128x128xf32, #tpu.memory_space<vmem>>, vector<1x1x16xf32>,
          %get3A_2065 = vector.shape_cast %get3A_2064 : vector<1x1x16xf32> to vector<16xf32>
          %mul3A_2066 = vector.broadcast %squeeze3A_2029 : f32 to vector<16xf32>
          %mul3A_2067 = arith.mulf %get3A_2065, %mul3A_2066 : vector<16xf32>
          %swap3A_2068 = arith.constant 0 : i32
          %swap3A_2069 = arith.index_cast %swap3A_2068 : i32 to index
          %swap3A_2070 = arith.index_cast %add3A_2027 : i32 to index
          %swap3A_2071 = arith.constant 32 : index
          %swap3A_2072 = tpu.vector_load %arg11[%swap3A_2069, %swap3A_2070, %swap3A_2071] {strides = array<i32>} : memref<2x128x128xf32, #tpu.memory_space<vmem>>, vector<1x1x16xf32>,
          %swap3A_2073 = vector.shape_cast %swap3A_2072 : vector<1x1x16xf32> to vector<16xf32>
          %swap3A_2074 = vector.shape_cast %mul3A_2067 : vector<16xf32> to vector<1x1x16xf32>
          tpu.vector_store %arg11[%swap3A_2069, %swap3A_2070, %swap3A_2071], %swap3A_2074 {strides = array<i32>} : memref<2x128x128xf32, #tpu.memory_space<vmem>>, vector<1x1x16xf32>,
          %get3A_2075 = arith.constant 0 : i32
          %get3A_2076 = arith.index_cast %get3A_2075 : i32 to index
          %get3A_2077 = arith.index_cast %add3A_2027 : i32 to index
          %get3A_2078 = arith.constant 48 : index
          %get3A_2079 = tpu.vector_load %arg11[%get3A_2076, %get3A_2077, %get3A_2078] {strides = array<i32>} : memref<2x128x128xf32, #tpu.memory_space<vmem>>, vector<1x1x16xf32>,
          %get3A_2080 = vector.shape_cast %get3A_2079 : vector<1x1x16xf32> to vector<16xf32>
          %mul3A_2081 = vector.broadcast %squeeze3A_2029 : f32 to vector<16xf32>
          %mul3A_2082 = arith.mulf %get3A_2080, %mul3A_2081 : vector<16xf32>
          %swap3A_2083 = arith.constant 0 : i32
          %swap3A_2084 = arith.index_cast %swap3A_2083 : i32 to index
          %swap3A_2085 = arith.index_cast %add3A_2027 : i32 to index
          %swap3A_2086 = arith.constant 48 : index
          %swap3A_2087 = tpu.vector_load %arg11[%swap3A_2084, %swap3A_2085, %swap3A_2086] {strides = array<i32>} : memref<2x128x128xf32, #tpu.memory_space<vmem>>, vector<1x1x16xf32>,
          %swap3A_2088 = vector.shape_cast %swap3A_2087 : vector<1x1x16xf32> to vector<16xf32>
          %swap3A_2089 = vector.shape_cast %mul3A_2082 : vector<16xf32> to vector<1x1x16xf32>
          tpu.vector_store %arg11[%swap3A_2084, %swap3A_2085, %swap3A_2086], %swap3A_2089 {strides = array<i32>} : memref<2x128x128xf32, #tpu.memory_space<vmem>>, vector<1x1x16xf32>,
          %get3A_2090 = arith.constant 0 : i32
          %get3A_2091 = arith.index_cast %get3A_2090 : i32 to index
          %get3A_2092 = arith.index_cast %add3A_2027 : i32 to index
          %get3A_2093 = arith.constant 64 : index
          %get3A_2094 = tpu.vector_load %arg11[%get3A_2091, %get3A_2092, %get3A_2093] {strides = array<i32>} : memref<2x128x128xf32, #tpu.memory_space<vmem>>, vector<1x1x16xf32>,
          %get3A_2095 = vector.shape_cast %get3A_2094 : vector<1x1x16xf32> to vector<16xf32>
          %mul3A_2096 = vector.broadcast %squeeze3A_2029 : f32 to vector<16xf32>
          %mul3A_2097 = arith.mulf %get3A_2095, %mul3A_2096 : vector<16xf32>
          %swap3A_2098 = arith.constant 0 : i32
          %swap3A_2099 = arith.index_cast %swap3A_2098 : i32 to index
          %swap3A_2100 = arith.index_cast %add3A_2027 : i32 to index
          %swap3A_2101 = arith.constant 64 : index
          %swap3A_2102 = tpu.vector_load %arg11[%swap3A_2099, %swap3A_2100, %swap3A_2101] {strides = array<i32>} : memref<2x128x128xf32, #tpu.memory_space<vmem>>, vector<1x1x16xf32>,
          %swap3A_2103 = vector.shape_cast %swap3A_2102 : vector<1x1x16xf32> to vector<16xf32>
          %swap3A_2104 = vector.shape_cast %mul3A_2097 : vector<16xf32> to vector<1x1x16xf32>
          tpu.vector_store %arg11[%swap3A_2099, %swap3A_2100, %swap3A_2101], %swap3A_2104 {strides = array<i32>} : memref<2x128x128xf32, #tpu.memory_space<vmem>>, vector<1x1x16xf32>,
          %get3A_2105 = arith.constant 0 : i32
          %get3A_2106 = arith.index_cast %get3A_2105 : i32 to index
          %get3A_2107 = arith.index_cast %add3A_2027 : i32 to index
          %get3A_2108 = arith.constant 80 : index
          %get3A_2109 = tpu.vector_load %arg11[%get3A_2106, %get3A_2107, %get3A_2108] {strides = array<i32>} : memref<2x128x128xf32, #tpu.memory_space<vmem>>, vector<1x1x16xf32>,
          %get3A_2110 = vector.shape_cast %get3A_2109 : vector<1x1x16xf32> to vector<16xf32>
          %mul3A_2111 = vector.broadcast %squeeze3A_2029 : f32 to vector<16xf32>
          %mul3A_2112 = arith.mulf %get3A_2110, %mul3A_2111 : vector<16xf32>
          %swap3A_2113 = arith.constant 0 : i32
          %swap3A_2114 = arith.index_cast %swap3A_2113 : i32 to index
          %swap3A_2115 = arith.index_cast %add3A_2027 : i32 to index
          %swap3A_2116 = arith.constant 80 : index
          %swap3A_2117 = tpu.vector_load %arg11[%swap3A_2114, %swap3A_2115, %swap3A_2116] {strides = array<i32>} : memref<2x128x128xf32, #tpu.memory_space<vmem>>, vector<1x1x16xf32>,
          %swap3A_2118 = vector.shape_cast %swap3A_2117 : vector<1x1x16xf32> to vector<16xf32>
          %swap3A_2119 = vector.shape_cast %mul3A_2112 : vector<16xf32> to vector<1x1x16xf32>
          tpu.vector_store %arg11[%swap3A_2114, %swap3A_2115, %swap3A_2116], %swap3A_2119 {strides = array<i32>} : memref<2x128x128xf32, #tpu.memory_space<vmem>>, vector<1x1x16xf32>,
          %get3A_2120 = arith.constant 0 : i32
          %get3A_2121 = arith.index_cast %get3A_2120 : i32 to index
          %get3A_2122 = arith.index_cast %add3A_2027 : i32 to index
          %get3A_2123 = arith.constant 96 : index
          %get3A_2124 = tpu.vector_load %arg11[%get3A_2121, %get3A_2122, %get3A_2123] {strides = array<i32>} : memref<2x128x128xf32, #tpu.memory_space<vmem>>, vector<1x1x16xf32>,
          %get3A_2125 = vector.shape_cast %get3A_2124 : vector<1x1x16xf32> to vector<16xf32>
          %mul3A_2126 = vector.broadcast %squeeze3A_2029 : f32 to vector<16xf32>
          %mul3A_2127 = arith.mulf %get3A_2125, %mul3A_2126 : vector<16xf32>
          %swap3A_2128 = arith.constant 0 : i32
          %swap3A_2129 = arith.index_cast %swap3A_2128 : i32 to index
          %swap3A_2130 = arith.index_cast %add3A_2027 : i32 to index
          %swap3A_2131 = arith.constant 96 : index
          %swap3A_2132 = tpu.vector_load %arg11[%swap3A_2129, %swap3A_2130, %swap3A_2131] {strides = array<i32>} : memref<2x128x128xf32, #tpu.memory_space<vmem>>, vector<1x1x16xf32>,
          %swap3A_2133 = vector.shape_cast %swap3A_2132 : vector<1x1x16xf32> to vector<16xf32>
          %swap3A_2134 = vector.shape_cast %mul3A_2127 : vector<16xf32> to vector<1x1x16xf32>
          tpu.vector_store %arg11[%swap3A_2129, %swap3A_2130, %swap3A_2131], %swap3A_2134 {strides = array<i32>} : memref<2x128x128xf32, #tpu.memory_space<vmem>>, vector<1x1x16xf32>,
          %get3A_2135 = arith.constant 0 : i32
          %get3A_2136 = arith.index_cast %get3A_2135 : i32 to index
          %get3A_2137 = arith.index_cast %add3A_2027 : i32 to index
          %get3A_2138 = arith.constant 112 : index
          %get3A_2139 = tpu.vector_load %arg11[%get3A_2136, %get3A_2137, %get3A_2138] {strides = array<i32>} : memref<2x128x128xf32, #tpu.memory_space<vmem>>, vector<1x1x16xf32>,
          %get3A_2140 = vector.shape_cast %get3A_2139 : vector<1x1x16xf32> to vector<16xf32>
          %mul3A_2141 = vector.broadcast %squeeze3A_2029 : f32 to vector<16xf32>
          %mul3A_2142 = arith.mulf %get3A_2140, %mul3A_2141 : vector<16xf32>
          %swap3A_2143 = arith.constant 0 : i32
          %swap3A_2144 = arith.index_cast %swap3A_2143 : i32 to index
          %swap3A_2145 = arith.index_cast %add3A_2027 : i32 to index
          %swap3A_2146 = arith.constant 112 : index
          %swap3A_2147 = tpu.vector_load %arg11[%swap3A_2144, %swap3A_2145, %swap3A_2146] {strides = array<i32>} : memref<2x128x128xf32, #tpu.memory_space<vmem>>, vector<1x1x16xf32>,
          %swap3A_2148 = vector.shape_cast %swap3A_2147 : vector<1x1x16xf32> to vector<16xf32>
          %swap3A_2149 = vector.shape_cast %mul3A_2142 : vector<16xf32> to vector<1x1x16xf32>
          tpu.vector_store %arg11[%swap3A_2144, %swap3A_2145, %swap3A_2146], %swap3A_2149 {strides = array<i32>} : memref<2x128x128xf32, #tpu.memory_space<vmem>>, vector<1x1x16xf32>,
        }
        %scan3A_76 = arith.constant 8 : i32
        %dma_start3A_77 = arith.constant 0 : i32
        %dma_start3A_78 = arith.constant 0 : i32
        %dma_start3A_79 = arith.constant 0 : i32
        %dma_start3A_80 = tpu.memref_slice %arg11[%dma_start3A_77, %dma_start3A_78, %dma_start3A_79] : memref<2x128x128xf32, #tpu.memory_space<vmem>> -> memref<1x128x128xf32, #tpu.memory_space<vmem>>
        %dma_start3A_81 = tpu.memref_squeeze %dma_start3A_80 : memref<1x128x128xf32, #tpu.memory_space<vmem>> -> memref<128x128xf32, #tpu.memory_space<vmem>>
        %dma_start3A_82 = arith.constant 0 : i32
        %dma_start3A_83 = tpu.memref_slice %arg9[%add3A_44, %dma_start3A_82] : memref<20x128xi32, #tpu.memory_space<vmem>> -> memref<1x128xi32, #tpu.memory_space<vmem>>
        %dma_start3A_84 = tpu.memref_squeeze %dma_start3A_83 : memref<1x128xi32, #tpu.memory_space<vmem>> -> memref<128xi32, #tpu.memory_space<vmem>>
        %dma_start3A_85 = arith.constant 0 : i32
        %dma_start3A_86 = arith.constant 0 : i32
        %dma_start3A_87 = tpu.memref_slice %arg12[%dma_start3A_85, %dma_start3A_86] : memref<10240x128xf32, #tpu.memory_space<vmem_shared>> -> memref<10240x128xf32, #tpu.memory_space<vmem_shared>>
        tpu.enqueue_indirect_dma source(%dma_start3A_81 : memref<128x128xf32, #tpu.memory_space<vmem>>) target(%dma_start3A_87 : memref<10240x128xf32, #tpu.memory_space<vmem_shared>>) offsets(%dma_start3A_84 : memref<128xi32, #tpu.memory_space<vmem>>) semaphore(%arg15 : memref<!tpu.dma_semaphore, #tpu.memory_space<semaphore_mem>>) {add = true}
        %dma_wait3A_88 = arith.constant 1 : i32
        %dma_wait3A_89 = arith.constant 0 : i32
        %dma_wait3A_90 = arith.constant 0 : i32
        %dma_wait3A_91 = tpu.memref_slice %arg11[%dma_wait3A_88, %dma_wait3A_89, %dma_wait3A_90] : memref<2x128x128xf32, #tpu.memory_space<vmem>> -> memref<1x128x128xf32, #tpu.memory_space<vmem>>
        %dma_wait3A_92 = tpu.memref_squeeze %dma_wait3A_91 : memref<1x128x128xf32, #tpu.memory_space<vmem>> -> memref<128x128xf32, #tpu.memory_space<vmem>>
        %dma_wait3A_93 = arith.constant 0 : i32
        %dma_wait3A_94 = tpu.memref_slice %arg8[%add3A_46, %dma_wait3A_93] : memref<20x128xi32, #tpu.memory_space<vmem>> -> memref<1x128xi32, #tpu.memory_space<vmem>>
        %dma_wait3A_95 = tpu.memref_squeeze %dma_wait3A_94 : memref<1x128xi32, #tpu.memory_space<vmem>> -> memref<128xi32, #tpu.memory_space<vmem>>
        %dma_wait3A_96 = arith.constant 0 : i32
        %dma_wait3A_97 = arith.constant 0 : i32
        %dma_wait3A_98 = tpu.memref_slice %arg2[%dma_wait3A_96, %dma_wait3A_97] : memref<10000x128xf32, #tpu.memory_space<hbm>> -> memref<10000x128xf32, #tpu.memory_space<hbm>>
        tpu.wait_indirect_dma semaphore(%arg14 : memref<!tpu.dma_semaphore, #tpu.memory_space<semaphore_mem>>) src(%dma_wait3A_98 : memref<10000x128xf32, #tpu.memory_space<hbm>>) dst(%dma_wait3A_92 : memref<128x128xf32, #tpu.memory_space<vmem>>)
        %dma_wait3A_99 = arith.constant 0 : i32
        %dma_wait3A_100 = arith.constant 0 : i32
        %dma_wait3A_101 = arith.constant 0 : i32
        %dma_wait3A_102 = tpu.memref_slice %arg11[%dma_wait3A_99, %dma_wait3A_100, %dma_wait3A_101] : memref<2x128x128xf32, #tpu.memory_space<vmem>> -> memref<1x128x128xf32, #tpu.memory_space<vmem>>
        %dma_wait3A_103 = tpu.memref_squeeze %dma_wait3A_102 : memref<1x128x128xf32, #tpu.memory_space<vmem>> -> memref<128x128xf32, #tpu.memory_space<vmem>>
        %dma_wait3A_104 = arith.constant 0 : i32
        %dma_wait3A_105 = tpu.memref_slice %arg9[%add3A_44, %dma_wait3A_104] : memref<20x128xi32, #tpu.memory_space<vmem>> -> memref<1x128xi32, #tpu.memory_space<vmem>>
        %dma_wait3A_106 = tpu.memref_squeeze %dma_wait3A_105 : memref<1x128xi32, #tpu.memory_space<vmem>> -> memref<128xi32, #tpu.memory_space<vmem>>
        %dma_wait3A_107 = arith.constant 0 : i32
        %dma_wait3A_108 = arith.constant 0 : i32
        %dma_wait3A_109 = tpu.memref_slice %arg12[%dma_wait3A_107, %dma_wait3A_108] : memref<10240x128xf32, #tpu.memory_space<vmem_shared>> -> memref<10240x128xf32, #tpu.memory_space<vmem_shared>>
        tpu.wait_indirect_dma semaphore(%arg15 : memref<!tpu.dma_semaphore, #tpu.memory_space<semaphore_mem>>) src(%dma_wait3A_103 : memref<128x128xf32, #tpu.memory_space<vmem>>) dst(%dma_wait3A_109 : memref<10240x128xf32, #tpu.memory_space<vmem_shared>>)
        %lt3A = arith.constant 19 : i32
        %lt3A_110 = arith.cmpi slt, %add3A_46, %lt3A : i32
        %convert_element_type3A_111 = arith.extui %lt3A_110 : i1 to i32
        %cond3A_112 = arith.constant 0 : i32
        %cond3A_113 = arith.cmpi ne, %convert_element_type3A_111, %cond3A_112 : i32
        scf.if %cond3A_113 {
          %add3A_131 = arith.constant 2 : i32
          %add3A_132 = arith.addi %add3A_44, %add3A_131 : i32
          %dma_start3A_133 = arith.constant 0 : i32
          %dma_start3A_134 = arith.constant 0 : i32
          %dma_start3A_135 = arith.constant 0 : i32
          %dma_start3A_136 = tpu.memref_slice %arg11[%dma_start3A_133, %dma_start3A_134, %dma_start3A_135] : memref<2x128x128xf32, #tpu.memory_space<vmem>> -> memref<1x128x128xf32, #tpu.memory_space<vmem>>
          %dma_start3A_137 = tpu.memref_squeeze %dma_start3A_136 : memref<1x128x128xf32, #tpu.memory_space<vmem>> -> memref<128x128xf32, #tpu.memory_space<vmem>>
          %dma_start3A_138 = arith.constant 0 : i32
          %dma_start3A_139 = tpu.memref_slice %arg8[%add3A_132, %dma_start3A_138] : memref<20x128xi32, #tpu.memory_space<vmem>> -> memref<1x128xi32, #tpu.memory_space<vmem>>
          %dma_start3A_140 = tpu.memref_squeeze %dma_start3A_139 : memref<1x128xi32, #tpu.memory_space<vmem>> -> memref<128xi32, #tpu.memory_space<vmem>>
          %dma_start3A_141 = arith.constant 0 : i32
          %dma_start3A_142 = arith.constant 0 : i32
          %dma_start3A_143 = tpu.memref_slice %arg2[%dma_start3A_141, %dma_start3A_142] : memref<10000x128xf32, #tpu.memory_space<hbm>> -> memref<10000x128xf32, #tpu.memory_space<hbm>>
          tpu.enqueue_indirect_dma source(%dma_start3A_143 : memref<10000x128xf32, #tpu.memory_space<hbm>>) target(%dma_start3A_137 : memref<128x128xf32, #tpu.memory_space<vmem>>) offsets(%dma_start3A_140 : memref<128xi32, #tpu.memory_space<vmem>>) semaphore(%arg13 : memref<!tpu.dma_semaphore, #tpu.memory_space<semaphore_mem>>)
        } else {
        }
        %scan3A_114 = arith.constant 0 : i32
        %scan3A_115 = arith.constant 0 : i32
        %scan3A_116 = arith.constant 8 : i32
        %scan3A_117 = arith.addi %scan3A_115, %scan3A_116 : i32
        %scan3A_118 = arith.constant 1 : i32
        scf.for %scan3A_131 = %scan3A_115 to %scan3A_117 step %scan3A_118  : i32 {
          %mul3A_132 = arith.constant 16 : i32
          %mul3A_133 = arith.muli %scan3A_131, %mul3A_132 : i32
          %get3A = arith.index_cast %add3A_46 : i32 to index
          %get3A_134 = arith.index_cast %mul3A_133 : i32 to index
          %get3A_135 = tpu.vector_load %arg10[%get3A, %get3A_134] {strides = array<i32>} : memref<20x128xf32, #tpu.memory_space<vmem>>, vector<1x16xf32>,
          %get3A_136 = vector.shape_cast %get3A_135 : vector<1x16xf32> to vector<16xf32>
          %mul3A_137 = arith.constant 16 : i32
          %mul3A_138 = arith.muli %scan3A_131, %mul3A_137 : i32
          %add3A_139 = arith.constant 0 : i32
          %add3A_140 = arith.addi %mul3A_138, %add3A_139 : i32
          %slice3A = vector.extract_strided_slice %get3A_136 {offsets = [0], sizes = [1], strides = [1]} : vector<16xf32> to vector<1xf32>
          %squeeze3A = vector.extract %slice3A[0] : f32 from vector<1xf32>
          %get3A_141 = arith.constant 1 : i32
          %get3A_142 = arith.index_cast %get3A_141 : i32 to index
          %get3A_143 = arith.index_cast %add3A_140 : i32 to index
          %get3A_144 = arith.constant 0 : index
          %get3A_145 = tpu.vector_load %arg11[%get3A_142, %get3A_143, %get3A_144] {strides = array<i32>} : memref<2x128x128xf32, #tpu.memory_space<vmem>>, vector<1x1x16xf32>,
          %get3A_146 = vector.shape_cast %get3A_145 : vector<1x1x16xf32> to vector<16xf32>
          %mul3A_147 = vector.broadcast %squeeze3A : f32 to vector<16xf32>
          %mul3A_148 = arith.mulf %get3A_146, %mul3A_147 : vector<16xf32>
          %swap3A = arith.constant 1 : i32
          %swap3A_149 = arith.index_cast %swap3A : i32 to index
          %swap3A_150 = arith.index_cast %add3A_140 : i32 to index
          %swap3A_151 = arith.constant 0 : index
          %swap3A_152 = tpu.vector_load %arg11[%swap3A_149, %swap3A_150, %swap3A_151] {strides = array<i32>} : memref<2x128x128xf32, #tpu.memory_space<vmem>>, vector<1x1x16xf32>,
          %swap3A_153 = vector.shape_cast %swap3A_152 : vector<1x1x16xf32> to vector<16xf32>
          %swap3A_154 = vector.shape_cast %mul3A_148 : vector<16xf32> to vector<1x1x16xf32>
          tpu.vector_store %arg11[%swap3A_149, %swap3A_150, %swap3A_151], %swap3A_154 {strides = array<i32>} : memref<2x128x128xf32, #tpu.memory_space<vmem>>, vector<1x1x16xf32>,
          %get3A_155 = arith.constant 1 : i32
          %get3A_156 = arith.index_cast %get3A_155 : i32 to index
          %get3A_157 = arith.index_cast %add3A_140 : i32 to index
          %get3A_158 = arith.constant 16 : index
          %get3A_159 = tpu.vector_load %arg11[%get3A_156, %get3A_157, %get3A_158] {strides = array<i32>} : memref<2x128x128xf32, #tpu.memory_space<vmem>>, vector<1x1x16xf32>,
          %get3A_160 = vector.shape_cast %get3A_159 : vector<1x1x16xf32> to vector<16xf32>
          %mul3A_161 = vector.broadcast %squeeze3A : f32 to vector<16xf32>
          %mul3A_162 = arith.mulf %get3A_160, %mul3A_161 : vector<16xf32>
          %swap3A_163 = arith.constant 1 : i32
          %swap3A_164 = arith.index_cast %swap3A_163 : i32 to index
          %swap3A_165 = arith.index_cast %add3A_140 : i32 to index
          %swap3A_166 = arith.constant 16 : index
          %swap3A_167 = tpu.vector_load %arg11[%swap3A_164, %swap3A_165, %swap3A_166] {strides = array<i32>} : memref<2x128x128xf32, #tpu.memory_space<vmem>>, vector<1x1x16xf32>,
          %swap3A_168 = vector.shape_cast %swap3A_167 : vector<1x1x16xf32> to vector<16xf32>
          %swap3A_169 = vector.shape_cast %mul3A_162 : vector<16xf32> to vector<1x1x16xf32>
          tpu.vector_store %arg11[%swap3A_164, %swap3A_165, %swap3A_166], %swap3A_169 {strides = array<i32>} : memref<2x128x128xf32, #tpu.memory_space<vmem>>, vector<1x1x16xf32>,
          %get3A_170 = arith.constant 1 : i32
          %get3A_171 = arith.index_cast %get3A_170 : i32 to index
          %get3A_172 = arith.index_cast %add3A_140 : i32 to index
          %get3A_173 = arith.constant 32 : index
          %get3A_174 = tpu.vector_load %arg11[%get3A_171, %get3A_172, %get3A_173] {strides = array<i32>} : memref<2x128x128xf32, #tpu.memory_space<vmem>>, vector<1x1x16xf32>,
          %get3A_175 = vector.shape_cast %get3A_174 : vector<1x1x16xf32> to vector<16xf32>
          %mul3A_176 = vector.broadcast %squeeze3A : f32 to vector<16xf32>
          %mul3A_177 = arith.mulf %get3A_175, %mul3A_176 : vector<16xf32>
          %swap3A_178 = arith.constant 1 : i32
          %swap3A_179 = arith.index_cast %swap3A_178 : i32 to index
          %swap3A_180 = arith.index_cast %add3A_140 : i32 to index
          %swap3A_181 = arith.constant 32 : index
          %swap3A_182 = tpu.vector_load %arg11[%swap3A_179, %swap3A_180, %swap3A_181] {strides = array<i32>} : memref<2x128x128xf32, #tpu.memory_space<vmem>>, vector<1x1x16xf32>,
          %swap3A_183 = vector.shape_cast %swap3A_182 : vector<1x1x16xf32> to vector<16xf32>
          %swap3A_184 = vector.shape_cast %mul3A_177 : vector<16xf32> to vector<1x1x16xf32>
          tpu.vector_store %arg11[%swap3A_179, %swap3A_180, %swap3A_181], %swap3A_184 {strides = array<i32>} : memref<2x128x128xf32, #tpu.memory_space<vmem>>, vector<1x1x16xf32>,
          %get3A_185 = arith.constant 1 : i32
          %get3A_186 = arith.index_cast %get3A_185 : i32 to index
          %get3A_187 = arith.index_cast %add3A_140 : i32 to index
          %get3A_188 = arith.constant 48 : index
          %get3A_189 = tpu.vector_load %arg11[%get3A_186, %get3A_187, %get3A_188] {strides = array<i32>} : memref<2x128x128xf32, #tpu.memory_space<vmem>>, vector<1x1x16xf32>,
          %get3A_190 = vector.shape_cast %get3A_189 : vector<1x1x16xf32> to vector<16xf32>
          %mul3A_191 = vector.broadcast %squeeze3A : f32 to vector<16xf32>
          %mul3A_192 = arith.mulf %get3A_190, %mul3A_191 : vector<16xf32>
          %swap3A_193 = arith.constant 1 : i32
          %swap3A_194 = arith.index_cast %swap3A_193 : i32 to index
          %swap3A_195 = arith.index_cast %add3A_140 : i32 to index
          %swap3A_196 = arith.constant 48 : index
          %swap3A_197 = tpu.vector_load %arg11[%swap3A_194, %swap3A_195, %swap3A_196] {strides = array<i32>} : memref<2x128x128xf32, #tpu.memory_space<vmem>>, vector<1x1x16xf32>,
          %swap3A_198 = vector.shape_cast %swap3A_197 : vector<1x1x16xf32> to vector<16xf32>
          %swap3A_199 = vector.shape_cast %mul3A_192 : vector<16xf32> to vector<1x1x16xf32>
          tpu.vector_store %arg11[%swap3A_194, %swap3A_195, %swap3A_196], %swap3A_199 {strides = array<i32>} : memref<2x128x128xf32, #tpu.memory_space<vmem>>, vector<1x1x16xf32>,
          %get3A_200 = arith.constant 1 : i32
          %get3A_201 = arith.index_cast %get3A_200 : i32 to index
          %get3A_202 = arith.index_cast %add3A_140 : i32 to index
          %get3A_203 = arith.constant 64 : index
          %get3A_204 = tpu.vector_load %arg11[%get3A_201, %get3A_202, %get3A_203] {strides = array<i32>} : memref<2x128x128xf32, #tpu.memory_space<vmem>>, vector<1x1x16xf32>,
          %get3A_205 = vector.shape_cast %get3A_204 : vector<1x1x16xf32> to vector<16xf32>
          %mul3A_206 = vector.broadcast %squeeze3A : f32 to vector<16xf32>
          %mul3A_207 = arith.mulf %get3A_205, %mul3A_206 : vector<16xf32>
          %swap3A_208 = arith.constant 1 : i32
          %swap3A_209 = arith.index_cast %swap3A_208 : i32 to index
          %swap3A_210 = arith.index_cast %add3A_140 : i32 to index
          %swap3A_211 = arith.constant 64 : index
          %swap3A_212 = tpu.vector_load %arg11[%swap3A_209, %swap3A_210, %swap3A_211] {strides = array<i32>} : memref<2x128x128xf32, #tpu.memory_space<vmem>>, vector<1x1x16xf32>,
          %swap3A_213 = vector.shape_cast %swap3A_212 : vector<1x1x16xf32> to vector<16xf32>
          %swap3A_214 = vector.shape_cast %mul3A_207 : vector<16xf32> to vector<1x1x16xf32>
          tpu.vector_store %arg11[%swap3A_209, %swap3A_210, %swap3A_211], %swap3A_214 {strides = array<i32>} : memref<2x128x128xf32, #tpu.memory_space<vmem>>, vector<1x1x16xf32>,
          %get3A_215 = arith.constant 1 : i32
          %get3A_216 = arith.index_cast %get3A_215 : i32 to index
          %get3A_217 = arith.index_cast %add3A_140 : i32 to index
          %get3A_218 = arith.constant 80 : index
          %get3A_219 = tpu.vector_load %arg11[%get3A_216, %get3A_217, %get3A_218] {strides = array<i32>} : memref<2x128x128xf32, #tpu.memory_space<vmem>>, vector<1x1x16xf32>,
          %get3A_220 = vector.shape_cast %get3A_219 : vector<1x1x16xf32> to vector<16xf32>
          %mul3A_221 = vector.broadcast %squeeze3A : f32 to vector<16xf32>
          %mul3A_222 = arith.mulf %get3A_220, %mul3A_221 : vector<16xf32>
          %swap3A_223 = arith.constant 1 : i32
          %swap3A_224 = arith.index_cast %swap3A_223 : i32 to index
          %swap3A_225 = arith.index_cast %add3A_140 : i32 to index
          %swap3A_226 = arith.constant 80 : index
          %swap3A_227 = tpu.vector_load %arg11[%swap3A_224, %swap3A_225, %swap3A_226] {strides = array<i32>} : memref<2x128x128xf32, #tpu.memory_space<vmem>>, vector<1x1x16xf32>,
          %swap3A_228 = vector.shape_cast %swap3A_227 : vector<1x1x16xf32> to vector<16xf32>
          %swap3A_229 = vector.shape_cast %mul3A_222 : vector<16xf32> to vector<1x1x16xf32>
          tpu.vector_store %arg11[%swap3A_224, %swap3A_225, %swap3A_226], %swap3A_229 {strides = array<i32>} : memref<2x128x128xf32, #tpu.memory_space<vmem>>, vector<1x1x16xf32>,
          %get3A_230 = arith.constant 1 : i32
          %get3A_231 = arith.index_cast %get3A_230 : i32 to index
          %get3A_232 = arith.index_cast %add3A_140 : i32 to index
          %get3A_233 = arith.constant 96 : index
          %get3A_234 = tpu.vector_load %arg11[%get3A_231, %get3A_232, %get3A_233] {strides = array<i32>} : memref<2x128x128xf32, #tpu.memory_space<vmem>>, vector<1x1x16xf32>,
          %get3A_235 = vector.shape_cast %get3A_234 : vector<1x1x16xf32> to vector<16xf32>
          %mul3A_236 = vector.broadcast %squeeze3A : f32 to vector<16xf32>
          %mul3A_237 = arith.mulf %get3A_235, %mul3A_236 : vector<16xf32>
          %swap3A_238 = arith.constant 1 : i32
          %swap3A_239 = arith.index_cast %swap3A_238 : i32 to index
          %swap3A_240 = arith.index_cast %add3A_140 : i32 to index
          %swap3A_241 = arith.constant 96 : index
          %swap3A_242 = tpu.vector_load %arg11[%swap3A_239, %swap3A_240, %swap3A_241] {strides = array<i32>} : memref<2x128x128xf32, #tpu.memory_space<vmem>>, vector<1x1x16xf32>,
          %swap3A_243 = vector.shape_cast %swap3A_242 : vector<1x1x16xf32> to vector<16xf32>
          %swap3A_244 = vector.shape_cast %mul3A_237 : vector<16xf32> to vector<1x1x16xf32>
          tpu.vector_store %arg11[%swap3A_239, %swap3A_240, %swap3A_241], %swap3A_244 {strides = array<i32>} : memref<2x128x128xf32, #tpu.memory_space<vmem>>, vector<1x1x16xf32>,
          %get3A_245 = arith.constant 1 : i32
          %get3A_246 = arith.index_cast %get3A_245 : i32 to index
          %get3A_247 = arith.index_cast %add3A_140 : i32 to index
          %get3A_248 = arith.constant 112 : index
          %get3A_249 = tpu.vector_load %arg11[%get3A_246, %get3A_247, %get3A_248] {strides = array<i32>} : memref<2x128x128xf32, #tpu.memory_space<vmem>>, vector<1x1x16xf32>,
          %get3A_250 = vector.shape_cast %get3A_249 : vector<1x1x16xf32> to vector<16xf32>
          %mul3A_251 = vector.broadcast %squeeze3A : f32 to vector<16xf32>
          %mul3A_252 = arith.mulf %get3A_250, %mul3A_251 : vector<16xf32>
          %swap3A_253 = arith.constant 1 : i32
          %swap3A_254 = arith.index_cast %swap3A_253 : i32 to index
          %swap3A_255 = arith.index_cast %add3A_140 : i32 to index
          %swap3A_256 = arith.constant 112 : index
          %swap3A_257 = tpu.vector_load %arg11[%swap3A_254, %swap3A_255, %swap3A_256] {strides = array<i32>} : memref<2x128x128xf32, #tpu.memory_space<vmem>>, vector<1x1x16xf32>,
          %swap3A_258 = vector.shape_cast %swap3A_257 : vector<1x1x16xf32> to vector<16xf32>
          %swap3A_259 = vector.shape_cast %mul3A_252 : vector<16xf32> to vector<1x1x16xf32>
          tpu.vector_store %arg11[%swap3A_254, %swap3A_255, %swap3A_256], %swap3A_259 {strides = array<i32>} : memref<2x128x128xf32, #tpu.memory_space<vmem>>, vector<1x1x16xf32>,
          %mul3A_260 = arith.constant 16 : i32
          %mul3A_261 = arith.muli %scan3A_131, %mul3A_260 : i32
          %add3A_262 = arith.constant 1 : i32
          %add3A_263 = arith.addi %mul3A_261, %add3A_262 : i32
          %slice3A_264 = vector.extract_strided_slice %get3A_136 {offsets = [1], sizes = [1], strides = [1]} : vector<16xf32> to vector<1xf32>
          %squeeze3A_265 = vector.extract %slice3A_264[0] : f32 from vector<1xf32>
          %get3A_266 = arith.constant 1 : i32
          %get3A_267 = arith.index_cast %get3A_266 : i32 to index
          %get3A_268 = arith.index_cast %add3A_263 : i32 to index
          %get3A_269 = arith.constant 0 : index
          %get3A_270 = tpu.vector_load %arg11[%get3A_267, %get3A_268, %get3A_269] {strides = array<i32>} : memref<2x128x128xf32, #tpu.memory_space<vmem>>, vector<1x1x16xf32>,
          %get3A_271 = vector.shape_cast %get3A_270 : vector<1x1x16xf32> to vector<16xf32>
          %mul3A_272 = vector.broadcast %squeeze3A_265 : f32 to vector<16xf32>
          %mul3A_273 = arith.mulf %get3A_271, %mul3A_272 : vector<16xf32>
          %swap3A_274 = arith.constant 1 : i32
          %swap3A_275 = arith.index_cast %swap3A_274 : i32 to index
          %swap3A_276 = arith.index_cast %add3A_263 : i32 to index
          %swap3A_277 = arith.constant 0 : index
          %swap3A_278 = tpu.vector_load %arg11[%swap3A_275, %swap3A_276, %swap3A_277] {strides = array<i32>} : memref<2x128x128xf32, #tpu.memory_space<vmem>>, vector<1x1x16xf32>,
          %swap3A_279 = vector.shape_cast %swap3A_278 : vector<1x1x16xf32> to vector<16xf32>
          %swap3A_280 = vector.shape_cast %mul3A_273 : vector<16xf32> to vector<1x1x16xf32>
          tpu.vector_store %arg11[%swap3A_275, %swap3A_276, %swap3A_277], %swap3A_280 {strides = array<i32>} : memref<2x128x128xf32, #tpu.memory_space<vmem>>, vector<1x1x16xf32>,
          %get3A_281 = arith.constant 1 : i32
          %get3A_282 = arith.index_cast %get3A_281 : i32 to index
          %get3A_283 = arith.index_cast %add3A_263 : i32 to index
          %get3A_284 = arith.constant 16 : index
          %get3A_285 = tpu.vector_load %arg11[%get3A_282, %get3A_283, %get3A_284] {strides = array<i32>} : memref<2x128x128xf32, #tpu.memory_space<vmem>>, vector<1x1x16xf32>,
          %get3A_286 = vector.shape_cast %get3A_285 : vector<1x1x16xf32> to vector<16xf32>
          %mul3A_287 = vector.broadcast %squeeze3A_265 : f32 to vector<16xf32>
          %mul3A_288 = arith.mulf %get3A_286, %mul3A_287 : vector<16xf32>
          %swap3A_289 = arith.constant 1 : i32
          %swap3A_290 = arith.index_cast %swap3A_289 : i32 to index
          %swap3A_291 = arith.index_cast %add3A_263 : i32 to index
          %swap3A_292 = arith.constant 16 : index
          %swap3A_293 = tpu.vector_load %arg11[%swap3A_290, %swap3A_291, %swap3A_292] {strides = array<i32>} : memref<2x128x128xf32, #tpu.memory_space<vmem>>, vector<1x1x16xf32>,
          %swap3A_294 = vector.shape_cast %swap3A_293 : vector<1x1x16xf32> to vector<16xf32>
          %swap3A_295 = vector.shape_cast %mul3A_288 : vector<16xf32> to vector<1x1x16xf32>
          tpu.vector_store %arg11[%swap3A_290, %swap3A_291, %swap3A_292], %swap3A_295 {strides = array<i32>} : memref<2x128x128xf32, #tpu.memory_space<vmem>>, vector<1x1x16xf32>,
          %get3A_296 = arith.constant 1 : i32
          %get3A_297 = arith.index_cast %get3A_296 : i32 to index
          %get3A_298 = arith.index_cast %add3A_263 : i32 to index
          %get3A_299 = arith.constant 32 : index
          %get3A_300 = tpu.vector_load %arg11[%get3A_297, %get3A_298, %get3A_299] {strides = array<i32>} : memref<2x128x128xf32, #tpu.memory_space<vmem>>, vector<1x1x16xf32>,
          %get3A_301 = vector.shape_cast %get3A_300 : vector<1x1x16xf32> to vector<16xf32>
          %mul3A_302 = vector.broadcast %squeeze3A_265 : f32 to vector<16xf32>
          %mul3A_303 = arith.mulf %get3A_301, %mul3A_302 : vector<16xf32>
          %swap3A_304 = arith.constant 1 : i32
          %swap3A_305 = arith.index_cast %swap3A_304 : i32 to index
          %swap3A_306 = arith.index_cast %add3A_263 : i32 to index
          %swap3A_307 = arith.constant 32 : index
          %swap3A_308 = tpu.vector_load %arg11[%swap3A_305, %swap3A_306, %swap3A_307] {strides = array<i32>} : memref<2x128x128xf32, #tpu.memory_space<vmem>>, vector<1x1x16xf32>,
          %swap3A_309 = vector.shape_cast %swap3A_308 : vector<1x1x16xf32> to vector<16xf32>
          %swap3A_310 = vector.shape_cast %mul3A_303 : vector<16xf32> to vector<1x1x16xf32>
          tpu.vector_store %arg11[%swap3A_305, %swap3A_306, %swap3A_307], %swap3A_310 {strides = array<i32>} : memref<2x128x128xf32, #tpu.memory_space<vmem>>, vector<1x1x16xf32>,
          %get3A_311 = arith.constant 1 : i32
          %get3A_312 = arith.index_cast %get3A_311 : i32 to index
          %get3A_313 = arith.index_cast %add3A_263 : i32 to index
          %get3A_314 = arith.constant 48 : index
          %get3A_315 = tpu.vector_load %arg11[%get3A_312, %get3A_313, %get3A_314] {strides = array<i32>} : memref<2x128x128xf32, #tpu.memory_space<vmem>>, vector<1x1x16xf32>,
          %get3A_316 = vector.shape_cast %get3A_315 : vector<1x1x16xf32> to vector<16xf32>
          %mul3A_317 = vector.broadcast %squeeze3A_265 : f32 to vector<16xf32>
          %mul3A_318 = arith.mulf %get3A_316, %mul3A_317 : vector<16xf32>
          %swap3A_319 = arith.constant 1 : i32
          %swap3A_320 = arith.index_cast %swap3A_319 : i32 to index
          %swap3A_321 = arith.index_cast %add3A_263 : i32 to index
          %swap3A_322 = arith.constant 48 : index
          %swap3A_323 = tpu.vector_load %arg11[%swap3A_320, %swap3A_321, %swap3A_322] {strides = array<i32>} : memref<2x128x128xf32, #tpu.memory_space<vmem>>, vector<1x1x16xf32>,
          %swap3A_324 = vector.shape_cast %swap3A_323 : vector<1x1x16xf32> to vector<16xf32>
          %swap3A_325 = vector.shape_cast %mul3A_318 : vector<16xf32> to vector<1x1x16xf32>
          tpu.vector_store %arg11[%swap3A_320, %swap3A_321, %swap3A_322], %swap3A_325 {strides = array<i32>} : memref<2x128x128xf32, #tpu.memory_space<vmem>>, vector<1x1x16xf32>,
          %get3A_326 = arith.constant 1 : i32
          %get3A_327 = arith.index_cast %get3A_326 : i32 to index
          %get3A_328 = arith.index_cast %add3A_263 : i32 to index
          %get3A_329 = arith.constant 64 : index
          %get3A_330 = tpu.vector_load %arg11[%get3A_327, %get3A_328, %get3A_329] {strides = array<i32>} : memref<2x128x128xf32, #tpu.memory_space<vmem>>, vector<1x1x16xf32>,
          %get3A_331 = vector.shape_cast %get3A_330 : vector<1x1x16xf32> to vector<16xf32>
          %mul3A_332 = vector.broadcast %squeeze3A_265 : f32 to vector<16xf32>
          %mul3A_333 = arith.mulf %get3A_331, %mul3A_332 : vector<16xf32>
          %swap3A_334 = arith.constant 1 : i32
          %swap3A_335 = arith.index_cast %swap3A_334 : i32 to index
          %swap3A_336 = arith.index_cast %add3A_263 : i32 to index
          %swap3A_337 = arith.constant 64 : index
          %swap3A_338 = tpu.vector_load %arg11[%swap3A_335, %swap3A_336, %swap3A_337] {strides = array<i32>} : memref<2x128x128xf32, #tpu.memory_space<vmem>>, vector<1x1x16xf32>,
          %swap3A_339 = vector.shape_cast %swap3A_338 : vector<1x1x16xf32> to vector<16xf32>
          %swap3A_340 = vector.shape_cast %mul3A_333 : vector<16xf32> to vector<1x1x16xf32>
          tpu.vector_store %arg11[%swap3A_335, %swap3A_336, %swap3A_337], %swap3A_340 {strides = array<i32>} : memref<2x128x128xf32, #tpu.memory_space<vmem>>, vector<1x1x16xf32>,
          %get3A_341 = arith.constant 1 : i32
          %get3A_342 = arith.index_cast %get3A_341 : i32 to index
          %get3A_343 = arith.index_cast %add3A_263 : i32 to index
          %get3A_344 = arith.constant 80 : index
          %get3A_345 = tpu.vector_load %arg11[%get3A_342, %get3A_343, %get3A_344] {strides = array<i32>} : memref<2x128x128xf32, #tpu.memory_space<vmem>>, vector<1x1x16xf32>,
          %get3A_346 = vector.shape_cast %get3A_345 : vector<1x1x16xf32> to vector<16xf32>
          %mul3A_347 = vector.broadcast %squeeze3A_265 : f32 to vector<16xf32>
          %mul3A_348 = arith.mulf %get3A_346, %mul3A_347 : vector<16xf32>
          %swap3A_349 = arith.constant 1 : i32
          %swap3A_350 = arith.index_cast %swap3A_349 : i32 to index
          %swap3A_351 = arith.index_cast %add3A_263 : i32 to index
          %swap3A_352 = arith.constant 80 : index
          %swap3A_353 = tpu.vector_load %arg11[%swap3A_350, %swap3A_351, %swap3A_352] {strides = array<i32>} : memref<2x128x128xf32, #tpu.memory_space<vmem>>, vector<1x1x16xf32>,
          %swap3A_354 = vector.shape_cast %swap3A_353 : vector<1x1x16xf32> to vector<16xf32>
          %swap3A_355 = vector.shape_cast %mul3A_348 : vector<16xf32> to vector<1x1x16xf32>
          tpu.vector_store %arg11[%swap3A_350, %swap3A_351, %swap3A_352], %swap3A_355 {strides = array<i32>} : memref<2x128x128xf32, #tpu.memory_space<vmem>>, vector<1x1x16xf32>,
          %get3A_356 = arith.constant 1 : i32
          %get3A_357 = arith.index_cast %get3A_356 : i32 to index
          %get3A_358 = arith.index_cast %add3A_263 : i32 to index
          %get3A_359 = arith.constant 96 : index
          %get3A_360 = tpu.vector_load %arg11[%get3A_357, %get3A_358, %get3A_359] {strides = array<i32>} : memref<2x128x128xf32, #tpu.memory_space<vmem>>, vector<1x1x16xf32>,
          %get3A_361 = vector.shape_cast %get3A_360 : vector<1x1x16xf32> to vector<16xf32>
          %mul3A_362 = vector.broadcast %squeeze3A_265 : f32 to vector<16xf32>
          %mul3A_363 = arith.mulf %get3A_361, %mul3A_362 : vector<16xf32>
          %swap3A_364 = arith.constant 1 : i32
          %swap3A_365 = arith.index_cast %swap3A_364 : i32 to index
          %swap3A_366 = arith.index_cast %add3A_263 : i32 to index
          %swap3A_367 = arith.constant 96 : index
          %swap3A_368 = tpu.vector_load %arg11[%swap3A_365, %swap3A_366, %swap3A_367] {strides = array<i32>} : memref<2x128x128xf32, #tpu.memory_space<vmem>>, vector<1x1x16xf32>,
          %swap3A_369 = vector.shape_cast %swap3A_368 : vector<1x1x16xf32> to vector<16xf32>
          %swap3A_370 = vector.shape_cast %mul3A_363 : vector<16xf32> to vector<1x1x16xf32>
          tpu.vector_store %arg11[%swap3A_365, %swap3A_366, %swap3A_367], %swap3A_370 {strides = array<i32>} : memref<2x128x128xf32, #tpu.memory_space<vmem>>, vector<1x1x16xf32>,
          %get3A_371 = arith.constant 1 : i32
          %get3A_372 = arith.index_cast %get3A_371 : i32 to index
          %get3A_373 = arith.index_cast %add3A_263 : i32 to index
          %get3A_374 = arith.constant 112 : index
          %get3A_375 = tpu.vector_load %arg11[%get3A_372, %get3A_373, %get3A_374] {strides = array<i32>} : memref<2x128x128xf32, #tpu.memory_space<vmem>>, vector<1x1x16xf32>,
          %get3A_376 = vector.shape_cast %get3A_375 : vector<1x1x16xf32> to vector<16xf32>
          %mul3A_377 = vector.broadcast %squeeze3A_265 : f32 to vector<16xf32>
          %mul3A_378 = arith.mulf %get3A_376, %mul3A_377 : vector<16xf32>
          %swap3A_379 = arith.constant 1 : i32
          %swap3A_380 = arith.index_cast %swap3A_379 : i32 to index
          %swap3A_381 = arith.index_cast %add3A_263 : i32 to index
          %swap3A_382 = arith.constant 112 : index
          %swap3A_383 = tpu.vector_load %arg11[%swap3A_380, %swap3A_381, %swap3A_382] {strides = array<i32>} : memref<2x128x128xf32, #tpu.memory_space<vmem>>, vector<1x1x16xf32>,
          %swap3A_384 = vector.shape_cast %swap3A_383 : vector<1x1x16xf32> to vector<16xf32>
          %swap3A_385 = vector.shape_cast %mul3A_378 : vector<16xf32> to vector<1x1x16xf32>
          tpu.vector_store %arg11[%swap3A_380, %swap3A_381, %swap3A_382], %swap3A_385 {strides = array<i32>} : memref<2x128x128xf32, #tpu.memory_space<vmem>>, vector<1x1x16xf32>,
          %mul3A_386 = arith.constant 16 : i32
          %mul3A_387 = arith.muli %scan3A_131, %mul3A_386 : i32
          %add3A_388 = arith.constant 2 : i32
          %add3A_389 = arith.addi %mul3A_387, %add3A_388 : i32
          %slice3A_390 = vector.extract_strided_slice %get3A_136 {offsets = [2], sizes = [1], strides = [1]} : vector<16xf32> to vector<1xf32>
          %squeeze3A_391 = vector.extract %slice3A_390[0] : f32 from vector<1xf32>
          %get3A_392 = arith.constant 1 : i32
          %get3A_393 = arith.index_cast %get3A_392 : i32 to index
          %get3A_394 = arith.index_cast %add3A_389 : i32 to index
          %get3A_395 = arith.constant 0 : index
          %get3A_396 = tpu.vector_load %arg11[%get3A_393, %get3A_394, %get3A_395] {strides = array<i32>} : memref<2x128x128xf32, #tpu.memory_space<vmem>>, vector<1x1x16xf32>,
          %get3A_397 = vector.shape_cast %get3A_396 : vector<1x1x16xf32> to vector<16xf32>
          %mul3A_398 = vector.broadcast %squeeze3A_391 : f32 to vector<16xf32>
          %mul3A_399 = arith.mulf %get3A_397, %mul3A_398 : vector<16xf32>
          %swap3A_400 = arith.constant 1 : i32
          %swap3A_401 = arith.index_cast %swap3A_400 : i32 to index
          %swap3A_402 = arith.index_cast %add3A_389 : i32 to index
          %swap3A_403 = arith.constant 0 : index
          %swap3A_404 = tpu.vector_load %arg11[%swap3A_401, %swap3A_402, %swap3A_403] {strides = array<i32>} : memref<2x128x128xf32, #tpu.memory_space<vmem>>, vector<1x1x16xf32>,
          %swap3A_405 = vector.shape_cast %swap3A_404 : vector<1x1x16xf32> to vector<16xf32>
          %swap3A_406 = vector.shape_cast %mul3A_399 : vector<16xf32> to vector<1x1x16xf32>
          tpu.vector_store %arg11[%swap3A_401, %swap3A_402, %swap3A_403], %swap3A_406 {strides = array<i32>} : memref<2x128x128xf32, #tpu.memory_space<vmem>>, vector<1x1x16xf32>,
          %get3A_407 = arith.constant 1 : i32
          %get3A_408 = arith.index_cast %get3A_407 : i32 to index
          %get3A_409 = arith.index_cast %add3A_389 : i32 to index
          %get3A_410 = arith.constant 16 : index
          %get3A_411 = tpu.vector_load %arg11[%get3A_408, %get3A_409, %get3A_410] {strides = array<i32>} : memref<2x128x128xf32, #tpu.memory_space<vmem>>, vector<1x1x16xf32>,
          %get3A_412 = vector.shape_cast %get3A_411 : vector<1x1x16xf32> to vector<16xf32>
          %mul3A_413 = vector.broadcast %squeeze3A_391 : f32 to vector<16xf32>
          %mul3A_414 = arith.mulf %get3A_412, %mul3A_413 : vector<16xf32>
          %swap3A_415 = arith.constant 1 : i32
          %swap3A_416 = arith.index_cast %swap3A_415 : i32 to index
          %swap3A_417 = arith.index_cast %add3A_389 : i32 to index
          %swap3A_418 = arith.constant 16 : index
          %swap3A_419 = tpu.vector_load %arg11[%swap3A_416, %swap3A_417, %swap3A_418] {strides = array<i32>} : memref<2x128x128xf32, #tpu.memory_space<vmem>>, vector<1x1x16xf32>,
          %swap3A_420 = vector.shape_cast %swap3A_419 : vector<1x1x16xf32> to vector<16xf32>
          %swap3A_421 = vector.shape_cast %mul3A_414 : vector<16xf32> to vector<1x1x16xf32>
          tpu.vector_store %arg11[%swap3A_416, %swap3A_417, %swap3A_418], %swap3A_421 {strides = array<i32>} : memref<2x128x128xf32, #tpu.memory_space<vmem>>, vector<1x1x16xf32>,
          %get3A_422 = arith.constant 1 : i32
          %get3A_423 = arith.index_cast %get3A_422 : i32 to index
          %get3A_424 = arith.index_cast %add3A_389 : i32 to index
          %get3A_425 = arith.constant 32 : index
          %get3A_426 = tpu.vector_load %arg11[%get3A_423, %get3A_424, %get3A_425] {strides = array<i32>} : memref<2x128x128xf32, #tpu.memory_space<vmem>>, vector<1x1x16xf32>,
          %get3A_427 = vector.shape_cast %get3A_426 : vector<1x1x16xf32> to vector<16xf32>
          %mul3A_428 = vector.broadcast %squeeze3A_391 : f32 to vector<16xf32>
          %mul3A_429 = arith.mulf %get3A_427, %mul3A_428 : vector<16xf32>
          %swap3A_430 = arith.constant 1 : i32
          %swap3A_431 = arith.index_cast %swap3A_430 : i32 to index
          %swap3A_432 = arith.index_cast %add3A_389 : i32 to index
          %swap3A_433 = arith.constant 32 : index
          %swap3A_434 = tpu.vector_load %arg11[%swap3A_431, %swap3A_432, %swap3A_433] {strides = array<i32>} : memref<2x128x128xf32, #tpu.memory_space<vmem>>, vector<1x1x16xf32>,
          %swap3A_435 = vector.shape_cast %swap3A_434 : vector<1x1x16xf32> to vector<16xf32>
          %swap3A_436 = vector.shape_cast %mul3A_429 : vector<16xf32> to vector<1x1x16xf32>
          tpu.vector_store %arg11[%swap3A_431, %swap3A_432, %swap3A_433], %swap3A_436 {strides = array<i32>} : memref<2x128x128xf32, #tpu.memory_space<vmem>>, vector<1x1x16xf32>,
          %get3A_437 = arith.constant 1 : i32
          %get3A_438 = arith.index_cast %get3A_437 : i32 to index
          %get3A_439 = arith.index_cast %add3A_389 : i32 to index
          %get3A_440 = arith.constant 48 : index
          %get3A_441 = tpu.vector_load %arg11[%get3A_438, %get3A_439, %get3A_440] {strides = array<i32>} : memref<2x128x128xf32, #tpu.memory_space<vmem>>, vector<1x1x16xf32>,
          %get3A_442 = vector.shape_cast %get3A_441 : vector<1x1x16xf32> to vector<16xf32>
          %mul3A_443 = vector.broadcast %squeeze3A_391 : f32 to vector<16xf32>
          %mul3A_444 = arith.mulf %get3A_442, %mul3A_443 : vector<16xf32>
          %swap3A_445 = arith.constant 1 : i32
          %swap3A_446 = arith.index_cast %swap3A_445 : i32 to index
          %swap3A_447 = arith.index_cast %add3A_389 : i32 to index
          %swap3A_448 = arith.constant 48 : index
          %swap3A_449 = tpu.vector_load %arg11[%swap3A_446, %swap3A_447, %swap3A_448] {strides = array<i32>} : memref<2x128x128xf32, #tpu.memory_space<vmem>>, vector<1x1x16xf32>,
          %swap3A_450 = vector.shape_cast %swap3A_449 : vector<1x1x16xf32> to vector<16xf32>
          %swap3A_451 = vector.shape_cast %mul3A_444 : vector<16xf32> to vector<1x1x16xf32>
          tpu.vector_store %arg11[%swap3A_446, %swap3A_447, %swap3A_448], %swap3A_451 {strides = array<i32>} : memref<2x128x128xf32, #tpu.memory_space<vmem>>, vector<1x1x16xf32>,
          %get3A_452 = arith.constant 1 : i32
          %get3A_453 = arith.index_cast %get3A_452 : i32 to index
          %get3A_454 = arith.index_cast %add3A_389 : i32 to index
          %get3A_455 = arith.constant 64 : index
          %get3A_456 = tpu.vector_load %arg11[%get3A_453, %get3A_454, %get3A_455] {strides = array<i32>} : memref<2x128x128xf32, #tpu.memory_space<vmem>>, vector<1x1x16xf32>,
          %get3A_457 = vector.shape_cast %get3A_456 : vector<1x1x16xf32> to vector<16xf32>
          %mul3A_458 = vector.broadcast %squeeze3A_391 : f32 to vector<16xf32>
          %mul3A_459 = arith.mulf %get3A_457, %mul3A_458 : vector<16xf32>
          %swap3A_460 = arith.constant 1 : i32
          %swap3A_461 = arith.index_cast %swap3A_460 : i32 to index
          %swap3A_462 = arith.index_cast %add3A_389 : i32 to index
          %swap3A_463 = arith.constant 64 : index
          %swap3A_464 = tpu.vector_load %arg11[%swap3A_461, %swap3A_462, %swap3A_463] {strides = array<i32>} : memref<2x128x128xf32, #tpu.memory_space<vmem>>, vector<1x1x16xf32>,
          %swap3A_465 = vector.shape_cast %swap3A_464 : vector<1x1x16xf32> to vector<16xf32>
          %swap3A_466 = vector.shape_cast %mul3A_459 : vector<16xf32> to vector<1x1x16xf32>
          tpu.vector_store %arg11[%swap3A_461, %swap3A_462, %swap3A_463], %swap3A_466 {strides = array<i32>} : memref<2x128x128xf32, #tpu.memory_space<vmem>>, vector<1x1x16xf32>,
          %get3A_467 = arith.constant 1 : i32
          %get3A_468 = arith.index_cast %get3A_467 : i32 to index
          %get3A_469 = arith.index_cast %add3A_389 : i32 to index
          %get3A_470 = arith.constant 80 : index
          %get3A_471 = tpu.vector_load %arg11[%get3A_468, %get3A_469, %get3A_470] {strides = array<i32>} : memref<2x128x128xf32, #tpu.memory_space<vmem>>, vector<1x1x16xf32>,
          %get3A_472 = vector.shape_cast %get3A_471 : vector<1x1x16xf32> to vector<16xf32>
          %mul3A_473 = vector.broadcast %squeeze3A_391 : f32 to vector<16xf32>
          %mul3A_474 = arith.mulf %get3A_472, %mul3A_473 : vector<16xf32>
          %swap3A_475 = arith.constant 1 : i32
          %swap3A_476 = arith.index_cast %swap3A_475 : i32 to index
          %swap3A_477 = arith.index_cast %add3A_389 : i32 to index
          %swap3A_478 = arith.constant 80 : index
          %swap3A_479 = tpu.vector_load %arg11[%swap3A_476, %swap3A_477, %swap3A_478] {strides = array<i32>} : memref<2x128x128xf32, #tpu.memory_space<vmem>>, vector<1x1x16xf32>,
          %swap3A_480 = vector.shape_cast %swap3A_479 : vector<1x1x16xf32> to vector<16xf32>
          %swap3A_481 = vector.shape_cast %mul3A_474 : vector<16xf32> to vector<1x1x16xf32>
          tpu.vector_store %arg11[%swap3A_476, %swap3A_477, %swap3A_478], %swap3A_481 {strides = array<i32>} : memref<2x128x128xf32, #tpu.memory_space<vmem>>, vector<1x1x16xf32>,
          %get3A_482 = arith.constant 1 : i32
          %get3A_483 = arith.index_cast %get3A_482 : i32 to index
          %get3A_484 = arith.index_cast %add3A_389 : i32 to index
          %get3A_485 = arith.constant 96 : index
          %get3A_486 = tpu.vector_load %arg11[%get3A_483, %get3A_484, %get3A_485] {strides = array<i32>} : memref<2x128x128xf32, #tpu.memory_space<vmem>>, vector<1x1x16xf32>,
          %get3A_487 = vector.shape_cast %get3A_486 : vector<1x1x16xf32> to vector<16xf32>
          %mul3A_488 = vector.broadcast %squeeze3A_391 : f32 to vector<16xf32>
          %mul3A_489 = arith.mulf %get3A_487, %mul3A_488 : vector<16xf32>
          %swap3A_490 = arith.constant 1 : i32
          %swap3A_491 = arith.index_cast %swap3A_490 : i32 to index
          %swap3A_492 = arith.index_cast %add3A_389 : i32 to index
          %swap3A_493 = arith.constant 96 : index
          %swap3A_494 = tpu.vector_load %arg11[%swap3A_491, %swap3A_492, %swap3A_493] {strides = array<i32>} : memref<2x128x128xf32, #tpu.memory_space<vmem>>, vector<1x1x16xf32>,
          %swap3A_495 = vector.shape_cast %swap3A_494 : vector<1x1x16xf32> to vector<16xf32>
          %swap3A_496 = vector.shape_cast %mul3A_489 : vector<16xf32> to vector<1x1x16xf32>
          tpu.vector_store %arg11[%swap3A_491, %swap3A_492, %swap3A_493], %swap3A_496 {strides = array<i32>} : memref<2x128x128xf32, #tpu.memory_space<vmem>>, vector<1x1x16xf32>,
          %get3A_497 = arith.constant 1 : i32
          %get3A_498 = arith.index_cast %get3A_497 : i32 to index
          %get3A_499 = arith.index_cast %add3A_389 : i32 to index
          %get3A_500 = arith.constant 112 : index
          %get3A_501 = tpu.vector_load %arg11[%get3A_498, %get3A_499, %get3A_500] {strides = array<i32>} : memref<2x128x128xf32, #tpu.memory_space<vmem>>, vector<1x1x16xf32>,
          %get3A_502 = vector.shape_cast %get3A_501 : vector<1x1x16xf32> to vector<16xf32>
          %mul3A_503 = vector.broadcast %squeeze3A_391 : f32 to vector<16xf32>
          %mul3A_504 = arith.mulf %get3A_502, %mul3A_503 : vector<16xf32>
          %swap3A_505 = arith.constant 1 : i32
          %swap3A_506 = arith.index_cast %swap3A_505 : i32 to index
          %swap3A_507 = arith.index_cast %add3A_389 : i32 to index
          %swap3A_508 = arith.constant 112 : index
          %swap3A_509 = tpu.vector_load %arg11[%swap3A_506, %swap3A_507, %swap3A_508] {strides = array<i32>} : memref<2x128x128xf32, #tpu.memory_space<vmem>>, vector<1x1x16xf32>,
          %swap3A_510 = vector.shape_cast %swap3A_509 : vector<1x1x16xf32> to vector<16xf32>
          %swap3A_511 = vector.shape_cast %mul3A_504 : vector<16xf32> to vector<1x1x16xf32>
          tpu.vector_store %arg11[%swap3A_506, %swap3A_507, %swap3A_508], %swap3A_511 {strides = array<i32>} : memref<2x128x128xf32, #tpu.memory_space<vmem>>, vector<1x1x16xf32>,
          %mul3A_512 = arith.constant 16 : i32
          %mul3A_513 = arith.muli %scan3A_131, %mul3A_512 : i32
          %add3A_514 = arith.constant 3 : i32
          %add3A_515 = arith.addi %mul3A_513, %add3A_514 : i32
          %slice3A_516 = vector.extract_strided_slice %get3A_136 {offsets = [3], sizes = [1], strides = [1]} : vector<16xf32> to vector<1xf32>
          %squeeze3A_517 = vector.extract %slice3A_516[0] : f32 from vector<1xf32>
          %get3A_518 = arith.constant 1 : i32
          %get3A_519 = arith.index_cast %get3A_518 : i32 to index
          %get3A_520 = arith.index_cast %add3A_515 : i32 to index
          %get3A_521 = arith.constant 0 : index
          %get3A_522 = tpu.vector_load %arg11[%get3A_519, %get3A_520, %get3A_521] {strides = array<i32>} : memref<2x128x128xf32, #tpu.memory_space<vmem>>, vector<1x1x16xf32>,
          %get3A_523 = vector.shape_cast %get3A_522 : vector<1x1x16xf32> to vector<16xf32>
          %mul3A_524 = vector.broadcast %squeeze3A_517 : f32 to vector<16xf32>
          %mul3A_525 = arith.mulf %get3A_523, %mul3A_524 : vector<16xf32>
          %swap3A_526 = arith.constant 1 : i32
          %swap3A_527 = arith.index_cast %swap3A_526 : i32 to index
          %swap3A_528 = arith.index_cast %add3A_515 : i32 to index
          %swap3A_529 = arith.constant 0 : index
          %swap3A_530 = tpu.vector_load %arg11[%swap3A_527, %swap3A_528, %swap3A_529] {strides = array<i32>} : memref<2x128x128xf32, #tpu.memory_space<vmem>>, vector<1x1x16xf32>,
          %swap3A_531 = vector.shape_cast %swap3A_530 : vector<1x1x16xf32> to vector<16xf32>
          %swap3A_532 = vector.shape_cast %mul3A_525 : vector<16xf32> to vector<1x1x16xf32>
          tpu.vector_store %arg11[%swap3A_527, %swap3A_528, %swap3A_529], %swap3A_532 {strides = array<i32>} : memref<2x128x128xf32, #tpu.memory_space<vmem>>, vector<1x1x16xf32>,
          %get3A_533 = arith.constant 1 : i32
          %get3A_534 = arith.index_cast %get3A_533 : i32 to index
          %get3A_535 = arith.index_cast %add3A_515 : i32 to index
          %get3A_536 = arith.constant 16 : index
          %get3A_537 = tpu.vector_load %arg11[%get3A_534, %get3A_535, %get3A_536] {strides = array<i32>} : memref<2x128x128xf32, #tpu.memory_space<vmem>>, vector<1x1x16xf32>,
          %get3A_538 = vector.shape_cast %get3A_537 : vector<1x1x16xf32> to vector<16xf32>
          %mul3A_539 = vector.broadcast %squeeze3A_517 : f32 to vector<16xf32>
          %mul3A_540 = arith.mulf %get3A_538, %mul3A_539 : vector<16xf32>
          %swap3A_541 = arith.constant 1 : i32
          %swap3A_542 = arith.index_cast %swap3A_541 : i32 to index
          %swap3A_543 = arith.index_cast %add3A_515 : i32 to index
          %swap3A_544 = arith.constant 16 : index
          %swap3A_545 = tpu.vector_load %arg11[%swap3A_542, %swap3A_543, %swap3A_544] {strides = array<i32>} : memref<2x128x128xf32, #tpu.memory_space<vmem>>, vector<1x1x16xf32>,
          %swap3A_546 = vector.shape_cast %swap3A_545 : vector<1x1x16xf32> to vector<16xf32>
          %swap3A_547 = vector.shape_cast %mul3A_540 : vector<16xf32> to vector<1x1x16xf32>
          tpu.vector_store %arg11[%swap3A_542, %swap3A_543, %swap3A_544], %swap3A_547 {strides = array<i32>} : memref<2x128x128xf32, #tpu.memory_space<vmem>>, vector<1x1x16xf32>,
          %get3A_548 = arith.constant 1 : i32
          %get3A_549 = arith.index_cast %get3A_548 : i32 to index
          %get3A_550 = arith.index_cast %add3A_515 : i32 to index
          %get3A_551 = arith.constant 32 : index
          %get3A_552 = tpu.vector_load %arg11[%get3A_549, %get3A_550, %get3A_551] {strides = array<i32>} : memref<2x128x128xf32, #tpu.memory_space<vmem>>, vector<1x1x16xf32>,
          %get3A_553 = vector.shape_cast %get3A_552 : vector<1x1x16xf32> to vector<16xf32>
          %mul3A_554 = vector.broadcast %squeeze3A_517 : f32 to vector<16xf32>
          %mul3A_555 = arith.mulf %get3A_553, %mul3A_554 : vector<16xf32>
          %swap3A_556 = arith.constant 1 : i32
          %swap3A_557 = arith.index_cast %swap3A_556 : i32 to index
          %swap3A_558 = arith.index_cast %add3A_515 : i32 to index
          %swap3A_559 = arith.constant 32 : index
          %swap3A_560 = tpu.vector_load %arg11[%swap3A_557, %swap3A_558, %swap3A_559] {strides = array<i32>} : memref<2x128x128xf32, #tpu.memory_space<vmem>>, vector<1x1x16xf32>,
          %swap3A_561 = vector.shape_cast %swap3A_560 : vector<1x1x16xf32> to vector<16xf32>
          %swap3A_562 = vector.shape_cast %mul3A_555 : vector<16xf32> to vector<1x1x16xf32>
          tpu.vector_store %arg11[%swap3A_557, %swap3A_558, %swap3A_559], %swap3A_562 {strides = array<i32>} : memref<2x128x128xf32, #tpu.memory_space<vmem>>, vector<1x1x16xf32>,
          %get3A_563 = arith.constant 1 : i32
          %get3A_564 = arith.index_cast %get3A_563 : i32 to index
          %get3A_565 = arith.index_cast %add3A_515 : i32 to index
          %get3A_566 = arith.constant 48 : index
          %get3A_567 = tpu.vector_load %arg11[%get3A_564, %get3A_565, %get3A_566] {strides = array<i32>} : memref<2x128x128xf32, #tpu.memory_space<vmem>>, vector<1x1x16xf32>,
          %get3A_568 = vector.shape_cast %get3A_567 : vector<1x1x16xf32> to vector<16xf32>
          %mul3A_569 = vector.broadcast %squeeze3A_517 : f32 to vector<16xf32>
          %mul3A_570 = arith.mulf %get3A_568, %mul3A_569 : vector<16xf32>
          %swap3A_571 = arith.constant 1 : i32
          %swap3A_572 = arith.index_cast %swap3A_571 : i32 to index
          %swap3A_573 = arith.index_cast %add3A_515 : i32 to index
          %swap3A_574 = arith.constant 48 : index
          %swap3A_575 = tpu.vector_load %arg11[%swap3A_572, %swap3A_573, %swap3A_574] {strides = array<i32>} : memref<2x128x128xf32, #tpu.memory_space<vmem>>, vector<1x1x16xf32>,
          %swap3A_576 = vector.shape_cast %swap3A_575 : vector<1x1x16xf32> to vector<16xf32>
          %swap3A_577 = vector.shape_cast %mul3A_570 : vector<16xf32> to vector<1x1x16xf32>
          tpu.vector_store %arg11[%swap3A_572, %swap3A_573, %swap3A_574], %swap3A_577 {strides = array<i32>} : memref<2x128x128xf32, #tpu.memory_space<vmem>>, vector<1x1x16xf32>,
          %get3A_578 = arith.constant 1 : i32
          %get3A_579 = arith.index_cast %get3A_578 : i32 to index
          %get3A_580 = arith.index_cast %add3A_515 : i32 to index
          %get3A_581 = arith.constant 64 : index
          %get3A_582 = tpu.vector_load %arg11[%get3A_579, %get3A_580, %get3A_581] {strides = array<i32>} : memref<2x128x128xf32, #tpu.memory_space<vmem>>, vector<1x1x16xf32>,
          %get3A_583 = vector.shape_cast %get3A_582 : vector<1x1x16xf32> to vector<16xf32>
          %mul3A_584 = vector.broadcast %squeeze3A_517 : f32 to vector<16xf32>
          %mul3A_585 = arith.mulf %get3A_583, %mul3A_584 : vector<16xf32>
          %swap3A_586 = arith.constant 1 : i32
          %swap3A_587 = arith.index_cast %swap3A_586 : i32 to index
          %swap3A_588 = arith.index_cast %add3A_515 : i32 to index
          %swap3A_589 = arith.constant 64 : index
          %swap3A_590 = tpu.vector_load %arg11[%swap3A_587, %swap3A_588, %swap3A_589] {strides = array<i32>} : memref<2x128x128xf32, #tpu.memory_space<vmem>>, vector<1x1x16xf32>,
          %swap3A_591 = vector.shape_cast %swap3A_590 : vector<1x1x16xf32> to vector<16xf32>
          %swap3A_592 = vector.shape_cast %mul3A_585 : vector<16xf32> to vector<1x1x16xf32>
          tpu.vector_store %arg11[%swap3A_587, %swap3A_588, %swap3A_589], %swap3A_592 {strides = array<i32>} : memref<2x128x128xf32, #tpu.memory_space<vmem>>, vector<1x1x16xf32>,
          %get3A_593 = arith.constant 1 : i32
          %get3A_594 = arith.index_cast %get3A_593 : i32 to index
          %get3A_595 = arith.index_cast %add3A_515 : i32 to index
          %get3A_596 = arith.constant 80 : index
          %get3A_597 = tpu.vector_load %arg11[%get3A_594, %get3A_595, %get3A_596] {strides = array<i32>} : memref<2x128x128xf32, #tpu.memory_space<vmem>>, vector<1x1x16xf32>,
          %get3A_598 = vector.shape_cast %get3A_597 : vector<1x1x16xf32> to vector<16xf32>
          %mul3A_599 = vector.broadcast %squeeze3A_517 : f32 to vector<16xf32>
          %mul3A_600 = arith.mulf %get3A_598, %mul3A_599 : vector<16xf32>
          %swap3A_601 = arith.constant 1 : i32
          %swap3A_602 = arith.index_cast %swap3A_601 : i32 to index
          %swap3A_603 = arith.index_cast %add3A_515 : i32 to index
          %swap3A_604 = arith.constant 80 : index
          %swap3A_605 = tpu.vector_load %arg11[%swap3A_602, %swap3A_603, %swap3A_604] {strides = array<i32>} : memref<2x128x128xf32, #tpu.memory_space<vmem>>, vector<1x1x16xf32>,
          %swap3A_606 = vector.shape_cast %swap3A_605 : vector<1x1x16xf32> to vector<16xf32>
          %swap3A_607 = vector.shape_cast %mul3A_600 : vector<16xf32> to vector<1x1x16xf32>
          tpu.vector_store %arg11[%swap3A_602, %swap3A_603, %swap3A_604], %swap3A_607 {strides = array<i32>} : memref<2x128x128xf32, #tpu.memory_space<vmem>>, vector<1x1x16xf32>,
          %get3A_608 = arith.constant 1 : i32
          %get3A_609 = arith.index_cast %get3A_608 : i32 to index
          %get3A_610 = arith.index_cast %add3A_515 : i32 to index
          %get3A_611 = arith.constant 96 : index
          %get3A_612 = tpu.vector_load %arg11[%get3A_609, %get3A_610, %get3A_611] {strides = array<i32>} : memref<2x128x128xf32, #tpu.memory_space<vmem>>, vector<1x1x16xf32>,
          %get3A_613 = vector.shape_cast %get3A_612 : vector<1x1x16xf32> to vector<16xf32>
          %mul3A_614 = vector.broadcast %squeeze3A_517 : f32 to vector<16xf32>
          %mul3A_615 = arith.mulf %get3A_613, %mul3A_614 : vector<16xf32>
          %swap3A_616 = arith.constant 1 : i32
          %swap3A_617 = arith.index_cast %swap3A_616 : i32 to index
          %swap3A_618 = arith.index_cast %add3A_515 : i32 to index
          %swap3A_619 = arith.constant 96 : index
          %swap3A_620 = tpu.vector_load %arg11[%swap3A_617, %swap3A_618, %swap3A_619] {strides = array<i32>} : memref<2x128x128xf32, #tpu.memory_space<vmem>>, vector<1x1x16xf32>,
          %swap3A_621 = vector.shape_cast %swap3A_620 : vector<1x1x16xf32> to vector<16xf32>
          %swap3A_622 = vector.shape_cast %mul3A_615 : vector<16xf32> to vector<1x1x16xf32>
          tpu.vector_store %arg11[%swap3A_617, %swap3A_618, %swap3A_619], %swap3A_622 {strides = array<i32>} : memref<2x128x128xf32, #tpu.memory_space<vmem>>, vector<1x1x16xf32>,
          %get3A_623 = arith.constant 1 : i32
          %get3A_624 = arith.index_cast %get3A_623 : i32 to index
          %get3A_625 = arith.index_cast %add3A_515 : i32 to index
          %get3A_626 = arith.constant 112 : index
          %get3A_627 = tpu.vector_load %arg11[%get3A_624, %get3A_625, %get3A_626] {strides = array<i32>} : memref<2x128x128xf32, #tpu.memory_space<vmem>>, vector<1x1x16xf32>,
          %get3A_628 = vector.shape_cast %get3A_627 : vector<1x1x16xf32> to vector<16xf32>
          %mul3A_629 = vector.broadcast %squeeze3A_517 : f32 to vector<16xf32>
          %mul3A_630 = arith.mulf %get3A_628, %mul3A_629 : vector<16xf32>
          %swap3A_631 = arith.constant 1 : i32
          %swap3A_632 = arith.index_cast %swap3A_631 : i32 to index
          %swap3A_633 = arith.index_cast %add3A_515 : i32 to index
          %swap3A_634 = arith.constant 112 : index
          %swap3A_635 = tpu.vector_load %arg11[%swap3A_632, %swap3A_633, %swap3A_634] {strides = array<i32>} : memref<2x128x128xf32, #tpu.memory_space<vmem>>, vector<1x1x16xf32>,
          %swap3A_636 = vector.shape_cast %swap3A_635 : vector<1x1x16xf32> to vector<16xf32>
          %swap3A_637 = vector.shape_cast %mul3A_630 : vector<16xf32> to vector<1x1x16xf32>
          tpu.vector_store %arg11[%swap3A_632, %swap3A_633, %swap3A_634], %swap3A_637 {strides = array<i32>} : memref<2x128x128xf32, #tpu.memory_space<vmem>>, vector<1x1x16xf32>,
          %mul3A_638 = arith.constant 16 : i32
          %mul3A_639 = arith.muli %scan3A_131, %mul3A_638 : i32
          %add3A_640 = arith.constant 4 : i32
          %add3A_641 = arith.addi %mul3A_639, %add3A_640 : i32
          %slice3A_642 = vector.extract_strided_slice %get3A_136 {offsets = [4], sizes = [1], strides = [1]} : vector<16xf32> to vector<1xf32>
          %squeeze3A_643 = vector.extract %slice3A_642[0] : f32 from vector<1xf32>
          %get3A_644 = arith.constant 1 : i32
          %get3A_645 = arith.index_cast %get3A_644 : i32 to index
          %get3A_646 = arith.index_cast %add3A_641 : i32 to index
          %get3A_647 = arith.constant 0 : index
          %get3A_648 = tpu.vector_load %arg11[%get3A_645, %get3A_646, %get3A_647] {strides = array<i32>} : memref<2x128x128xf32, #tpu.memory_space<vmem>>, vector<1x1x16xf32>,
          %get3A_649 = vector.shape_cast %get3A_648 : vector<1x1x16xf32> to vector<16xf32>
          %mul3A_650 = vector.broadcast %squeeze3A_643 : f32 to vector<16xf32>
          %mul3A_651 = arith.mulf %get3A_649, %mul3A_650 : vector<16xf32>
          %swap3A_652 = arith.constant 1 : i32
          %swap3A_653 = arith.index_cast %swap3A_652 : i32 to index
          %swap3A_654 = arith.index_cast %add3A_641 : i32 to index
          %swap3A_655 = arith.constant 0 : index
          %swap3A_656 = tpu.vector_load %arg11[%swap3A_653, %swap3A_654, %swap3A_655] {strides = array<i32>} : memref<2x128x128xf32, #tpu.memory_space<vmem>>, vector<1x1x16xf32>,
          %swap3A_657 = vector.shape_cast %swap3A_656 : vector<1x1x16xf32> to vector<16xf32>
          %swap3A_658 = vector.shape_cast %mul3A_651 : vector<16xf32> to vector<1x1x16xf32>
          tpu.vector_store %arg11[%swap3A_653, %swap3A_654, %swap3A_655], %swap3A_658 {strides = array<i32>} : memref<2x128x128xf32, #tpu.memory_space<vmem>>, vector<1x1x16xf32>,
          %get3A_659 = arith.constant 1 : i32
          %get3A_660 = arith.index_cast %get3A_659 : i32 to index
          %get3A_661 = arith.index_cast %add3A_641 : i32 to index
          %get3A_662 = arith.constant 16 : index
          %get3A_663 = tpu.vector_load %arg11[%get3A_660, %get3A_661, %get3A_662] {strides = array<i32>} : memref<2x128x128xf32, #tpu.memory_space<vmem>>, vector<1x1x16xf32>,
          %get3A_664 = vector.shape_cast %get3A_663 : vector<1x1x16xf32> to vector<16xf32>
          %mul3A_665 = vector.broadcast %squeeze3A_643 : f32 to vector<16xf32>
          %mul3A_666 = arith.mulf %get3A_664, %mul3A_665 : vector<16xf32>
          %swap3A_667 = arith.constant 1 : i32
          %swap3A_668 = arith.index_cast %swap3A_667 : i32 to index
          %swap3A_669 = arith.index_cast %add3A_641 : i32 to index
          %swap3A_670 = arith.constant 16 : index
          %swap3A_671 = tpu.vector_load %arg11[%swap3A_668, %swap3A_669, %swap3A_670] {strides = array<i32>} : memref<2x128x128xf32, #tpu.memory_space<vmem>>, vector<1x1x16xf32>,
          %swap3A_672 = vector.shape_cast %swap3A_671 : vector<1x1x16xf32> to vector<16xf32>
          %swap3A_673 = vector.shape_cast %mul3A_666 : vector<16xf32> to vector<1x1x16xf32>
          tpu.vector_store %arg11[%swap3A_668, %swap3A_669, %swap3A_670], %swap3A_673 {strides = array<i32>} : memref<2x128x128xf32, #tpu.memory_space<vmem>>, vector<1x1x16xf32>,
          %get3A_674 = arith.constant 1 : i32
          %get3A_675 = arith.index_cast %get3A_674 : i32 to index
          %get3A_676 = arith.index_cast %add3A_641 : i32 to index
          %get3A_677 = arith.constant 32 : index
          %get3A_678 = tpu.vector_load %arg11[%get3A_675, %get3A_676, %get3A_677] {strides = array<i32>} : memref<2x128x128xf32, #tpu.memory_space<vmem>>, vector<1x1x16xf32>,
          %get3A_679 = vector.shape_cast %get3A_678 : vector<1x1x16xf32> to vector<16xf32>
          %mul3A_680 = vector.broadcast %squeeze3A_643 : f32 to vector<16xf32>
          %mul3A_681 = arith.mulf %get3A_679, %mul3A_680 : vector<16xf32>
          %swap3A_682 = arith.constant 1 : i32
          %swap3A_683 = arith.index_cast %swap3A_682 : i32 to index
          %swap3A_684 = arith.index_cast %add3A_641 : i32 to index
          %swap3A_685 = arith.constant 32 : index
          %swap3A_686 = tpu.vector_load %arg11[%swap3A_683, %swap3A_684, %swap3A_685] {strides = array<i32>} : memref<2x128x128xf32, #tpu.memory_space<vmem>>, vector<1x1x16xf32>,
          %swap3A_687 = vector.shape_cast %swap3A_686 : vector<1x1x16xf32> to vector<16xf32>
          %swap3A_688 = vector.shape_cast %mul3A_681 : vector<16xf32> to vector<1x1x16xf32>
          tpu.vector_store %arg11[%swap3A_683, %swap3A_684, %swap3A_685], %swap3A_688 {strides = array<i32>} : memref<2x128x128xf32, #tpu.memory_space<vmem>>, vector<1x1x16xf32>,
          %get3A_689 = arith.constant 1 : i32
          %get3A_690 = arith.index_cast %get3A_689 : i32 to index
          %get3A_691 = arith.index_cast %add3A_641 : i32 to index
          %get3A_692 = arith.constant 48 : index
          %get3A_693 = tpu.vector_load %arg11[%get3A_690, %get3A_691, %get3A_692] {strides = array<i32>} : memref<2x128x128xf32, #tpu.memory_space<vmem>>, vector<1x1x16xf32>,
          %get3A_694 = vector.shape_cast %get3A_693 : vector<1x1x16xf32> to vector<16xf32>
          %mul3A_695 = vector.broadcast %squeeze3A_643 : f32 to vector<16xf32>
          %mul3A_696 = arith.mulf %get3A_694, %mul3A_695 : vector<16xf32>
          %swap3A_697 = arith.constant 1 : i32
          %swap3A_698 = arith.index_cast %swap3A_697 : i32 to index
          %swap3A_699 = arith.index_cast %add3A_641 : i32 to index
          %swap3A_700 = arith.constant 48 : index
          %swap3A_701 = tpu.vector_load %arg11[%swap3A_698, %swap3A_699, %swap3A_700] {strides = array<i32>} : memref<2x128x128xf32, #tpu.memory_space<vmem>>, vector<1x1x16xf32>,
          %swap3A_702 = vector.shape_cast %swap3A_701 : vector<1x1x16xf32> to vector<16xf32>
          %swap3A_703 = vector.shape_cast %mul3A_696 : vector<16xf32> to vector<1x1x16xf32>
          tpu.vector_store %arg11[%swap3A_698, %swap3A_699, %swap3A_700], %swap3A_703 {strides = array<i32>} : memref<2x128x128xf32, #tpu.memory_space<vmem>>, vector<1x1x16xf32>,
          %get3A_704 = arith.constant 1 : i32
          %get3A_705 = arith.index_cast %get3A_704 : i32 to index
          %get3A_706 = arith.index_cast %add3A_641 : i32 to index
          %get3A_707 = arith.constant 64 : index
          %get3A_708 = tpu.vector_load %arg11[%get3A_705, %get3A_706, %get3A_707] {strides = array<i32>} : memref<2x128x128xf32, #tpu.memory_space<vmem>>, vector<1x1x16xf32>,
          %get3A_709 = vector.shape_cast %get3A_708 : vector<1x1x16xf32> to vector<16xf32>
          %mul3A_710 = vector.broadcast %squeeze3A_643 : f32 to vector<16xf32>
          %mul3A_711 = arith.mulf %get3A_709, %mul3A_710 : vector<16xf32>
          %swap3A_712 = arith.constant 1 : i32
          %swap3A_713 = arith.index_cast %swap3A_712 : i32 to index
          %swap3A_714 = arith.index_cast %add3A_641 : i32 to index
          %swap3A_715 = arith.constant 64 : index
          %swap3A_716 = tpu.vector_load %arg11[%swap3A_713, %swap3A_714, %swap3A_715] {strides = array<i32>} : memref<2x128x128xf32, #tpu.memory_space<vmem>>, vector<1x1x16xf32>,
          %swap3A_717 = vector.shape_cast %swap3A_716 : vector<1x1x16xf32> to vector<16xf32>
          %swap3A_718 = vector.shape_cast %mul3A_711 : vector<16xf32> to vector<1x1x16xf32>
          tpu.vector_store %arg11[%swap3A_713, %swap3A_714, %swap3A_715], %swap3A_718 {strides = array<i32>} : memref<2x128x128xf32, #tpu.memory_space<vmem>>, vector<1x1x16xf32>,
          %get3A_719 = arith.constant 1 : i32
          %get3A_720 = arith.index_cast %get3A_719 : i32 to index
          %get3A_721 = arith.index_cast %add3A_641 : i32 to index
          %get3A_722 = arith.constant 80 : index
          %get3A_723 = tpu.vector_load %arg11[%get3A_720, %get3A_721, %get3A_722] {strides = array<i32>} : memref<2x128x128xf32, #tpu.memory_space<vmem>>, vector<1x1x16xf32>,
          %get3A_724 = vector.shape_cast %get3A_723 : vector<1x1x16xf32> to vector<16xf32>
          %mul3A_725 = vector.broadcast %squeeze3A_643 : f32 to vector<16xf32>
          %mul3A_726 = arith.mulf %get3A_724, %mul3A_725 : vector<16xf32>
          %swap3A_727 = arith.constant 1 : i32
          %swap3A_728 = arith.index_cast %swap3A_727 : i32 to index
          %swap3A_729 = arith.index_cast %add3A_641 : i32 to index
          %swap3A_730 = arith.constant 80 : index
          %swap3A_731 = tpu.vector_load %arg11[%swap3A_728, %swap3A_729, %swap3A_730] {strides = array<i32>} : memref<2x128x128xf32, #tpu.memory_space<vmem>>, vector<1x1x16xf32>,
          %swap3A_732 = vector.shape_cast %swap3A_731 : vector<1x1x16xf32> to vector<16xf32>
          %swap3A_733 = vector.shape_cast %mul3A_726 : vector<16xf32> to vector<1x1x16xf32>
          tpu.vector_store %arg11[%swap3A_728, %swap3A_729, %swap3A_730], %swap3A_733 {strides = array<i32>} : memref<2x128x128xf32, #tpu.memory_space<vmem>>, vector<1x1x16xf32>,
          %get3A_734 = arith.constant 1 : i32
          %get3A_735 = arith.index_cast %get3A_734 : i32 to index
          %get3A_736 = arith.index_cast %add3A_641 : i32 to index
          %get3A_737 = arith.constant 96 : index
          %get3A_738 = tpu.vector_load %arg11[%get3A_735, %get3A_736, %get3A_737] {strides = array<i32>} : memref<2x128x128xf32, #tpu.memory_space<vmem>>, vector<1x1x16xf32>,
          %get3A_739 = vector.shape_cast %get3A_738 : vector<1x1x16xf32> to vector<16xf32>
          %mul3A_740 = vector.broadcast %squeeze3A_643 : f32 to vector<16xf32>
          %mul3A_741 = arith.mulf %get3A_739, %mul3A_740 : vector<16xf32>
          %swap3A_742 = arith.constant 1 : i32
          %swap3A_743 = arith.index_cast %swap3A_742 : i32 to index
          %swap3A_744 = arith.index_cast %add3A_641 : i32 to index
          %swap3A_745 = arith.constant 96 : index
          %swap3A_746 = tpu.vector_load %arg11[%swap3A_743, %swap3A_744, %swap3A_745] {strides = array<i32>} : memref<2x128x128xf32, #tpu.memory_space<vmem>>, vector<1x1x16xf32>,
          %swap3A_747 = vector.shape_cast %swap3A_746 : vector<1x1x16xf32> to vector<16xf32>
          %swap3A_748 = vector.shape_cast %mul3A_741 : vector<16xf32> to vector<1x1x16xf32>
          tpu.vector_store %arg11[%swap3A_743, %swap3A_744, %swap3A_745], %swap3A_748 {strides = array<i32>} : memref<2x128x128xf32, #tpu.memory_space<vmem>>, vector<1x1x16xf32>,
          %get3A_749 = arith.constant 1 : i32
          %get3A_750 = arith.index_cast %get3A_749 : i32 to index
          %get3A_751 = arith.index_cast %add3A_641 : i32 to index
          %get3A_752 = arith.constant 112 : index
          %get3A_753 = tpu.vector_load %arg11[%get3A_750, %get3A_751, %get3A_752] {strides = array<i32>} : memref<2x128x128xf32, #tpu.memory_space<vmem>>, vector<1x1x16xf32>,
          %get3A_754 = vector.shape_cast %get3A_753 : vector<1x1x16xf32> to vector<16xf32>
          %mul3A_755 = vector.broadcast %squeeze3A_643 : f32 to vector<16xf32>
          %mul3A_756 = arith.mulf %get3A_754, %mul3A_755 : vector<16xf32>
          %swap3A_757 = arith.constant 1 : i32
          %swap3A_758 = arith.index_cast %swap3A_757 : i32 to index
          %swap3A_759 = arith.index_cast %add3A_641 : i32 to index
          %swap3A_760 = arith.constant 112 : index
          %swap3A_761 = tpu.vector_load %arg11[%swap3A_758, %swap3A_759, %swap3A_760] {strides = array<i32>} : memref<2x128x128xf32, #tpu.memory_space<vmem>>, vector<1x1x16xf32>,
          %swap3A_762 = vector.shape_cast %swap3A_761 : vector<1x1x16xf32> to vector<16xf32>
          %swap3A_763 = vector.shape_cast %mul3A_756 : vector<16xf32> to vector<1x1x16xf32>
          tpu.vector_store %arg11[%swap3A_758, %swap3A_759, %swap3A_760], %swap3A_763 {strides = array<i32>} : memref<2x128x128xf32, #tpu.memory_space<vmem>>, vector<1x1x16xf32>,
          %mul3A_764 = arith.constant 16 : i32
          %mul3A_765 = arith.muli %scan3A_131, %mul3A_764 : i32
          %add3A_766 = arith.constant 5 : i32
          %add3A_767 = arith.addi %mul3A_765, %add3A_766 : i32
          %slice3A_768 = vector.extract_strided_slice %get3A_136 {offsets = [5], sizes = [1], strides = [1]} : vector<16xf32> to vector<1xf32>
          %squeeze3A_769 = vector.extract %slice3A_768[0] : f32 from vector<1xf32>
          %get3A_770 = arith.constant 1 : i32
          %get3A_771 = arith.index_cast %get3A_770 : i32 to index
          %get3A_772 = arith.index_cast %add3A_767 : i32 to index
          %get3A_773 = arith.constant 0 : index
          %get3A_774 = tpu.vector_load %arg11[%get3A_771, %get3A_772, %get3A_773] {strides = array<i32>} : memref<2x128x128xf32, #tpu.memory_space<vmem>>, vector<1x1x16xf32>,
          %get3A_775 = vector.shape_cast %get3A_774 : vector<1x1x16xf32> to vector<16xf32>
          %mul3A_776 = vector.broadcast %squeeze3A_769 : f32 to vector<16xf32>
          %mul3A_777 = arith.mulf %get3A_775, %mul3A_776 : vector<16xf32>
          %swap3A_778 = arith.constant 1 : i32
          %swap3A_779 = arith.index_cast %swap3A_778 : i32 to index
          %swap3A_780 = arith.index_cast %add3A_767 : i32 to index
          %swap3A_781 = arith.constant 0 : index
          %swap3A_782 = tpu.vector_load %arg11[%swap3A_779, %swap3A_780, %swap3A_781] {strides = array<i32>} : memref<2x128x128xf32, #tpu.memory_space<vmem>>, vector<1x1x16xf32>,
          %swap3A_783 = vector.shape_cast %swap3A_782 : vector<1x1x16xf32> to vector<16xf32>
          %swap3A_784 = vector.shape_cast %mul3A_777 : vector<16xf32> to vector<1x1x16xf32>
          tpu.vector_store %arg11[%swap3A_779, %swap3A_780, %swap3A_781], %swap3A_784 {strides = array<i32>} : memref<2x128x128xf32, #tpu.memory_space<vmem>>, vector<1x1x16xf32>,
          %get3A_785 = arith.constant 1 : i32
          %get3A_786 = arith.index_cast %get3A_785 : i32 to index
          %get3A_787 = arith.index_cast %add3A_767 : i32 to index
          %get3A_788 = arith.constant 16 : index
          %get3A_789 = tpu.vector_load %arg11[%get3A_786, %get3A_787, %get3A_788] {strides = array<i32>} : memref<2x128x128xf32, #tpu.memory_space<vmem>>, vector<1x1x16xf32>,
          %get3A_790 = vector.shape_cast %get3A_789 : vector<1x1x16xf32> to vector<16xf32>
          %mul3A_791 = vector.broadcast %squeeze3A_769 : f32 to vector<16xf32>
          %mul3A_792 = arith.mulf %get3A_790, %mul3A_791 : vector<16xf32>
          %swap3A_793 = arith.constant 1 : i32
          %swap3A_794 = arith.index_cast %swap3A_793 : i32 to index
          %swap3A_795 = arith.index_cast %add3A_767 : i32 to index
          %swap3A_796 = arith.constant 16 : index
          %swap3A_797 = tpu.vector_load %arg11[%swap3A_794, %swap3A_795, %swap3A_796] {strides = array<i32>} : memref<2x128x128xf32, #tpu.memory_space<vmem>>, vector<1x1x16xf32>,
          %swap3A_798 = vector.shape_cast %swap3A_797 : vector<1x1x16xf32> to vector<16xf32>
          %swap3A_799 = vector.shape_cast %mul3A_792 : vector<16xf32> to vector<1x1x16xf32>
          tpu.vector_store %arg11[%swap3A_794, %swap3A_795, %swap3A_796], %swap3A_799 {strides = array<i32>} : memref<2x128x128xf32, #tpu.memory_space<vmem>>, vector<1x1x16xf32>,
          %get3A_800 = arith.constant 1 : i32
          %get3A_801 = arith.index_cast %get3A_800 : i32 to index
          %get3A_802 = arith.index_cast %add3A_767 : i32 to index
          %get3A_803 = arith.constant 32 : index
          %get3A_804 = tpu.vector_load %arg11[%get3A_801, %get3A_802, %get3A_803] {strides = array<i32>} : memref<2x128x128xf32, #tpu.memory_space<vmem>>, vector<1x1x16xf32>,
          %get3A_805 = vector.shape_cast %get3A_804 : vector<1x1x16xf32> to vector<16xf32>
          %mul3A_806 = vector.broadcast %squeeze3A_769 : f32 to vector<16xf32>
          %mul3A_807 = arith.mulf %get3A_805, %mul3A_806 : vector<16xf32>
          %swap3A_808 = arith.constant 1 : i32
          %swap3A_809 = arith.index_cast %swap3A_808 : i32 to index
          %swap3A_810 = arith.index_cast %add3A_767 : i32 to index
          %swap3A_811 = arith.constant 32 : index
          %swap3A_812 = tpu.vector_load %arg11[%swap3A_809, %swap3A_810, %swap3A_811] {strides = array<i32>} : memref<2x128x128xf32, #tpu.memory_space<vmem>>, vector<1x1x16xf32>,
          %swap3A_813 = vector.shape_cast %swap3A_812 : vector<1x1x16xf32> to vector<16xf32>
          %swap3A_814 = vector.shape_cast %mul3A_807 : vector<16xf32> to vector<1x1x16xf32>
          tpu.vector_store %arg11[%swap3A_809, %swap3A_810, %swap3A_811], %swap3A_814 {strides = array<i32>} : memref<2x128x128xf32, #tpu.memory_space<vmem>>, vector<1x1x16xf32>,
          %get3A_815 = arith.constant 1 : i32
          %get3A_816 = arith.index_cast %get3A_815 : i32 to index
          %get3A_817 = arith.index_cast %add3A_767 : i32 to index
          %get3A_818 = arith.constant 48 : index
          %get3A_819 = tpu.vector_load %arg11[%get3A_816, %get3A_817, %get3A_818] {strides = array<i32>} : memref<2x128x128xf32, #tpu.memory_space<vmem>>, vector<1x1x16xf32>,
          %get3A_820 = vector.shape_cast %get3A_819 : vector<1x1x16xf32> to vector<16xf32>
          %mul3A_821 = vector.broadcast %squeeze3A_769 : f32 to vector<16xf32>
          %mul3A_822 = arith.mulf %get3A_820, %mul3A_821 : vector<16xf32>
          %swap3A_823 = arith.constant 1 : i32
          %swap3A_824 = arith.index_cast %swap3A_823 : i32 to index
          %swap3A_825 = arith.index_cast %add3A_767 : i32 to index
          %swap3A_826 = arith.constant 48 : index
          %swap3A_827 = tpu.vector_load %arg11[%swap3A_824, %swap3A_825, %swap3A_826] {strides = array<i32>} : memref<2x128x128xf32, #tpu.memory_space<vmem>>, vector<1x1x16xf32>,
          %swap3A_828 = vector.shape_cast %swap3A_827 : vector<1x1x16xf32> to vector<16xf32>
          %swap3A_829 = vector.shape_cast %mul3A_822 : vector<16xf32> to vector<1x1x16xf32>
          tpu.vector_store %arg11[%swap3A_824, %swap3A_825, %swap3A_826], %swap3A_829 {strides = array<i32>} : memref<2x128x128xf32, #tpu.memory_space<vmem>>, vector<1x1x16xf32>,
          %get3A_830 = arith.constant 1 : i32
          %get3A_831 = arith.index_cast %get3A_830 : i32 to index
          %get3A_832 = arith.index_cast %add3A_767 : i32 to index
          %get3A_833 = arith.constant 64 : index
          %get3A_834 = tpu.vector_load %arg11[%get3A_831, %get3A_832, %get3A_833] {strides = array<i32>} : memref<2x128x128xf32, #tpu.memory_space<vmem>>, vector<1x1x16xf32>,
          %get3A_835 = vector.shape_cast %get3A_834 : vector<1x1x16xf32> to vector<16xf32>
          %mul3A_836 = vector.broadcast %squeeze3A_769 : f32 to vector<16xf32>
          %mul3A_837 = arith.mulf %get3A_835, %mul3A_836 : vector<16xf32>
          %swap3A_838 = arith.constant 1 : i32
          %swap3A_839 = arith.index_cast %swap3A_838 : i32 to index
          %swap3A_840 = arith.index_cast %add3A_767 : i32 to index
          %swap3A_841 = arith.constant 64 : index
          %swap3A_842 = tpu.vector_load %arg11[%swap3A_839, %swap3A_840, %swap3A_841] {strides = array<i32>} : memref<2x128x128xf32, #tpu.memory_space<vmem>>, vector<1x1x16xf32>,
          %swap3A_843 = vector.shape_cast %swap3A_842 : vector<1x1x16xf32> to vector<16xf32>
          %swap3A_844 = vector.shape_cast %mul3A_837 : vector<16xf32> to vector<1x1x16xf32>
          tpu.vector_store %arg11[%swap3A_839, %swap3A_840, %swap3A_841], %swap3A_844 {strides = array<i32>} : memref<2x128x128xf32, #tpu.memory_space<vmem>>, vector<1x1x16xf32>,
          %get3A_845 = arith.constant 1 : i32
          %get3A_846 = arith.index_cast %get3A_845 : i32 to index
          %get3A_847 = arith.index_cast %add3A_767 : i32 to index
          %get3A_848 = arith.constant 80 : index
          %get3A_849 = tpu.vector_load %arg11[%get3A_846, %get3A_847, %get3A_848] {strides = array<i32>} : memref<2x128x128xf32, #tpu.memory_space<vmem>>, vector<1x1x16xf32>,
          %get3A_850 = vector.shape_cast %get3A_849 : vector<1x1x16xf32> to vector<16xf32>
          %mul3A_851 = vector.broadcast %squeeze3A_769 : f32 to vector<16xf32>
          %mul3A_852 = arith.mulf %get3A_850, %mul3A_851 : vector<16xf32>
          %swap3A_853 = arith.constant 1 : i32
          %swap3A_854 = arith.index_cast %swap3A_853 : i32 to index
          %swap3A_855 = arith.index_cast %add3A_767 : i32 to index
          %swap3A_856 = arith.constant 80 : index
          %swap3A_857 = tpu.vector_load %arg11[%swap3A_854, %swap3A_855, %swap3A_856] {strides = array<i32>} : memref<2x128x128xf32, #tpu.memory_space<vmem>>, vector<1x1x16xf32>,
          %swap3A_858 = vector.shape_cast %swap3A_857 : vector<1x1x16xf32> to vector<16xf32>
          %swap3A_859 = vector.shape_cast %mul3A_852 : vector<16xf32> to vector<1x1x16xf32>
          tpu.vector_store %arg11[%swap3A_854, %swap3A_855, %swap3A_856], %swap3A_859 {strides = array<i32>} : memref<2x128x128xf32, #tpu.memory_space<vmem>>, vector<1x1x16xf32>,
          %get3A_860 = arith.constant 1 : i32
          %get3A_861 = arith.index_cast %get3A_860 : i32 to index
          %get3A_862 = arith.index_cast %add3A_767 : i32 to index
          %get3A_863 = arith.constant 96 : index
          %get3A_864 = tpu.vector_load %arg11[%get3A_861, %get3A_862, %get3A_863] {strides = array<i32>} : memref<2x128x128xf32, #tpu.memory_space<vmem>>, vector<1x1x16xf32>,
          %get3A_865 = vector.shape_cast %get3A_864 : vector<1x1x16xf32> to vector<16xf32>
          %mul3A_866 = vector.broadcast %squeeze3A_769 : f32 to vector<16xf32>
          %mul3A_867 = arith.mulf %get3A_865, %mul3A_866 : vector<16xf32>
          %swap3A_868 = arith.constant 1 : i32
          %swap3A_869 = arith.index_cast %swap3A_868 : i32 to index
          %swap3A_870 = arith.index_cast %add3A_767 : i32 to index
          %swap3A_871 = arith.constant 96 : index
          %swap3A_872 = tpu.vector_load %arg11[%swap3A_869, %swap3A_870, %swap3A_871] {strides = array<i32>} : memref<2x128x128xf32, #tpu.memory_space<vmem>>, vector<1x1x16xf32>,
          %swap3A_873 = vector.shape_cast %swap3A_872 : vector<1x1x16xf32> to vector<16xf32>
          %swap3A_874 = vector.shape_cast %mul3A_867 : vector<16xf32> to vector<1x1x16xf32>
          tpu.vector_store %arg11[%swap3A_869, %swap3A_870, %swap3A_871], %swap3A_874 {strides = array<i32>} : memref<2x128x128xf32, #tpu.memory_space<vmem>>, vector<1x1x16xf32>,
          %get3A_875 = arith.constant 1 : i32
          %get3A_876 = arith.index_cast %get3A_875 : i32 to index
          %get3A_877 = arith.index_cast %add3A_767 : i32 to index
          %get3A_878 = arith.constant 112 : index
          %get3A_879 = tpu.vector_load %arg11[%get3A_876, %get3A_877, %get3A_878] {strides = array<i32>} : memref<2x128x128xf32, #tpu.memory_space<vmem>>, vector<1x1x16xf32>,
          %get3A_880 = vector.shape_cast %get3A_879 : vector<1x1x16xf32> to vector<16xf32>
          %mul3A_881 = vector.broadcast %squeeze3A_769 : f32 to vector<16xf32>
          %mul3A_882 = arith.mulf %get3A_880, %mul3A_881 : vector<16xf32>
          %swap3A_883 = arith.constant 1 : i32
          %swap3A_884 = arith.index_cast %swap3A_883 : i32 to index
          %swap3A_885 = arith.index_cast %add3A_767 : i32 to index
          %swap3A_886 = arith.constant 112 : index
          %swap3A_887 = tpu.vector_load %arg11[%swap3A_884, %swap3A_885, %swap3A_886] {strides = array<i32>} : memref<2x128x128xf32, #tpu.memory_space<vmem>>, vector<1x1x16xf32>,
          %swap3A_888 = vector.shape_cast %swap3A_887 : vector<1x1x16xf32> to vector<16xf32>
          %swap3A_889 = vector.shape_cast %mul3A_882 : vector<16xf32> to vector<1x1x16xf32>
          tpu.vector_store %arg11[%swap3A_884, %swap3A_885, %swap3A_886], %swap3A_889 {strides = array<i32>} : memref<2x128x128xf32, #tpu.memory_space<vmem>>, vector<1x1x16xf32>,
          %mul3A_890 = arith.constant 16 : i32
          %mul3A_891 = arith.muli %scan3A_131, %mul3A_890 : i32
          %add3A_892 = arith.constant 6 : i32
          %add3A_893 = arith.addi %mul3A_891, %add3A_892 : i32
          %slice3A_894 = vector.extract_strided_slice %get3A_136 {offsets = [6], sizes = [1], strides = [1]} : vector<16xf32> to vector<1xf32>
          %squeeze3A_895 = vector.extract %slice3A_894[0] : f32 from vector<1xf32>
          %get3A_896 = arith.constant 1 : i32
          %get3A_897 = arith.index_cast %get3A_896 : i32 to index
          %get3A_898 = arith.index_cast %add3A_893 : i32 to index
          %get3A_899 = arith.constant 0 : index
          %get3A_900 = tpu.vector_load %arg11[%get3A_897, %get3A_898, %get3A_899] {strides = array<i32>} : memref<2x128x128xf32, #tpu.memory_space<vmem>>, vector<1x1x16xf32>,
          %get3A_901 = vector.shape_cast %get3A_900 : vector<1x1x16xf32> to vector<16xf32>
          %mul3A_902 = vector.broadcast %squeeze3A_895 : f32 to vector<16xf32>
          %mul3A_903 = arith.mulf %get3A_901, %mul3A_902 : vector<16xf32>
          %swap3A_904 = arith.constant 1 : i32
          %swap3A_905 = arith.index_cast %swap3A_904 : i32 to index
          %swap3A_906 = arith.index_cast %add3A_893 : i32 to index
          %swap3A_907 = arith.constant 0 : index
          %swap3A_908 = tpu.vector_load %arg11[%swap3A_905, %swap3A_906, %swap3A_907] {strides = array<i32>} : memref<2x128x128xf32, #tpu.memory_space<vmem>>, vector<1x1x16xf32>,
          %swap3A_909 = vector.shape_cast %swap3A_908 : vector<1x1x16xf32> to vector<16xf32>
          %swap3A_910 = vector.shape_cast %mul3A_903 : vector<16xf32> to vector<1x1x16xf32>
          tpu.vector_store %arg11[%swap3A_905, %swap3A_906, %swap3A_907], %swap3A_910 {strides = array<i32>} : memref<2x128x128xf32, #tpu.memory_space<vmem>>, vector<1x1x16xf32>,
          %get3A_911 = arith.constant 1 : i32
          %get3A_912 = arith.index_cast %get3A_911 : i32 to index
          %get3A_913 = arith.index_cast %add3A_893 : i32 to index
          %get3A_914 = arith.constant 16 : index
          %get3A_915 = tpu.vector_load %arg11[%get3A_912, %get3A_913, %get3A_914] {strides = array<i32>} : memref<2x128x128xf32, #tpu.memory_space<vmem>>, vector<1x1x16xf32>,
          %get3A_916 = vector.shape_cast %get3A_915 : vector<1x1x16xf32> to vector<16xf32>
          %mul3A_917 = vector.broadcast %squeeze3A_895 : f32 to vector<16xf32>
          %mul3A_918 = arith.mulf %get3A_916, %mul3A_917 : vector<16xf32>
          %swap3A_919 = arith.constant 1 : i32
          %swap3A_920 = arith.index_cast %swap3A_919 : i32 to index
          %swap3A_921 = arith.index_cast %add3A_893 : i32 to index
          %swap3A_922 = arith.constant 16 : index
          %swap3A_923 = tpu.vector_load %arg11[%swap3A_920, %swap3A_921, %swap3A_922] {strides = array<i32>} : memref<2x128x128xf32, #tpu.memory_space<vmem>>, vector<1x1x16xf32>,
          %swap3A_924 = vector.shape_cast %swap3A_923 : vector<1x1x16xf32> to vector<16xf32>
          %swap3A_925 = vector.shape_cast %mul3A_918 : vector<16xf32> to vector<1x1x16xf32>
          tpu.vector_store %arg11[%swap3A_920, %swap3A_921, %swap3A_922], %swap3A_925 {strides = array<i32>} : memref<2x128x128xf32, #tpu.memory_space<vmem>>, vector<1x1x16xf32>,
          %get3A_926 = arith.constant 1 : i32
          %get3A_927 = arith.index_cast %get3A_926 : i32 to index
          %get3A_928 = arith.index_cast %add3A_893 : i32 to index
          %get3A_929 = arith.constant 32 : index
          %get3A_930 = tpu.vector_load %arg11[%get3A_927, %get3A_928, %get3A_929] {strides = array<i32>} : memref<2x128x128xf32, #tpu.memory_space<vmem>>, vector<1x1x16xf32>,
          %get3A_931 = vector.shape_cast %get3A_930 : vector<1x1x16xf32> to vector<16xf32>
          %mul3A_932 = vector.broadcast %squeeze3A_895 : f32 to vector<16xf32>
          %mul3A_933 = arith.mulf %get3A_931, %mul3A_932 : vector<16xf32>
          %swap3A_934 = arith.constant 1 : i32
          %swap3A_935 = arith.index_cast %swap3A_934 : i32 to index
          %swap3A_936 = arith.index_cast %add3A_893 : i32 to index
          %swap3A_937 = arith.constant 32 : index
          %swap3A_938 = tpu.vector_load %arg11[%swap3A_935, %swap3A_936, %swap3A_937] {strides = array<i32>} : memref<2x128x128xf32, #tpu.memory_space<vmem>>, vector<1x1x16xf32>,
          %swap3A_939 = vector.shape_cast %swap3A_938 : vector<1x1x16xf32> to vector<16xf32>
          %swap3A_940 = vector.shape_cast %mul3A_933 : vector<16xf32> to vector<1x1x16xf32>
          tpu.vector_store %arg11[%swap3A_935, %swap3A_936, %swap3A_937], %swap3A_940 {strides = array<i32>} : memref<2x128x128xf32, #tpu.memory_space<vmem>>, vector<1x1x16xf32>,
          %get3A_941 = arith.constant 1 : i32
          %get3A_942 = arith.index_cast %get3A_941 : i32 to index
          %get3A_943 = arith.index_cast %add3A_893 : i32 to index
          %get3A_944 = arith.constant 48 : index
          %get3A_945 = tpu.vector_load %arg11[%get3A_942, %get3A_943, %get3A_944] {strides = array<i32>} : memref<2x128x128xf32, #tpu.memory_space<vmem>>, vector<1x1x16xf32>,
          %get3A_946 = vector.shape_cast %get3A_945 : vector<1x1x16xf32> to vector<16xf32>
          %mul3A_947 = vector.broadcast %squeeze3A_895 : f32 to vector<16xf32>
          %mul3A_948 = arith.mulf %get3A_946, %mul3A_947 : vector<16xf32>
          %swap3A_949 = arith.constant 1 : i32
          %swap3A_950 = arith.index_cast %swap3A_949 : i32 to index
          %swap3A_951 = arith.index_cast %add3A_893 : i32 to index
          %swap3A_952 = arith.constant 48 : index
          %swap3A_953 = tpu.vector_load %arg11[%swap3A_950, %swap3A_951, %swap3A_952] {strides = array<i32>} : memref<2x128x128xf32, #tpu.memory_space<vmem>>, vector<1x1x16xf32>,
          %swap3A_954 = vector.shape_cast %swap3A_953 : vector<1x1x16xf32> to vector<16xf32>
          %swap3A_955 = vector.shape_cast %mul3A_948 : vector<16xf32> to vector<1x1x16xf32>
          tpu.vector_store %arg11[%swap3A_950, %swap3A_951, %swap3A_952], %swap3A_955 {strides = array<i32>} : memref<2x128x128xf32, #tpu.memory_space<vmem>>, vector<1x1x16xf32>,
          %get3A_956 = arith.constant 1 : i32
          %get3A_957 = arith.index_cast %get3A_956 : i32 to index
          %get3A_958 = arith.index_cast %add3A_893 : i32 to index
          %get3A_959 = arith.constant 64 : index
          %get3A_960 = tpu.vector_load %arg11[%get3A_957, %get3A_958, %get3A_959] {strides = array<i32>} : memref<2x128x128xf32, #tpu.memory_space<vmem>>, vector<1x1x16xf32>,
          %get3A_961 = vector.shape_cast %get3A_960 : vector<1x1x16xf32> to vector<16xf32>
          %mul3A_962 = vector.broadcast %squeeze3A_895 : f32 to vector<16xf32>
          %mul3A_963 = arith.mulf %get3A_961, %mul3A_962 : vector<16xf32>
          %swap3A_964 = arith.constant 1 : i32
          %swap3A_965 = arith.index_cast %swap3A_964 : i32 to index
          %swap3A_966 = arith.index_cast %add3A_893 : i32 to index
          %swap3A_967 = arith.constant 64 : index
          %swap3A_968 = tpu.vector_load %arg11[%swap3A_965, %swap3A_966, %swap3A_967] {strides = array<i32>} : memref<2x128x128xf32, #tpu.memory_space<vmem>>, vector<1x1x16xf32>,
          %swap3A_969 = vector.shape_cast %swap3A_968 : vector<1x1x16xf32> to vector<16xf32>
          %swap3A_970 = vector.shape_cast %mul3A_963 : vector<16xf32> to vector<1x1x16xf32>
          tpu.vector_store %arg11[%swap3A_965, %swap3A_966, %swap3A_967], %swap3A_970 {strides = array<i32>} : memref<2x128x128xf32, #tpu.memory_space<vmem>>, vector<1x1x16xf32>,
          %get3A_971 = arith.constant 1 : i32
          %get3A_972 = arith.index_cast %get3A_971 : i32 to index
          %get3A_973 = arith.index_cast %add3A_893 : i32 to index
          %get3A_974 = arith.constant 80 : index
          %get3A_975 = tpu.vector_load %arg11[%get3A_972, %get3A_973, %get3A_974] {strides = array<i32>} : memref<2x128x128xf32, #tpu.memory_space<vmem>>, vector<1x1x16xf32>,
          %get3A_976 = vector.shape_cast %get3A_975 : vector<1x1x16xf32> to vector<16xf32>
          %mul3A_977 = vector.broadcast %squeeze3A_895 : f32 to vector<16xf32>
          %mul3A_978 = arith.mulf %get3A_976, %mul3A_977 : vector<16xf32>
          %swap3A_979 = arith.constant 1 : i32
          %swap3A_980 = arith.index_cast %swap3A_979 : i32 to index
          %swap3A_981 = arith.index_cast %add3A_893 : i32 to index
          %swap3A_982 = arith.constant 80 : index
          %swap3A_983 = tpu.vector_load %arg11[%swap3A_980, %swap3A_981, %swap3A_982] {strides = array<i32>} : memref<2x128x128xf32, #tpu.memory_space<vmem>>, vector<1x1x16xf32>,
          %swap3A_984 = vector.shape_cast %swap3A_983 : vector<1x1x16xf32> to vector<16xf32>
          %swap3A_985 = vector.shape_cast %mul3A_978 : vector<16xf32> to vector<1x1x16xf32>
          tpu.vector_store %arg11[%swap3A_980, %swap3A_981, %swap3A_982], %swap3A_985 {strides = array<i32>} : memref<2x128x128xf32, #tpu.memory_space<vmem>>, vector<1x1x16xf32>,
          %get3A_986 = arith.constant 1 : i32
          %get3A_987 = arith.index_cast %get3A_986 : i32 to index
          %get3A_988 = arith.index_cast %add3A_893 : i32 to index
          %get3A_989 = arith.constant 96 : index
          %get3A_990 = tpu.vector_load %arg11[%get3A_987, %get3A_988, %get3A_989] {strides = array<i32>} : memref<2x128x128xf32, #tpu.memory_space<vmem>>, vector<1x1x16xf32>,
          %get3A_991 = vector.shape_cast %get3A_990 : vector<1x1x16xf32> to vector<16xf32>
          %mul3A_992 = vector.broadcast %squeeze3A_895 : f32 to vector<16xf32>
          %mul3A_993 = arith.mulf %get3A_991, %mul3A_992 : vector<16xf32>
          %swap3A_994 = arith.constant 1 : i32
          %swap3A_995 = arith.index_cast %swap3A_994 : i32 to index
          %swap3A_996 = arith.index_cast %add3A_893 : i32 to index
          %swap3A_997 = arith.constant 96 : index
          %swap3A_998 = tpu.vector_load %arg11[%swap3A_995, %swap3A_996, %swap3A_997] {strides = array<i32>} : memref<2x128x128xf32, #tpu.memory_space<vmem>>, vector<1x1x16xf32>,
          %swap3A_999 = vector.shape_cast %swap3A_998 : vector<1x1x16xf32> to vector<16xf32>
          %swap3A_1000 = vector.shape_cast %mul3A_993 : vector<16xf32> to vector<1x1x16xf32>
          tpu.vector_store %arg11[%swap3A_995, %swap3A_996, %swap3A_997], %swap3A_1000 {strides = array<i32>} : memref<2x128x128xf32, #tpu.memory_space<vmem>>, vector<1x1x16xf32>,
          %get3A_1001 = arith.constant 1 : i32
          %get3A_1002 = arith.index_cast %get3A_1001 : i32 to index
          %get3A_1003 = arith.index_cast %add3A_893 : i32 to index
          %get3A_1004 = arith.constant 112 : index
          %get3A_1005 = tpu.vector_load %arg11[%get3A_1002, %get3A_1003, %get3A_1004] {strides = array<i32>} : memref<2x128x128xf32, #tpu.memory_space<vmem>>, vector<1x1x16xf32>,
          %get3A_1006 = vector.shape_cast %get3A_1005 : vector<1x1x16xf32> to vector<16xf32>
          %mul3A_1007 = vector.broadcast %squeeze3A_895 : f32 to vector<16xf32>
          %mul3A_1008 = arith.mulf %get3A_1006, %mul3A_1007 : vector<16xf32>
          %swap3A_1009 = arith.constant 1 : i32
          %swap3A_1010 = arith.index_cast %swap3A_1009 : i32 to index
          %swap3A_1011 = arith.index_cast %add3A_893 : i32 to index
          %swap3A_1012 = arith.constant 112 : index
          %swap3A_1013 = tpu.vector_load %arg11[%swap3A_1010, %swap3A_1011, %swap3A_1012] {strides = array<i32>} : memref<2x128x128xf32, #tpu.memory_space<vmem>>, vector<1x1x16xf32>,
          %swap3A_1014 = vector.shape_cast %swap3A_1013 : vector<1x1x16xf32> to vector<16xf32>
          %swap3A_1015 = vector.shape_cast %mul3A_1008 : vector<16xf32> to vector<1x1x16xf32>
          tpu.vector_store %arg11[%swap3A_1010, %swap3A_1011, %swap3A_1012], %swap3A_1015 {strides = array<i32>} : memref<2x128x128xf32, #tpu.memory_space<vmem>>, vector<1x1x16xf32>,
          %mul3A_1016 = arith.constant 16 : i32
          %mul3A_1017 = arith.muli %scan3A_131, %mul3A_1016 : i32
          %add3A_1018 = arith.constant 7 : i32
          %add3A_1019 = arith.addi %mul3A_1017, %add3A_1018 : i32
          %slice3A_1020 = vector.extract_strided_slice %get3A_136 {offsets = [7], sizes = [1], strides = [1]} : vector<16xf32> to vector<1xf32>
          %squeeze3A_1021 = vector.extract %slice3A_1020[0] : f32 from vector<1xf32>
          %get3A_1022 = arith.constant 1 : i32
          %get3A_1023 = arith.index_cast %get3A_1022 : i32 to index
          %get3A_1024 = arith.index_cast %add3A_1019 : i32 to index
          %get3A_1025 = arith.constant 0 : index
          %get3A_1026 = tpu.vector_load %arg11[%get3A_1023, %get3A_1024, %get3A_1025] {strides = array<i32>} : memref<2x128x128xf32, #tpu.memory_space<vmem>>, vector<1x1x16xf32>,
          %get3A_1027 = vector.shape_cast %get3A_1026 : vector<1x1x16xf32> to vector<16xf32>
          %mul3A_1028 = vector.broadcast %squeeze3A_1021 : f32 to vector<16xf32>
          %mul3A_1029 = arith.mulf %get3A_1027, %mul3A_1028 : vector<16xf32>
          %swap3A_1030 = arith.constant 1 : i32
          %swap3A_1031 = arith.index_cast %swap3A_1030 : i32 to index
          %swap3A_1032 = arith.index_cast %add3A_1019 : i32 to index
          %swap3A_1033 = arith.constant 0 : index
          %swap3A_1034 = tpu.vector_load %arg11[%swap3A_1031, %swap3A_1032, %swap3A_1033] {strides = array<i32>} : memref<2x128x128xf32, #tpu.memory_space<vmem>>, vector<1x1x16xf32>,
          %swap3A_1035 = vector.shape_cast %swap3A_1034 : vector<1x1x16xf32> to vector<16xf32>
          %swap3A_1036 = vector.shape_cast %mul3A_1029 : vector<16xf32> to vector<1x1x16xf32>
          tpu.vector_store %arg11[%swap3A_1031, %swap3A_1032, %swap3A_1033], %swap3A_1036 {strides = array<i32>} : memref<2x128x128xf32, #tpu.memory_space<vmem>>, vector<1x1x16xf32>,
          %get3A_1037 = arith.constant 1 : i32
          %get3A_1038 = arith.index_cast %get3A_1037 : i32 to index
          %get3A_1039 = arith.index_cast %add3A_1019 : i32 to index
          %get3A_1040 = arith.constant 16 : index
          %get3A_1041 = tpu.vector_load %arg11[%get3A_1038, %get3A_1039, %get3A_1040] {strides = array<i32>} : memref<2x128x128xf32, #tpu.memory_space<vmem>>, vector<1x1x16xf32>,
          %get3A_1042 = vector.shape_cast %get3A_1041 : vector<1x1x16xf32> to vector<16xf32>
          %mul3A_1043 = vector.broadcast %squeeze3A_1021 : f32 to vector<16xf32>
          %mul3A_1044 = arith.mulf %get3A_1042, %mul3A_1043 : vector<16xf32>
          %swap3A_1045 = arith.constant 1 : i32
          %swap3A_1046 = arith.index_cast %swap3A_1045 : i32 to index
          %swap3A_1047 = arith.index_cast %add3A_1019 : i32 to index
          %swap3A_1048 = arith.constant 16 : index
          %swap3A_1049 = tpu.vector_load %arg11[%swap3A_1046, %swap3A_1047, %swap3A_1048] {strides = array<i32>} : memref<2x128x128xf32, #tpu.memory_space<vmem>>, vector<1x1x16xf32>,
          %swap3A_1050 = vector.shape_cast %swap3A_1049 : vector<1x1x16xf32> to vector<16xf32>
          %swap3A_1051 = vector.shape_cast %mul3A_1044 : vector<16xf32> to vector<1x1x16xf32>
          tpu.vector_store %arg11[%swap3A_1046, %swap3A_1047, %swap3A_1048], %swap3A_1051 {strides = array<i32>} : memref<2x128x128xf32, #tpu.memory_space<vmem>>, vector<1x1x16xf32>,
          %get3A_1052 = arith.constant 1 : i32
          %get3A_1053 = arith.index_cast %get3A_1052 : i32 to index
          %get3A_1054 = arith.index_cast %add3A_1019 : i32 to index
          %get3A_1055 = arith.constant 32 : index
          %get3A_1056 = tpu.vector_load %arg11[%get3A_1053, %get3A_1054, %get3A_1055] {strides = array<i32>} : memref<2x128x128xf32, #tpu.memory_space<vmem>>, vector<1x1x16xf32>,
          %get3A_1057 = vector.shape_cast %get3A_1056 : vector<1x1x16xf32> to vector<16xf32>
          %mul3A_1058 = vector.broadcast %squeeze3A_1021 : f32 to vector<16xf32>
          %mul3A_1059 = arith.mulf %get3A_1057, %mul3A_1058 : vector<16xf32>
          %swap3A_1060 = arith.constant 1 : i32
          %swap3A_1061 = arith.index_cast %swap3A_1060 : i32 to index
          %swap3A_1062 = arith.index_cast %add3A_1019 : i32 to index
          %swap3A_1063 = arith.constant 32 : index
          %swap3A_1064 = tpu.vector_load %arg11[%swap3A_1061, %swap3A_1062, %swap3A_1063] {strides = array<i32>} : memref<2x128x128xf32, #tpu.memory_space<vmem>>, vector<1x1x16xf32>,
          %swap3A_1065 = vector.shape_cast %swap3A_1064 : vector<1x1x16xf32> to vector<16xf32>
          %swap3A_1066 = vector.shape_cast %mul3A_1059 : vector<16xf32> to vector<1x1x16xf32>
          tpu.vector_store %arg11[%swap3A_1061, %swap3A_1062, %swap3A_1063], %swap3A_1066 {strides = array<i32>} : memref<2x128x128xf32, #tpu.memory_space<vmem>>, vector<1x1x16xf32>,
          %get3A_1067 = arith.constant 1 : i32
          %get3A_1068 = arith.index_cast %get3A_1067 : i32 to index
          %get3A_1069 = arith.index_cast %add3A_1019 : i32 to index
          %get3A_1070 = arith.constant 48 : index
          %get3A_1071 = tpu.vector_load %arg11[%get3A_1068, %get3A_1069, %get3A_1070] {strides = array<i32>} : memref<2x128x128xf32, #tpu.memory_space<vmem>>, vector<1x1x16xf32>,
          %get3A_1072 = vector.shape_cast %get3A_1071 : vector<1x1x16xf32> to vector<16xf32>
          %mul3A_1073 = vector.broadcast %squeeze3A_1021 : f32 to vector<16xf32>
          %mul3A_1074 = arith.mulf %get3A_1072, %mul3A_1073 : vector<16xf32>
          %swap3A_1075 = arith.constant 1 : i32
          %swap3A_1076 = arith.index_cast %swap3A_1075 : i32 to index
          %swap3A_1077 = arith.index_cast %add3A_1019 : i32 to index
          %swap3A_1078 = arith.constant 48 : index
          %swap3A_1079 = tpu.vector_load %arg11[%swap3A_1076, %swap3A_1077, %swap3A_1078] {strides = array<i32>} : memref<2x128x128xf32, #tpu.memory_space<vmem>>, vector<1x1x16xf32>,
          %swap3A_1080 = vector.shape_cast %swap3A_1079 : vector<1x1x16xf32> to vector<16xf32>
          %swap3A_1081 = vector.shape_cast %mul3A_1074 : vector<16xf32> to vector<1x1x16xf32>
          tpu.vector_store %arg11[%swap3A_1076, %swap3A_1077, %swap3A_1078], %swap3A_1081 {strides = array<i32>} : memref<2x128x128xf32, #tpu.memory_space<vmem>>, vector<1x1x16xf32>,
          %get3A_1082 = arith.constant 1 : i32
          %get3A_1083 = arith.index_cast %get3A_1082 : i32 to index
          %get3A_1084 = arith.index_cast %add3A_1019 : i32 to index
          %get3A_1085 = arith.constant 64 : index
          %get3A_1086 = tpu.vector_load %arg11[%get3A_1083, %get3A_1084, %get3A_1085] {strides = array<i32>} : memref<2x128x128xf32, #tpu.memory_space<vmem>>, vector<1x1x16xf32>,
          %get3A_1087 = vector.shape_cast %get3A_1086 : vector<1x1x16xf32> to vector<16xf32>
          %mul3A_1088 = vector.broadcast %squeeze3A_1021 : f32 to vector<16xf32>
          %mul3A_1089 = arith.mulf %get3A_1087, %mul3A_1088 : vector<16xf32>
          %swap3A_1090 = arith.constant 1 : i32
          %swap3A_1091 = arith.index_cast %swap3A_1090 : i32 to index
          %swap3A_1092 = arith.index_cast %add3A_1019 : i32 to index
          %swap3A_1093 = arith.constant 64 : index
          %swap3A_1094 = tpu.vector_load %arg11[%swap3A_1091, %swap3A_1092, %swap3A_1093] {strides = array<i32>} : memref<2x128x128xf32, #tpu.memory_space<vmem>>, vector<1x1x16xf32>,
          %swap3A_1095 = vector.shape_cast %swap3A_1094 : vector<1x1x16xf32> to vector<16xf32>
          %swap3A_1096 = vector.shape_cast %mul3A_1089 : vector<16xf32> to vector<1x1x16xf32>
          tpu.vector_store %arg11[%swap3A_1091, %swap3A_1092, %swap3A_1093], %swap3A_1096 {strides = array<i32>} : memref<2x128x128xf32, #tpu.memory_space<vmem>>, vector<1x1x16xf32>,
          %get3A_1097 = arith.constant 1 : i32
          %get3A_1098 = arith.index_cast %get3A_1097 : i32 to index
          %get3A_1099 = arith.index_cast %add3A_1019 : i32 to index
          %get3A_1100 = arith.constant 80 : index
          %get3A_1101 = tpu.vector_load %arg11[%get3A_1098, %get3A_1099, %get3A_1100] {strides = array<i32>} : memref<2x128x128xf32, #tpu.memory_space<vmem>>, vector<1x1x16xf32>,
          %get3A_1102 = vector.shape_cast %get3A_1101 : vector<1x1x16xf32> to vector<16xf32>
          %mul3A_1103 = vector.broadcast %squeeze3A_1021 : f32 to vector<16xf32>
          %mul3A_1104 = arith.mulf %get3A_1102, %mul3A_1103 : vector<16xf32>
          %swap3A_1105 = arith.constant 1 : i32
          %swap3A_1106 = arith.index_cast %swap3A_1105 : i32 to index
          %swap3A_1107 = arith.index_cast %add3A_1019 : i32 to index
          %swap3A_1108 = arith.constant 80 : index
          %swap3A_1109 = tpu.vector_load %arg11[%swap3A_1106, %swap3A_1107, %swap3A_1108] {strides = array<i32>} : memref<2x128x128xf32, #tpu.memory_space<vmem>>, vector<1x1x16xf32>,
          %swap3A_1110 = vector.shape_cast %swap3A_1109 : vector<1x1x16xf32> to vector<16xf32>
          %swap3A_1111 = vector.shape_cast %mul3A_1104 : vector<16xf32> to vector<1x1x16xf32>
          tpu.vector_store %arg11[%swap3A_1106, %swap3A_1107, %swap3A_1108], %swap3A_1111 {strides = array<i32>} : memref<2x128x128xf32, #tpu.memory_space<vmem>>, vector<1x1x16xf32>,
          %get3A_1112 = arith.constant 1 : i32
          %get3A_1113 = arith.index_cast %get3A_1112 : i32 to index
          %get3A_1114 = arith.index_cast %add3A_1019 : i32 to index
          %get3A_1115 = arith.constant 96 : index
          %get3A_1116 = tpu.vector_load %arg11[%get3A_1113, %get3A_1114, %get3A_1115] {strides = array<i32>} : memref<2x128x128xf32, #tpu.memory_space<vmem>>, vector<1x1x16xf32>,
          %get3A_1117 = vector.shape_cast %get3A_1116 : vector<1x1x16xf32> to vector<16xf32>
          %mul3A_1118 = vector.broadcast %squeeze3A_1021 : f32 to vector<16xf32>
          %mul3A_1119 = arith.mulf %get3A_1117, %mul3A_1118 : vector<16xf32>
          %swap3A_1120 = arith.constant 1 : i32
          %swap3A_1121 = arith.index_cast %swap3A_1120 : i32 to index
          %swap3A_1122 = arith.index_cast %add3A_1019 : i32 to index
          %swap3A_1123 = arith.constant 96 : index
          %swap3A_1124 = tpu.vector_load %arg11[%swap3A_1121, %swap3A_1122, %swap3A_1123] {strides = array<i32>} : memref<2x128x128xf32, #tpu.memory_space<vmem>>, vector<1x1x16xf32>,
          %swap3A_1125 = vector.shape_cast %swap3A_1124 : vector<1x1x16xf32> to vector<16xf32>
          %swap3A_1126 = vector.shape_cast %mul3A_1119 : vector<16xf32> to vector<1x1x16xf32>
          tpu.vector_store %arg11[%swap3A_1121, %swap3A_1122, %swap3A_1123], %swap3A_1126 {strides = array<i32>} : memref<2x128x128xf32, #tpu.memory_space<vmem>>, vector<1x1x16xf32>,
          %get3A_1127 = arith.constant 1 : i32
          %get3A_1128 = arith.index_cast %get3A_1127 : i32 to index
          %get3A_1129 = arith.index_cast %add3A_1019 : i32 to index
          %get3A_1130 = arith.constant 112 : index
          %get3A_1131 = tpu.vector_load %arg11[%get3A_1128, %get3A_1129, %get3A_1130] {strides = array<i32>} : memref<2x128x128xf32, #tpu.memory_space<vmem>>, vector<1x1x16xf32>,
          %get3A_1132 = vector.shape_cast %get3A_1131 : vector<1x1x16xf32> to vector<16xf32>
          %mul3A_1133 = vector.broadcast %squeeze3A_1021 : f32 to vector<16xf32>
          %mul3A_1134 = arith.mulf %get3A_1132, %mul3A_1133 : vector<16xf32>
          %swap3A_1135 = arith.constant 1 : i32
          %swap3A_1136 = arith.index_cast %swap3A_1135 : i32 to index
          %swap3A_1137 = arith.index_cast %add3A_1019 : i32 to index
          %swap3A_1138 = arith.constant 112 : index
          %swap3A_1139 = tpu.vector_load %arg11[%swap3A_1136, %swap3A_1137, %swap3A_1138] {strides = array<i32>} : memref<2x128x128xf32, #tpu.memory_space<vmem>>, vector<1x1x16xf32>,
          %swap3A_1140 = vector.shape_cast %swap3A_1139 : vector<1x1x16xf32> to vector<16xf32>
          %swap3A_1141 = vector.shape_cast %mul3A_1134 : vector<16xf32> to vector<1x1x16xf32>
          tpu.vector_store %arg11[%swap3A_1136, %swap3A_1137, %swap3A_1138], %swap3A_1141 {strides = array<i32>} : memref<2x128x128xf32, #tpu.memory_space<vmem>>, vector<1x1x16xf32>,
          %mul3A_1142 = arith.constant 16 : i32
          %mul3A_1143 = arith.muli %scan3A_131, %mul3A_1142 : i32
          %add3A_1144 = arith.constant 8 : i32
          %add3A_1145 = arith.addi %mul3A_1143, %add3A_1144 : i32
          %slice3A_1146 = vector.extract_strided_slice %get3A_136 {offsets = [8], sizes = [1], strides = [1]} : vector<16xf32> to vector<1xf32>
          %squeeze3A_1147 = vector.extract %slice3A_1146[0] : f32 from vector<1xf32>
          %get3A_1148 = arith.constant 1 : i32
          %get3A_1149 = arith.index_cast %get3A_1148 : i32 to index
          %get3A_1150 = arith.index_cast %add3A_1145 : i32 to index
          %get3A_1151 = arith.constant 0 : index
          %get3A_1152 = tpu.vector_load %arg11[%get3A_1149, %get3A_1150, %get3A_1151] {strides = array<i32>} : memref<2x128x128xf32, #tpu.memory_space<vmem>>, vector<1x1x16xf32>,
          %get3A_1153 = vector.shape_cast %get3A_1152 : vector<1x1x16xf32> to vector<16xf32>
          %mul3A_1154 = vector.broadcast %squeeze3A_1147 : f32 to vector<16xf32>
          %mul3A_1155 = arith.mulf %get3A_1153, %mul3A_1154 : vector<16xf32>
          %swap3A_1156 = arith.constant 1 : i32
          %swap3A_1157 = arith.index_cast %swap3A_1156 : i32 to index
          %swap3A_1158 = arith.index_cast %add3A_1145 : i32 to index
          %swap3A_1159 = arith.constant 0 : index
          %swap3A_1160 = tpu.vector_load %arg11[%swap3A_1157, %swap3A_1158, %swap3A_1159] {strides = array<i32>} : memref<2x128x128xf32, #tpu.memory_space<vmem>>, vector<1x1x16xf32>,
          %swap3A_1161 = vector.shape_cast %swap3A_1160 : vector<1x1x16xf32> to vector<16xf32>
          %swap3A_1162 = vector.shape_cast %mul3A_1155 : vector<16xf32> to vector<1x1x16xf32>
          tpu.vector_store %arg11[%swap3A_1157, %swap3A_1158, %swap3A_1159], %swap3A_1162 {strides = array<i32>} : memref<2x128x128xf32, #tpu.memory_space<vmem>>, vector<1x1x16xf32>,
          %get3A_1163 = arith.constant 1 : i32
          %get3A_1164 = arith.index_cast %get3A_1163 : i32 to index
          %get3A_1165 = arith.index_cast %add3A_1145 : i32 to index
          %get3A_1166 = arith.constant 16 : index
          %get3A_1167 = tpu.vector_load %arg11[%get3A_1164, %get3A_1165, %get3A_1166] {strides = array<i32>} : memref<2x128x128xf32, #tpu.memory_space<vmem>>, vector<1x1x16xf32>,
          %get3A_1168 = vector.shape_cast %get3A_1167 : vector<1x1x16xf32> to vector<16xf32>
          %mul3A_1169 = vector.broadcast %squeeze3A_1147 : f32 to vector<16xf32>
          %mul3A_1170 = arith.mulf %get3A_1168, %mul3A_1169 : vector<16xf32>
          %swap3A_1171 = arith.constant 1 : i32
          %swap3A_1172 = arith.index_cast %swap3A_1171 : i32 to index
          %swap3A_1173 = arith.index_cast %add3A_1145 : i32 to index
          %swap3A_1174 = arith.constant 16 : index
          %swap3A_1175 = tpu.vector_load %arg11[%swap3A_1172, %swap3A_1173, %swap3A_1174] {strides = array<i32>} : memref<2x128x128xf32, #tpu.memory_space<vmem>>, vector<1x1x16xf32>,
          %swap3A_1176 = vector.shape_cast %swap3A_1175 : vector<1x1x16xf32> to vector<16xf32>
          %swap3A_1177 = vector.shape_cast %mul3A_1170 : vector<16xf32> to vector<1x1x16xf32>
          tpu.vector_store %arg11[%swap3A_1172, %swap3A_1173, %swap3A_1174], %swap3A_1177 {strides = array<i32>} : memref<2x128x128xf32, #tpu.memory_space<vmem>>, vector<1x1x16xf32>,
          %get3A_1178 = arith.constant 1 : i32
          %get3A_1179 = arith.index_cast %get3A_1178 : i32 to index
          %get3A_1180 = arith.index_cast %add3A_1145 : i32 to index
          %get3A_1181 = arith.constant 32 : index
          %get3A_1182 = tpu.vector_load %arg11[%get3A_1179, %get3A_1180, %get3A_1181] {strides = array<i32>} : memref<2x128x128xf32, #tpu.memory_space<vmem>>, vector<1x1x16xf32>,
          %get3A_1183 = vector.shape_cast %get3A_1182 : vector<1x1x16xf32> to vector<16xf32>
          %mul3A_1184 = vector.broadcast %squeeze3A_1147 : f32 to vector<16xf32>
          %mul3A_1185 = arith.mulf %get3A_1183, %mul3A_1184 : vector<16xf32>
          %swap3A_1186 = arith.constant 1 : i32
          %swap3A_1187 = arith.index_cast %swap3A_1186 : i32 to index
          %swap3A_1188 = arith.index_cast %add3A_1145 : i32 to index
          %swap3A_1189 = arith.constant 32 : index
          %swap3A_1190 = tpu.vector_load %arg11[%swap3A_1187, %swap3A_1188, %swap3A_1189] {strides = array<i32>} : memref<2x128x128xf32, #tpu.memory_space<vmem>>, vector<1x1x16xf32>,
          %swap3A_1191 = vector.shape_cast %swap3A_1190 : vector<1x1x16xf32> to vector<16xf32>
          %swap3A_1192 = vector.shape_cast %mul3A_1185 : vector<16xf32> to vector<1x1x16xf32>
          tpu.vector_store %arg11[%swap3A_1187, %swap3A_1188, %swap3A_1189], %swap3A_1192 {strides = array<i32>} : memref<2x128x128xf32, #tpu.memory_space<vmem>>, vector<1x1x16xf32>,
          %get3A_1193 = arith.constant 1 : i32
          %get3A_1194 = arith.index_cast %get3A_1193 : i32 to index
          %get3A_1195 = arith.index_cast %add3A_1145 : i32 to index
          %get3A_1196 = arith.constant 48 : index
          %get3A_1197 = tpu.vector_load %arg11[%get3A_1194, %get3A_1195, %get3A_1196] {strides = array<i32>} : memref<2x128x128xf32, #tpu.memory_space<vmem>>, vector<1x1x16xf32>,
          %get3A_1198 = vector.shape_cast %get3A_1197 : vector<1x1x16xf32> to vector<16xf32>
          %mul3A_1199 = vector.broadcast %squeeze3A_1147 : f32 to vector<16xf32>
          %mul3A_1200 = arith.mulf %get3A_1198, %mul3A_1199 : vector<16xf32>
          %swap3A_1201 = arith.constant 1 : i32
          %swap3A_1202 = arith.index_cast %swap3A_1201 : i32 to index
          %swap3A_1203 = arith.index_cast %add3A_1145 : i32 to index
          %swap3A_1204 = arith.constant 48 : index
          %swap3A_1205 = tpu.vector_load %arg11[%swap3A_1202, %swap3A_1203, %swap3A_1204] {strides = array<i32>} : memref<2x128x128xf32, #tpu.memory_space<vmem>>, vector<1x1x16xf32>,
          %swap3A_1206 = vector.shape_cast %swap3A_1205 : vector<1x1x16xf32> to vector<16xf32>
          %swap3A_1207 = vector.shape_cast %mul3A_1200 : vector<16xf32> to vector<1x1x16xf32>
          tpu.vector_store %arg11[%swap3A_1202, %swap3A_1203, %swap3A_1204], %swap3A_1207 {strides = array<i32>} : memref<2x128x128xf32, #tpu.memory_space<vmem>>, vector<1x1x16xf32>,
          %get3A_1208 = arith.constant 1 : i32
          %get3A_1209 = arith.index_cast %get3A_1208 : i32 to index
          %get3A_1210 = arith.index_cast %add3A_1145 : i32 to index
          %get3A_1211 = arith.constant 64 : index
          %get3A_1212 = tpu.vector_load %arg11[%get3A_1209, %get3A_1210, %get3A_1211] {strides = array<i32>} : memref<2x128x128xf32, #tpu.memory_space<vmem>>, vector<1x1x16xf32>,
          %get3A_1213 = vector.shape_cast %get3A_1212 : vector<1x1x16xf32> to vector<16xf32>
          %mul3A_1214 = vector.broadcast %squeeze3A_1147 : f32 to vector<16xf32>
          %mul3A_1215 = arith.mulf %get3A_1213, %mul3A_1214 : vector<16xf32>
          %swap3A_1216 = arith.constant 1 : i32
          %swap3A_1217 = arith.index_cast %swap3A_1216 : i32 to index
          %swap3A_1218 = arith.index_cast %add3A_1145 : i32 to index
          %swap3A_1219 = arith.constant 64 : index
          %swap3A_1220 = tpu.vector_load %arg11[%swap3A_1217, %swap3A_1218, %swap3A_1219] {strides = array<i32>} : memref<2x128x128xf32, #tpu.memory_space<vmem>>, vector<1x1x16xf32>,
          %swap3A_1221 = vector.shape_cast %swap3A_1220 : vector<1x1x16xf32> to vector<16xf32>
          %swap3A_1222 = vector.shape_cast %mul3A_1215 : vector<16xf32> to vector<1x1x16xf32>
          tpu.vector_store %arg11[%swap3A_1217, %swap3A_1218, %swap3A_1219], %swap3A_1222 {strides = array<i32>} : memref<2x128x128xf32, #tpu.memory_space<vmem>>, vector<1x1x16xf32>,
          %get3A_1223 = arith.constant 1 : i32
          %get3A_1224 = arith.index_cast %get3A_1223 : i32 to index
          %get3A_1225 = arith.index_cast %add3A_1145 : i32 to index
          %get3A_1226 = arith.constant 80 : index
          %get3A_1227 = tpu.vector_load %arg11[%get3A_1224, %get3A_1225, %get3A_1226] {strides = array<i32>} : memref<2x128x128xf32, #tpu.memory_space<vmem>>, vector<1x1x16xf32>,
          %get3A_1228 = vector.shape_cast %get3A_1227 : vector<1x1x16xf32> to vector<16xf32>
          %mul3A_1229 = vector.broadcast %squeeze3A_1147 : f32 to vector<16xf32>
          %mul3A_1230 = arith.mulf %get3A_1228, %mul3A_1229 : vector<16xf32>
          %swap3A_1231 = arith.constant 1 : i32
          %swap3A_1232 = arith.index_cast %swap3A_1231 : i32 to index
          %swap3A_1233 = arith.index_cast %add3A_1145 : i32 to index
          %swap3A_1234 = arith.constant 80 : index
          %swap3A_1235 = tpu.vector_load %arg11[%swap3A_1232, %swap3A_1233, %swap3A_1234] {strides = array<i32>} : memref<2x128x128xf32, #tpu.memory_space<vmem>>, vector<1x1x16xf32>,
          %swap3A_1236 = vector.shape_cast %swap3A_1235 : vector<1x1x16xf32> to vector<16xf32>
          %swap3A_1237 = vector.shape_cast %mul3A_1230 : vector<16xf32> to vector<1x1x16xf32>
          tpu.vector_store %arg11[%swap3A_1232, %swap3A_1233, %swap3A_1234], %swap3A_1237 {strides = array<i32>} : memref<2x128x128xf32, #tpu.memory_space<vmem>>, vector<1x1x16xf32>,
          %get3A_1238 = arith.constant 1 : i32
          %get3A_1239 = arith.index_cast %get3A_1238 : i32 to index
          %get3A_1240 = arith.index_cast %add3A_1145 : i32 to index
          %get3A_1241 = arith.constant 96 : index
          %get3A_1242 = tpu.vector_load %arg11[%get3A_1239, %get3A_1240, %get3A_1241] {strides = array<i32>} : memref<2x128x128xf32, #tpu.memory_space<vmem>>, vector<1x1x16xf32>,
          %get3A_1243 = vector.shape_cast %get3A_1242 : vector<1x1x16xf32> to vector<16xf32>
          %mul3A_1244 = vector.broadcast %squeeze3A_1147 : f32 to vector<16xf32>
          %mul3A_1245 = arith.mulf %get3A_1243, %mul3A_1244 : vector<16xf32>
          %swap3A_1246 = arith.constant 1 : i32
          %swap3A_1247 = arith.index_cast %swap3A_1246 : i32 to index
          %swap3A_1248 = arith.index_cast %add3A_1145 : i32 to index
          %swap3A_1249 = arith.constant 96 : index
          %swap3A_1250 = tpu.vector_load %arg11[%swap3A_1247, %swap3A_1248, %swap3A_1249] {strides = array<i32>} : memref<2x128x128xf32, #tpu.memory_space<vmem>>, vector<1x1x16xf32>,
          %swap3A_1251 = vector.shape_cast %swap3A_1250 : vector<1x1x16xf32> to vector<16xf32>
          %swap3A_1252 = vector.shape_cast %mul3A_1245 : vector<16xf32> to vector<1x1x16xf32>
          tpu.vector_store %arg11[%swap3A_1247, %swap3A_1248, %swap3A_1249], %swap3A_1252 {strides = array<i32>} : memref<2x128x128xf32, #tpu.memory_space<vmem>>, vector<1x1x16xf32>,
          %get3A_1253 = arith.constant 1 : i32
          %get3A_1254 = arith.index_cast %get3A_1253 : i32 to index
          %get3A_1255 = arith.index_cast %add3A_1145 : i32 to index
          %get3A_1256 = arith.constant 112 : index
          %get3A_1257 = tpu.vector_load %arg11[%get3A_1254, %get3A_1255, %get3A_1256] {strides = array<i32>} : memref<2x128x128xf32, #tpu.memory_space<vmem>>, vector<1x1x16xf32>,
          %get3A_1258 = vector.shape_cast %get3A_1257 : vector<1x1x16xf32> to vector<16xf32>
          %mul3A_1259 = vector.broadcast %squeeze3A_1147 : f32 to vector<16xf32>
          %mul3A_1260 = arith.mulf %get3A_1258, %mul3A_1259 : vector<16xf32>
          %swap3A_1261 = arith.constant 1 : i32
          %swap3A_1262 = arith.index_cast %swap3A_1261 : i32 to index
          %swap3A_1263 = arith.index_cast %add3A_1145 : i32 to index
          %swap3A_1264 = arith.constant 112 : index
          %swap3A_1265 = tpu.vector_load %arg11[%swap3A_1262, %swap3A_1263, %swap3A_1264] {strides = array<i32>} : memref<2x128x128xf32, #tpu.memory_space<vmem>>, vector<1x1x16xf32>,
          %swap3A_1266 = vector.shape_cast %swap3A_1265 : vector<1x1x16xf32> to vector<16xf32>
          %swap3A_1267 = vector.shape_cast %mul3A_1260 : vector<16xf32> to vector<1x1x16xf32>
          tpu.vector_store %arg11[%swap3A_1262, %swap3A_1263, %swap3A_1264], %swap3A_1267 {strides = array<i32>} : memref<2x128x128xf32, #tpu.memory_space<vmem>>, vector<1x1x16xf32>,
          %mul3A_1268 = arith.constant 16 : i32
          %mul3A_1269 = arith.muli %scan3A_131, %mul3A_1268 : i32
          %add3A_1270 = arith.constant 9 : i32
          %add3A_1271 = arith.addi %mul3A_1269, %add3A_1270 : i32
          %slice3A_1272 = vector.extract_strided_slice %get3A_136 {offsets = [9], sizes = [1], strides = [1]} : vector<16xf32> to vector<1xf32>
          %squeeze3A_1273 = vector.extract %slice3A_1272[0] : f32 from vector<1xf32>
          %get3A_1274 = arith.constant 1 : i32
          %get3A_1275 = arith.index_cast %get3A_1274 : i32 to index
          %get3A_1276 = arith.index_cast %add3A_1271 : i32 to index
          %get3A_1277 = arith.constant 0 : index
          %get3A_1278 = tpu.vector_load %arg11[%get3A_1275, %get3A_1276, %get3A_1277] {strides = array<i32>} : memref<2x128x128xf32, #tpu.memory_space<vmem>>, vector<1x1x16xf32>,
          %get3A_1279 = vector.shape_cast %get3A_1278 : vector<1x1x16xf32> to vector<16xf32>
          %mul3A_1280 = vector.broadcast %squeeze3A_1273 : f32 to vector<16xf32>
          %mul3A_1281 = arith.mulf %get3A_1279, %mul3A_1280 : vector<16xf32>
          %swap3A_1282 = arith.constant 1 : i32
          %swap3A_1283 = arith.index_cast %swap3A_1282 : i32 to index
          %swap3A_1284 = arith.index_cast %add3A_1271 : i32 to index
          %swap3A_1285 = arith.constant 0 : index
          %swap3A_1286 = tpu.vector_load %arg11[%swap3A_1283, %swap3A_1284, %swap3A_1285] {strides = array<i32>} : memref<2x128x128xf32, #tpu.memory_space<vmem>>, vector<1x1x16xf32>,
          %swap3A_1287 = vector.shape_cast %swap3A_1286 : vector<1x1x16xf32> to vector<16xf32>
          %swap3A_1288 = vector.shape_cast %mul3A_1281 : vector<16xf32> to vector<1x1x16xf32>
          tpu.vector_store %arg11[%swap3A_1283, %swap3A_1284, %swap3A_1285], %swap3A_1288 {strides = array<i32>} : memref<2x128x128xf32, #tpu.memory_space<vmem>>, vector<1x1x16xf32>,
          %get3A_1289 = arith.constant 1 : i32
          %get3A_1290 = arith.index_cast %get3A_1289 : i32 to index
          %get3A_1291 = arith.index_cast %add3A_1271 : i32 to index
          %get3A_1292 = arith.constant 16 : index
          %get3A_1293 = tpu.vector_load %arg11[%get3A_1290, %get3A_1291, %get3A_1292] {strides = array<i32>} : memref<2x128x128xf32, #tpu.memory_space<vmem>>, vector<1x1x16xf32>,
          %get3A_1294 = vector.shape_cast %get3A_1293 : vector<1x1x16xf32> to vector<16xf32>
          %mul3A_1295 = vector.broadcast %squeeze3A_1273 : f32 to vector<16xf32>
          %mul3A_1296 = arith.mulf %get3A_1294, %mul3A_1295 : vector<16xf32>
          %swap3A_1297 = arith.constant 1 : i32
          %swap3A_1298 = arith.index_cast %swap3A_1297 : i32 to index
          %swap3A_1299 = arith.index_cast %add3A_1271 : i32 to index
          %swap3A_1300 = arith.constant 16 : index
          %swap3A_1301 = tpu.vector_load %arg11[%swap3A_1298, %swap3A_1299, %swap3A_1300] {strides = array<i32>} : memref<2x128x128xf32, #tpu.memory_space<vmem>>, vector<1x1x16xf32>,
          %swap3A_1302 = vector.shape_cast %swap3A_1301 : vector<1x1x16xf32> to vector<16xf32>
          %swap3A_1303 = vector.shape_cast %mul3A_1296 : vector<16xf32> to vector<1x1x16xf32>
          tpu.vector_store %arg11[%swap3A_1298, %swap3A_1299, %swap3A_1300], %swap3A_1303 {strides = array<i32>} : memref<2x128x128xf32, #tpu.memory_space<vmem>>, vector<1x1x16xf32>,
          %get3A_1304 = arith.constant 1 : i32
          %get3A_1305 = arith.index_cast %get3A_1304 : i32 to index
          %get3A_1306 = arith.index_cast %add3A_1271 : i32 to index
          %get3A_1307 = arith.constant 32 : index
          %get3A_1308 = tpu.vector_load %arg11[%get3A_1305, %get3A_1306, %get3A_1307] {strides = array<i32>} : memref<2x128x128xf32, #tpu.memory_space<vmem>>, vector<1x1x16xf32>,
          %get3A_1309 = vector.shape_cast %get3A_1308 : vector<1x1x16xf32> to vector<16xf32>
          %mul3A_1310 = vector.broadcast %squeeze3A_1273 : f32 to vector<16xf32>
          %mul3A_1311 = arith.mulf %get3A_1309, %mul3A_1310 : vector<16xf32>
          %swap3A_1312 = arith.constant 1 : i32
          %swap3A_1313 = arith.index_cast %swap3A_1312 : i32 to index
          %swap3A_1314 = arith.index_cast %add3A_1271 : i32 to index
          %swap3A_1315 = arith.constant 32 : index
          %swap3A_1316 = tpu.vector_load %arg11[%swap3A_1313, %swap3A_1314, %swap3A_1315] {strides = array<i32>} : memref<2x128x128xf32, #tpu.memory_space<vmem>>, vector<1x1x16xf32>,
          %swap3A_1317 = vector.shape_cast %swap3A_1316 : vector<1x1x16xf32> to vector<16xf32>
          %swap3A_1318 = vector.shape_cast %mul3A_1311 : vector<16xf32> to vector<1x1x16xf32>
          tpu.vector_store %arg11[%swap3A_1313, %swap3A_1314, %swap3A_1315], %swap3A_1318 {strides = array<i32>} : memref<2x128x128xf32, #tpu.memory_space<vmem>>, vector<1x1x16xf32>,
          %get3A_1319 = arith.constant 1 : i32
          %get3A_1320 = arith.index_cast %get3A_1319 : i32 to index
          %get3A_1321 = arith.index_cast %add3A_1271 : i32 to index
          %get3A_1322 = arith.constant 48 : index
          %get3A_1323 = tpu.vector_load %arg11[%get3A_1320, %get3A_1321, %get3A_1322] {strides = array<i32>} : memref<2x128x128xf32, #tpu.memory_space<vmem>>, vector<1x1x16xf32>,
          %get3A_1324 = vector.shape_cast %get3A_1323 : vector<1x1x16xf32> to vector<16xf32>
          %mul3A_1325 = vector.broadcast %squeeze3A_1273 : f32 to vector<16xf32>
          %mul3A_1326 = arith.mulf %get3A_1324, %mul3A_1325 : vector<16xf32>
          %swap3A_1327 = arith.constant 1 : i32
          %swap3A_1328 = arith.index_cast %swap3A_1327 : i32 to index
          %swap3A_1329 = arith.index_cast %add3A_1271 : i32 to index
          %swap3A_1330 = arith.constant 48 : index
          %swap3A_1331 = tpu.vector_load %arg11[%swap3A_1328, %swap3A_1329, %swap3A_1330] {strides = array<i32>} : memref<2x128x128xf32, #tpu.memory_space<vmem>>, vector<1x1x16xf32>,
          %swap3A_1332 = vector.shape_cast %swap3A_1331 : vector<1x1x16xf32> to vector<16xf32>
          %swap3A_1333 = vector.shape_cast %mul3A_1326 : vector<16xf32> to vector<1x1x16xf32>
          tpu.vector_store %arg11[%swap3A_1328, %swap3A_1329, %swap3A_1330], %swap3A_1333 {strides = array<i32>} : memref<2x128x128xf32, #tpu.memory_space<vmem>>, vector<1x1x16xf32>,
          %get3A_1334 = arith.constant 1 : i32
          %get3A_1335 = arith.index_cast %get3A_1334 : i32 to index
          %get3A_1336 = arith.index_cast %add3A_1271 : i32 to index
          %get3A_1337 = arith.constant 64 : index
          %get3A_1338 = tpu.vector_load %arg11[%get3A_1335, %get3A_1336, %get3A_1337] {strides = array<i32>} : memref<2x128x128xf32, #tpu.memory_space<vmem>>, vector<1x1x16xf32>,
          %get3A_1339 = vector.shape_cast %get3A_1338 : vector<1x1x16xf32> to vector<16xf32>
          %mul3A_1340 = vector.broadcast %squeeze3A_1273 : f32 to vector<16xf32>
          %mul3A_1341 = arith.mulf %get3A_1339, %mul3A_1340 : vector<16xf32>
          %swap3A_1342 = arith.constant 1 : i32
          %swap3A_1343 = arith.index_cast %swap3A_1342 : i32 to index
          %swap3A_1344 = arith.index_cast %add3A_1271 : i32 to index
          %swap3A_1345 = arith.constant 64 : index
          %swap3A_1346 = tpu.vector_load %arg11[%swap3A_1343, %swap3A_1344, %swap3A_1345] {strides = array<i32>} : memref<2x128x128xf32, #tpu.memory_space<vmem>>, vector<1x1x16xf32>,
          %swap3A_1347 = vector.shape_cast %swap3A_1346 : vector<1x1x16xf32> to vector<16xf32>
          %swap3A_1348 = vector.shape_cast %mul3A_1341 : vector<16xf32> to vector<1x1x16xf32>
          tpu.vector_store %arg11[%swap3A_1343, %swap3A_1344, %swap3A_1345], %swap3A_1348 {strides = array<i32>} : memref<2x128x128xf32, #tpu.memory_space<vmem>>, vector<1x1x16xf32>,
          %get3A_1349 = arith.constant 1 : i32
          %get3A_1350 = arith.index_cast %get3A_1349 : i32 to index
          %get3A_1351 = arith.index_cast %add3A_1271 : i32 to index
          %get3A_1352 = arith.constant 80 : index
          %get3A_1353 = tpu.vector_load %arg11[%get3A_1350, %get3A_1351, %get3A_1352] {strides = array<i32>} : memref<2x128x128xf32, #tpu.memory_space<vmem>>, vector<1x1x16xf32>,
          %get3A_1354 = vector.shape_cast %get3A_1353 : vector<1x1x16xf32> to vector<16xf32>
          %mul3A_1355 = vector.broadcast %squeeze3A_1273 : f32 to vector<16xf32>
          %mul3A_1356 = arith.mulf %get3A_1354, %mul3A_1355 : vector<16xf32>
          %swap3A_1357 = arith.constant 1 : i32
          %swap3A_1358 = arith.index_cast %swap3A_1357 : i32 to index
          %swap3A_1359 = arith.index_cast %add3A_1271 : i32 to index
          %swap3A_1360 = arith.constant 80 : index
          %swap3A_1361 = tpu.vector_load %arg11[%swap3A_1358, %swap3A_1359, %swap3A_1360] {strides = array<i32>} : memref<2x128x128xf32, #tpu.memory_space<vmem>>, vector<1x1x16xf32>,
          %swap3A_1362 = vector.shape_cast %swap3A_1361 : vector<1x1x16xf32> to vector<16xf32>
          %swap3A_1363 = vector.shape_cast %mul3A_1356 : vector<16xf32> to vector<1x1x16xf32>
          tpu.vector_store %arg11[%swap3A_1358, %swap3A_1359, %swap3A_1360], %swap3A_1363 {strides = array<i32>} : memref<2x128x128xf32, #tpu.memory_space<vmem>>, vector<1x1x16xf32>,
          %get3A_1364 = arith.constant 1 : i32
          %get3A_1365 = arith.index_cast %get3A_1364 : i32 to index
          %get3A_1366 = arith.index_cast %add3A_1271 : i32 to index
          %get3A_1367 = arith.constant 96 : index
          %get3A_1368 = tpu.vector_load %arg11[%get3A_1365, %get3A_1366, %get3A_1367] {strides = array<i32>} : memref<2x128x128xf32, #tpu.memory_space<vmem>>, vector<1x1x16xf32>,
          %get3A_1369 = vector.shape_cast %get3A_1368 : vector<1x1x16xf32> to vector<16xf32>
          %mul3A_1370 = vector.broadcast %squeeze3A_1273 : f32 to vector<16xf32>
          %mul3A_1371 = arith.mulf %get3A_1369, %mul3A_1370 : vector<16xf32>
          %swap3A_1372 = arith.constant 1 : i32
          %swap3A_1373 = arith.index_cast %swap3A_1372 : i32 to index
          %swap3A_1374 = arith.index_cast %add3A_1271 : i32 to index
          %swap3A_1375 = arith.constant 96 : index
          %swap3A_1376 = tpu.vector_load %arg11[%swap3A_1373, %swap3A_1374, %swap3A_1375] {strides = array<i32>} : memref<2x128x128xf32, #tpu.memory_space<vmem>>, vector<1x1x16xf32>,
          %swap3A_1377 = vector.shape_cast %swap3A_1376 : vector<1x1x16xf32> to vector<16xf32>
          %swap3A_1378 = vector.shape_cast %mul3A_1371 : vector<16xf32> to vector<1x1x16xf32>
          tpu.vector_store %arg11[%swap3A_1373, %swap3A_1374, %swap3A_1375], %swap3A_1378 {strides = array<i32>} : memref<2x128x128xf32, #tpu.memory_space<vmem>>, vector<1x1x16xf32>,
          %get3A_1379 = arith.constant 1 : i32
          %get3A_1380 = arith.index_cast %get3A_1379 : i32 to index
          %get3A_1381 = arith.index_cast %add3A_1271 : i32 to index
          %get3A_1382 = arith.constant 112 : index
          %get3A_1383 = tpu.vector_load %arg11[%get3A_1380, %get3A_1381, %get3A_1382] {strides = array<i32>} : memref<2x128x128xf32, #tpu.memory_space<vmem>>, vector<1x1x16xf32>,
          %get3A_1384 = vector.shape_cast %get3A_1383 : vector<1x1x16xf32> to vector<16xf32>
          %mul3A_1385 = vector.broadcast %squeeze3A_1273 : f32 to vector<16xf32>
          %mul3A_1386 = arith.mulf %get3A_1384, %mul3A_1385 : vector<16xf32>
          %swap3A_1387 = arith.constant 1 : i32
          %swap3A_1388 = arith.index_cast %swap3A_1387 : i32 to index
          %swap3A_1389 = arith.index_cast %add3A_1271 : i32 to index
          %swap3A_1390 = arith.constant 112 : index
          %swap3A_1391 = tpu.vector_load %arg11[%swap3A_1388, %swap3A_1389, %swap3A_1390] {strides = array<i32>} : memref<2x128x128xf32, #tpu.memory_space<vmem>>, vector<1x1x16xf32>,
          %swap3A_1392 = vector.shape_cast %swap3A_1391 : vector<1x1x16xf32> to vector<16xf32>
          %swap3A_1393 = vector.shape_cast %mul3A_1386 : vector<16xf32> to vector<1x1x16xf32>
          tpu.vector_store %arg11[%swap3A_1388, %swap3A_1389, %swap3A_1390], %swap3A_1393 {strides = array<i32>} : memref<2x128x128xf32, #tpu.memory_space<vmem>>, vector<1x1x16xf32>,
          %mul3A_1394 = arith.constant 16 : i32
          %mul3A_1395 = arith.muli %scan3A_131, %mul3A_1394 : i32
          %add3A_1396 = arith.constant 10 : i32
          %add3A_1397 = arith.addi %mul3A_1395, %add3A_1396 : i32
          %slice3A_1398 = vector.extract_strided_slice %get3A_136 {offsets = [10], sizes = [1], strides = [1]} : vector<16xf32> to vector<1xf32>
          %squeeze3A_1399 = vector.extract %slice3A_1398[0] : f32 from vector<1xf32>
          %get3A_1400 = arith.constant 1 : i32
          %get3A_1401 = arith.index_cast %get3A_1400 : i32 to index
          %get3A_1402 = arith.index_cast %add3A_1397 : i32 to index
          %get3A_1403 = arith.constant 0 : index
          %get3A_1404 = tpu.vector_load %arg11[%get3A_1401, %get3A_1402, %get3A_1403] {strides = array<i32>} : memref<2x128x128xf32, #tpu.memory_space<vmem>>, vector<1x1x16xf32>,
          %get3A_1405 = vector.shape_cast %get3A_1404 : vector<1x1x16xf32> to vector<16xf32>
          %mul3A_1406 = vector.broadcast %squeeze3A_1399 : f32 to vector<16xf32>
          %mul3A_1407 = arith.mulf %get3A_1405, %mul3A_1406 : vector<16xf32>
          %swap3A_1408 = arith.constant 1 : i32
          %swap3A_1409 = arith.index_cast %swap3A_1408 : i32 to index
          %swap3A_1410 = arith.index_cast %add3A_1397 : i32 to index
          %swap3A_1411 = arith.constant 0 : index
          %swap3A_1412 = tpu.vector_load %arg11[%swap3A_1409, %swap3A_1410, %swap3A_1411] {strides = array<i32>} : memref<2x128x128xf32, #tpu.memory_space<vmem>>, vector<1x1x16xf32>,
          %swap3A_1413 = vector.shape_cast %swap3A_1412 : vector<1x1x16xf32> to vector<16xf32>
          %swap3A_1414 = vector.shape_cast %mul3A_1407 : vector<16xf32> to vector<1x1x16xf32>
          tpu.vector_store %arg11[%swap3A_1409, %swap3A_1410, %swap3A_1411], %swap3A_1414 {strides = array<i32>} : memref<2x128x128xf32, #tpu.memory_space<vmem>>, vector<1x1x16xf32>,
          %get3A_1415 = arith.constant 1 : i32
          %get3A_1416 = arith.index_cast %get3A_1415 : i32 to index
          %get3A_1417 = arith.index_cast %add3A_1397 : i32 to index
          %get3A_1418 = arith.constant 16 : index
          %get3A_1419 = tpu.vector_load %arg11[%get3A_1416, %get3A_1417, %get3A_1418] {strides = array<i32>} : memref<2x128x128xf32, #tpu.memory_space<vmem>>, vector<1x1x16xf32>,
          %get3A_1420 = vector.shape_cast %get3A_1419 : vector<1x1x16xf32> to vector<16xf32>
          %mul3A_1421 = vector.broadcast %squeeze3A_1399 : f32 to vector<16xf32>
          %mul3A_1422 = arith.mulf %get3A_1420, %mul3A_1421 : vector<16xf32>
          %swap3A_1423 = arith.constant 1 : i32
          %swap3A_1424 = arith.index_cast %swap3A_1423 : i32 to index
          %swap3A_1425 = arith.index_cast %add3A_1397 : i32 to index
          %swap3A_1426 = arith.constant 16 : index
          %swap3A_1427 = tpu.vector_load %arg11[%swap3A_1424, %swap3A_1425, %swap3A_1426] {strides = array<i32>} : memref<2x128x128xf32, #tpu.memory_space<vmem>>, vector<1x1x16xf32>,
          %swap3A_1428 = vector.shape_cast %swap3A_1427 : vector<1x1x16xf32> to vector<16xf32>
          %swap3A_1429 = vector.shape_cast %mul3A_1422 : vector<16xf32> to vector<1x1x16xf32>
          tpu.vector_store %arg11[%swap3A_1424, %swap3A_1425, %swap3A_1426], %swap3A_1429 {strides = array<i32>} : memref<2x128x128xf32, #tpu.memory_space<vmem>>, vector<1x1x16xf32>,
          %get3A_1430 = arith.constant 1 : i32
          %get3A_1431 = arith.index_cast %get3A_1430 : i32 to index
          %get3A_1432 = arith.index_cast %add3A_1397 : i32 to index
          %get3A_1433 = arith.constant 32 : index
          %get3A_1434 = tpu.vector_load %arg11[%get3A_1431, %get3A_1432, %get3A_1433] {strides = array<i32>} : memref<2x128x128xf32, #tpu.memory_space<vmem>>, vector<1x1x16xf32>,
          %get3A_1435 = vector.shape_cast %get3A_1434 : vector<1x1x16xf32> to vector<16xf32>
          %mul3A_1436 = vector.broadcast %squeeze3A_1399 : f32 to vector<16xf32>
          %mul3A_1437 = arith.mulf %get3A_1435, %mul3A_1436 : vector<16xf32>
          %swap3A_1438 = arith.constant 1 : i32
          %swap3A_1439 = arith.index_cast %swap3A_1438 : i32 to index
          %swap3A_1440 = arith.index_cast %add3A_1397 : i32 to index
          %swap3A_1441 = arith.constant 32 : index
          %swap3A_1442 = tpu.vector_load %arg11[%swap3A_1439, %swap3A_1440, %swap3A_1441] {strides = array<i32>} : memref<2x128x128xf32, #tpu.memory_space<vmem>>, vector<1x1x16xf32>,
          %swap3A_1443 = vector.shape_cast %swap3A_1442 : vector<1x1x16xf32> to vector<16xf32>
          %swap3A_1444 = vector.shape_cast %mul3A_1437 : vector<16xf32> to vector<1x1x16xf32>
          tpu.vector_store %arg11[%swap3A_1439, %swap3A_1440, %swap3A_1441], %swap3A_1444 {strides = array<i32>} : memref<2x128x128xf32, #tpu.memory_space<vmem>>, vector<1x1x16xf32>,
          %get3A_1445 = arith.constant 1 : i32
          %get3A_1446 = arith.index_cast %get3A_1445 : i32 to index
          %get3A_1447 = arith.index_cast %add3A_1397 : i32 to index
          %get3A_1448 = arith.constant 48 : index
          %get3A_1449 = tpu.vector_load %arg11[%get3A_1446, %get3A_1447, %get3A_1448] {strides = array<i32>} : memref<2x128x128xf32, #tpu.memory_space<vmem>>, vector<1x1x16xf32>,
          %get3A_1450 = vector.shape_cast %get3A_1449 : vector<1x1x16xf32> to vector<16xf32>
          %mul3A_1451 = vector.broadcast %squeeze3A_1399 : f32 to vector<16xf32>
          %mul3A_1452 = arith.mulf %get3A_1450, %mul3A_1451 : vector<16xf32>
          %swap3A_1453 = arith.constant 1 : i32
          %swap3A_1454 = arith.index_cast %swap3A_1453 : i32 to index
          %swap3A_1455 = arith.index_cast %add3A_1397 : i32 to index
          %swap3A_1456 = arith.constant 48 : index
          %swap3A_1457 = tpu.vector_load %arg11[%swap3A_1454, %swap3A_1455, %swap3A_1456] {strides = array<i32>} : memref<2x128x128xf32, #tpu.memory_space<vmem>>, vector<1x1x16xf32>,
          %swap3A_1458 = vector.shape_cast %swap3A_1457 : vector<1x1x16xf32> to vector<16xf32>
          %swap3A_1459 = vector.shape_cast %mul3A_1452 : vector<16xf32> to vector<1x1x16xf32>
          tpu.vector_store %arg11[%swap3A_1454, %swap3A_1455, %swap3A_1456], %swap3A_1459 {strides = array<i32>} : memref<2x128x128xf32, #tpu.memory_space<vmem>>, vector<1x1x16xf32>,
          %get3A_1460 = arith.constant 1 : i32
          %get3A_1461 = arith.index_cast %get3A_1460 : i32 to index
          %get3A_1462 = arith.index_cast %add3A_1397 : i32 to index
          %get3A_1463 = arith.constant 64 : index
          %get3A_1464 = tpu.vector_load %arg11[%get3A_1461, %get3A_1462, %get3A_1463] {strides = array<i32>} : memref<2x128x128xf32, #tpu.memory_space<vmem>>, vector<1x1x16xf32>,
          %get3A_1465 = vector.shape_cast %get3A_1464 : vector<1x1x16xf32> to vector<16xf32>
          %mul3A_1466 = vector.broadcast %squeeze3A_1399 : f32 to vector<16xf32>
          %mul3A_1467 = arith.mulf %get3A_1465, %mul3A_1466 : vector<16xf32>
          %swap3A_1468 = arith.constant 1 : i32
          %swap3A_1469 = arith.index_cast %swap3A_1468 : i32 to index
          %swap3A_1470 = arith.index_cast %add3A_1397 : i32 to index
          %swap3A_1471 = arith.constant 64 : index
          %swap3A_1472 = tpu.vector_load %arg11[%swap3A_1469, %swap3A_1470, %swap3A_1471] {strides = array<i32>} : memref<2x128x128xf32, #tpu.memory_space<vmem>>, vector<1x1x16xf32>,
          %swap3A_1473 = vector.shape_cast %swap3A_1472 : vector<1x1x16xf32> to vector<16xf32>
          %swap3A_1474 = vector.shape_cast %mul3A_1467 : vector<16xf32> to vector<1x1x16xf32>
          tpu.vector_store %arg11[%swap3A_1469, %swap3A_1470, %swap3A_1471], %swap3A_1474 {strides = array<i32>} : memref<2x128x128xf32, #tpu.memory_space<vmem>>, vector<1x1x16xf32>,
          %get3A_1475 = arith.constant 1 : i32
          %get3A_1476 = arith.index_cast %get3A_1475 : i32 to index
          %get3A_1477 = arith.index_cast %add3A_1397 : i32 to index
          %get3A_1478 = arith.constant 80 : index
          %get3A_1479 = tpu.vector_load %arg11[%get3A_1476, %get3A_1477, %get3A_1478] {strides = array<i32>} : memref<2x128x128xf32, #tpu.memory_space<vmem>>, vector<1x1x16xf32>,
          %get3A_1480 = vector.shape_cast %get3A_1479 : vector<1x1x16xf32> to vector<16xf32>
          %mul3A_1481 = vector.broadcast %squeeze3A_1399 : f32 to vector<16xf32>
          %mul3A_1482 = arith.mulf %get3A_1480, %mul3A_1481 : vector<16xf32>
          %swap3A_1483 = arith.constant 1 : i32
          %swap3A_1484 = arith.index_cast %swap3A_1483 : i32 to index
          %swap3A_1485 = arith.index_cast %add3A_1397 : i32 to index
          %swap3A_1486 = arith.constant 80 : index
          %swap3A_1487 = tpu.vector_load %arg11[%swap3A_1484, %swap3A_1485, %swap3A_1486] {strides = array<i32>} : memref<2x128x128xf32, #tpu.memory_space<vmem>>, vector<1x1x16xf32>,
          %swap3A_1488 = vector.shape_cast %swap3A_1487 : vector<1x1x16xf32> to vector<16xf32>
          %swap3A_1489 = vector.shape_cast %mul3A_1482 : vector<16xf32> to vector<1x1x16xf32>
          tpu.vector_store %arg11[%swap3A_1484, %swap3A_1485, %swap3A_1486], %swap3A_1489 {strides = array<i32>} : memref<2x128x128xf32, #tpu.memory_space<vmem>>, vector<1x1x16xf32>,
          %get3A_1490 = arith.constant 1 : i32
          %get3A_1491 = arith.index_cast %get3A_1490 : i32 to index
          %get3A_1492 = arith.index_cast %add3A_1397 : i32 to index
          %get3A_1493 = arith.constant 96 : index
          %get3A_1494 = tpu.vector_load %arg11[%get3A_1491, %get3A_1492, %get3A_1493] {strides = array<i32>} : memref<2x128x128xf32, #tpu.memory_space<vmem>>, vector<1x1x16xf32>,
          %get3A_1495 = vector.shape_cast %get3A_1494 : vector<1x1x16xf32> to vector<16xf32>
          %mul3A_1496 = vector.broadcast %squeeze3A_1399 : f32 to vector<16xf32>
          %mul3A_1497 = arith.mulf %get3A_1495, %mul3A_1496 : vector<16xf32>
          %swap3A_1498 = arith.constant 1 : i32
          %swap3A_1499 = arith.index_cast %swap3A_1498 : i32 to index
          %swap3A_1500 = arith.index_cast %add3A_1397 : i32 to index
          %swap3A_1501 = arith.constant 96 : index
          %swap3A_1502 = tpu.vector_load %arg11[%swap3A_1499, %swap3A_1500, %swap3A_1501] {strides = array<i32>} : memref<2x128x128xf32, #tpu.memory_space<vmem>>, vector<1x1x16xf32>,
          %swap3A_1503 = vector.shape_cast %swap3A_1502 : vector<1x1x16xf32> to vector<16xf32>
          %swap3A_1504 = vector.shape_cast %mul3A_1497 : vector<16xf32> to vector<1x1x16xf32>
          tpu.vector_store %arg11[%swap3A_1499, %swap3A_1500, %swap3A_1501], %swap3A_1504 {strides = array<i32>} : memref<2x128x128xf32, #tpu.memory_space<vmem>>, vector<1x1x16xf32>,
          %get3A_1505 = arith.constant 1 : i32
          %get3A_1506 = arith.index_cast %get3A_1505 : i32 to index
          %get3A_1507 = arith.index_cast %add3A_1397 : i32 to index
          %get3A_1508 = arith.constant 112 : index
          %get3A_1509 = tpu.vector_load %arg11[%get3A_1506, %get3A_1507, %get3A_1508] {strides = array<i32>} : memref<2x128x128xf32, #tpu.memory_space<vmem>>, vector<1x1x16xf32>,
          %get3A_1510 = vector.shape_cast %get3A_1509 : vector<1x1x16xf32> to vector<16xf32>
          %mul3A_1511 = vector.broadcast %squeeze3A_1399 : f32 to vector<16xf32>
          %mul3A_1512 = arith.mulf %get3A_1510, %mul3A_1511 : vector<16xf32>
          %swap3A_1513 = arith.constant 1 : i32
          %swap3A_1514 = arith.index_cast %swap3A_1513 : i32 to index
          %swap3A_1515 = arith.index_cast %add3A_1397 : i32 to index
          %swap3A_1516 = arith.constant 112 : index
          %swap3A_1517 = tpu.vector_load %arg11[%swap3A_1514, %swap3A_1515, %swap3A_1516] {strides = array<i32>} : memref<2x128x128xf32, #tpu.memory_space<vmem>>, vector<1x1x16xf32>,
          %swap3A_1518 = vector.shape_cast %swap3A_1517 : vector<1x1x16xf32> to vector<16xf32>
          %swap3A_1519 = vector.shape_cast %mul3A_1512 : vector<16xf32> to vector<1x1x16xf32>
          tpu.vector_store %arg11[%swap3A_1514, %swap3A_1515, %swap3A_1516], %swap3A_1519 {strides = array<i32>} : memref<2x128x128xf32, #tpu.memory_space<vmem>>, vector<1x1x16xf32>,
          %mul3A_1520 = arith.constant 16 : i32
          %mul3A_1521 = arith.muli %scan3A_131, %mul3A_1520 : i32
          %add3A_1522 = arith.constant 11 : i32
          %add3A_1523 = arith.addi %mul3A_1521, %add3A_1522 : i32
          %slice3A_1524 = vector.extract_strided_slice %get3A_136 {offsets = [11], sizes = [1], strides = [1]} : vector<16xf32> to vector<1xf32>
          %squeeze3A_1525 = vector.extract %slice3A_1524[0] : f32 from vector<1xf32>
          %get3A_1526 = arith.constant 1 : i32
          %get3A_1527 = arith.index_cast %get3A_1526 : i32 to index
          %get3A_1528 = arith.index_cast %add3A_1523 : i32 to index
          %get3A_1529 = arith.constant 0 : index
          %get3A_1530 = tpu.vector_load %arg11[%get3A_1527, %get3A_1528, %get3A_1529] {strides = array<i32>} : memref<2x128x128xf32, #tpu.memory_space<vmem>>, vector<1x1x16xf32>,
          %get3A_1531 = vector.shape_cast %get3A_1530 : vector<1x1x16xf32> to vector<16xf32>
          %mul3A_1532 = vector.broadcast %squeeze3A_1525 : f32 to vector<16xf32>
          %mul3A_1533 = arith.mulf %get3A_1531, %mul3A_1532 : vector<16xf32>
          %swap3A_1534 = arith.constant 1 : i32
          %swap3A_1535 = arith.index_cast %swap3A_1534 : i32 to index
          %swap3A_1536 = arith.index_cast %add3A_1523 : i32 to index
          %swap3A_1537 = arith.constant 0 : index
          %swap3A_1538 = tpu.vector_load %arg11[%swap3A_1535, %swap3A_1536, %swap3A_1537] {strides = array<i32>} : memref<2x128x128xf32, #tpu.memory_space<vmem>>, vector<1x1x16xf32>,
          %swap3A_1539 = vector.shape_cast %swap3A_1538 : vector<1x1x16xf32> to vector<16xf32>
          %swap3A_1540 = vector.shape_cast %mul3A_1533 : vector<16xf32> to vector<1x1x16xf32>
          tpu.vector_store %arg11[%swap3A_1535, %swap3A_1536, %swap3A_1537], %swap3A_1540 {strides = array<i32>} : memref<2x128x128xf32, #tpu.memory_space<vmem>>, vector<1x1x16xf32>,
          %get3A_1541 = arith.constant 1 : i32
          %get3A_1542 = arith.index_cast %get3A_1541 : i32 to index
          %get3A_1543 = arith.index_cast %add3A_1523 : i32 to index
          %get3A_1544 = arith.constant 16 : index
          %get3A_1545 = tpu.vector_load %arg11[%get3A_1542, %get3A_1543, %get3A_1544] {strides = array<i32>} : memref<2x128x128xf32, #tpu.memory_space<vmem>>, vector<1x1x16xf32>,
          %get3A_1546 = vector.shape_cast %get3A_1545 : vector<1x1x16xf32> to vector<16xf32>
          %mul3A_1547 = vector.broadcast %squeeze3A_1525 : f32 to vector<16xf32>
          %mul3A_1548 = arith.mulf %get3A_1546, %mul3A_1547 : vector<16xf32>
          %swap3A_1549 = arith.constant 1 : i32
          %swap3A_1550 = arith.index_cast %swap3A_1549 : i32 to index
          %swap3A_1551 = arith.index_cast %add3A_1523 : i32 to index
          %swap3A_1552 = arith.constant 16 : index
          %swap3A_1553 = tpu.vector_load %arg11[%swap3A_1550, %swap3A_1551, %swap3A_1552] {strides = array<i32>} : memref<2x128x128xf32, #tpu.memory_space<vmem>>, vector<1x1x16xf32>,
          %swap3A_1554 = vector.shape_cast %swap3A_1553 : vector<1x1x16xf32> to vector<16xf32>
          %swap3A_1555 = vector.shape_cast %mul3A_1548 : vector<16xf32> to vector<1x1x16xf32>
          tpu.vector_store %arg11[%swap3A_1550, %swap3A_1551, %swap3A_1552], %swap3A_1555 {strides = array<i32>} : memref<2x128x128xf32, #tpu.memory_space<vmem>>, vector<1x1x16xf32>,
          %get3A_1556 = arith.constant 1 : i32
          %get3A_1557 = arith.index_cast %get3A_1556 : i32 to index
          %get3A_1558 = arith.index_cast %add3A_1523 : i32 to index
          %get3A_1559 = arith.constant 32 : index
          %get3A_1560 = tpu.vector_load %arg11[%get3A_1557, %get3A_1558, %get3A_1559] {strides = array<i32>} : memref<2x128x128xf32, #tpu.memory_space<vmem>>, vector<1x1x16xf32>,
          %get3A_1561 = vector.shape_cast %get3A_1560 : vector<1x1x16xf32> to vector<16xf32>
          %mul3A_1562 = vector.broadcast %squeeze3A_1525 : f32 to vector<16xf32>
          %mul3A_1563 = arith.mulf %get3A_1561, %mul3A_1562 : vector<16xf32>
          %swap3A_1564 = arith.constant 1 : i32
          %swap3A_1565 = arith.index_cast %swap3A_1564 : i32 to index
          %swap3A_1566 = arith.index_cast %add3A_1523 : i32 to index
          %swap3A_1567 = arith.constant 32 : index
          %swap3A_1568 = tpu.vector_load %arg11[%swap3A_1565, %swap3A_1566, %swap3A_1567] {strides = array<i32>} : memref<2x128x128xf32, #tpu.memory_space<vmem>>, vector<1x1x16xf32>,
          %swap3A_1569 = vector.shape_cast %swap3A_1568 : vector<1x1x16xf32> to vector<16xf32>
          %swap3A_1570 = vector.shape_cast %mul3A_1563 : vector<16xf32> to vector<1x1x16xf32>
          tpu.vector_store %arg11[%swap3A_1565, %swap3A_1566, %swap3A_1567], %swap3A_1570 {strides = array<i32>} : memref<2x128x128xf32, #tpu.memory_space<vmem>>, vector<1x1x16xf32>,
          %get3A_1571 = arith.constant 1 : i32
          %get3A_1572 = arith.index_cast %get3A_1571 : i32 to index
          %get3A_1573 = arith.index_cast %add3A_1523 : i32 to index
          %get3A_1574 = arith.constant 48 : index
          %get3A_1575 = tpu.vector_load %arg11[%get3A_1572, %get3A_1573, %get3A_1574] {strides = array<i32>} : memref<2x128x128xf32, #tpu.memory_space<vmem>>, vector<1x1x16xf32>,
          %get3A_1576 = vector.shape_cast %get3A_1575 : vector<1x1x16xf32> to vector<16xf32>
          %mul3A_1577 = vector.broadcast %squeeze3A_1525 : f32 to vector<16xf32>
          %mul3A_1578 = arith.mulf %get3A_1576, %mul3A_1577 : vector<16xf32>
          %swap3A_1579 = arith.constant 1 : i32
          %swap3A_1580 = arith.index_cast %swap3A_1579 : i32 to index
          %swap3A_1581 = arith.index_cast %add3A_1523 : i32 to index
          %swap3A_1582 = arith.constant 48 : index
          %swap3A_1583 = tpu.vector_load %arg11[%swap3A_1580, %swap3A_1581, %swap3A_1582] {strides = array<i32>} : memref<2x128x128xf32, #tpu.memory_space<vmem>>, vector<1x1x16xf32>,
          %swap3A_1584 = vector.shape_cast %swap3A_1583 : vector<1x1x16xf32> to vector<16xf32>
          %swap3A_1585 = vector.shape_cast %mul3A_1578 : vector<16xf32> to vector<1x1x16xf32>
          tpu.vector_store %arg11[%swap3A_1580, %swap3A_1581, %swap3A_1582], %swap3A_1585 {strides = array<i32>} : memref<2x128x128xf32, #tpu.memory_space<vmem>>, vector<1x1x16xf32>,
          %get3A_1586 = arith.constant 1 : i32
          %get3A_1587 = arith.index_cast %get3A_1586 : i32 to index
          %get3A_1588 = arith.index_cast %add3A_1523 : i32 to index
          %get3A_1589 = arith.constant 64 : index
          %get3A_1590 = tpu.vector_load %arg11[%get3A_1587, %get3A_1588, %get3A_1589] {strides = array<i32>} : memref<2x128x128xf32, #tpu.memory_space<vmem>>, vector<1x1x16xf32>,
          %get3A_1591 = vector.shape_cast %get3A_1590 : vector<1x1x16xf32> to vector<16xf32>
          %mul3A_1592 = vector.broadcast %squeeze3A_1525 : f32 to vector<16xf32>
          %mul3A_1593 = arith.mulf %get3A_1591, %mul3A_1592 : vector<16xf32>
          %swap3A_1594 = arith.constant 1 : i32
          %swap3A_1595 = arith.index_cast %swap3A_1594 : i32 to index
          %swap3A_1596 = arith.index_cast %add3A_1523 : i32 to index
          %swap3A_1597 = arith.constant 64 : index
          %swap3A_1598 = tpu.vector_load %arg11[%swap3A_1595, %swap3A_1596, %swap3A_1597] {strides = array<i32>} : memref<2x128x128xf32, #tpu.memory_space<vmem>>, vector<1x1x16xf32>,
          %swap3A_1599 = vector.shape_cast %swap3A_1598 : vector<1x1x16xf32> to vector<16xf32>
          %swap3A_1600 = vector.shape_cast %mul3A_1593 : vector<16xf32> to vector<1x1x16xf32>
          tpu.vector_store %arg11[%swap3A_1595, %swap3A_1596, %swap3A_1597], %swap3A_1600 {strides = array<i32>} : memref<2x128x128xf32, #tpu.memory_space<vmem>>, vector<1x1x16xf32>,
          %get3A_1601 = arith.constant 1 : i32
          %get3A_1602 = arith.index_cast %get3A_1601 : i32 to index
          %get3A_1603 = arith.index_cast %add3A_1523 : i32 to index
          %get3A_1604 = arith.constant 80 : index
          %get3A_1605 = tpu.vector_load %arg11[%get3A_1602, %get3A_1603, %get3A_1604] {strides = array<i32>} : memref<2x128x128xf32, #tpu.memory_space<vmem>>, vector<1x1x16xf32>,
          %get3A_1606 = vector.shape_cast %get3A_1605 : vector<1x1x16xf32> to vector<16xf32>
          %mul3A_1607 = vector.broadcast %squeeze3A_1525 : f32 to vector<16xf32>
          %mul3A_1608 = arith.mulf %get3A_1606, %mul3A_1607 : vector<16xf32>
          %swap3A_1609 = arith.constant 1 : i32
          %swap3A_1610 = arith.index_cast %swap3A_1609 : i32 to index
          %swap3A_1611 = arith.index_cast %add3A_1523 : i32 to index
          %swap3A_1612 = arith.constant 80 : index
          %swap3A_1613 = tpu.vector_load %arg11[%swap3A_1610, %swap3A_1611, %swap3A_1612] {strides = array<i32>} : memref<2x128x128xf32, #tpu.memory_space<vmem>>, vector<1x1x16xf32>,
          %swap3A_1614 = vector.shape_cast %swap3A_1613 : vector<1x1x16xf32> to vector<16xf32>
          %swap3A_1615 = vector.shape_cast %mul3A_1608 : vector<16xf32> to vector<1x1x16xf32>
          tpu.vector_store %arg11[%swap3A_1610, %swap3A_1611, %swap3A_1612], %swap3A_1615 {strides = array<i32>} : memref<2x128x128xf32, #tpu.memory_space<vmem>>, vector<1x1x16xf32>,
          %get3A_1616 = arith.constant 1 : i32
          %get3A_1617 = arith.index_cast %get3A_1616 : i32 to index
          %get3A_1618 = arith.index_cast %add3A_1523 : i32 to index
          %get3A_1619 = arith.constant 96 : index
          %get3A_1620 = tpu.vector_load %arg11[%get3A_1617, %get3A_1618, %get3A_1619] {strides = array<i32>} : memref<2x128x128xf32, #tpu.memory_space<vmem>>, vector<1x1x16xf32>,
          %get3A_1621 = vector.shape_cast %get3A_1620 : vector<1x1x16xf32> to vector<16xf32>
          %mul3A_1622 = vector.broadcast %squeeze3A_1525 : f32 to vector<16xf32>
          %mul3A_1623 = arith.mulf %get3A_1621, %mul3A_1622 : vector<16xf32>
          %swap3A_1624 = arith.constant 1 : i32
          %swap3A_1625 = arith.index_cast %swap3A_1624 : i32 to index
          %swap3A_1626 = arith.index_cast %add3A_1523 : i32 to index
          %swap3A_1627 = arith.constant 96 : index
          %swap3A_1628 = tpu.vector_load %arg11[%swap3A_1625, %swap3A_1626, %swap3A_1627] {strides = array<i32>} : memref<2x128x128xf32, #tpu.memory_space<vmem>>, vector<1x1x16xf32>,
          %swap3A_1629 = vector.shape_cast %swap3A_1628 : vector<1x1x16xf32> to vector<16xf32>
          %swap3A_1630 = vector.shape_cast %mul3A_1623 : vector<16xf32> to vector<1x1x16xf32>
          tpu.vector_store %arg11[%swap3A_1625, %swap3A_1626, %swap3A_1627], %swap3A_1630 {strides = array<i32>} : memref<2x128x128xf32, #tpu.memory_space<vmem>>, vector<1x1x16xf32>,
          %get3A_1631 = arith.constant 1 : i32
          %get3A_1632 = arith.index_cast %get3A_1631 : i32 to index
          %get3A_1633 = arith.index_cast %add3A_1523 : i32 to index
          %get3A_1634 = arith.constant 112 : index
          %get3A_1635 = tpu.vector_load %arg11[%get3A_1632, %get3A_1633, %get3A_1634] {strides = array<i32>} : memref<2x128x128xf32, #tpu.memory_space<vmem>>, vector<1x1x16xf32>,
          %get3A_1636 = vector.shape_cast %get3A_1635 : vector<1x1x16xf32> to vector<16xf32>
          %mul3A_1637 = vector.broadcast %squeeze3A_1525 : f32 to vector<16xf32>
          %mul3A_1638 = arith.mulf %get3A_1636, %mul3A_1637 : vector<16xf32>
          %swap3A_1639 = arith.constant 1 : i32
          %swap3A_1640 = arith.index_cast %swap3A_1639 : i32 to index
          %swap3A_1641 = arith.index_cast %add3A_1523 : i32 to index
          %swap3A_1642 = arith.constant 112 : index
          %swap3A_1643 = tpu.vector_load %arg11[%swap3A_1640, %swap3A_1641, %swap3A_1642] {strides = array<i32>} : memref<2x128x128xf32, #tpu.memory_space<vmem>>, vector<1x1x16xf32>,
          %swap3A_1644 = vector.shape_cast %swap3A_1643 : vector<1x1x16xf32> to vector<16xf32>
          %swap3A_1645 = vector.shape_cast %mul3A_1638 : vector<16xf32> to vector<1x1x16xf32>
          tpu.vector_store %arg11[%swap3A_1640, %swap3A_1641, %swap3A_1642], %swap3A_1645 {strides = array<i32>} : memref<2x128x128xf32, #tpu.memory_space<vmem>>, vector<1x1x16xf32>,
          %mul3A_1646 = arith.constant 16 : i32
          %mul3A_1647 = arith.muli %scan3A_131, %mul3A_1646 : i32
          %add3A_1648 = arith.constant 12 : i32
          %add3A_1649 = arith.addi %mul3A_1647, %add3A_1648 : i32
          %slice3A_1650 = vector.extract_strided_slice %get3A_136 {offsets = [12], sizes = [1], strides = [1]} : vector<16xf32> to vector<1xf32>
          %squeeze3A_1651 = vector.extract %slice3A_1650[0] : f32 from vector<1xf32>
          %get3A_1652 = arith.constant 1 : i32
          %get3A_1653 = arith.index_cast %get3A_1652 : i32 to index
          %get3A_1654 = arith.index_cast %add3A_1649 : i32 to index
          %get3A_1655 = arith.constant 0 : index
          %get3A_1656 = tpu.vector_load %arg11[%get3A_1653, %get3A_1654, %get3A_1655] {strides = array<i32>} : memref<2x128x128xf32, #tpu.memory_space<vmem>>, vector<1x1x16xf32>,
          %get3A_1657 = vector.shape_cast %get3A_1656 : vector<1x1x16xf32> to vector<16xf32>
          %mul3A_1658 = vector.broadcast %squeeze3A_1651 : f32 to vector<16xf32>
          %mul3A_1659 = arith.mulf %get3A_1657, %mul3A_1658 : vector<16xf32>
          %swap3A_1660 = arith.constant 1 : i32
          %swap3A_1661 = arith.index_cast %swap3A_1660 : i32 to index
          %swap3A_1662 = arith.index_cast %add3A_1649 : i32 to index
          %swap3A_1663 = arith.constant 0 : index
          %swap3A_1664 = tpu.vector_load %arg11[%swap3A_1661, %swap3A_1662, %swap3A_1663] {strides = array<i32>} : memref<2x128x128xf32, #tpu.memory_space<vmem>>, vector<1x1x16xf32>,
          %swap3A_1665 = vector.shape_cast %swap3A_1664 : vector<1x1x16xf32> to vector<16xf32>
          %swap3A_1666 = vector.shape_cast %mul3A_1659 : vector<16xf32> to vector<1x1x16xf32>
          tpu.vector_store %arg11[%swap3A_1661, %swap3A_1662, %swap3A_1663], %swap3A_1666 {strides = array<i32>} : memref<2x128x128xf32, #tpu.memory_space<vmem>>, vector<1x1x16xf32>,
          %get3A_1667 = arith.constant 1 : i32
          %get3A_1668 = arith.index_cast %get3A_1667 : i32 to index
          %get3A_1669 = arith.index_cast %add3A_1649 : i32 to index
          %get3A_1670 = arith.constant 16 : index
          %get3A_1671 = tpu.vector_load %arg11[%get3A_1668, %get3A_1669, %get3A_1670] {strides = array<i32>} : memref<2x128x128xf32, #tpu.memory_space<vmem>>, vector<1x1x16xf32>,
          %get3A_1672 = vector.shape_cast %get3A_1671 : vector<1x1x16xf32> to vector<16xf32>
          %mul3A_1673 = vector.broadcast %squeeze3A_1651 : f32 to vector<16xf32>
          %mul3A_1674 = arith.mulf %get3A_1672, %mul3A_1673 : vector<16xf32>
          %swap3A_1675 = arith.constant 1 : i32
          %swap3A_1676 = arith.index_cast %swap3A_1675 : i32 to index
          %swap3A_1677 = arith.index_cast %add3A_1649 : i32 to index
          %swap3A_1678 = arith.constant 16 : index
          %swap3A_1679 = tpu.vector_load %arg11[%swap3A_1676, %swap3A_1677, %swap3A_1678] {strides = array<i32>} : memref<2x128x128xf32, #tpu.memory_space<vmem>>, vector<1x1x16xf32>,
          %swap3A_1680 = vector.shape_cast %swap3A_1679 : vector<1x1x16xf32> to vector<16xf32>
          %swap3A_1681 = vector.shape_cast %mul3A_1674 : vector<16xf32> to vector<1x1x16xf32>
          tpu.vector_store %arg11[%swap3A_1676, %swap3A_1677, %swap3A_1678], %swap3A_1681 {strides = array<i32>} : memref<2x128x128xf32, #tpu.memory_space<vmem>>, vector<1x1x16xf32>,
          %get3A_1682 = arith.constant 1 : i32
          %get3A_1683 = arith.index_cast %get3A_1682 : i32 to index
          %get3A_1684 = arith.index_cast %add3A_1649 : i32 to index
          %get3A_1685 = arith.constant 32 : index
          %get3A_1686 = tpu.vector_load %arg11[%get3A_1683, %get3A_1684, %get3A_1685] {strides = array<i32>} : memref<2x128x128xf32, #tpu.memory_space<vmem>>, vector<1x1x16xf32>,
          %get3A_1687 = vector.shape_cast %get3A_1686 : vector<1x1x16xf32> to vector<16xf32>
          %mul3A_1688 = vector.broadcast %squeeze3A_1651 : f32 to vector<16xf32>
          %mul3A_1689 = arith.mulf %get3A_1687, %mul3A_1688 : vector<16xf32>
          %swap3A_1690 = arith.constant 1 : i32
          %swap3A_1691 = arith.index_cast %swap3A_1690 : i32 to index
          %swap3A_1692 = arith.index_cast %add3A_1649 : i32 to index
          %swap3A_1693 = arith.constant 32 : index
          %swap3A_1694 = tpu.vector_load %arg11[%swap3A_1691, %swap3A_1692, %swap3A_1693] {strides = array<i32>} : memref<2x128x128xf32, #tpu.memory_space<vmem>>, vector<1x1x16xf32>,
          %swap3A_1695 = vector.shape_cast %swap3A_1694 : vector<1x1x16xf32> to vector<16xf32>
          %swap3A_1696 = vector.shape_cast %mul3A_1689 : vector<16xf32> to vector<1x1x16xf32>
          tpu.vector_store %arg11[%swap3A_1691, %swap3A_1692, %swap3A_1693], %swap3A_1696 {strides = array<i32>} : memref<2x128x128xf32, #tpu.memory_space<vmem>>, vector<1x1x16xf32>,
          %get3A_1697 = arith.constant 1 : i32
          %get3A_1698 = arith.index_cast %get3A_1697 : i32 to index
          %get3A_1699 = arith.index_cast %add3A_1649 : i32 to index
          %get3A_1700 = arith.constant 48 : index
          %get3A_1701 = tpu.vector_load %arg11[%get3A_1698, %get3A_1699, %get3A_1700] {strides = array<i32>} : memref<2x128x128xf32, #tpu.memory_space<vmem>>, vector<1x1x16xf32>,
          %get3A_1702 = vector.shape_cast %get3A_1701 : vector<1x1x16xf32> to vector<16xf32>
          %mul3A_1703 = vector.broadcast %squeeze3A_1651 : f32 to vector<16xf32>
          %mul3A_1704 = arith.mulf %get3A_1702, %mul3A_1703 : vector<16xf32>
          %swap3A_1705 = arith.constant 1 : i32
          %swap3A_1706 = arith.index_cast %swap3A_1705 : i32 to index
          %swap3A_1707 = arith.index_cast %add3A_1649 : i32 to index
          %swap3A_1708 = arith.constant 48 : index
          %swap3A_1709 = tpu.vector_load %arg11[%swap3A_1706, %swap3A_1707, %swap3A_1708] {strides = array<i32>} : memref<2x128x128xf32, #tpu.memory_space<vmem>>, vector<1x1x16xf32>,
          %swap3A_1710 = vector.shape_cast %swap3A_1709 : vector<1x1x16xf32> to vector<16xf32>
          %swap3A_1711 = vector.shape_cast %mul3A_1704 : vector<16xf32> to vector<1x1x16xf32>
          tpu.vector_store %arg11[%swap3A_1706, %swap3A_1707, %swap3A_1708], %swap3A_1711 {strides = array<i32>} : memref<2x128x128xf32, #tpu.memory_space<vmem>>, vector<1x1x16xf32>,
          %get3A_1712 = arith.constant 1 : i32
          %get3A_1713 = arith.index_cast %get3A_1712 : i32 to index
          %get3A_1714 = arith.index_cast %add3A_1649 : i32 to index
          %get3A_1715 = arith.constant 64 : index
          %get3A_1716 = tpu.vector_load %arg11[%get3A_1713, %get3A_1714, %get3A_1715] {strides = array<i32>} : memref<2x128x128xf32, #tpu.memory_space<vmem>>, vector<1x1x16xf32>,
          %get3A_1717 = vector.shape_cast %get3A_1716 : vector<1x1x16xf32> to vector<16xf32>
          %mul3A_1718 = vector.broadcast %squeeze3A_1651 : f32 to vector<16xf32>
          %mul3A_1719 = arith.mulf %get3A_1717, %mul3A_1718 : vector<16xf32>
          %swap3A_1720 = arith.constant 1 : i32
          %swap3A_1721 = arith.index_cast %swap3A_1720 : i32 to index
          %swap3A_1722 = arith.index_cast %add3A_1649 : i32 to index
          %swap3A_1723 = arith.constant 64 : index
          %swap3A_1724 = tpu.vector_load %arg11[%swap3A_1721, %swap3A_1722, %swap3A_1723] {strides = array<i32>} : memref<2x128x128xf32, #tpu.memory_space<vmem>>, vector<1x1x16xf32>,
          %swap3A_1725 = vector.shape_cast %swap3A_1724 : vector<1x1x16xf32> to vector<16xf32>
          %swap3A_1726 = vector.shape_cast %mul3A_1719 : vector<16xf32> to vector<1x1x16xf32>
          tpu.vector_store %arg11[%swap3A_1721, %swap3A_1722, %swap3A_1723], %swap3A_1726 {strides = array<i32>} : memref<2x128x128xf32, #tpu.memory_space<vmem>>, vector<1x1x16xf32>,
          %get3A_1727 = arith.constant 1 : i32
          %get3A_1728 = arith.index_cast %get3A_1727 : i32 to index
          %get3A_1729 = arith.index_cast %add3A_1649 : i32 to index
          %get3A_1730 = arith.constant 80 : index
          %get3A_1731 = tpu.vector_load %arg11[%get3A_1728, %get3A_1729, %get3A_1730] {strides = array<i32>} : memref<2x128x128xf32, #tpu.memory_space<vmem>>, vector<1x1x16xf32>,
          %get3A_1732 = vector.shape_cast %get3A_1731 : vector<1x1x16xf32> to vector<16xf32>
          %mul3A_1733 = vector.broadcast %squeeze3A_1651 : f32 to vector<16xf32>
          %mul3A_1734 = arith.mulf %get3A_1732, %mul3A_1733 : vector<16xf32>
          %swap3A_1735 = arith.constant 1 : i32
          %swap3A_1736 = arith.index_cast %swap3A_1735 : i32 to index
          %swap3A_1737 = arith.index_cast %add3A_1649 : i32 to index
          %swap3A_1738 = arith.constant 80 : index
          %swap3A_1739 = tpu.vector_load %arg11[%swap3A_1736, %swap3A_1737, %swap3A_1738] {strides = array<i32>} : memref<2x128x128xf32, #tpu.memory_space<vmem>>, vector<1x1x16xf32>,
          %swap3A_1740 = vector.shape_cast %swap3A_1739 : vector<1x1x16xf32> to vector<16xf32>
          %swap3A_1741 = vector.shape_cast %mul3A_1734 : vector<16xf32> to vector<1x1x16xf32>
          tpu.vector_store %arg11[%swap3A_1736, %swap3A_1737, %swap3A_1738], %swap3A_1741 {strides = array<i32>} : memref<2x128x128xf32, #tpu.memory_space<vmem>>, vector<1x1x16xf32>,
          %get3A_1742 = arith.constant 1 : i32
          %get3A_1743 = arith.index_cast %get3A_1742 : i32 to index
          %get3A_1744 = arith.index_cast %add3A_1649 : i32 to index
          %get3A_1745 = arith.constant 96 : index
          %get3A_1746 = tpu.vector_load %arg11[%get3A_1743, %get3A_1744, %get3A_1745] {strides = array<i32>} : memref<2x128x128xf32, #tpu.memory_space<vmem>>, vector<1x1x16xf32>,
          %get3A_1747 = vector.shape_cast %get3A_1746 : vector<1x1x16xf32> to vector<16xf32>
          %mul3A_1748 = vector.broadcast %squeeze3A_1651 : f32 to vector<16xf32>
          %mul3A_1749 = arith.mulf %get3A_1747, %mul3A_1748 : vector<16xf32>
          %swap3A_1750 = arith.constant 1 : i32
          %swap3A_1751 = arith.index_cast %swap3A_1750 : i32 to index
          %swap3A_1752 = arith.index_cast %add3A_1649 : i32 to index
          %swap3A_1753 = arith.constant 96 : index
          %swap3A_1754 = tpu.vector_load %arg11[%swap3A_1751, %swap3A_1752, %swap3A_1753] {strides = array<i32>} : memref<2x128x128xf32, #tpu.memory_space<vmem>>, vector<1x1x16xf32>,
          %swap3A_1755 = vector.shape_cast %swap3A_1754 : vector<1x1x16xf32> to vector<16xf32>
          %swap3A_1756 = vector.shape_cast %mul3A_1749 : vector<16xf32> to vector<1x1x16xf32>
          tpu.vector_store %arg11[%swap3A_1751, %swap3A_1752, %swap3A_1753], %swap3A_1756 {strides = array<i32>} : memref<2x128x128xf32, #tpu.memory_space<vmem>>, vector<1x1x16xf32>,
          %get3A_1757 = arith.constant 1 : i32
          %get3A_1758 = arith.index_cast %get3A_1757 : i32 to index
          %get3A_1759 = arith.index_cast %add3A_1649 : i32 to index
          %get3A_1760 = arith.constant 112 : index
          %get3A_1761 = tpu.vector_load %arg11[%get3A_1758, %get3A_1759, %get3A_1760] {strides = array<i32>} : memref<2x128x128xf32, #tpu.memory_space<vmem>>, vector<1x1x16xf32>,
          %get3A_1762 = vector.shape_cast %get3A_1761 : vector<1x1x16xf32> to vector<16xf32>
          %mul3A_1763 = vector.broadcast %squeeze3A_1651 : f32 to vector<16xf32>
          %mul3A_1764 = arith.mulf %get3A_1762, %mul3A_1763 : vector<16xf32>
          %swap3A_1765 = arith.constant 1 : i32
          %swap3A_1766 = arith.index_cast %swap3A_1765 : i32 to index
          %swap3A_1767 = arith.index_cast %add3A_1649 : i32 to index
          %swap3A_1768 = arith.constant 112 : index
          %swap3A_1769 = tpu.vector_load %arg11[%swap3A_1766, %swap3A_1767, %swap3A_1768] {strides = array<i32>} : memref<2x128x128xf32, #tpu.memory_space<vmem>>, vector<1x1x16xf32>,
          %swap3A_1770 = vector.shape_cast %swap3A_1769 : vector<1x1x16xf32> to vector<16xf32>
          %swap3A_1771 = vector.shape_cast %mul3A_1764 : vector<16xf32> to vector<1x1x16xf32>
          tpu.vector_store %arg11[%swap3A_1766, %swap3A_1767, %swap3A_1768], %swap3A_1771 {strides = array<i32>} : memref<2x128x128xf32, #tpu.memory_space<vmem>>, vector<1x1x16xf32>,
          %mul3A_1772 = arith.constant 16 : i32
          %mul3A_1773 = arith.muli %scan3A_131, %mul3A_1772 : i32
          %add3A_1774 = arith.constant 13 : i32
          %add3A_1775 = arith.addi %mul3A_1773, %add3A_1774 : i32
          %slice3A_1776 = vector.extract_strided_slice %get3A_136 {offsets = [13], sizes = [1], strides = [1]} : vector<16xf32> to vector<1xf32>
          %squeeze3A_1777 = vector.extract %slice3A_1776[0] : f32 from vector<1xf32>
          %get3A_1778 = arith.constant 1 : i32
          %get3A_1779 = arith.index_cast %get3A_1778 : i32 to index
          %get3A_1780 = arith.index_cast %add3A_1775 : i32 to index
          %get3A_1781 = arith.constant 0 : index
          %get3A_1782 = tpu.vector_load %arg11[%get3A_1779, %get3A_1780, %get3A_1781] {strides = array<i32>} : memref<2x128x128xf32, #tpu.memory_space<vmem>>, vector<1x1x16xf32>,
          %get3A_1783 = vector.shape_cast %get3A_1782 : vector<1x1x16xf32> to vector<16xf32>
          %mul3A_1784 = vector.broadcast %squeeze3A_1777 : f32 to vector<16xf32>
          %mul3A_1785 = arith.mulf %get3A_1783, %mul3A_1784 : vector<16xf32>
          %swap3A_1786 = arith.constant 1 : i32
          %swap3A_1787 = arith.index_cast %swap3A_1786 : i32 to index
          %swap3A_1788 = arith.index_cast %add3A_1775 : i32 to index
          %swap3A_1789 = arith.constant 0 : index
          %swap3A_1790 = tpu.vector_load %arg11[%swap3A_1787, %swap3A_1788, %swap3A_1789] {strides = array<i32>} : memref<2x128x128xf32, #tpu.memory_space<vmem>>, vector<1x1x16xf32>,
          %swap3A_1791 = vector.shape_cast %swap3A_1790 : vector<1x1x16xf32> to vector<16xf32>
          %swap3A_1792 = vector.shape_cast %mul3A_1785 : vector<16xf32> to vector<1x1x16xf32>
          tpu.vector_store %arg11[%swap3A_1787, %swap3A_1788, %swap3A_1789], %swap3A_1792 {strides = array<i32>} : memref<2x128x128xf32, #tpu.memory_space<vmem>>, vector<1x1x16xf32>,
          %get3A_1793 = arith.constant 1 : i32
          %get3A_1794 = arith.index_cast %get3A_1793 : i32 to index
          %get3A_1795 = arith.index_cast %add3A_1775 : i32 to index
          %get3A_1796 = arith.constant 16 : index
          %get3A_1797 = tpu.vector_load %arg11[%get3A_1794, %get3A_1795, %get3A_1796] {strides = array<i32>} : memref<2x128x128xf32, #tpu.memory_space<vmem>>, vector<1x1x16xf32>,
          %get3A_1798 = vector.shape_cast %get3A_1797 : vector<1x1x16xf32> to vector<16xf32>
          %mul3A_1799 = vector.broadcast %squeeze3A_1777 : f32 to vector<16xf32>
          %mul3A_1800 = arith.mulf %get3A_1798, %mul3A_1799 : vector<16xf32>
          %swap3A_1801 = arith.constant 1 : i32
          %swap3A_1802 = arith.index_cast %swap3A_1801 : i32 to index
          %swap3A_1803 = arith.index_cast %add3A_1775 : i32 to index
          %swap3A_1804 = arith.constant 16 : index
          %swap3A_1805 = tpu.vector_load %arg11[%swap3A_1802, %swap3A_1803, %swap3A_1804] {strides = array<i32>} : memref<2x128x128xf32, #tpu.memory_space<vmem>>, vector<1x1x16xf32>,
          %swap3A_1806 = vector.shape_cast %swap3A_1805 : vector<1x1x16xf32> to vector<16xf32>
          %swap3A_1807 = vector.shape_cast %mul3A_1800 : vector<16xf32> to vector<1x1x16xf32>
          tpu.vector_store %arg11[%swap3A_1802, %swap3A_1803, %swap3A_1804], %swap3A_1807 {strides = array<i32>} : memref<2x128x128xf32, #tpu.memory_space<vmem>>, vector<1x1x16xf32>,
          %get3A_1808 = arith.constant 1 : i32
          %get3A_1809 = arith.index_cast %get3A_1808 : i32 to index
          %get3A_1810 = arith.index_cast %add3A_1775 : i32 to index
          %get3A_1811 = arith.constant 32 : index
          %get3A_1812 = tpu.vector_load %arg11[%get3A_1809, %get3A_1810, %get3A_1811] {strides = array<i32>} : memref<2x128x128xf32, #tpu.memory_space<vmem>>, vector<1x1x16xf32>,
          %get3A_1813 = vector.shape_cast %get3A_1812 : vector<1x1x16xf32> to vector<16xf32>
          %mul3A_1814 = vector.broadcast %squeeze3A_1777 : f32 to vector<16xf32>
          %mul3A_1815 = arith.mulf %get3A_1813, %mul3A_1814 : vector<16xf32>
          %swap3A_1816 = arith.constant 1 : i32
          %swap3A_1817 = arith.index_cast %swap3A_1816 : i32 to index
          %swap3A_1818 = arith.index_cast %add3A_1775 : i32 to index
          %swap3A_1819 = arith.constant 32 : index
          %swap3A_1820 = tpu.vector_load %arg11[%swap3A_1817, %swap3A_1818, %swap3A_1819] {strides = array<i32>} : memref<2x128x128xf32, #tpu.memory_space<vmem>>, vector<1x1x16xf32>,
          %swap3A_1821 = vector.shape_cast %swap3A_1820 : vector<1x1x16xf32> to vector<16xf32>
          %swap3A_1822 = vector.shape_cast %mul3A_1815 : vector<16xf32> to vector<1x1x16xf32>
          tpu.vector_store %arg11[%swap3A_1817, %swap3A_1818, %swap3A_1819], %swap3A_1822 {strides = array<i32>} : memref<2x128x128xf32, #tpu.memory_space<vmem>>, vector<1x1x16xf32>,
          %get3A_1823 = arith.constant 1 : i32
          %get3A_1824 = arith.index_cast %get3A_1823 : i32 to index
          %get3A_1825 = arith.index_cast %add3A_1775 : i32 to index
          %get3A_1826 = arith.constant 48 : index
          %get3A_1827 = tpu.vector_load %arg11[%get3A_1824, %get3A_1825, %get3A_1826] {strides = array<i32>} : memref<2x128x128xf32, #tpu.memory_space<vmem>>, vector<1x1x16xf32>,
          %get3A_1828 = vector.shape_cast %get3A_1827 : vector<1x1x16xf32> to vector<16xf32>
          %mul3A_1829 = vector.broadcast %squeeze3A_1777 : f32 to vector<16xf32>
          %mul3A_1830 = arith.mulf %get3A_1828, %mul3A_1829 : vector<16xf32>
          %swap3A_1831 = arith.constant 1 : i32
          %swap3A_1832 = arith.index_cast %swap3A_1831 : i32 to index
          %swap3A_1833 = arith.index_cast %add3A_1775 : i32 to index
          %swap3A_1834 = arith.constant 48 : index
          %swap3A_1835 = tpu.vector_load %arg11[%swap3A_1832, %swap3A_1833, %swap3A_1834] {strides = array<i32>} : memref<2x128x128xf32, #tpu.memory_space<vmem>>, vector<1x1x16xf32>,
          %swap3A_1836 = vector.shape_cast %swap3A_1835 : vector<1x1x16xf32> to vector<16xf32>
          %swap3A_1837 = vector.shape_cast %mul3A_1830 : vector<16xf32> to vector<1x1x16xf32>
          tpu.vector_store %arg11[%swap3A_1832, %swap3A_1833, %swap3A_1834], %swap3A_1837 {strides = array<i32>} : memref<2x128x128xf32, #tpu.memory_space<vmem>>, vector<1x1x16xf32>,
          %get3A_1838 = arith.constant 1 : i32
          %get3A_1839 = arith.index_cast %get3A_1838 : i32 to index
          %get3A_1840 = arith.index_cast %add3A_1775 : i32 to index
          %get3A_1841 = arith.constant 64 : index
          %get3A_1842 = tpu.vector_load %arg11[%get3A_1839, %get3A_1840, %get3A_1841] {strides = array<i32>} : memref<2x128x128xf32, #tpu.memory_space<vmem>>, vector<1x1x16xf32>,
          %get3A_1843 = vector.shape_cast %get3A_1842 : vector<1x1x16xf32> to vector<16xf32>
          %mul3A_1844 = vector.broadcast %squeeze3A_1777 : f32 to vector<16xf32>
          %mul3A_1845 = arith.mulf %get3A_1843, %mul3A_1844 : vector<16xf32>
          %swap3A_1846 = arith.constant 1 : i32
          %swap3A_1847 = arith.index_cast %swap3A_1846 : i32 to index
          %swap3A_1848 = arith.index_cast %add3A_1775 : i32 to index
          %swap3A_1849 = arith.constant 64 : index
          %swap3A_1850 = tpu.vector_load %arg11[%swap3A_1847, %swap3A_1848, %swap3A_1849] {strides = array<i32>} : memref<2x128x128xf32, #tpu.memory_space<vmem>>, vector<1x1x16xf32>,
          %swap3A_1851 = vector.shape_cast %swap3A_1850 : vector<1x1x16xf32> to vector<16xf32>
          %swap3A_1852 = vector.shape_cast %mul3A_1845 : vector<16xf32> to vector<1x1x16xf32>
          tpu.vector_store %arg11[%swap3A_1847, %swap3A_1848, %swap3A_1849], %swap3A_1852 {strides = array<i32>} : memref<2x128x128xf32, #tpu.memory_space<vmem>>, vector<1x1x16xf32>,
          %get3A_1853 = arith.constant 1 : i32
          %get3A_1854 = arith.index_cast %get3A_1853 : i32 to index
          %get3A_1855 = arith.index_cast %add3A_1775 : i32 to index
          %get3A_1856 = arith.constant 80 : index
          %get3A_1857 = tpu.vector_load %arg11[%get3A_1854, %get3A_1855, %get3A_1856] {strides = array<i32>} : memref<2x128x128xf32, #tpu.memory_space<vmem>>, vector<1x1x16xf32>,
          %get3A_1858 = vector.shape_cast %get3A_1857 : vector<1x1x16xf32> to vector<16xf32>
          %mul3A_1859 = vector.broadcast %squeeze3A_1777 : f32 to vector<16xf32>
          %mul3A_1860 = arith.mulf %get3A_1858, %mul3A_1859 : vector<16xf32>
          %swap3A_1861 = arith.constant 1 : i32
          %swap3A_1862 = arith.index_cast %swap3A_1861 : i32 to index
          %swap3A_1863 = arith.index_cast %add3A_1775 : i32 to index
          %swap3A_1864 = arith.constant 80 : index
          %swap3A_1865 = tpu.vector_load %arg11[%swap3A_1862, %swap3A_1863, %swap3A_1864] {strides = array<i32>} : memref<2x128x128xf32, #tpu.memory_space<vmem>>, vector<1x1x16xf32>,
          %swap3A_1866 = vector.shape_cast %swap3A_1865 : vector<1x1x16xf32> to vector<16xf32>
          %swap3A_1867 = vector.shape_cast %mul3A_1860 : vector<16xf32> to vector<1x1x16xf32>
          tpu.vector_store %arg11[%swap3A_1862, %swap3A_1863, %swap3A_1864], %swap3A_1867 {strides = array<i32>} : memref<2x128x128xf32, #tpu.memory_space<vmem>>, vector<1x1x16xf32>,
          %get3A_1868 = arith.constant 1 : i32
          %get3A_1869 = arith.index_cast %get3A_1868 : i32 to index
          %get3A_1870 = arith.index_cast %add3A_1775 : i32 to index
          %get3A_1871 = arith.constant 96 : index
          %get3A_1872 = tpu.vector_load %arg11[%get3A_1869, %get3A_1870, %get3A_1871] {strides = array<i32>} : memref<2x128x128xf32, #tpu.memory_space<vmem>>, vector<1x1x16xf32>,
          %get3A_1873 = vector.shape_cast %get3A_1872 : vector<1x1x16xf32> to vector<16xf32>
          %mul3A_1874 = vector.broadcast %squeeze3A_1777 : f32 to vector<16xf32>
          %mul3A_1875 = arith.mulf %get3A_1873, %mul3A_1874 : vector<16xf32>
          %swap3A_1876 = arith.constant 1 : i32
          %swap3A_1877 = arith.index_cast %swap3A_1876 : i32 to index
          %swap3A_1878 = arith.index_cast %add3A_1775 : i32 to index
          %swap3A_1879 = arith.constant 96 : index
          %swap3A_1880 = tpu.vector_load %arg11[%swap3A_1877, %swap3A_1878, %swap3A_1879] {strides = array<i32>} : memref<2x128x128xf32, #tpu.memory_space<vmem>>, vector<1x1x16xf32>,
          %swap3A_1881 = vector.shape_cast %swap3A_1880 : vector<1x1x16xf32> to vector<16xf32>
          %swap3A_1882 = vector.shape_cast %mul3A_1875 : vector<16xf32> to vector<1x1x16xf32>
          tpu.vector_store %arg11[%swap3A_1877, %swap3A_1878, %swap3A_1879], %swap3A_1882 {strides = array<i32>} : memref<2x128x128xf32, #tpu.memory_space<vmem>>, vector<1x1x16xf32>,
          %get3A_1883 = arith.constant 1 : i32
          %get3A_1884 = arith.index_cast %get3A_1883 : i32 to index
          %get3A_1885 = arith.index_cast %add3A_1775 : i32 to index
          %get3A_1886 = arith.constant 112 : index
          %get3A_1887 = tpu.vector_load %arg11[%get3A_1884, %get3A_1885, %get3A_1886] {strides = array<i32>} : memref<2x128x128xf32, #tpu.memory_space<vmem>>, vector<1x1x16xf32>,
          %get3A_1888 = vector.shape_cast %get3A_1887 : vector<1x1x16xf32> to vector<16xf32>
          %mul3A_1889 = vector.broadcast %squeeze3A_1777 : f32 to vector<16xf32>
          %mul3A_1890 = arith.mulf %get3A_1888, %mul3A_1889 : vector<16xf32>
          %swap3A_1891 = arith.constant 1 : i32
          %swap3A_1892 = arith.index_cast %swap3A_1891 : i32 to index
          %swap3A_1893 = arith.index_cast %add3A_1775 : i32 to index
          %swap3A_1894 = arith.constant 112 : index
          %swap3A_1895 = tpu.vector_load %arg11[%swap3A_1892, %swap3A_1893, %swap3A_1894] {strides = array<i32>} : memref<2x128x128xf32, #tpu.memory_space<vmem>>, vector<1x1x16xf32>,
          %swap3A_1896 = vector.shape_cast %swap3A_1895 : vector<1x1x16xf32> to vector<16xf32>
          %swap3A_1897 = vector.shape_cast %mul3A_1890 : vector<16xf32> to vector<1x1x16xf32>
          tpu.vector_store %arg11[%swap3A_1892, %swap3A_1893, %swap3A_1894], %swap3A_1897 {strides = array<i32>} : memref<2x128x128xf32, #tpu.memory_space<vmem>>, vector<1x1x16xf32>,
          %mul3A_1898 = arith.constant 16 : i32
          %mul3A_1899 = arith.muli %scan3A_131, %mul3A_1898 : i32
          %add3A_1900 = arith.constant 14 : i32
          %add3A_1901 = arith.addi %mul3A_1899, %add3A_1900 : i32
          %slice3A_1902 = vector.extract_strided_slice %get3A_136 {offsets = [14], sizes = [1], strides = [1]} : vector<16xf32> to vector<1xf32>
          %squeeze3A_1903 = vector.extract %slice3A_1902[0] : f32 from vector<1xf32>
          %get3A_1904 = arith.constant 1 : i32
          %get3A_1905 = arith.index_cast %get3A_1904 : i32 to index
          %get3A_1906 = arith.index_cast %add3A_1901 : i32 to index
          %get3A_1907 = arith.constant 0 : index
          %get3A_1908 = tpu.vector_load %arg11[%get3A_1905, %get3A_1906, %get3A_1907] {strides = array<i32>} : memref<2x128x128xf32, #tpu.memory_space<vmem>>, vector<1x1x16xf32>,
          %get3A_1909 = vector.shape_cast %get3A_1908 : vector<1x1x16xf32> to vector<16xf32>
          %mul3A_1910 = vector.broadcast %squeeze3A_1903 : f32 to vector<16xf32>
          %mul3A_1911 = arith.mulf %get3A_1909, %mul3A_1910 : vector<16xf32>
          %swap3A_1912 = arith.constant 1 : i32
          %swap3A_1913 = arith.index_cast %swap3A_1912 : i32 to index
          %swap3A_1914 = arith.index_cast %add3A_1901 : i32 to index
          %swap3A_1915 = arith.constant 0 : index
          %swap3A_1916 = tpu.vector_load %arg11[%swap3A_1913, %swap3A_1914, %swap3A_1915] {strides = array<i32>} : memref<2x128x128xf32, #tpu.memory_space<vmem>>, vector<1x1x16xf32>,
          %swap3A_1917 = vector.shape_cast %swap3A_1916 : vector<1x1x16xf32> to vector<16xf32>
          %swap3A_1918 = vector.shape_cast %mul3A_1911 : vector<16xf32> to vector<1x1x16xf32>
          tpu.vector_store %arg11[%swap3A_1913, %swap3A_1914, %swap3A_1915], %swap3A_1918 {strides = array<i32>} : memref<2x128x128xf32, #tpu.memory_space<vmem>>, vector<1x1x16xf32>,
          %get3A_1919 = arith.constant 1 : i32
          %get3A_1920 = arith.index_cast %get3A_1919 : i32 to index
          %get3A_1921 = arith.index_cast %add3A_1901 : i32 to index
          %get3A_1922 = arith.constant 16 : index
          %get3A_1923 = tpu.vector_load %arg11[%get3A_1920, %get3A_1921, %get3A_1922] {strides = array<i32>} : memref<2x128x128xf32, #tpu.memory_space<vmem>>, vector<1x1x16xf32>,
          %get3A_1924 = vector.shape_cast %get3A_1923 : vector<1x1x16xf32> to vector<16xf32>
          %mul3A_1925 = vector.broadcast %squeeze3A_1903 : f32 to vector<16xf32>
          %mul3A_1926 = arith.mulf %get3A_1924, %mul3A_1925 : vector<16xf32>
          %swap3A_1927 = arith.constant 1 : i32
          %swap3A_1928 = arith.index_cast %swap3A_1927 : i32 to index
          %swap3A_1929 = arith.index_cast %add3A_1901 : i32 to index
          %swap3A_1930 = arith.constant 16 : index
          %swap3A_1931 = tpu.vector_load %arg11[%swap3A_1928, %swap3A_1929, %swap3A_1930] {strides = array<i32>} : memref<2x128x128xf32, #tpu.memory_space<vmem>>, vector<1x1x16xf32>,
          %swap3A_1932 = vector.shape_cast %swap3A_1931 : vector<1x1x16xf32> to vector<16xf32>
          %swap3A_1933 = vector.shape_cast %mul3A_1926 : vector<16xf32> to vector<1x1x16xf32>
          tpu.vector_store %arg11[%swap3A_1928, %swap3A_1929, %swap3A_1930], %swap3A_1933 {strides = array<i32>} : memref<2x128x128xf32, #tpu.memory_space<vmem>>, vector<1x1x16xf32>,
          %get3A_1934 = arith.constant 1 : i32
          %get3A_1935 = arith.index_cast %get3A_1934 : i32 to index
          %get3A_1936 = arith.index_cast %add3A_1901 : i32 to index
          %get3A_1937 = arith.constant 32 : index
          %get3A_1938 = tpu.vector_load %arg11[%get3A_1935, %get3A_1936, %get3A_1937] {strides = array<i32>} : memref<2x128x128xf32, #tpu.memory_space<vmem>>, vector<1x1x16xf32>,
          %get3A_1939 = vector.shape_cast %get3A_1938 : vector<1x1x16xf32> to vector<16xf32>
          %mul3A_1940 = vector.broadcast %squeeze3A_1903 : f32 to vector<16xf32>
          %mul3A_1941 = arith.mulf %get3A_1939, %mul3A_1940 : vector<16xf32>
          %swap3A_1942 = arith.constant 1 : i32
          %swap3A_1943 = arith.index_cast %swap3A_1942 : i32 to index
          %swap3A_1944 = arith.index_cast %add3A_1901 : i32 to index
          %swap3A_1945 = arith.constant 32 : index
          %swap3A_1946 = tpu.vector_load %arg11[%swap3A_1943, %swap3A_1944, %swap3A_1945] {strides = array<i32>} : memref<2x128x128xf32, #tpu.memory_space<vmem>>, vector<1x1x16xf32>,
          %swap3A_1947 = vector.shape_cast %swap3A_1946 : vector<1x1x16xf32> to vector<16xf32>
          %swap3A_1948 = vector.shape_cast %mul3A_1941 : vector<16xf32> to vector<1x1x16xf32>
          tpu.vector_store %arg11[%swap3A_1943, %swap3A_1944, %swap3A_1945], %swap3A_1948 {strides = array<i32>} : memref<2x128x128xf32, #tpu.memory_space<vmem>>, vector<1x1x16xf32>,
          %get3A_1949 = arith.constant 1 : i32
          %get3A_1950 = arith.index_cast %get3A_1949 : i32 to index
          %get3A_1951 = arith.index_cast %add3A_1901 : i32 to index
          %get3A_1952 = arith.constant 48 : index
          %get3A_1953 = tpu.vector_load %arg11[%get3A_1950, %get3A_1951, %get3A_1952] {strides = array<i32>} : memref<2x128x128xf32, #tpu.memory_space<vmem>>, vector<1x1x16xf32>,
          %get3A_1954 = vector.shape_cast %get3A_1953 : vector<1x1x16xf32> to vector<16xf32>
          %mul3A_1955 = vector.broadcast %squeeze3A_1903 : f32 to vector<16xf32>
          %mul3A_1956 = arith.mulf %get3A_1954, %mul3A_1955 : vector<16xf32>
          %swap3A_1957 = arith.constant 1 : i32
          %swap3A_1958 = arith.index_cast %swap3A_1957 : i32 to index
          %swap3A_1959 = arith.index_cast %add3A_1901 : i32 to index
          %swap3A_1960 = arith.constant 48 : index
          %swap3A_1961 = tpu.vector_load %arg11[%swap3A_1958, %swap3A_1959, %swap3A_1960] {strides = array<i32>} : memref<2x128x128xf32, #tpu.memory_space<vmem>>, vector<1x1x16xf32>,
          %swap3A_1962 = vector.shape_cast %swap3A_1961 : vector<1x1x16xf32> to vector<16xf32>
          %swap3A_1963 = vector.shape_cast %mul3A_1956 : vector<16xf32> to vector<1x1x16xf32>
          tpu.vector_store %arg11[%swap3A_1958, %swap3A_1959, %swap3A_1960], %swap3A_1963 {strides = array<i32>} : memref<2x128x128xf32, #tpu.memory_space<vmem>>, vector<1x1x16xf32>,
          %get3A_1964 = arith.constant 1 : i32
          %get3A_1965 = arith.index_cast %get3A_1964 : i32 to index
          %get3A_1966 = arith.index_cast %add3A_1901 : i32 to index
          %get3A_1967 = arith.constant 64 : index
          %get3A_1968 = tpu.vector_load %arg11[%get3A_1965, %get3A_1966, %get3A_1967] {strides = array<i32>} : memref<2x128x128xf32, #tpu.memory_space<vmem>>, vector<1x1x16xf32>,
          %get3A_1969 = vector.shape_cast %get3A_1968 : vector<1x1x16xf32> to vector<16xf32>
          %mul3A_1970 = vector.broadcast %squeeze3A_1903 : f32 to vector<16xf32>
          %mul3A_1971 = arith.mulf %get3A_1969, %mul3A_1970 : vector<16xf32>
          %swap3A_1972 = arith.constant 1 : i32
          %swap3A_1973 = arith.index_cast %swap3A_1972 : i32 to index
          %swap3A_1974 = arith.index_cast %add3A_1901 : i32 to index
          %swap3A_1975 = arith.constant 64 : index
          %swap3A_1976 = tpu.vector_load %arg11[%swap3A_1973, %swap3A_1974, %swap3A_1975] {strides = array<i32>} : memref<2x128x128xf32, #tpu.memory_space<vmem>>, vector<1x1x16xf32>,
          %swap3A_1977 = vector.shape_cast %swap3A_1976 : vector<1x1x16xf32> to vector<16xf32>
          %swap3A_1978 = vector.shape_cast %mul3A_1971 : vector<16xf32> to vector<1x1x16xf32>
          tpu.vector_store %arg11[%swap3A_1973, %swap3A_1974, %swap3A_1975], %swap3A_1978 {strides = array<i32>} : memref<2x128x128xf32, #tpu.memory_space<vmem>>, vector<1x1x16xf32>,
          %get3A_1979 = arith.constant 1 : i32
          %get3A_1980 = arith.index_cast %get3A_1979 : i32 to index
          %get3A_1981 = arith.index_cast %add3A_1901 : i32 to index
          %get3A_1982 = arith.constant 80 : index
          %get3A_1983 = tpu.vector_load %arg11[%get3A_1980, %get3A_1981, %get3A_1982] {strides = array<i32>} : memref<2x128x128xf32, #tpu.memory_space<vmem>>, vector<1x1x16xf32>,
          %get3A_1984 = vector.shape_cast %get3A_1983 : vector<1x1x16xf32> to vector<16xf32>
          %mul3A_1985 = vector.broadcast %squeeze3A_1903 : f32 to vector<16xf32>
          %mul3A_1986 = arith.mulf %get3A_1984, %mul3A_1985 : vector<16xf32>
          %swap3A_1987 = arith.constant 1 : i32
          %swap3A_1988 = arith.index_cast %swap3A_1987 : i32 to index
          %swap3A_1989 = arith.index_cast %add3A_1901 : i32 to index
          %swap3A_1990 = arith.constant 80 : index
          %swap3A_1991 = tpu.vector_load %arg11[%swap3A_1988, %swap3A_1989, %swap3A_1990] {strides = array<i32>} : memref<2x128x128xf32, #tpu.memory_space<vmem>>, vector<1x1x16xf32>,
          %swap3A_1992 = vector.shape_cast %swap3A_1991 : vector<1x1x16xf32> to vector<16xf32>
          %swap3A_1993 = vector.shape_cast %mul3A_1986 : vector<16xf32> to vector<1x1x16xf32>
          tpu.vector_store %arg11[%swap3A_1988, %swap3A_1989, %swap3A_1990], %swap3A_1993 {strides = array<i32>} : memref<2x128x128xf32, #tpu.memory_space<vmem>>, vector<1x1x16xf32>,
          %get3A_1994 = arith.constant 1 : i32
          %get3A_1995 = arith.index_cast %get3A_1994 : i32 to index
          %get3A_1996 = arith.index_cast %add3A_1901 : i32 to index
          %get3A_1997 = arith.constant 96 : index
          %get3A_1998 = tpu.vector_load %arg11[%get3A_1995, %get3A_1996, %get3A_1997] {strides = array<i32>} : memref<2x128x128xf32, #tpu.memory_space<vmem>>, vector<1x1x16xf32>,
          %get3A_1999 = vector.shape_cast %get3A_1998 : vector<1x1x16xf32> to vector<16xf32>
          %mul3A_2000 = vector.broadcast %squeeze3A_1903 : f32 to vector<16xf32>
          %mul3A_2001 = arith.mulf %get3A_1999, %mul3A_2000 : vector<16xf32>
          %swap3A_2002 = arith.constant 1 : i32
          %swap3A_2003 = arith.index_cast %swap3A_2002 : i32 to index
          %swap3A_2004 = arith.index_cast %add3A_1901 : i32 to index
          %swap3A_2005 = arith.constant 96 : index
          %swap3A_2006 = tpu.vector_load %arg11[%swap3A_2003, %swap3A_2004, %swap3A_2005] {strides = array<i32>} : memref<2x128x128xf32, #tpu.memory_space<vmem>>, vector<1x1x16xf32>,
          %swap3A_2007 = vector.shape_cast %swap3A_2006 : vector<1x1x16xf32> to vector<16xf32>
          %swap3A_2008 = vector.shape_cast %mul3A_2001 : vector<16xf32> to vector<1x1x16xf32>
          tpu.vector_store %arg11[%swap3A_2003, %swap3A_2004, %swap3A_2005], %swap3A_2008 {strides = array<i32>} : memref<2x128x128xf32, #tpu.memory_space<vmem>>, vector<1x1x16xf32>,
          %get3A_2009 = arith.constant 1 : i32
          %get3A_2010 = arith.index_cast %get3A_2009 : i32 to index
          %get3A_2011 = arith.index_cast %add3A_1901 : i32 to index
          %get3A_2012 = arith.constant 112 : index
          %get3A_2013 = tpu.vector_load %arg11[%get3A_2010, %get3A_2011, %get3A_2012] {strides = array<i32>} : memref<2x128x128xf32, #tpu.memory_space<vmem>>, vector<1x1x16xf32>,
          %get3A_2014 = vector.shape_cast %get3A_2013 : vector<1x1x16xf32> to vector<16xf32>
          %mul3A_2015 = vector.broadcast %squeeze3A_1903 : f32 to vector<16xf32>
          %mul3A_2016 = arith.mulf %get3A_2014, %mul3A_2015 : vector<16xf32>
          %swap3A_2017 = arith.constant 1 : i32
          %swap3A_2018 = arith.index_cast %swap3A_2017 : i32 to index
          %swap3A_2019 = arith.index_cast %add3A_1901 : i32 to index
          %swap3A_2020 = arith.constant 112 : index
          %swap3A_2021 = tpu.vector_load %arg11[%swap3A_2018, %swap3A_2019, %swap3A_2020] {strides = array<i32>} : memref<2x128x128xf32, #tpu.memory_space<vmem>>, vector<1x1x16xf32>,
          %swap3A_2022 = vector.shape_cast %swap3A_2021 : vector<1x1x16xf32> to vector<16xf32>
          %swap3A_2023 = vector.shape_cast %mul3A_2016 : vector<16xf32> to vector<1x1x16xf32>
          tpu.vector_store %arg11[%swap3A_2018, %swap3A_2019, %swap3A_2020], %swap3A_2023 {strides = array<i32>} : memref<2x128x128xf32, #tpu.memory_space<vmem>>, vector<1x1x16xf32>,
          %mul3A_2024 = arith.constant 16 : i32
          %mul3A_2025 = arith.muli %scan3A_131, %mul3A_2024 : i32
          %add3A_2026 = arith.constant 15 : i32
          %add3A_2027 = arith.addi %mul3A_2025, %add3A_2026 : i32
          %slice3A_2028 = vector.extract_strided_slice %get3A_136 {offsets = [15], sizes = [1], strides = [1]} : vector<16xf32> to vector<1xf32>
          %squeeze3A_2029 = vector.extract %slice3A_2028[0] : f32 from vector<1xf32>
          %get3A_2030 = arith.constant 1 : i32
          %get3A_2031 = arith.index_cast %get3A_2030 : i32 to index
          %get3A_2032 = arith.index_cast %add3A_2027 : i32 to index
          %get3A_2033 = arith.constant 0 : index
          %get3A_2034 = tpu.vector_load %arg11[%get3A_2031, %get3A_2032, %get3A_2033] {strides = array<i32>} : memref<2x128x128xf32, #tpu.memory_space<vmem>>, vector<1x1x16xf32>,
          %get3A_2035 = vector.shape_cast %get3A_2034 : vector<1x1x16xf32> to vector<16xf32>
          %mul3A_2036 = vector.broadcast %squeeze3A_2029 : f32 to vector<16xf32>
          %mul3A_2037 = arith.mulf %get3A_2035, %mul3A_2036 : vector<16xf32>
          %swap3A_2038 = arith.constant 1 : i32
          %swap3A_2039 = arith.index_cast %swap3A_2038 : i32 to index
          %swap3A_2040 = arith.index_cast %add3A_2027 : i32 to index
          %swap3A_2041 = arith.constant 0 : index
          %swap3A_2042 = tpu.vector_load %arg11[%swap3A_2039, %swap3A_2040, %swap3A_2041] {strides = array<i32>} : memref<2x128x128xf32, #tpu.memory_space<vmem>>, vector<1x1x16xf32>,
          %swap3A_2043 = vector.shape_cast %swap3A_2042 : vector<1x1x16xf32> to vector<16xf32>
          %swap3A_2044 = vector.shape_cast %mul3A_2037 : vector<16xf32> to vector<1x1x16xf32>
          tpu.vector_store %arg11[%swap3A_2039, %swap3A_2040, %swap3A_2041], %swap3A_2044 {strides = array<i32>} : memref<2x128x128xf32, #tpu.memory_space<vmem>>, vector<1x1x16xf32>,
          %get3A_2045 = arith.constant 1 : i32
          %get3A_2046 = arith.index_cast %get3A_2045 : i32 to index
          %get3A_2047 = arith.index_cast %add3A_2027 : i32 to index
          %get3A_2048 = arith.constant 16 : index
          %get3A_2049 = tpu.vector_load %arg11[%get3A_2046, %get3A_2047, %get3A_2048] {strides = array<i32>} : memref<2x128x128xf32, #tpu.memory_space<vmem>>, vector<1x1x16xf32>,
          %get3A_2050 = vector.shape_cast %get3A_2049 : vector<1x1x16xf32> to vector<16xf32>
          %mul3A_2051 = vector.broadcast %squeeze3A_2029 : f32 to vector<16xf32>
          %mul3A_2052 = arith.mulf %get3A_2050, %mul3A_2051 : vector<16xf32>
          %swap3A_2053 = arith.constant 1 : i32
          %swap3A_2054 = arith.index_cast %swap3A_2053 : i32 to index
          %swap3A_2055 = arith.index_cast %add3A_2027 : i32 to index
          %swap3A_2056 = arith.constant 16 : index
          %swap3A_2057 = tpu.vector_load %arg11[%swap3A_2054, %swap3A_2055, %swap3A_2056] {strides = array<i32>} : memref<2x128x128xf32, #tpu.memory_space<vmem>>, vector<1x1x16xf32>,
          %swap3A_2058 = vector.shape_cast %swap3A_2057 : vector<1x1x16xf32> to vector<16xf32>
          %swap3A_2059 = vector.shape_cast %mul3A_2052 : vector<16xf32> to vector<1x1x16xf32>
          tpu.vector_store %arg11[%swap3A_2054, %swap3A_2055, %swap3A_2056], %swap3A_2059 {strides = array<i32>} : memref<2x128x128xf32, #tpu.memory_space<vmem>>, vector<1x1x16xf32>,
          %get3A_2060 = arith.constant 1 : i32
          %get3A_2061 = arith.index_cast %get3A_2060 : i32 to index
          %get3A_2062 = arith.index_cast %add3A_2027 : i32 to index
          %get3A_2063 = arith.constant 32 : index
          %get3A_2064 = tpu.vector_load %arg11[%get3A_2061, %get3A_2062, %get3A_2063] {strides = array<i32>} : memref<2x128x128xf32, #tpu.memory_space<vmem>>, vector<1x1x16xf32>,
          %get3A_2065 = vector.shape_cast %get3A_2064 : vector<1x1x16xf32> to vector<16xf32>
          %mul3A_2066 = vector.broadcast %squeeze3A_2029 : f32 to vector<16xf32>
          %mul3A_2067 = arith.mulf %get3A_2065, %mul3A_2066 : vector<16xf32>
          %swap3A_2068 = arith.constant 1 : i32
          %swap3A_2069 = arith.index_cast %swap3A_2068 : i32 to index
          %swap3A_2070 = arith.index_cast %add3A_2027 : i32 to index
          %swap3A_2071 = arith.constant 32 : index
          %swap3A_2072 = tpu.vector_load %arg11[%swap3A_2069, %swap3A_2070, %swap3A_2071] {strides = array<i32>} : memref<2x128x128xf32, #tpu.memory_space<vmem>>, vector<1x1x16xf32>,
          %swap3A_2073 = vector.shape_cast %swap3A_2072 : vector<1x1x16xf32> to vector<16xf32>
          %swap3A_2074 = vector.shape_cast %mul3A_2067 : vector<16xf32> to vector<1x1x16xf32>
          tpu.vector_store %arg11[%swap3A_2069, %swap3A_2070, %swap3A_2071], %swap3A_2074 {strides = array<i32>} : memref<2x128x128xf32, #tpu.memory_space<vmem>>, vector<1x1x16xf32>,
          %get3A_2075 = arith.constant 1 : i32
          %get3A_2076 = arith.index_cast %get3A_2075 : i32 to index
          %get3A_2077 = arith.index_cast %add3A_2027 : i32 to index
          %get3A_2078 = arith.constant 48 : index
          %get3A_2079 = tpu.vector_load %arg11[%get3A_2076, %get3A_2077, %get3A_2078] {strides = array<i32>} : memref<2x128x128xf32, #tpu.memory_space<vmem>>, vector<1x1x16xf32>,
          %get3A_2080 = vector.shape_cast %get3A_2079 : vector<1x1x16xf32> to vector<16xf32>
          %mul3A_2081 = vector.broadcast %squeeze3A_2029 : f32 to vector<16xf32>
          %mul3A_2082 = arith.mulf %get3A_2080, %mul3A_2081 : vector<16xf32>
          %swap3A_2083 = arith.constant 1 : i32
          %swap3A_2084 = arith.index_cast %swap3A_2083 : i32 to index
          %swap3A_2085 = arith.index_cast %add3A_2027 : i32 to index
          %swap3A_2086 = arith.constant 48 : index
          %swap3A_2087 = tpu.vector_load %arg11[%swap3A_2084, %swap3A_2085, %swap3A_2086] {strides = array<i32>} : memref<2x128x128xf32, #tpu.memory_space<vmem>>, vector<1x1x16xf32>,
          %swap3A_2088 = vector.shape_cast %swap3A_2087 : vector<1x1x16xf32> to vector<16xf32>
          %swap3A_2089 = vector.shape_cast %mul3A_2082 : vector<16xf32> to vector<1x1x16xf32>
          tpu.vector_store %arg11[%swap3A_2084, %swap3A_2085, %swap3A_2086], %swap3A_2089 {strides = array<i32>} : memref<2x128x128xf32, #tpu.memory_space<vmem>>, vector<1x1x16xf32>,
          %get3A_2090 = arith.constant 1 : i32
          %get3A_2091 = arith.index_cast %get3A_2090 : i32 to index
          %get3A_2092 = arith.index_cast %add3A_2027 : i32 to index
          %get3A_2093 = arith.constant 64 : index
          %get3A_2094 = tpu.vector_load %arg11[%get3A_2091, %get3A_2092, %get3A_2093] {strides = array<i32>} : memref<2x128x128xf32, #tpu.memory_space<vmem>>, vector<1x1x16xf32>,
          %get3A_2095 = vector.shape_cast %get3A_2094 : vector<1x1x16xf32> to vector<16xf32>
          %mul3A_2096 = vector.broadcast %squeeze3A_2029 : f32 to vector<16xf32>
          %mul3A_2097 = arith.mulf %get3A_2095, %mul3A_2096 : vector<16xf32>
          %swap3A_2098 = arith.constant 1 : i32
          %swap3A_2099 = arith.index_cast %swap3A_2098 : i32 to index
          %swap3A_2100 = arith.index_cast %add3A_2027 : i32 to index
          %swap3A_2101 = arith.constant 64 : index
          %swap3A_2102 = tpu.vector_load %arg11[%swap3A_2099, %swap3A_2100, %swap3A_2101] {strides = array<i32>} : memref<2x128x128xf32, #tpu.memory_space<vmem>>, vector<1x1x16xf32>,
          %swap3A_2103 = vector.shape_cast %swap3A_2102 : vector<1x1x16xf32> to vector<16xf32>
          %swap3A_2104 = vector.shape_cast %mul3A_2097 : vector<16xf32> to vector<1x1x16xf32>
          tpu.vector_store %arg11[%swap3A_2099, %swap3A_2100, %swap3A_2101], %swap3A_2104 {strides = array<i32>} : memref<2x128x128xf32, #tpu.memory_space<vmem>>, vector<1x1x16xf32>,
          %get3A_2105 = arith.constant 1 : i32
          %get3A_2106 = arith.index_cast %get3A_2105 : i32 to index
          %get3A_2107 = arith.index_cast %add3A_2027 : i32 to index
          %get3A_2108 = arith.constant 80 : index
          %get3A_2109 = tpu.vector_load %arg11[%get3A_2106, %get3A_2107, %get3A_2108] {strides = array<i32>} : memref<2x128x128xf32, #tpu.memory_space<vmem>>, vector<1x1x16xf32>,
          %get3A_2110 = vector.shape_cast %get3A_2109 : vector<1x1x16xf32> to vector<16xf32>
          %mul3A_2111 = vector.broadcast %squeeze3A_2029 : f32 to vector<16xf32>
          %mul3A_2112 = arith.mulf %get3A_2110, %mul3A_2111 : vector<16xf32>
          %swap3A_2113 = arith.constant 1 : i32
          %swap3A_2114 = arith.index_cast %swap3A_2113 : i32 to index
          %swap3A_2115 = arith.index_cast %add3A_2027 : i32 to index
          %swap3A_2116 = arith.constant 80 : index
          %swap3A_2117 = tpu.vector_load %arg11[%swap3A_2114, %swap3A_2115, %swap3A_2116] {strides = array<i32>} : memref<2x128x128xf32, #tpu.memory_space<vmem>>, vector<1x1x16xf32>,
          %swap3A_2118 = vector.shape_cast %swap3A_2117 : vector<1x1x16xf32> to vector<16xf32>
          %swap3A_2119 = vector.shape_cast %mul3A_2112 : vector<16xf32> to vector<1x1x16xf32>
          tpu.vector_store %arg11[%swap3A_2114, %swap3A_2115, %swap3A_2116], %swap3A_2119 {strides = array<i32>} : memref<2x128x128xf32, #tpu.memory_space<vmem>>, vector<1x1x16xf32>,
          %get3A_2120 = arith.constant 1 : i32
          %get3A_2121 = arith.index_cast %get3A_2120 : i32 to index
          %get3A_2122 = arith.index_cast %add3A_2027 : i32 to index
          %get3A_2123 = arith.constant 96 : index
          %get3A_2124 = tpu.vector_load %arg11[%get3A_2121, %get3A_2122, %get3A_2123] {strides = array<i32>} : memref<2x128x128xf32, #tpu.memory_space<vmem>>, vector<1x1x16xf32>,
          %get3A_2125 = vector.shape_cast %get3A_2124 : vector<1x1x16xf32> to vector<16xf32>
          %mul3A_2126 = vector.broadcast %squeeze3A_2029 : f32 to vector<16xf32>
          %mul3A_2127 = arith.mulf %get3A_2125, %mul3A_2126 : vector<16xf32>
          %swap3A_2128 = arith.constant 1 : i32
          %swap3A_2129 = arith.index_cast %swap3A_2128 : i32 to index
          %swap3A_2130 = arith.index_cast %add3A_2027 : i32 to index
          %swap3A_2131 = arith.constant 96 : index
          %swap3A_2132 = tpu.vector_load %arg11[%swap3A_2129, %swap3A_2130, %swap3A_2131] {strides = array<i32>} : memref<2x128x128xf32, #tpu.memory_space<vmem>>, vector<1x1x16xf32>,
          %swap3A_2133 = vector.shape_cast %swap3A_2132 : vector<1x1x16xf32> to vector<16xf32>
          %swap3A_2134 = vector.shape_cast %mul3A_2127 : vector<16xf32> to vector<1x1x16xf32>
          tpu.vector_store %arg11[%swap3A_2129, %swap3A_2130, %swap3A_2131], %swap3A_2134 {strides = array<i32>} : memref<2x128x128xf32, #tpu.memory_space<vmem>>, vector<1x1x16xf32>,
          %get3A_2135 = arith.constant 1 : i32
          %get3A_2136 = arith.index_cast %get3A_2135 : i32 to index
          %get3A_2137 = arith.index_cast %add3A_2027 : i32 to index
          %get3A_2138 = arith.constant 112 : index
          %get3A_2139 = tpu.vector_load %arg11[%get3A_2136, %get3A_2137, %get3A_2138] {strides = array<i32>} : memref<2x128x128xf32, #tpu.memory_space<vmem>>, vector<1x1x16xf32>,
          %get3A_2140 = vector.shape_cast %get3A_2139 : vector<1x1x16xf32> to vector<16xf32>
          %mul3A_2141 = vector.broadcast %squeeze3A_2029 : f32 to vector<16xf32>
          %mul3A_2142 = arith.mulf %get3A_2140, %mul3A_2141 : vector<16xf32>
          %swap3A_2143 = arith.constant 1 : i32
          %swap3A_2144 = arith.index_cast %swap3A_2143 : i32 to index
          %swap3A_2145 = arith.index_cast %add3A_2027 : i32 to index
          %swap3A_2146 = arith.constant 112 : index
          %swap3A_2147 = tpu.vector_load %arg11[%swap3A_2144, %swap3A_2145, %swap3A_2146] {strides = array<i32>} : memref<2x128x128xf32, #tpu.memory_space<vmem>>, vector<1x1x16xf32>,
          %swap3A_2148 = vector.shape_cast %swap3A_2147 : vector<1x1x16xf32> to vector<16xf32>
          %swap3A_2149 = vector.shape_cast %mul3A_2142 : vector<16xf32> to vector<1x1x16xf32>
          tpu.vector_store %arg11[%swap3A_2144, %swap3A_2145, %swap3A_2146], %swap3A_2149 {strides = array<i32>} : memref<2x128x128xf32, #tpu.memory_space<vmem>>, vector<1x1x16xf32>,
        }
        %scan3A_119 = arith.constant 8 : i32
        %dma_start3A_120 = arith.constant 1 : i32
        %dma_start3A_121 = arith.constant 0 : i32
        %dma_start3A_122 = arith.constant 0 : i32
        %dma_start3A_123 = tpu.memref_slice %arg11[%dma_start3A_120, %dma_start3A_121, %dma_start3A_122] : memref<2x128x128xf32, #tpu.memory_space<vmem>> -> memref<1x128x128xf32, #tpu.memory_space<vmem>>
        %dma_start3A_124 = tpu.memref_squeeze %dma_start3A_123 : memref<1x128x128xf32, #tpu.memory_space<vmem>> -> memref<128x128xf32, #tpu.memory_space<vmem>>
        %dma_start3A_125 = arith.constant 0 : i32
        %dma_start3A_126 = tpu.memref_slice %arg9[%add3A_46, %dma_start3A_125] : memref<20x128xi32, #tpu.memory_space<vmem>> -> memref<1x128xi32, #tpu.memory_space<vmem>>
        %dma_start3A_127 = tpu.memref_squeeze %dma_start3A_126 : memref<1x128xi32, #tpu.memory_space<vmem>> -> memref<128xi32, #tpu.memory_space<vmem>>
        %dma_start3A_128 = arith.constant 0 : i32
        %dma_start3A_129 = arith.constant 0 : i32
        %dma_start3A_130 = tpu.memref_slice %arg12[%dma_start3A_128, %dma_start3A_129] : memref<10240x128xf32, #tpu.memory_space<vmem_shared>> -> memref<10240x128xf32, #tpu.memory_space<vmem_shared>>
        tpu.enqueue_indirect_dma source(%dma_start3A_124 : memref<128x128xf32, #tpu.memory_space<vmem>>) target(%dma_start3A_130 : memref<10240x128xf32, #tpu.memory_space<vmem_shared>>) offsets(%dma_start3A_127 : memref<128xi32, #tpu.memory_space<vmem>>) semaphore(%arg16 : memref<!tpu.dma_semaphore, #tpu.memory_space<semaphore_mem>>) {add = true}
      }
      %scan3A_28 = arith.constant 10 : i32
      %dma_wait3A = arith.constant 1 : i32
      %dma_wait3A_29 = arith.constant 19 : i32
      %dma_wait3A_30 = arith.constant 0 : i32
      %dma_wait3A_31 = arith.constant 0 : i32
      %dma_wait3A_32 = tpu.memref_slice %arg11[%dma_wait3A, %dma_wait3A_30, %dma_wait3A_31] : memref<2x128x128xf32, #tpu.memory_space<vmem>> -> memref<1x128x128xf32, #tpu.memory_space<vmem>>
      %dma_wait3A_33 = tpu.memref_squeeze %dma_wait3A_32 : memref<1x128x128xf32, #tpu.memory_space<vmem>> -> memref<128x128xf32, #tpu.memory_space<vmem>>
      %dma_wait3A_34 = arith.constant 0 : i32
      %dma_wait3A_35 = tpu.memref_slice %arg9[%dma_wait3A_29, %dma_wait3A_34] : memref<20x128xi32, #tpu.memory_space<vmem>> -> memref<1x128xi32, #tpu.memory_space<vmem>>
      %dma_wait3A_36 = tpu.memref_squeeze %dma_wait3A_35 : memref<1x128xi32, #tpu.memory_space<vmem>> -> memref<128xi32, #tpu.memory_space<vmem>>
      %dma_wait3A_37 = arith.constant 0 : i32
      %dma_wait3A_38 = arith.constant 0 : i32
      %dma_wait3A_39 = tpu.memref_slice %arg12[%dma_wait3A_37, %dma_wait3A_38] : memref<10240x128xf32, #tpu.memory_space<vmem_shared>> -> memref<10240x128xf32, #tpu.memory_space<vmem_shared>>
      tpu.wait_indirect_dma semaphore(%arg16 : memref<!tpu.dma_semaphore, #tpu.memory_space<semaphore_mem>>) src(%dma_wait3A_33 : memref<128x128xf32, #tpu.memory_space<vmem>>) dst(%dma_wait3A_39 : memref<10240x128xf32, #tpu.memory_space<vmem_shared>>)
    }
    %scan3A_6 = arith.constant 4 : i32
    %barrier3A_7 = arith.constant 0 : index
    tpu.barrier barrier_id(%barrier3A_7)
    "tpu.region"() ({
      %run_scoped3A = tpu.sem_alloc : memref<!tpu.dma_semaphore, #tpu.memory_space<semaphore_mem>>
      %dma_start3A = arith.constant 0 : i32
      %dma_start3A_8 = tpu.memref_slice %arg7[%arg0, %mul3A_2, %dma_start3A] : memref<2x10240x128xf32, #tpu.memory_space<hbm>> -> memref<1x640x128xf32, #tpu.memory_space<hbm>>
      %dma_start3A_9 = tpu.memref_squeeze %dma_start3A_8 : memref<1x640x128xf32, #tpu.memory_space<hbm>> -> memref<640x128xf32, #tpu.memory_space<hbm>>
      %dma_start3A_10 = arith.constant 0 : i32
      %dma_start3A_11 = tpu.memref_slice %arg12[%mul3A_2, %dma_start3A_10] : memref<10240x128xf32, #tpu.memory_space<vmem_shared>> -> memref<640x128xf32, #tpu.memory_space<vmem_shared>>
      tpu.enqueue_dma source(%dma_start3A_11 : memref<640x128xf32, #tpu.memory_space<vmem_shared>>) target(%dma_start3A_9 : memref<640x128xf32, #tpu.memory_space<hbm>>) target_semaphore(%run_scoped3A : memref<!tpu.dma_semaphore, #tpu.memory_space<semaphore_mem>>)
      %dma_wait3A = arith.constant 0 : i32
      %dma_wait3A_12 = tpu.memref_slice %arg7[%arg0, %mul3A_2, %dma_wait3A] : memref<2x10240x128xf32, #tpu.memory_space<hbm>> -> memref<1x640x128xf32, #tpu.memory_space<hbm>>
      %dma_wait3A_13 = tpu.memref_squeeze %dma_wait3A_12 : memref<1x640x128xf32, #tpu.memory_space<hbm>> -> memref<640x128xf32, #tpu.memory_space<hbm>>
      %dma_wait3A_14 = arith.constant 0 : i32
      %dma_wait3A_15 = tpu.memref_slice %arg12[%mul3A_2, %dma_wait3A_14] : memref<10240x128xf32, #tpu.memory_space<vmem_shared>> -> memref<640x128xf32, #tpu.memory_space<vmem_shared>>
      tpu.wait_dma2 semaphore(%run_scoped3A : memref<!tpu.dma_semaphore, #tpu.memory_space<semaphore_mem>>) src(%dma_wait3A_15 : memref<640x128xf32, #tpu.memory_space<vmem_shared>>) dst(%dma_wait3A_13 : memref<640x128xf32, #tpu.memory_space<hbm>>)
      tpu.yield
    }) : () -> ()
    return
  }
}

module attributes {stable_mosaic.version = 14 : i64} {
  func.func @_dense_body(%arg0: i32, %arg1: memref<1000x128xf32, #tpu.memory_space<vmem>>, %arg2: memref<1000x128xf32, #tpu.memory_space<vmem>>, %arg3: memref<1000x128xf32, #tpu.memory_space<vmem>>, %arg4: memref<128x200xf32, #tpu.memory_space<vmem>>, %arg5: memref<1x200xf32, #tpu.memory_space<vmem>>, %arg6: memref<128x200xf32, #tpu.memory_space<vmem>>, %arg7: memref<200x128xf32, #tpu.memory_space<vmem>>, %arg8: memref<1x128xf32, #tpu.memory_space<vmem>>, %arg9: memref<1000x128xf32, #tpu.memory_space<vmem>>) attributes {dimension_semantics = [#tpu.dimension_semantics<arbitrary>], iteration_bounds = array<i64: 10>, scalar_prefetch = 0 : i64, scratch_operands = 0 : i64, tpu.core_type = #tpu.core_type<tc>, window_params = [{transform_indices = @transform_0, window_bounds = array<i64: 1000, 128>}, {transform_indices = @transform_1, window_bounds = array<i64: 1000, 128>}, {transform_indices = @transform_2, window_bounds = array<i64: 1000, 128>}, {pipeline_mode = #tpu.pipeline_mode<synchronous>, transform_indices = @transform_3, window_bounds = array<i64: 128, 200>}, {pipeline_mode = #tpu.pipeline_mode<synchronous>, transform_indices = @transform_4, window_bounds = array<i64: 1, 200>}, {pipeline_mode = #tpu.pipeline_mode<synchronous>, transform_indices = @transform_5, window_bounds = array<i64: 128, 200>}, {pipeline_mode = #tpu.pipeline_mode<synchronous>, transform_indices = @transform_6, window_bounds = array<i64: 200, 128>}, {pipeline_mode = #tpu.pipeline_mode<synchronous>, transform_indices = @transform_7, window_bounds = array<i64: 1, 128>}, {transform_indices = @transform_8, window_bounds = array<i64: 1000, 128>}]} {
    %get3A = arith.constant 0 : index
    %get3A_0 = arith.constant 0 : index
    %get3A_1 = vector.load %arg1[%get3A, %get3A_0] : memref<1000x128xf32, #tpu.memory_space<vmem>>, vector<1000x128xf32>
    %get3A_2 = arith.constant 0 : index
    %get3A_3 = arith.constant 0 : index
    %get3A_4 = vector.load %arg2[%get3A_2, %get3A_3] : memref<1000x128xf32, #tpu.memory_space<vmem>>, vector<1000x128xf32>
    %add3A = arith.addf %get3A_1, %get3A_4 : vector<1000x128xf32>
    %get3A_5 = arith.constant 0 : index
    %get3A_6 = arith.constant 0 : index
    %get3A_7 = vector.load %arg4[%get3A_5, %get3A_6] : memref<128x200xf32, #tpu.memory_space<vmem>>, vector<128x200xf32>
    %dot_general3A = arith.constant dense<0.000000e+00> : vector<1000x200xf32>
    %dot_general3A_8 = tpu.matmul %add3A, %get3A_7, %dot_general3A {dimension_numbers = #tpu.dot_dimension_numbers<[1], [0], [0], [1], [0, 0, 1, 1], [], []>, transpose_lhs_hint = false} : vector<1000x128xf32>, vector<128x200xf32>, vector<1000x200xf32> -> vector<1000x200xf32>
    %get3A_9 = arith.constant 0 : index
    %get3A_10 = arith.constant 0 : index
    %get3A_11 = vector.load %arg3[%get3A_9, %get3A_10] : memref<1000x128xf32, #tpu.memory_space<vmem>>, vector<1000x128xf32>
    %get3A_12 = arith.constant 0 : index
    %get3A_13 = arith.constant 0 : index
    %get3A_14 = vector.load %arg6[%get3A_12, %get3A_13] : memref<128x200xf32, #tpu.memory_space<vmem>>, vector<128x200xf32>
    %dot_general3A_15 = arith.constant dense<0.000000e+00> : vector<1000x200xf32>
    %dot_general3A_16 = tpu.matmul %get3A_11, %get3A_14, %dot_general3A_15 {dimension_numbers = #tpu.dot_dimension_numbers<[1], [0], [0], [1], [0, 0, 1, 1], [], []>, transpose_lhs_hint = false} : vector<1000x128xf32>, vector<128x200xf32>, vector<1000x200xf32> -> vector<1000x200xf32>
    %add3A_17 = arith.addf %dot_general3A_8, %dot_general3A_16 : vector<1000x200xf32>
    %get3A_18 = arith.constant 0 : index
    %get3A_19 = arith.constant 0 : index
    %get3A_20 = vector.load %arg5[%get3A_18, %get3A_19] : memref<1x200xf32, #tpu.memory_space<vmem>>, vector<1x200xf32>
    %add3A_21 = vector.broadcast %get3A_20 : vector<1x200xf32> to vector<1000x200xf32>
    %add3A_22 = arith.addf %add3A_17, %add3A_21 : vector<1000x200xf32>
    %max3A = arith.constant 0.000000e+00 : f32
    %max3A_23 = vector.broadcast %max3A : f32 to vector<1000x200xf32>
    %max3A_24 = arith.maximumf %add3A_22, %max3A_23 : vector<1000x200xf32>
    %get3A_25 = arith.constant 0 : index
    %get3A_26 = arith.constant 0 : index
    %get3A_27 = vector.load %arg7[%get3A_25, %get3A_26] : memref<200x128xf32, #tpu.memory_space<vmem>>, vector<200x128xf32>
    %dot_general3A_28 = arith.constant dense<0.000000e+00> : vector<1000x128xf32>
    %dot_general3A_29 = tpu.matmul %max3A_24, %get3A_27, %dot_general3A_28 {dimension_numbers = #tpu.dot_dimension_numbers<[1], [0], [0], [1], [0, 0, 1, 1], [], []>, transpose_lhs_hint = false} : vector<1000x200xf32>, vector<200x128xf32>, vector<1000x128xf32> -> vector<1000x128xf32>
    %get3A_30 = arith.constant 0 : index
    %get3A_31 = arith.constant 0 : index
    %get3A_32 = vector.load %arg8[%get3A_30, %get3A_31] : memref<1x128xf32, #tpu.memory_space<vmem>>, vector<1x128xf32>
    %add3A_33 = vector.broadcast %get3A_32 : vector<1x128xf32> to vector<1000x128xf32>
    %add3A_34 = arith.addf %dot_general3A_29, %add3A_33 : vector<1000x128xf32>
    %swap3A = arith.constant 0 : index
    %swap3A_35 = arith.constant 0 : index
    %swap3A_36 = vector.load %arg9[%swap3A, %swap3A_35] : memref<1000x128xf32, #tpu.memory_space<vmem>>, vector<1000x128xf32>
    tpu.vector_store %arg9[%swap3A, %swap3A_35], %add3A_34 {strides = array<i32>} : memref<1000x128xf32, #tpu.memory_space<vmem>>, vector<1000x128xf32>,
    return
  }
  func.func @transform_0(%arg0: i32) -> (i32, i32) {
    %c0_i32 = arith.constant 0 : i32
    %c0_i32_0 = arith.constant 0 : i32
    return %arg0, %c0_i32 : i32, i32
  }
  func.func @transform_1(%arg0: i32) -> (i32, i32) {
    %c0_i32 = arith.constant 0 : i32
    %c0_i32_0 = arith.constant 0 : i32
    return %arg0, %c0_i32 : i32, i32
  }
  func.func @transform_2(%arg0: i32) -> (i32, i32) {
    %c0_i32 = arith.constant 0 : i32
    %c0_i32_0 = arith.constant 0 : i32
    return %arg0, %c0_i32 : i32, i32
  }
  func.func @transform_3(%arg0: i32) -> (i32, i32) {
    %c0_i32 = arith.constant 0 : i32
    %c0_i32_0 = arith.constant 0 : i32
    %c0_i32_1 = arith.constant 0 : i32
    return %c0_i32, %c0_i32_0 : i32, i32
  }
  func.func @transform_4(%arg0: i32) -> (i32, i32) {
    %c0_i32 = arith.constant 0 : i32
    %c0_i32_0 = arith.constant 0 : i32
    %c0_i32_1 = arith.constant 0 : i32
    return %c0_i32, %c0_i32_0 : i32, i32
  }
  func.func @transform_5(%arg0: i32) -> (i32, i32) {
    %c0_i32 = arith.constant 0 : i32
    %c0_i32_0 = arith.constant 0 : i32
    %c0_i32_1 = arith.constant 0 : i32
    return %c0_i32, %c0_i32_0 : i32, i32
  }
  func.func @transform_6(%arg0: i32) -> (i32, i32) {
    %c0_i32 = arith.constant 0 : i32
    %c0_i32_0 = arith.constant 0 : i32
    %c0_i32_1 = arith.constant 0 : i32
    return %c0_i32, %c0_i32_0 : i32, i32
  }
  func.func @transform_7(%arg0: i32) -> (i32, i32) {
    %c0_i32 = arith.constant 0 : i32
    %c0_i32_0 = arith.constant 0 : i32
    %c0_i32_1 = arith.constant 0 : i32
    return %c0_i32, %c0_i32_0 : i32, i32
  }
  func.func @transform_8(%arg0: i32) -> (i32, i32) {
    %c0_i32 = arith.constant 0 : i32
    %c0_i32_0 = arith.constant 0 : i32
    return %arg0, %c0_i32 : i32, i32
  }
}

</mosaic_0001>

<sc_bundles>
// kernel: kernel.4.cloned.1.call-start
scs
__scs_entry_jumppad:
0x0: {  	(pc) =	sbr.rel $0x88, $3  }
0x1: {  	(tag) =	ssettag $0x0;
	lr =	simm.s32 $0x1  }
0x2: {  	[smem:$0x3F99] =	sst lr;
	_ =	strace $0xD0000000  }
0x3: {  	_ = 	snop  }
0x4: {  	_ = 	snop  }
0x5: {  	_ = 	snop  }
0x6: {  	_ = 	snop  }
0x7: {  	_ = 	snop  }
__scs_overlays_trampoline_lowered:
0x8: {  	[smem:$0x3FA8] =	sst s0  }
0x9: {  	[smem:$0x3FA9] =	sst s1  }
0xa: {  	[smem:$0x3FAA] =	sst s2  }
0xb: {  	[smem:$0x3FAB] =	sst s3  }
0xc: {  	[smem:$0x3FAC] =	sst s4  }
0xd: {  	[smem:$0x3FAD] =	sst s5  }
0xe: {  	[smem:$0x3FAE] =	sst s6  }
0xf: {  	[smem:$0x3FAF] =	sst s7  }
0x10: {  	[smem:$0x3FB0] =	sst s8  }
0x11: {  	[smem:$0x3FB1] =	sst s9;
	s0 =	simm.s32 @!p0 $0x0  }
0x12: {  	s1 =	sld [smem:$0x3F97];
	s0 =	simm.s32 @p0 $0x1  }
0x13: {  	[smem:$0x3FB2] =	sst s0;
	s0 =	simm.s32 @!p1 $0x0  }
0x14: {  	s2 =	sld [smem:$0x3F96];
	s0 =	simm.s32 @p1 $0x1  }
0x15: {  	[smem:$0x3FB3] =	sst s0;
	s0 =	simm.s32 @!p2 $0x0  }
0x16: {  	s3 =	sld [smem:$0x3FDB];
	s0 =	simm.s32 @p2 $0x1  }
0x17: {  	s4 =	simm.s32 $0x1BF5;
	[smem:$0x3FB5] =	sst s0  }
0x18: {  	s0 =	sld [smem:$0x3F98];
	_ =	swait.ge [sflag:s4], $0x0  }
0x19: {  	s7 =	sld [smem:$0x3F99]  }
0x1a: {  	s8 =	sadd.s32 $0xFFFFE003, lr  }
0x1b: {  	s9 =	sadd.s32 $0xFFFFFEF7, lr;
	s5 =	simm.s32 $0xFFFFFFFF;
	p2 =	slt.u32 s8, $0xFFFFF086  }
0x1c: {  	p1 =	slt.u32 s9, $0xF7A;
	s5 =	simm.s32 @!p2 $0x0  }
0x1d: {  	s5 =	simm.s32 @p1 $0x1;
	p0 =	seq.s32 s7, s2  }
0x1e: {  	s7 =	smul.u32 @!p0 $0xF7A, s2;
	p2 =	seq.s32 @!p0 s5, $0x0  }
0x1f: {  	s9 =	smul.u32 $0xF7A, s1;
	s8 =	simm.s32 @!p0 $0x1BF5;
	p2 =	por !p2, p0  }
0x20: {  	[sflag:s8] =	ssyncset.s32 @!p0 $0xFFFFF086;
	s6 =	sadd.s32 @!p0 s3, s7;
	s7 =	simm.s32 @!p0 $0x108  }
0x21: {  	s3 =	sadd.s32 s3, s9;
	s6 =	sadd.s32 @!p0 $0x88, s6;
	s7 =	simm.s32 @p2 $0x1082  }
0x22: {  	[simem:s7], [sflag:s8] =	dma.local @!p0 [hbm:s6], $0xF7A  }
0x23: {  	s9 =	sor.u32 $0xD0000000, s2;
	s6 =	simm.s32 $0x108;
	_ =	swait.ge @!p0 [sflag:s8], $0x0  }
0x24: {  	s3 =	sadd.s32 $0x88, s3;
	s6 =	simm.s32 @!p1 $0x1082;
	[sflag:s4] =	ssyncset.s32 $0xFFFFF086  }
0x25: {  	[simem:s6], [sflag:s4] =	dma.local [hbm:s3], $0xF7A  }
0x26: {  	[smem:$0x3F99] =	sst s1;
	(tag) =	ssettag s2;
	_ =	strace s9  }
0x27: {  	s1 =	sld [smem:$0x3FA9]  }
0x28: {  	s2 =	sld [smem:$0x3FAA]  }
0x29: {  	s4 =	sld [smem:$0x3FAC]  }
0x2a: {  	p0 =	seq.s32 s5, $0x0;
	s5 =	sld [smem:$0x3FAD]  }
0x2b: {  	s6 =	sld [smem:$0x3FAE]  }
0x2c: {  	s7 =	sld [smem:$0x3FAF]  }
0x2d: {  	s3 =	simm.s32 $0x108;
	s8 =	sld [smem:$0x3FB0]  }
0x2e: {  	s3 =	simm.s32 @!p0 $0x1082;
	s9 =	sld [smem:$0x3FB1]  }
0x2f: {  	lr =	sadd.s32 s0, s3;
	s0 =	sld [smem:$0x3FA8]  }
0x30: {  	s3 =	sld [smem:$0x3FAB]  }
0x31: {  	[smem:$0x3FB4] =	sst s10  }
0x32: {  	s10 =	sld [smem:$0x3FB2];
	_ =	sdelay $0x3  }
0x33: {  	p0 =	seq.s32 s10, $0x1;
	s10 =	sld [smem:$0x3FB4];
	_ =	sdelay $0x3  }
0x34: {  	[smem:$0x3FB4] =	sst s10  }
0x35: {  	s10 =	sld [smem:$0x3FB3];
	_ =	sdelay $0x3  }
0x36: {  	p1 =	seq.s32 s10, $0x1;
	s10 =	sld [smem:$0x3FB4];
	_ =	sdelay $0x3  }
0x37: {  	[smem:$0x3FB4] =	sst s10  }
0x38: {  	s10 =	sld [smem:$0x3FB5]  }
0x39: {  	_ = 	snop;
	(pc) =	sbr.ind lr, $3  }
0x3a: {  	_ = 	snop  }
0x3b: {  	_ = 	snop  }
0x3c: {  	p2 =	seq.s32 s10, $0x1;
	s10 =	sld [smem:$0x3FB4]  }
0x3d: {  	_ =	shalt  }
0x3e: {  	_ =	shalt  }
0x3f: {  	_ =	shalt  }
0x40: {  	_ =	shalt  }
0x41: {  	_ =	shalt  }
0x42: {  	_ =	shalt  }
0x43: {  	_ =	shalt  }
0x44: {  	_ =	shalt  }
0x45: {  	_ =	shalt  }
0x46: {  	_ =	shalt  }
0x47: {  	_ =	shalt  }
0x48: {  	_ =	shalt  }
0x49: {  	_ =	shalt  }
0x4a: {  	_ =	shalt  }
0x4b: {  	_ =	shalt  }
0x4c: {  	_ =	shalt  }
0x4d: {  	_ =	shalt  }
0x4e: {  	_ =	shalt  }
0x4f: {  	_ =	shalt  }
0x50: {  	_ =	shalt  }
0x51: {  	_ =	shalt  }
0x52: {  	_ =	shalt  }
0x53: {  	_ =	shalt  }
0x54: {  	_ =	shalt  }
0x55: {  	_ =	shalt  }
0x56: {  	_ =	shalt  }
0x57: {  	_ =	shalt  }
0x58: {  	_ =	shalt  }
0x59: {  	_ =	shalt  }
0x5a: {  	_ =	shalt  }
0x5b: {  	_ =	shalt  }
0x5c: {  	_ =	shalt  }
0x5d: {  	_ =	shalt  }
0x5e: {  	_ =	shalt  }
0x5f: {  	_ =	shalt  }
0x60: {  	_ =	shalt  }
0x61: {  	_ =	shalt  }
0x62: {  	_ =	shalt  }
0x63: {  	_ =	shalt  }
0x64: {  	_ =	shalt  }
0x65: {  	_ =	shalt  }
0x66: {  	_ =	shalt  }
0x67: {  	_ =	shalt  }
0x68: {  	_ =	shalt  }
0x69: {  	_ =	shalt  }
0x6a: {  	_ =	shalt  }
0x6b: {  	_ =	shalt  }
0x6c: {  	_ =	shalt  }
0x6d: {  	_ =	shalt  }
0x6e: {  	_ =	shalt  }
0x6f: {  	_ =	shalt  }
0x70: {  	_ =	shalt  }
0x71: {  	_ =	shalt  }
0x72: {  	_ =	shalt  }
0x73: {  	_ =	shalt  }
0x74: {  	_ =	shalt  }
0x75: {  	_ =	shalt  }
0x76: {  	_ =	shalt  }
0x77: {  	_ =	shalt  }
0x78: {  	_ =	shalt  }
0x79: {  	_ =	shalt  }
0x7a: {  	_ =	shalt  }
0x7b: {  	_ =	shalt  }
0x7c: {  	_ =	shalt  }
0x7d: {  	_ =	shalt  }
0x7e: {  	_ =	shalt  }
0x7f: {  	_ =	shalt  }
0x80: {  	_ =	shalt  }
0x81: {  	_ =	shalt  }
0x82: {  	_ =	shalt  }
0x83: {  	_ =	shalt  }
0x84: {  	_ =	shalt  }
0x85: {  	_ =	shalt  }
0x86: {  	_ =	shalt  }
0x87: {  	_ =	shalt  }
.Lfunc_end0:
.L_simem_size_0:
called_computation_lowered:
.L_overlay_start_0:
0x88: {  	s2 =	sld [smem:$0x3FD9]  }
0x89: {  	s3 =	sld [smem:$0x3FFE];
	_ =	sdelay $0x1  }
0x8a: {  	s1 =	srdreg.scid  }
0x8b: {  	s0 =	sand.u32 $0x1, s1  }
0x8c: {  	s17 =	sshll.u32 s0, $0xA;
	s2 =	sadd.s32 s3, s2  }
0x8d: {  	s2 =	sadd.s32 s2, s17  }
0x8e: {  	[smem:$0x3FC0] =	sst s2  }
0x8f: {  	_ = 	snop  }
0x90: {  	s2 =	sld [smem:$0x3FC9]  }
0x91: {  	s18 =	sld [smem:$0x3FD0];
	(tm) =	ssettm $0x1  }
0x92: {  	s4 =	sld [smem:$0x3FFB];
	_ =	sdelay $0x3  }
0x93: {  	_ =	strace s4  }
0x94: {  	s4 =	sld [smem:$0x3FFC];
	_ =	sdelay $0x3  }
0x95: {  	_ =	strace s4  }
0x96: {  	s4 =	sld [smem:$0x3FFD];
	_ =	sdelay $0x3  }
0x97: {  	_ =	strace s4  }
0x98: {  	_ =	strace $0x8FFFFFFF  }
0x99: {  	s19 =	sld [smem:$0x3FDB];
	_ =	sdelay $0x1  }
0x9a: {  	s5 =	simm.s32 $_scs_section_size  }
0x9b: {  	s6 =	simm.s32 $_size__tile_overlayer_lowered;
	s7 =	simm.s32 $_tile_overlayer_lowered  }
0x9c: {  	s22 =	simm.s32 $0x1BFF;
	s21 =	sshll.u32 s7, $0x1;
	s4 =	sadd.s32 s5, s19  }
0x9d: {  	s8 =	simm.s32 $0x0;
	s20 =	sshll.u32 s6, $0x1;
	s6 =	sadd.s32 s21, s4  }
0x9e: {  	[timem:s8], [sflag:s22] =	dma.local [hbm:s6], s20  }
0x9f: {  	_ =	swait.ge [sflag:s22], s20  }
0xa0: {  	s5 =	ssub.s32 $0x0, s20;
	[sflag:s22] =	ssyncset.done $0x0  }
0xa1: {  	[sflag:s22] =	ssyncadd.s32 s5;
	_ =	sdelay $0x1  }
0xa2: {  	s23 =	simm.s32 $0x1B8B  }
0xa3: {  	_ =	swait.ge [sflag:s23], $0x1  }
0xa4: {  	[sflag:s23] =	ssyncset.done $0x0  }
0xa5: {  	s25 =	simm.s32 $0x1B8E;
	s24 =	sld [smem:$0x3FFE];
	[sflag:s23] =	ssyncadd.s32 $0xFFFFFFFF  }
0xa6: {  	s26 =	simm.s32 $execute0_lowered;
	[smem:$0x3FD2] =	sst s25  }
0xa7: {  	s6 =	sshll.u32 s26, $0x1;
	_ =	strace $0x80000046;
	[dreg:$0x1] =	wrdreg $0xFFFFFFFF  }
0xa8: {  	s28 =	simm.s32 $_size_execute0_lowered;
	s4 =	sadd.s32 s4, s6;
	[dreg:$0x0] =	wrdreg $0x0  }
0xa9: {  	s6 =	sshll.u32 s28, $0x1;
	[dreg:$0x2] =	wrdreg s4  }
0xaa: {  	[dreg:$0x3] =	wrdreg s6  }
0xab: {  	[dreg:$0x4] =	wrdreg $0xC0  }
0xac: {  	_ =	task [dreg:s8], $0x5FFFF  }
0xad: {  	[dreg:$0x1] =	wrdreg $0xFFFFFFFF  }
0xae: {  	[dreg:$0x0] =	wrdreg $0x60  }
0xaf: {  	[dreg:$0x2] =	wrdreg s2  }
0xb0: {  	[dreg:$0x3] =	wrdreg s18  }
0xb1: {  	[dreg:$0x4] =	wrdreg s24  }
0xb2: {  	[dreg:$0x5] =	wrdreg $0xA4000  }
0xb3: {  	[dreg:$0x6] =	wrdreg $0x9  }
0xb4: {  	_ =	task.clear_ibuf [dreg:s8], $0x7FFFF;
	_ =	strace $0x90000046  }
0xb5: {  	s29 =	simm.s32 $0x9;
	_ =	strace $0x80000048  }
0xb6: {  	_ =	swait.ge [sflag:s29], $0x1  }
0xb7: {  	[sflag:s29] =	ssyncadd.s32 $0xFFFFFFFF  }
0xb8: {  	_ =	strace $0x90000048  }
0xb9: {  	_ =	sfence  }
0xba: {  	s30 =	sld [smem:$0x0];
	_ =	sdelay $0x2  }
0xbb: {  	s31 =	sshll.u32 s1, $0xD;
	s1 =	sshrl.u32 s1, $0x2  }
0xbc: {  	s3 =	sand.u32 $0x4000, s31;
	s1 =	sadd.s32 s1, s30  }
0xbd: {  	s0 =	sor.u32 s3, s0;
	s1 =	sshll.u32 s1, $0x11  }
0xbe: {  	s0 =	sor.u32 s1, s0  }
0xbf: {  	s0 =	sadd.s32 $0x8F2B, s0  }
0xc0: {  	[sflag:s0] =	ssyncadd.remote.s32 $0x1  }
0xc1: {  	_ =	sfence.sel $0xFFFF  }
0xc2: {  	[dreg:$0x0] =	wrdreg $0xFFFFFFFF;
	(pc) =	sbr.abs _section_cstart, $3  }
0xc3: {  	[dreg:$0x1] =	wrdreg $0xFFFFFFFF  }
0xc4: {  	_ =	task.clear_ibuf [dreg:s8], $0x2FFFF;
	_ =	strace $0x9FFFFFFF  }
0xc5: {  	(tm) =	ssettm $0x7FFFFFFF  }
tec
execute0_lowered:
.L_overlay_start_1:
0x0: {  	(tag) =	ssettag $0x1  }
0x1: {  	s1 =	rddreg [dreg:$0x0]  }
0x2: {  	s3 =	rddreg [dreg:$0x1]  }
0x3: {  	s0 =	rddreg [dreg:$0x2]  }
0x4: {  	s4 =	rddreg [dreg:$0x3];
	s2 =	stileid.u32  }
0x5: {  	s6 =	srdreg.scid;
	s5 =	simm.s32 $0x0;
	s15 =	simm.s32 $0xC00  }
0x6: {  	s16 =	simm.s32 $0x1800;
	s17 =	simm.s32 $0x80;
	s18 =	simm.s32 $0x2400  }
0x7: {  	s19 =	simm.s32 $0x1;
	s20 =	simm.s32 $0x6400;
	s21 =	simm.s32 $0x2  }
0x8: {  	s22 =	simm.s32 $0x3;
	s23 =	simm.s32 $0x4;
	s8 =	smul.u32 $0x14000, s2  }
0x9: {  	s9 =	sand.u32 $0x1, s6;
	[smem:$0x7FF] =	sst s5;
	s6 =	sadd.s32 $0x1200, s0  }
0xa: {  	s7 =	sadd.s32 $0xD200, s0;
	s12 =	smul.u32 $0x50000, s2;
	s31 =	sshll.u32 s2, $0x6  }
0xb: {  	s10 =	smul.u32 $0x140000, s9;
	_ =	strace $0x80000047;
	s26 =	ssub.s32 $0x2, s9  }
0xc: {  	s9 =	sshll.u32 s9, $0x4;
	s11 =	sshrl.u32 s8, $0x3;
	s28 =	sshrl.u32 s26, $0x1  }
0xd: {  	s29 =	sor.u32 s2, s9;
	s30 =	sshrl.u32 s12, $0x2;
	s9 =	sor.u32 $0x1C05, s31  }
0xe: {  	s11 =	sadd.s32 s11, s0;
	s8 =	sadd.s32 s8, s10;
	s13 =	ssub.s32 s26, s28  }
0xf: {  	s14 =	sadd.s32 s30, s4;
	s10 =	smul.u32 $0x3000, s29;
	s8 =	sshrl.u32 s8, $0x3  }
0x10: {  	s12 =	smax.u32 s13, $0x1;
	s13 =	sshrl.u32 s14, $0x3;
	s0 =	sadd.s32 s8, s0  }
0x11: {  	s14 =	simm.s32 $0x5;
	s8 =	sadd.s32 $0x19200, s11;
	s11 =	sadd.s32 $0x41200, s0  }
.LBB2_1:
0x12: {  	[spmem:s13], [sflag:s9] =	dma.local [hbm:s8], $0x2800  }
0x13: {  	_ =	swait.ge [sflag:s14], $0x2800  }
0x14: {  	[sflag:s14] =	ssyncset.done $0x0  }
0x15: {  	[sflag:s14] =	ssyncadd.s32 $0xFFFFD800  }
0x16: {  	s24 =	simm.s32 $0x0;
	[bflag:$0x0] =	sbarrier.arrive $0xFFFF  }
.LBB2_2:
0x17: {  	s0 =	smul.u32 $0xC00, s24;
	_ =	sdelay $0x1  }
0x18: {  	s0 =	sadd.s32 s10, s0  }
0x19: {  	s0 =	sshrl.u32 s0, $0x3  }
0x1a: {  	s25 =	simm.s32 $0x0;
	s26 =	sadd.s32 s3, s0  }
0x1b: {  	[tilespmem:s25], [sflag:$0x5] =	stream.linear.gather [hbm4b:s26+s25], $0xA00, $0x38;
	[tilespmem:$0x1E400] =	vst v63  }
0x1c: {  	_ =	swait.ge [sflag:s14], $0xA00  }
0x1d: {  	[sflag:s14] =	ssyncset.done $0x0  }
0x1e: {  	s31 =	sadd.s32 s6, s0;
	[sflag:s14] =	ssyncadd.s32 $0xFFFFF600  }
0x1f: {  	[tilespmem:s15], [sflag:$0x5] =	stream.linear.gather [hbm4b:s31+s25], $0xA00, $0x38;
	[tilespmem:$0x1E400] =	vst v63  }
0x20: {  	_ =	swait.ge [sflag:s14], $0xA00  }
0x21: {  	[sflag:s14] =	ssyncset.done $0x0  }
0x22: {  	s0 =	sadd.s32 s7, s0;
	[sflag:s14] =	ssyncadd.s32 $0xFFFFF600  }
0x23: {  	[tilespmem:s16], [sflag:$0x5] =	stream.linear.gather [hbm4b:s0+s25], $0xA00, $0x38;
	[tilespmem:$0x1E400] =	vst v63  }
0x24: {  	_ =	swait.ge [sflag:s14], $0xA00  }
0x25: {  	[sflag:s14] =	ssyncset.done $0x0  }
0x26: {  	[sflag:s14] =	ssyncadd.s32 $0xFFFFF600  }
0x27: {  	[tilespmem:s18], [sflag:$0x1] =	stream.indirect.gather [hbm4b:s1+s17], $0x80, s25, s17, $0xb8;
	[tilespmem:$0x1E400] =	vst v63  }
.LBB2_3:
0x28: {  	s28 =	sshll.u32 s25, $0xA  }
0x29: {  	_ =	swait.ge [sflag:s19], $0x4000;
	s30 =	sshrl.u32 s28, $0x2  }
0x2a: {  	p0 =	seq.s32 s25, $0x0;
	[sflag:s19] =	ssyncset.done $0x0;
	s26 =	sadd.s32 $0x1800, s30  }
0x2b: {  	s0 =	simm.s32 @!p0 $0x4;
	[sflag:s19] =	ssyncadd.s32 $0xFFFFC000;
	v0 =	vmov s26  }
0x2c: {  	_ =	swait.ge @!p0 [sflag:s0], $0x4000  }
0x2d: {  	s29 =	sshllo.u32 s25, $0x1;
	s2 =	simm.s32 $0x0;
	[sflag:s0] =	ssyncset.done @!p0 $0x0  }
0x2e: {  	s26 =	sshll.u32 s29, $0x7;
	[sflag:s0] =	ssyncadd.s32 @!p0 $0xFFFFC000;
	s0 =	sand.u32 $0x3FFFFFF0, s2  }
0x2f: {  	[tilespmem:s20], [sflag:$0x2] =	stream.indirect.gather [hbm4b:s1+s17], $0x80, s26, s17, $0xb8;
	[tilespmem:$0x1E400] =	vst v63  }
0x30: {  	s31 =	simm.s32 $0x0;
	v1 =	vld.idx.msk [tilespmem:v0+s0+$0x0 ss:$0x1], $0xffff  }
0x31: {  	s31 =	sand.u32 $0x3FFFF800, s31  }
0x32: {  	v3 =	vld [tilespmem:s31+$0x2420]  }
0x33: {  	v4 =	vld [tilespmem:s31+$0x2430]  }
0x34: {  	v10 =	vld [tilespmem:s31+$0x2460]  }
0x35: {  	v11 =	vld [tilespmem:s31+$0x2470];
	v2 =	vbroadcast v1, $0x0  }
0x36: {  	v12 =	vld [tilespmem:s31+$0x2480]  }
0x37: {  	v13 =	vld [tilespmem:s31+$0x2490];
	v3 =	vmul.f32 v3, v2  }
0x38: {  	v14 =	vld [tilespmem:s31+$0x24A0];
	v4 =	vmul.f32 v4, v2  }
0x39: {  	v9 =	vld [tilespmem:s31+$0x24B0];
	v23 =	vbroadcast v1, $0x1;
	v22 =	vmul.f32 v10, v2;
	[tilespmem:s31+$0x2420] =	vst v3  }
0x3a: {  	v7 =	vld [tilespmem:s31+$0x24C0];
	v11 =	vmul.f32 v11, v2;
	[tilespmem:s31+$0x2430] =	vst v4  }
0x3b: {  	v8 =	vld [tilespmem:s31+$0x24D0];
	v12 =	vmul.f32 v12, v23;
	[tilespmem:s31+$0x2460] =	vst v22  }
0x3c: {  	v25 =	vld [tilespmem:s31+$0x24F0];
	v13 =	vmul.f32 v13, v23;
	[tilespmem:s31+$0x2470] =	vst v11  }
0x3d: {  	v26 =	vld [tilespmem:s31+$0x2500];
	v14 =	vmul.f32 v14, v23;
	[tilespmem:s31+$0x2480] =	vst v12  }
0x3e: {  	v27 =	vld [tilespmem:s31+$0x2510];
	v9 =	vmul.f32 v9, v23;
	[tilespmem:s31+$0x2490] =	vst v13  }
0x3f: {  	v6 =	vld [tilespmem:s31+$0x2970];
	v7 =	vmul.f32 v7, v23;
	[tilespmem:s31+$0x24A0] =	vst v14  }
0x40: {  	v24 =	vld [tilespmem:s31+$0x24E0];
	v15 =	vbroadcast v1, $0x2;
	v8 =	vmul.f32 v8, v23;
	[tilespmem:s31+$0x24B0] =	vst v9  }
0x41: {  	v28 =	vld [tilespmem:s31+$0x2520];
	v10 =	vmul.f32 v25, v23;
	[tilespmem:s31+$0x24C0] =	vst v7  }
0x42: {  	v29 =	vld [tilespmem:s31+$0x2530];
	v5 =	vbroadcast v1, $0xA;
	v32 =	vmul.f32 v26, v15;
	[tilespmem:s31+$0x24D0] =	vst v8  }
0x43: {  	v30 =	vld [tilespmem:s31+$0x2540];
	v34 =	vmul.f32 v27, v15;
	[tilespmem:s31+$0x24F0] =	vst v10  }
0x44: {  	v33 =	vld [tilespmem:s31+$0x2560];
	v3 =	vmul.f32 v6, v5;
	[tilespmem:s31+$0x2500] =	vst v32  }
0x45: {  	v35 =	vld [tilespmem:s31+$0x2570];
	v11 =	vmul.f32 v24, v23;
	[tilespmem:s31+$0x2510] =	vst v34  }
0x46: {  	v36 =	vld [tilespmem:s31+$0x2580];
	v9 =	vmul.f32 v28, v15;
	[tilespmem:s31+$0x2970] =	vst v3  }
0x47: {  	v31 =	vld [tilespmem:s31+$0x2550];
	v7 =	vmul.f32 v29, v15;
	[tilespmem:s31+$0x24E0] =	vst v11  }
0x48: {  	v37 =	vld [tilespmem:s31+$0x2590];
	v8 =	vmul.f32 v30, v15;
	[tilespmem:s31+$0x2520] =	vst v9  }
0x49: {  	v38 =	vld [tilespmem:s31+$0x25A0];
	v41 =	vbroadcast v1, $0x3;
	v10 =	vmul.f32 v33, v15;
	[tilespmem:s31+$0x2530] =	vst v7  }
0x4a: {  	v39 =	vld [tilespmem:s31+$0x25B0];
	v12 =	vmul.f32 v35, v15;
	[tilespmem:s31+$0x2540] =	vst v8  }
0x4b: {  	v42 =	vld [tilespmem:s31+$0x25D0];
	v13 =	vmul.f32 v36, v41;
	[tilespmem:s31+$0x2560] =	vst v10  }
0x4c: {  	v43 =	vld [tilespmem:s31+$0x25E0];
	v11 =	vmul.f32 v31, v15;
	[tilespmem:s31+$0x2570] =	vst v12  }
0x4d: {  	v44 =	vld [tilespmem:s31+$0x25F0];
	v9 =	vmul.f32 v37, v41;
	[tilespmem:s31+$0x2580] =	vst v13  }
0x4e: {  	v40 =	vld [tilespmem:s31+$0x25C0];
	v7 =	vmul.f32 v38, v41;
	[tilespmem:s31+$0x2550] =	vst v11  }
0x4f: {  	v45 =	vld [tilespmem:s31+$0x2600];
	v8 =	vmul.f32 v39, v41;
	[tilespmem:s31+$0x2590] =	vst v9  }
0x50: {  	v46 =	vld [tilespmem:s31+$0x2610];
	v10 =	vmul.f32 v42, v41;
	[tilespmem:s31+$0x25A0] =	vst v7  }
0x51: {  	v47 =	vld [tilespmem:s31+$0x2620];
	v12 =	vmul.f32 v43, v41;
	[tilespmem:s31+$0x25B0] =	vst v8  }
0x52: {  	v49 =	vld [tilespmem:s31+$0x2640];
	v50 =	vbroadcast v1, $0x4;
	v13 =	vmul.f32 v44, v41;
	[tilespmem:s31+$0x25D0] =	vst v10  }
0x53: {  	v51 =	vld [tilespmem:s31+$0x2650];
	v11 =	vmul.f32 v40, v41;
	[tilespmem:s31+$0x25E0] =	vst v12  }
0x54: {  	v52 =	vld [tilespmem:s31+$0x2660];
	v9 =	vmul.f32 v45, v50;
	[tilespmem:s31+$0x25F0] =	vst v13  }
0x55: {  	v48 =	vld [tilespmem:s31+$0x2630];
	v7 =	vmul.f32 v46, v50;
	[tilespmem:s31+$0x25C0] =	vst v11  }
0x56: {  	v53 =	vld [tilespmem:s31+$0x2670];
	v8 =	vmul.f32 v47, v50;
	[tilespmem:s31+$0x2600] =	vst v9  }
0x57: {  	v54 =	vld [tilespmem:s31+$0x2680];
	v10 =	vmul.f32 v49, v50;
	[tilespmem:s31+$0x2610] =	vst v7  }
0x58: {  	v55 =	vld [tilespmem:s31+$0x2690];
	v12 =	vmul.f32 v51, v50;
	[tilespmem:s31+$0x2620] =	vst v8  }
0x59: {  	v57 =	vld [tilespmem:s31+$0x26B0];
	v13 =	vmul.f32 v52, v50;
	[tilespmem:s31+$0x2640] =	vst v10  }
0x5a: {  	v58 =	vld [tilespmem:s31+$0x26C0];
	v59 =	vbroadcast v1, $0x5;
	v11 =	vmul.f32 v48, v50;
	[tilespmem:s31+$0x2650] =	vst v12  }
0x5b: {  	v60 =	vld [tilespmem:s31+$0x26D0];
	v9 =	vmul.f32 v53, v50;
	[tilespmem:s31+$0x2660] =	vst v13  }
0x5c: {  	v56 =	vld [tilespmem:s31+$0x26A0];
	v7 =	vmul.f32 v54, v59;
	[tilespmem:s31+$0x2630] =	vst v11  }
0x5d: {  	v61 =	vld [tilespmem:s31+$0x26E0];
	v8 =	vmul.f32 v55, v59;
	[tilespmem:s31+$0x2670] =	vst v9  }
0x5e: {  	v62 =	vld [tilespmem:s31+$0x26F0];
	v10 =	vmul.f32 v57, v59;
	[tilespmem:s31+$0x2680] =	vst v7  }
0x5f: {  	v63 =	vld [tilespmem:s31+$0x2700];
	v12 =	vmul.f32 v58, v59;
	[tilespmem:s31+$0x2690] =	vst v8  }
0x60: {  	v19 =	vld [tilespmem:s31+$0x2720];
	v13 =	vmul.f32 v60, v59;
	[tilespmem:s31+$0x26B0] =	vst v10  }
0x61: {  	v20 =	vld [tilespmem:s31+$0x2730];
	v11 =	vmul.f32 v56, v59;
	[tilespmem:s31+$0x26C0] =	vst v12  }
0x62: {  	v21 =	vld [tilespmem:s31+$0x2740];
	v22 =	vbroadcast v1, $0x6;
	v9 =	vmul.f32 v61, v59;
	[tilespmem:s31+$0x26D0] =	vst v13  }
0x63: {  	v18 =	vld [tilespmem:s31+$0x2710];
	v7 =	vmul.f32 v62, v59;
	[tilespmem:s31+$0x26A0] =	vst v11  }
0x64: {  	v23 =	vld [tilespmem:s31+$0x2750];
	v8 =	vmul.f32 v63, v22;
	[tilespmem:s31+$0x26E0] =	vst v9  }
0x65: {  	v24 =	vld [tilespmem:s31+$0x2760];
	v10 =	vmul.f32 v19, v22;
	[tilespmem:s31+$0x26F0] =	vst v7  }
0x66: {  	v25 =	vld [tilespmem:s31+$0x2770];
	v12 =	vmul.f32 v20, v22;
	[tilespmem:s31+$0x2700] =	vst v8  }
0x67: {  	v27 =	vld [tilespmem:s31+$0x2790];
	v13 =	vmul.f32 v21, v22;
	[tilespmem:s31+$0x2720] =	vst v10  }
0x68: {  	v28 =	vld [tilespmem:s31+$0x27A0];
	v11 =	vmul.f32 v18, v22;
	[tilespmem:s31+$0x2730] =	vst v12  }
0x69: {  	v29 =	vld [tilespmem:s31+$0x27B0];
	v9 =	vmul.f32 v23, v22;
	[tilespmem:s31+$0x2740] =	vst v13  }
0x6a: {  	v31 =	vbroadcast v1, $0x7;
	v53 =	vld [tilespmem:s31+$0x2900];
	v7 =	vmul.f32 v24, v22;
	[tilespmem:s31+$0x2710] =	vst v11  }
0x6b: {  	v57 =	vld [tilespmem:s31+$0x2940];
	v8 =	vmul.f32 v25, v22;
	[tilespmem:s31+$0x2750] =	vst v9  }
0x6c: {  	v58 =	vld [tilespmem:s31+$0x2950];
	v10 =	vmul.f32 v27, v31;
	[tilespmem:s31+$0x2760] =	vst v7  }
0x6d: {  	v26 =	vld [tilespmem:s31+$0x2780];
	v12 =	vmul.f32 v28, v31;
	[tilespmem:s31+$0x2770] =	vst v8  }
0x6e: {  	v30 =	vld [tilespmem:s31+$0x27C0];
	v13 =	vmul.f32 v29, v31;
	[tilespmem:s31+$0x2790] =	vst v10  }
0x6f: {  	v32 =	vld [tilespmem:s31+$0x27D0];
	v59 =	vmul.f32 v53, v5;
	[tilespmem:s31+$0x27A0] =	vst v12  }
0x70: {  	v33 =	vld [tilespmem:s31+$0x27E0];
	v18 =	vmul.f32 v57, v5;
	[tilespmem:s31+$0x27B0] =	vst v13  }
0x71: {  	v35 =	vld [tilespmem:s31+$0x2800];
	v20 =	vmul.f32 v58, v5;
	[tilespmem:s31+$0x2900] =	vst v59  }
0x72: {  	v36 =	vld [tilespmem:s31+$0x2810];
	v11 =	vmul.f32 v26, v31;
	[tilespmem:s31+$0x2940] =	vst v18  }
0x73: {  	v37 =	vld [tilespmem:s31+$0x2820];
	v9 =	vmul.f32 v30, v31;
	[tilespmem:s31+$0x2950] =	vst v20  }
0x74: {  	v4 =	vld [tilespmem:s31+$0x2980];
	v40 =	vbroadcast v1, $0x8;
	v7 =	vmul.f32 v32, v31;
	[tilespmem:s31+$0x2780] =	vst v11  }
0x75: {  	v6 =	vld [tilespmem:s31+$0x2990];
	v8 =	vmul.f32 v33, v31;
	[tilespmem:s31+$0x27C0] =	vst v9  }
0x76: {  	v3 =	vld [tilespmem:s31+$0x2BD0];
	v10 =	vmul.f32 v35, v40;
	[tilespmem:s31+$0x27D0] =	vst v7  }
0x77: {  	v61 =	vld [tilespmem:s31+$0x2400];
	v23 =	vbroadcast v1, $0xB;
	v12 =	vmul.f32 v36, v40;
	[tilespmem:s31+$0x27E0] =	vst v8  }
0x78: {  	v34 =	vld [tilespmem:s31+$0x27F0];
	v13 =	vmul.f32 v37, v40;
	[tilespmem:s31+$0x2800] =	vst v10  }
0x79: {  	v38 =	vld [tilespmem:s31+$0x2830];
	v27 =	vbroadcast v1, $0xF;
	v4 =	vmul.f32 v4, v23;
	[tilespmem:s31+$0x2810] =	vst v12  }
0x7a: {  	v39 =	vld [tilespmem:s31+$0x2840];
	v6 =	vmul.f32 v6, v23;
	[tilespmem:s31+$0x2820] =	vst v13  }
0x7b: {  	v41 =	vld [tilespmem:s31+$0x2850];
	v3 =	vmul.f32 v3, v27;
	[tilespmem:s31+$0x2980] =	vst v4  }
0x7c: {  	v43 =	vld [tilespmem:s31+$0x2870];
	v24 =	vmul.f32 v2, v61;
	[tilespmem:s31+$0x2990] =	vst v6  }
0x7d: {  	v44 =	vld [tilespmem:s31+$0x2880];
	v11 =	vmul.f32 v34, v31;
	[tilespmem:s31+$0x2BD0] =	vst v3  }
0x7e: {  	v45 =	vld [tilespmem:s31+$0x2890];
	v9 =	vmul.f32 v38, v40;
	[tilespmem:s31+$0x2400] =	vst v24  }
0x7f: {  	v63 =	vld [tilespmem:s31+$0x2440];
	v7 =	vmul.f32 v39, v40;
	[tilespmem:s31+$0x27F0] =	vst v11  }
0x80: {  	v49 =	vbroadcast v1, $0x9;
	v29 =	vld [tilespmem:s31+$0x29F0];
	v8 =	vmul.f32 v41, v40;
	[tilespmem:s31+$0x2830] =	vst v9  }
0x81: {  	v42 =	vld [tilespmem:s31+$0x2860];
	v10 =	vmul.f32 v43, v40;
	[tilespmem:s31+$0x2840] =	vst v7  }
0x82: {  	v46 =	vld [tilespmem:s31+$0x28A0];
	v12 =	vmul.f32 v44, v49;
	[tilespmem:s31+$0x2850] =	vst v8  }
0x83: {  	v47 =	vld [tilespmem:s31+$0x28B0];
	v13 =	vmul.f32 v45, v49;
	[tilespmem:s31+$0x2870] =	vst v10  }
0x84: {  	v48 =	vld [tilespmem:s31+$0x28C0];
	v3 =	vmul.f32 v63, v2;
	[tilespmem:s31+$0x2880] =	vst v12  }
0x85: {  	v51 =	vld [tilespmem:s31+$0x28E0];
	v6 =	vmul.f32 v29, v23;
	[tilespmem:s31+$0x2890] =	vst v13  }
0x86: {  	v52 =	vld [tilespmem:s31+$0x28F0];
	v11 =	vmul.f32 v42, v40;
	[tilespmem:s31+$0x2440] =	vst v3  }
0x87: {  	v28 =	vld [tilespmem:s31+$0x29E0];
	v9 =	vmul.f32 v46, v49;
	[tilespmem:s31+$0x29F0] =	vst v6  }
0x88: {  	v26 =	vld [tilespmem:s31+$0x29D0];
	v7 =	vmul.f32 v47, v49;
	[tilespmem:s31+$0x2860] =	vst v11  }
0x89: {  	v30 =	vld [tilespmem:s31+$0x2A00];
	v8 =	vmul.f32 v48, v49;
	[tilespmem:s31+$0x28A0] =	vst v9  }
0x8a: {  	v50 =	vld [tilespmem:s31+$0x28D0];
	v10 =	vmul.f32 v51, v49;
	[tilespmem:s31+$0x28B0] =	vst v7  }
0x8b: {  	v54 =	vld [tilespmem:s31+$0x2910];
	v12 =	vmul.f32 v52, v49;
	[tilespmem:s31+$0x28C0] =	vst v8  }
0x8c: {  	v55 =	vld [tilespmem:s31+$0x2920];
	v35 =	vbroadcast v1, $0xC;
	v40 =	vmul.f32 v28, v23;
	[tilespmem:s31+$0x28E0] =	vst v10  }
0x8d: {  	v56 =	vld [tilespmem:s31+$0x2930];
	v32 =	vmul.f32 v26, v23;
	[tilespmem:s31+$0x28F0] =	vst v12  }
0x8e: {  	v60 =	vld [tilespmem:s31+$0x2960];
	v15 =	vmul.f32 v30, v35;
	[tilespmem:s31+$0x29E0] =	vst v40  }
0x8f: {  	v62 =	vld [tilespmem:s31+$0x2410];
	v11 =	vmul.f32 v50, v49;
	[tilespmem:s31+$0x29D0] =	vst v32  }
0x90: {  	v19 =	vld [tilespmem:s31+$0x2450];
	v9 =	vmul.f32 v54, v5;
	[tilespmem:s31+$0x2A00] =	vst v15  }
0x91: {  	v33 =	vld [tilespmem:s31+$0x2A30];
	v7 =	vmul.f32 v55, v5;
	[tilespmem:s31+$0x28D0] =	vst v11  }
0x92: {  	v61 =	vld [tilespmem:s31+$0x2BF0];
	v8 =	vmul.f32 v56, v5;
	[tilespmem:s31+$0x2910] =	vst v9  }
0x93: {  	v38 =	vld [tilespmem:s31+$0x2A70];
	v5 =	vmul.f32 v60, v5;
	[tilespmem:s31+$0x2920] =	vst v7  }
0x94: {  	v21 =	vld [tilespmem:s31+$0x29A0];
	v12 =	vmul.f32 v62, v2;
	[tilespmem:s31+$0x2930] =	vst v8  }
0x95: {  	v22 =	vld [tilespmem:s31+$0x29B0];
	v2 =	vmul.f32 v19, v2;
	[tilespmem:s31+$0x2960] =	vst v5  }
0x96: {  	v25 =	vld [tilespmem:s31+$0x29C0];
	v62 =	vmul.f32 v33, v35;
	[tilespmem:s31+$0x2410] =	vst v12  }
0x97: {  	v31 =	vld [tilespmem:s31+$0x2A10];
	v63 =	vmul.f32 v61, v27;
	[tilespmem:s31+$0x2450] =	vst v2  }
0x98: {  	v34 =	vld [tilespmem:s31+$0x2A40];
	v15 =	vmul.f32 v38, v35;
	[tilespmem:s31+$0x2A30] =	vst v62  }
0x99: {  	v41 =	vld [tilespmem:s31+$0x2AA0];
	v7 =	vmul.f32 v21, v23;
	[tilespmem:s31+$0x2BF0] =	vst v63  }
0x9a: {  	v46 =	vld [tilespmem:s31+$0x2AE0];
	v8 =	vmul.f32 v22, v23;
	[tilespmem:s31+$0x2A70] =	vst v15  }
0x9b: {  	v36 =	vld [tilespmem:s31+$0x2A50];
	v5 =	vmul.f32 v25, v23;
	[tilespmem:s31+$0x29A0] =	vst v7  }
0x9c: {  	v44 =	vbroadcast v1, $0xD;
	v9 =	vmul.f32 v31, v35;
	v2 =	vld [tilespmem:s31+$0x2A90];
	[tilespmem:s31+$0x29B0] =	vst v8  }
0x9d: {  	v37 =	vld [tilespmem:s31+$0x2A60];
	v12 =	vmul.f32 v34, v35;
	[tilespmem:s31+$0x29C0] =	vst v5  }
0x9e: {  	v39 =	vld [tilespmem:s31+$0x2A80];
	v11 =	vmul.f32 v41, v44;
	[tilespmem:s31+$0x2A10] =	vst v9  }
0x9f: {  	v42 =	vld [tilespmem:s31+$0x2AB0];
	v51 =	vmul.f32 v46, v44;
	[tilespmem:s31+$0x2A40] =	vst v12  }
0xa0: {  	v48 =	vld [tilespmem:s31+$0x2B10];
	v8 =	vmul.f32 v36, v35;
	[tilespmem:s31+$0x2AA0] =	vst v11  }
0xa1: {  	v49 =	vld [tilespmem:s31+$0x2B20];
	[tilespmem:s31+$0x2AE0] =	vst v51;
	v2 =	vmul.f32 v2, v44  }
0xa2: {  	v50 =	vld [tilespmem:s31+$0x2B30];
	v5 =	vmul.f32 v37, v35;
	[tilespmem:s31+$0x2A50] =	vst v8  }
0xa3: {  	v1 =	vbroadcast v1, $0xE;
	v9 =	vmul.f32 v39, v44;
	[tilespmem:s31+$0x2A90] =	vst v2;
	v2 =	vld [tilespmem:s31+$0x2B00]  }
0xa4: {  	v60 =	vld [tilespmem:s31+$0x2BE0];
	v12 =	vmul.f32 v42, v44;
	[tilespmem:s31+$0x2A60] =	vst v5  }
0xa5: {  	v45 =	vld [tilespmem:s31+$0x2AD0];
	v11 =	vmul.f32 v48, v1;
	[tilespmem:s31+$0x2A80] =	vst v9  }
0xa6: {  	v47 =	vld [tilespmem:s31+$0x2AF0];
	v10 =	vmul.f32 v49, v1;
	[tilespmem:s31+$0x2AB0] =	vst v12  }
0xa7: {  	v43 =	vld [tilespmem:s31+$0x2AC0];
	v6 =	vmul.f32 v50, v1;
	[tilespmem:s31+$0x2B10] =	vst v11  }
0xa8: {  	v55 =	vld [tilespmem:s31+$0x2B80];
	[tilespmem:s31+$0x2B20] =	vst v10;
	v2 =	vmul.f32 v2, v1  }
0xa9: {  	v57 =	vld [tilespmem:s31+$0x2BA0];
	v4 =	vmul.f32 v60, v27;
	[tilespmem:s31+$0x2B30] =	vst v6  }
0xaa: {  	v5 =	vmul.f32 v45, v44;
	[tilespmem:s31+$0x2B00] =	vst v2;
	v2 =	vld [tilespmem:s31+$0x2B70]  }
0xab: {  	v52 =	vld [tilespmem:s31+$0x2B40];
	v9 =	vmul.f32 v47, v44;
	[tilespmem:s31+$0x2BE0] =	vst v4  }
0xac: {  	v56 =	vld [tilespmem:s31+$0x2B90];
	v8 =	vmul.f32 v43, v44;
	[tilespmem:s31+$0x2AD0] =	vst v5  }
0xad: {  	v54 =	vld [tilespmem:s31+$0x2B60];
	v11 =	vmul.f32 v55, v27;
	[tilespmem:s31+$0x2AF0] =	vst v9  }
0xae: {  	v58 =	vld [tilespmem:s31+$0x2BB0];
	v6 =	vmul.f32 v57, v27;
	[tilespmem:s31+$0x2AC0] =	vst v8  }
0xaf: {  	v53 =	vld [tilespmem:s31+$0x2B50];
	[tilespmem:s31+$0x2B80] =	vst v11;
	v2 =	vmul.f32 v2, v1  }
0xb0: {  	v59 =	vld [tilespmem:s31+$0x2BC0];
	v5 =	vmul.f32 v52, v1;
	[tilespmem:s31+$0x2BA0] =	vst v6  }
0xb1: {  	[tilespmem:s31+$0x2B70] =	vst v2;
	v2 =	vmul.f32 v56, v27  }
0xb2: {  	v3 =	vld [tilespmem:s31+$0x2A20];
	v9 =	vmul.f32 v54, v1;
	[tilespmem:s31+$0x2B40] =	vst v5  }
0xb3: {  	[tilespmem:s31+$0x2B90] =	vst v2;
	v2 =	vmul.f32 v58, v27  }
0xb4: {  	[tilespmem:s31+$0x2B60] =	vst v9;
	v1 =	vmul.f32 v53, v1  }
0xb5: {  	[tilespmem:s31+$0x2BB0] =	vst v2;
	v2 =	vmul.f32 v59, v27  }
0xb6: {  	[tilespmem:s31+$0x2B50] =	vst v1  }
0xb7: {  	s0 =	simm.s32 $0x1;
	[tilespmem:s31+$0x2BC0] =	vst v2;
	v2 =	vmul.f32 v3, v35  }
.LBB2_4:
0xb8: {  	s2 =	sshll.u32 s0, $0x4  }
0xb9: {  	p0 =	sne.s32 s0, $0x7;
	[tilespmem:s31+$0x2A20] =	vst v2;
	s31 =	smov.u32 s0;
	s0 =	sadd.s32 $0x1, s0  }
0xba: {  	s2 =	sand.u32 $0x3FFFFFF0, s2  }
0xbb: {  	v1 =	vld.idx.msk [tilespmem:v0+s2+$0x0 ss:$0x1], $0xffff  }
0xbc: {  	s2 =	sshll.u32 s31, $0xB  }
0xbd: {  	s31 =	sand.u32 $0x3FFFF800, s2  }
0xbe: {  	v8 =	vld [tilespmem:s31+$0x24C0]  }
0xbf: {  	v9 =	vld [tilespmem:s31+$0x24D0]  }
0xc0: {  	v10 =	vld [tilespmem:s31+$0x24B0]  }
0xc1: {  	v2 =	vbroadcast v1, $0x0;
	v7 =	vbroadcast v1, $0x4;
	v3 =	vld [tilespmem:s31+$0x2420]  }
0xc2: {  	v5 =	vld [tilespmem:s31+$0x2430]  }
0xc3: {  	v6 =	vld [tilespmem:s31+$0x2970]  }
0xc4: {  	v11 =	vld [tilespmem:s31+$0x2460]  }
0xc5: {  	v12 =	vld [tilespmem:s31+$0x2470]  }
0xc6: {  	v4 =	vbroadcast v1, $0xA;
	v3 =	vmul.f32 v3, v2;
	v13 =	vld [tilespmem:s31+$0x2480]  }
0xc7: {  	v5 =	vmul.f32 v5, v2;
	v14 =	vld [tilespmem:s31+$0x2490]  }
0xc8: {  	[tilespmem:s31+$0x2420] =	vst v3;
	v15 =	vld [tilespmem:s31+$0x24A0];
	v3 =	vmul.f32 v6, v4  }
0xc9: {  	[tilespmem:s31+$0x2430] =	vst v5;
	v6 =	vmul.f32 v11, v2;
	v11 =	vbroadcast v1, $0x1;
	v5 =	vld [tilespmem:s31+$0x2980]  }
0xca: {  	v12 =	vmul.f32 v12, v2;
	[tilespmem:s31+$0x2970] =	vst v3;
	v3 =	vld [tilespmem:s31+$0x2BD0]  }
0xcb: {  	[tilespmem:s31+$0x2460] =	vst v6;
	v13 =	vmul.f32 v13, v11;
	v6 =	vld [tilespmem:s31+$0x2990]  }
0xcc: {  	[tilespmem:s31+$0x2470] =	vst v12;
	v12 =	vmul.f32 v14, v11;
	v14 =	vld [tilespmem:s31+$0x24E0]  }
0xcd: {  	[tilespmem:s31+$0x2480] =	vst v13;
	v13 =	vmul.f32 v15, v11;
	v15 =	vld [tilespmem:s31+$0x24F0]  }
0xce: {  	v10 =	vmul.f32 v10, v11;
	[tilespmem:s31+$0x2490] =	vst v12;
	v12 =	vld [tilespmem:s31+$0x2500]  }
0xcf: {  	v8 =	vmul.f32 v8, v11;
	[tilespmem:s31+$0x24A0] =	vst v13;
	v13 =	vld [tilespmem:s31+$0x2510]  }
0xd0: {  	v9 =	vmul.f32 v9, v11;
	[tilespmem:s31+$0x24B0] =	vst v10;
	v10 =	vld [tilespmem:s31+$0x2520]  }
0xd1: {  	[tilespmem:s31+$0x24C0] =	vst v8;
	v8 =	vmul.f32 v14, v11;
	v14 =	vbroadcast v1, $0x2;
	v16 =	vld [tilespmem:s31+$0x2530]  }
0xd2: {  	[tilespmem:s31+$0x24D0] =	vst v9;
	v9 =	vmul.f32 v15, v11;
	v11 =	vld [tilespmem:s31+$0x2540]  }
0xd3: {  	[tilespmem:s31+$0x24E0] =	vst v8;
	v8 =	vmul.f32 v12, v14;
	v12 =	vld [tilespmem:s31+$0x2550]  }
0xd4: {  	[tilespmem:s31+$0x24F0] =	vst v9;
	v9 =	vmul.f32 v13, v14;
	v13 =	vld [tilespmem:s31+$0x2560]  }
0xd5: {  	[tilespmem:s31+$0x2500] =	vst v8;
	v8 =	vmul.f32 v10, v14;
	v10 =	vld [tilespmem:s31+$0x2570]  }
0xd6: {  	[tilespmem:s31+$0x2510] =	vst v9;
	v9 =	vmul.f32 v16, v14;
	v15 =	vld [tilespmem:s31+$0x2580]  }
0xd7: {  	[tilespmem:s31+$0x2520] =	vst v8;
	v8 =	vmul.f32 v11, v14;
	v11 =	vld [tilespmem:s31+$0x2590]  }
0xd8: {  	[tilespmem:s31+$0x2530] =	vst v9;
	v9 =	vmul.f32 v12, v14;
	v12 =	vld [tilespmem:s31+$0x25A0]  }
0xd9: {  	[tilespmem:s31+$0x2540] =	vst v8;
	v8 =	vmul.f32 v13, v14;
	v13 =	vbroadcast v1, $0x3;
	v16 =	vld [tilespmem:s31+$0x25B0]  }
0xda: {  	[tilespmem:s31+$0x2550] =	vst v9;
	v9 =	vmul.f32 v10, v14;
	v10 =	vld [tilespmem:s31+$0x25C0]  }
0xdb: {  	[tilespmem:s31+$0x2560] =	vst v8;
	v8 =	vmul.f32 v15, v13;
	v14 =	vld [tilespmem:s31+$0x25D0]  }
0xdc: {  	[tilespmem:s31+$0x2570] =	vst v9;
	v9 =	vmul.f32 v11, v13;
	v11 =	vld [tilespmem:s31+$0x25E0]  }
0xdd: {  	[tilespmem:s31+$0x2580] =	vst v8;
	v8 =	vmul.f32 v12, v13;
	v12 =	vld [tilespmem:s31+$0x25F0]  }
0xde: {  	[tilespmem:s31+$0x2590] =	vst v9;
	v9 =	vmul.f32 v16, v13;
	v15 =	vld [tilespmem:s31+$0x2600]  }
0xdf: {  	[tilespmem:s31+$0x25A0] =	vst v8;
	v8 =	vmul.f32 v10, v13;
	v10 =	vld [tilespmem:s31+$0x2610]  }
0xe0: {  	[tilespmem:s31+$0x25B0] =	vst v9;
	v9 =	vmul.f32 v14, v13;
	v14 =	vld [tilespmem:s31+$0x2620]  }
0xe1: {  	[tilespmem:s31+$0x25C0] =	vst v8;
	v8 =	vmul.f32 v11, v13;
	v11 =	vld [tilespmem:s31+$0x2630]  }
0xe2: {  	[tilespmem:s31+$0x25D0] =	vst v9;
	v9 =	vmul.f32 v12, v13;
	v12 =	vld [tilespmem:s31+$0x2640]  }
0xe3: {  	[tilespmem:s31+$0x25E0] =	vst v8;
	v8 =	vmul.f32 v15, v7;
	v13 =	vld [tilespmem:s31+$0x2650]  }
0xe4: {  	[tilespmem:s31+$0x25F0] =	vst v9;
	v9 =	vmul.f32 v10, v7;
	v10 =	vld [tilespmem:s31+$0x2660]  }
0xe5: {  	[tilespmem:s31+$0x2600] =	vst v8;
	v8 =	vmul.f32 v14, v7;
	v14 =	vld [tilespmem:s31+$0x2670]  }
0xe6: {  	[tilespmem:s31+$0x2610] =	vst v9;
	v9 =	vmul.f32 v11, v7;
	v11 =	vld [tilespmem:s31+$0x2680]  }
0xe7: {  	[tilespmem:s31+$0x2620] =	vst v8;
	v8 =	vmul.f32 v12, v7;
	v12 =	vld [tilespmem:s31+$0x2690]  }
0xe8: {  	[tilespmem:s31+$0x2630] =	vst v9;
	v9 =	vmul.f32 v13, v7;
	v13 =	vld [tilespmem:s31+$0x26A0]  }
0xe9: {  	[tilespmem:s31+$0x2640] =	vst v8;
	v8 =	vmul.f32 v10, v7;
	v10 =	vbroadcast v1, $0x5;
	v15 =	vld [tilespmem:s31+$0x26B0]  }
0xea: {  	[tilespmem:s31+$0x2650] =	vst v9;
	v7 =	vmul.f32 v14, v7;
	v9 =	vld [tilespmem:s31+$0x26C0]  }
0xeb: {  	[tilespmem:s31+$0x2660] =	vst v8;
	v8 =	vmul.f32 v11, v10;
	v11 =	vld [tilespmem:s31+$0x26D0]  }
0xec: {  	[tilespmem:s31+$0x2670] =	vst v7;
	v7 =	vmul.f32 v12, v10;
	v12 =	vld [tilespmem:s31+$0x26E0]  }
0xed: {  	[tilespmem:s31+$0x2680] =	vst v8;
	v8 =	vmul.f32 v13, v10;
	v13 =	vld [tilespmem:s31+$0x26F0]  }
0xee: {  	[tilespmem:s31+$0x2690] =	vst v7;
	v7 =	vmul.f32 v15, v10;
	v14 =	vld [tilespmem:s31+$0x2700]  }
0xef: {  	[tilespmem:s31+$0x26A0] =	vst v8;
	v8 =	vmul.f32 v9, v10;
	v9 =	vld [tilespmem:s31+$0x2710]  }
0xf0: {  	[tilespmem:s31+$0x26B0] =	vst v7;
	v7 =	vmul.f32 v11, v10;
	v11 =	vld [tilespmem:s31+$0x2720]  }
0xf1: {  	[tilespmem:s31+$0x26C0] =	vst v8;
	v8 =	vmul.f32 v12, v10;
	v12 =	vbroadcast v1, $0x6;
	v15 =	vld [tilespmem:s31+$0x2730]  }
0xf2: {  	[tilespmem:s31+$0x26D0] =	vst v7;
	v7 =	vmul.f32 v13, v10;
	v10 =	vld [tilespmem:s31+$0x2740]  }
0xf3: {  	[tilespmem:s31+$0x26E0] =	vst v8;
	v8 =	vmul.f32 v14, v12;
	v13 =	vld [tilespmem:s31+$0x2750]  }
0xf4: {  	[tilespmem:s31+$0x26F0] =	vst v7;
	v7 =	vmul.f32 v9, v12;
	v9 =	vld [tilespmem:s31+$0x2760]  }
0xf5: {  	[tilespmem:s31+$0x2700] =	vst v8;
	v8 =	vmul.f32 v11, v12;
	v11 =	vld [tilespmem:s31+$0x2770]  }
0xf6: {  	[tilespmem:s31+$0x2710] =	vst v7;
	v7 =	vmul.f32 v15, v12;
	v14 =	vld [tilespmem:s31+$0x2780]  }
0xf7: {  	[tilespmem:s31+$0x2720] =	vst v8;
	v8 =	vmul.f32 v10, v12;
	v10 =	vld [tilespmem:s31+$0x2790]  }
0xf8: {  	[tilespmem:s31+$0x2730] =	vst v7;
	v7 =	vmul.f32 v13, v12;
	v13 =	vld [tilespmem:s31+$0x27A0]  }
0xf9: {  	[tilespmem:s31+$0x2740] =	vst v8;
	v8 =	vmul.f32 v9, v12;
	v9 =	vbroadcast v1, $0x7;
	v15 =	vld [tilespmem:s31+$0x27B0]  }
0xfa: {  	[tilespmem:s31+$0x2750] =	vst v7;
	v7 =	vmul.f32 v11, v12;
	v11 =	vld [tilespmem:s31+$0x27C0]  }
0xfb: {  	[tilespmem:s31+$0x2760] =	vst v8;
	v8 =	vmul.f32 v14, v9;
	v12 =	vld [tilespmem:s31+$0x27D0]  }
0xfc: {  	[tilespmem:s31+$0x2770] =	vst v7;
	v7 =	vmul.f32 v10, v9;
	v10 =	vld [tilespmem:s31+$0x27E0]  }
0xfd: {  	[tilespmem:s31+$0x2780] =	vst v8;
	v8 =	vmul.f32 v13, v9;
	v13 =	vld [tilespmem:s31+$0x27F0]  }
0xfe: {  	[tilespmem:s31+$0x2790] =	vst v7;
	v7 =	vmul.f32 v15, v9;
	v14 =	vld [tilespmem:s31+$0x2800]  }
0xff: {  	[tilespmem:s31+$0x27A0] =	vst v8;
	v8 =	vmul.f32 v11, v9;
	v11 =	vld [tilespmem:s31+$0x2810]  }
0x100: {  	[tilespmem:s31+$0x27B0] =	vst v7;
	v7 =	vmul.f32 v12, v9;
	v12 =	vld [tilespmem:s31+$0x2820]  }
0x101: {  	[tilespmem:s31+$0x27C0] =	vst v8;
	v8 =	vmul.f32 v10, v9;
	v10 =	vbroadcast v1, $0x8;
	v15 =	vld [tilespmem:s31+$0x2830]  }
0x102: {  	[tilespmem:s31+$0x27D0] =	vst v7;
	v7 =	vmul.f32 v13, v9;
	v9 =	vld [tilespmem:s31+$0x2840]  }
0x103: {  	[tilespmem:s31+$0x27E0] =	vst v8;
	v8 =	vmul.f32 v14, v10;
	v13 =	vld [tilespmem:s31+$0x2850]  }
0x104: {  	[tilespmem:s31+$0x27F0] =	vst v7;
	v7 =	vmul.f32 v11, v10;
	v11 =	vld [tilespmem:s31+$0x2860]  }
0x105: {  	[tilespmem:s31+$0x2800] =	vst v8;
	v8 =	vmul.f32 v12, v10;
	v12 =	vld [tilespmem:s31+$0x2870]  }
0x106: {  	[tilespmem:s31+$0x2810] =	vst v7;
	v7 =	vmul.f32 v15, v10;
	v14 =	vld [tilespmem:s31+$0x2880]  }
0x107: {  	[tilespmem:s31+$0x2820] =	vst v8;
	v8 =	vmul.f32 v9, v10;
	v9 =	vld [tilespmem:s31+$0x2890]  }
0x108: {  	[tilespmem:s31+$0x2830] =	vst v7;
	v7 =	vmul.f32 v13, v10;
	v13 =	vld [tilespmem:s31+$0x28A0]  }
0x109: {  	[tilespmem:s31+$0x2840] =	vst v8;
	v8 =	vmul.f32 v11, v10;
	v11 =	vbroadcast v1, $0x9;
	v15 =	vld [tilespmem:s31+$0x28B0]  }
0x10a: {  	[tilespmem:s31+$0x2850] =	vst v7;
	v7 =	vmul.f32 v12, v10;
	v10 =	vld [tilespmem:s31+$0x28C0]  }
0x10b: {  	[tilespmem:s31+$0x2860] =	vst v8;
	v8 =	vmul.f32 v14, v11;
	v12 =	vld [tilespmem:s31+$0x28D0]  }
0x10c: {  	[tilespmem:s31+$0x2870] =	vst v7;
	v7 =	vmul.f32 v9, v11;
	v9 =	vld [tilespmem:s31+$0x28E0]  }
0x10d: {  	[tilespmem:s31+$0x2880] =	vst v8;
	v8 =	vmul.f32 v13, v11;
	v13 =	vld [tilespmem:s31+$0x28F0]  }
0x10e: {  	[tilespmem:s31+$0x2890] =	vst v7;
	v7 =	vmul.f32 v15, v11;
	v14 =	vld [tilespmem:s31+$0x2900]  }
0x10f: {  	[tilespmem:s31+$0x28A0] =	vst v8;
	v8 =	vmul.f32 v10, v11;
	v10 =	vld [tilespmem:s31+$0x2910]  }
0x110: {  	[tilespmem:s31+$0x28B0] =	vst v7;
	v7 =	vmul.f32 v12, v11;
	v12 =	vld [tilespmem:s31+$0x2920]  }
0x111: {  	[tilespmem:s31+$0x28C0] =	vst v8;
	v8 =	vmul.f32 v9, v11;
	v9 =	vld [tilespmem:s31+$0x2930]  }
0x112: {  	[tilespmem:s31+$0x28D0] =	vst v7;
	v7 =	vmul.f32 v13, v11;
	v11 =	vld [tilespmem:s31+$0x2940]  }
0x113: {  	[tilespmem:s31+$0x28E0] =	vst v8;
	v8 =	vmul.f32 v14, v4;
	v13 =	vld [tilespmem:s31+$0x2950]  }
0x114: {  	[tilespmem:s31+$0x28F0] =	vst v7;
	v7 =	vmul.f32 v10, v4;
	v10 =	vld [tilespmem:s31+$0x2960]  }
0x115: {  	v14 =	vld [tilespmem:s31+$0x2400];
	[tilespmem:s31+$0x2900] =	vst v8;
	v8 =	vmul.f32 v12, v4  }
0x116: {  	v12 =	vld [tilespmem:s31+$0x2410];
	[tilespmem:s31+$0x2910] =	vst v7;
	v7 =	vmul.f32 v9, v4  }
0x117: {  	v9 =	vld [tilespmem:s31+$0x2440];
	[tilespmem:s31+$0x2920] =	vst v8;
	v8 =	vmul.f32 v11, v4  }
0x118: {  	v11 =	vld [tilespmem:s31+$0x2450];
	[tilespmem:s31+$0x2930] =	vst v7;
	v7 =	vmul.f32 v13, v4  }
0x119: {  	[tilespmem:s31+$0x2940] =	vst v8;
	v8 =	vmul.f32 v10, v4;
	v10 =	vbroadcast v1, $0xB;
	v13 =	vld [tilespmem:s31+$0x29A0]  }
0x11a: {  	v4 =	vbroadcast v1, $0xF;
	v14 =	vmul.f32 v2, v14;
	[tilespmem:s31+$0x2950] =	vst v7;
	v7 =	vld [tilespmem:s31+$0x29B0]  }
0x11b: {  	v12 =	vmul.f32 v12, v2;
	[tilespmem:s31+$0x2960] =	vst v8;
	v5 =	vmul.f32 v5, v10;
	v8 =	vld [tilespmem:s31+$0x29C0]  }
0x11c: {  	v6 =	vmul.f32 v6, v10;
	[tilespmem:s31+$0x2400] =	vst v14;
	v9 =	vmul.f32 v9, v2;
	v14 =	vld [tilespmem:s31+$0x29D0]  }
0x11d: {  	v3 =	vmul.f32 v3, v4;
	v11 =	vmul.f32 v11, v2;
	[tilespmem:s31+$0x2980] =	vst v5;
	v2 =	vld [tilespmem:s31+$0x29E0]  }
0x11e: {  	[tilespmem:s31+$0x2990] =	vst v6;
	v5 =	vmul.f32 v13, v10;
	v6 =	vld [tilespmem:s31+$0x29F0]  }
0x11f: {  	v7 =	vmul.f32 v7, v10;
	v13 =	vld [tilespmem:s31+$0x2A00];
	[tilespmem:s31+$0x2BD0] =	vst v3  }
0x120: {  	[tilespmem:s31+$0x2410] =	vst v12;
	v3 =	vmul.f32 v8, v10;
	v8 =	vld [tilespmem:s31+$0x2A10]  }
0x121: {  	[tilespmem:s31+$0x2440] =	vst v9;
	v9 =	vmul.f32 v14, v10;
	v12 =	vld [tilespmem:s31+$0x2A20]  }
0x122: {  	v14 =	vbroadcast v1, $0xC;
	[tilespmem:s31+$0x29A0] =	vst v5;
	v5 =	vmul.f32 v2, v10;
	v15 =	vld [tilespmem:s31+$0x2A30]  }
0x123: {  	[tilespmem:s31+$0x29D0] =	vst v9;
	v6 =	vmul.f32 v6, v10;
	v9 =	vld [tilespmem:s31+$0x2A40]  }
0x124: {  	[tilespmem:s31+$0x29B0] =	vst v7;
	v2 =	vmul.f32 v13, v14;
	v7 =	vld [tilespmem:s31+$0x2A50]  }
0x125: {  	[tilespmem:s31+$0x29C0] =	vst v3;
	v3 =	vmul.f32 v8, v14;
	v8 =	vld [tilespmem:s31+$0x2A60]  }
0x126: {  	[tilespmem:s31+$0x2A00] =	vst v2;
	v2 =	vmul.f32 v12, v14;
	v10 =	vld [tilespmem:s31+$0x2A70]  }
0x127: {  	[tilespmem:s31+$0x2A10] =	vst v3;
	v3 =	vld [tilespmem:s31+$0x2A80]  }
0x128: {  	[tilespmem:s31+$0x2450] =	vst v11;
	v9 =	vmul.f32 v9, v14;
	v11 =	vld [tilespmem:s31+$0x2A90]  }
0x129: {  	[tilespmem:s31+$0x29E0] =	vst v5;
	v5 =	vmul.f32 v7, v14;
	v7 =	vld [tilespmem:s31+$0x2AA0]  }
0x12a: {  	[tilespmem:s31+$0x2A40] =	vst v9;
	v8 =	vmul.f32 v8, v14;
	v9 =	vbroadcast v1, $0xD;
	v12 =	vld [tilespmem:s31+$0x2AB0]  }
0x12b: {  	[tilespmem:s31+$0x2A50] =	vst v5;
	v5 =	vmul.f32 v10, v14;
	v10 =	vld [tilespmem:s31+$0x2AC0]  }
0x12c: {  	[tilespmem:s31+$0x2A60] =	vst v8;
	v3 =	vmul.f32 v3, v9;
	v8 =	vld [tilespmem:s31+$0x2AD0]  }
0x12d: {  	[tilespmem:s31+$0x2A70] =	vst v5;
	v5 =	vmul.f32 v11, v9;
	v11 =	vld [tilespmem:s31+$0x2AE0]  }
0x12e: {  	[tilespmem:s31+$0x2A80] =	vst v3;
	v3 =	vmul.f32 v7, v9;
	v7 =	vld [tilespmem:s31+$0x2AF0]  }
0x12f: {  	[tilespmem:s31+$0x2A90] =	vst v5;
	v5 =	vmul.f32 v12, v9;
	v12 =	vld [tilespmem:s31+$0x2B00]  }
0x130: {  	[tilespmem:s31+$0x2AA0] =	vst v3;
	v3 =	vmul.f32 v10, v9;
	v10 =	vld [tilespmem:s31+$0x2B10]  }
0x131: {  	[tilespmem:s31+$0x2AB0] =	vst v5;
	v5 =	vmul.f32 v8, v9;
	v8 =	vld [tilespmem:s31+$0x2B20]  }
0x132: {  	v1 =	vbroadcast v1, $0xE;
	[tilespmem:s31+$0x29F0] =	vst v6;
	v6 =	vmul.f32 v11, v9;
	v11 =	vld [tilespmem:s31+$0x2B30]  }
0x133: {  	[tilespmem:s31+$0x2AD0] =	vst v5;
	v5 =	vmul.f32 v7, v9;
	v7 =	vld [tilespmem:s31+$0x2B40]  }
0x134: {  	[tilespmem:s31+$0x2AE0] =	vst v6;
	v6 =	vmul.f32 v12, v1;
	v9 =	vld [tilespmem:s31+$0x2B50]  }
0x135: {  	[tilespmem:s31+$0x2AF0] =	vst v5;
	v5 =	vmul.f32 v10, v1;
	v10 =	vld [tilespmem:s31+$0x2B60]  }
0x136: {  	[tilespmem:s31+$0x2B00] =	vst v6;
	v6 =	vmul.f32 v8, v1;
	v8 =	vld [tilespmem:s31+$0x2B70]  }
0x137: {  	[tilespmem:s31+$0x2B10] =	vst v5;
	v5 =	vmul.f32 v11, v1;
	v11 =	vld [tilespmem:s31+$0x2B80]  }
0x138: {  	[tilespmem:s31+$0x2B20] =	vst v6;
	v6 =	vmul.f32 v7, v1;
	v7 =	vld [tilespmem:s31+$0x2B90]  }
0x139: {  	[tilespmem:s31+$0x2B30] =	vst v5;
	v5 =	vmul.f32 v9, v1;
	v9 =	vld [tilespmem:s31+$0x2BA0]  }
0x13a: {  	[tilespmem:s31+$0x2B40] =	vst v6;
	v6 =	vmul.f32 v10, v1;
	v10 =	vld [tilespmem:s31+$0x2BB0]  }
0x13b: {  	[tilespmem:s31+$0x2AC0] =	vst v3;
	v1 =	vmul.f32 v8, v1;
	v3 =	vld [tilespmem:s31+$0x2BC0]  }
0x13c: {  	[tilespmem:s31+$0x2B60] =	vst v6;
	v6 =	vmul.f32 v11, v4;
	v8 =	vld [tilespmem:s31+$0x2BE0]  }
0x13d: {  	[tilespmem:s31+$0x2B70] =	vst v1;
	v1 =	vmul.f32 v7, v4;
	v7 =	vld [tilespmem:s31+$0x2BF0]  }
0x13e: {  	[tilespmem:s31+$0x2B80] =	vst v6;
	v6 =	vmul.f32 v9, v4  }
0x13f: {  	[tilespmem:s31+$0x2B90] =	vst v1;
	v1 =	vmul.f32 v10, v4  }
0x140: {  	v9 =	vmul.f32 v15, v14;
	[tilespmem:s31+$0x2BA0] =	vst v6  }
0x141: {  	[tilespmem:s31+$0x2BB0] =	vst v1;
	v1 =	vmul.f32 v3, v4  }
.Ltmp0:
0x142: {  	[tilespmem:s31+$0x2A30] =	vst v9;
	v3 =	vmul.f32 v7, v4;
	(pc) =	sbr.rel @p0 .LBB2_4-.Ltmp0, $4  }
0x143: {  	[tilespmem:s31+$0x2BC0] =	vst v1  }
0x144: {  	v1 =	vmul.f32 v8, v4;
	[tilespmem:s31+$0x2BF0] =	vst v3  }
0x145: {  	[tilespmem:s31+$0x2B50] =	vst v5  }
0x146: {  	[tilespmem:s31+$0x2BE0] =	vst v1  }
0x147: {  	[tilespmem:s31+$0x2A20] =	vst v2;
	s0 =	sadd.s32 $0xC00, s30  }
0x148: {  	[spmem:s4] =	stream.indirect.scatter.add.f32 [tilespmem:s18], [sflag:$0x3], $0x80, s0, s17, $0xb8;
	[tilespmem:$0x1E400] =	vst v63  }
0x149: {  	_ =	swait.ge [sflag:s21], $0x4000  }
0x14a: {  	[sflag:s21] =	ssyncset.done $0x0  }
0x14b: {  	p0 =	sgt.u32 s29, $0x12;
	s29 =	sadd.s32 $0x1800, s26;
	[sflag:s21] =	ssyncadd.s32 $0xFFFFC000  }
0x14c: {  	s30 =	simm.s32 $0x0;
	v0 =	vmov s29;
	_ =	swait.ge [sflag:s22], $0x4000  }
0x14d: {  	s2 =	sshrl.u32 @!p0 s28, $0x2;
	s28 =	simm.s32 @!p0 $0x2400;
	[sflag:s22] =	ssyncset.done $0x0  }
0x14e: {  	s0 =	sadd.s32 @!p0 $0x100, s2;
	s2 =	simm.s32 @!p0 $0x80;
	[sflag:s22] =	ssyncadd.s32 $0xFFFFC000  }
0x14f: {  	[tilespmem:s28], [sflag:$0x1] =	stream.indirect.gather @!p0 [hbm4b:s1+s2], $0x80, s0, s2, $0xb8;
	[tilespmem:$0x1E400] =	vst v63  }
0x150: {  	s0 =	sand.u32 $0x3FFFFFF0, s30  }
0x151: {  	s31 =	simm.s32 $0x0;
	v1 =	vld.idx.msk [tilespmem:v0+s0+$0x0 ss:$0x1], $0xffff  }
0x152: {  	s28 =	sand.u32 $0x3FFFF800, s31  }
0x153: {  	v3 =	vld [tilespmem:s28+$0x6420]  }
0x154: {  	v4 =	vld [tilespmem:s28+$0x6430]  }
0x155: {  	v10 =	vld [tilespmem:s28+$0x6460]  }
0x156: {  	v11 =	vld [tilespmem:s28+$0x6470];
	v2 =	vbroadcast v1, $0x0  }
0x157: {  	v12 =	vld [tilespmem:s28+$0x6480]  }
0x158: {  	v13 =	vld [tilespmem:s28+$0x6490];
	v3 =	vmul.f32 v3, v2  }
0x159: {  	v14 =	vld [tilespmem:s28+$0x64A0];
	v4 =	vmul.f32 v4, v2  }
0x15a: {  	v9 =	vld [tilespmem:s28+$0x64B0];
	v23 =	vbroadcast v1, $0x1;
	v22 =	vmul.f32 v10, v2;
	[tilespmem:s28+$0x6420] =	vst v3  }
0x15b: {  	v7 =	vld [tilespmem:s28+$0x64C0];
	v11 =	vmul.f32 v11, v2;
	[tilespmem:s28+$0x6430] =	vst v4  }
0x15c: {  	v8 =	vld [tilespmem:s28+$0x64D0];
	v12 =	vmul.f32 v12, v23;
	[tilespmem:s28+$0x6460] =	vst v22  }
0x15d: {  	v25 =	vld [tilespmem:s28+$0x64F0];
	v13 =	vmul.f32 v13, v23;
	[tilespmem:s28+$0x6470] =	vst v11  }
0x15e: {  	v26 =	vld [tilespmem:s28+$0x6500];
	v14 =	vmul.f32 v14, v23;
	[tilespmem:s28+$0x6480] =	vst v12  }
0x15f: {  	v27 =	vld [tilespmem:s28+$0x6510];
	v9 =	vmul.f32 v9, v23;
	[tilespmem:s28+$0x6490] =	vst v13  }
0x160: {  	v6 =	vld [tilespmem:s28+$0x6970];
	v7 =	vmul.f32 v7, v23;
	[tilespmem:s28+$0x64A0] =	vst v14  }
0x161: {  	v24 =	vld [tilespmem:s28+$0x64E0];
	v15 =	vbroadcast v1, $0x2;
	v8 =	vmul.f32 v8, v23;
	[tilespmem:s28+$0x64B0] =	vst v9  }
0x162: {  	v28 =	vld [tilespmem:s28+$0x6520];
	v10 =	vmul.f32 v25, v23;
	[tilespmem:s28+$0x64C0] =	vst v7  }
0x163: {  	v29 =	vld [tilespmem:s28+$0x6530];
	v5 =	vbroadcast v1, $0xA;
	v32 =	vmul.f32 v26, v15;
	[tilespmem:s28+$0x64D0] =	vst v8  }
0x164: {  	v30 =	vld [tilespmem:s28+$0x6540];
	v34 =	vmul.f32 v27, v15;
	[tilespmem:s28+$0x64F0] =	vst v10  }
0x165: {  	v33 =	vld [tilespmem:s28+$0x6560];
	v3 =	vmul.f32 v6, v5;
	[tilespmem:s28+$0x6500] =	vst v32  }
0x166: {  	v35 =	vld [tilespmem:s28+$0x6570];
	v11 =	vmul.f32 v24, v23;
	[tilespmem:s28+$0x6510] =	vst v34  }
0x167: {  	v36 =	vld [tilespmem:s28+$0x6580];
	v9 =	vmul.f32 v28, v15;
	[tilespmem:s28+$0x6970] =	vst v3  }
0x168: {  	v31 =	vld [tilespmem:s28+$0x6550];
	v7 =	vmul.f32 v29, v15;
	[tilespmem:s28+$0x64E0] =	vst v11  }
0x169: {  	v37 =	vld [tilespmem:s28+$0x6590];
	v8 =	vmul.f32 v30, v15;
	[tilespmem:s28+$0x6520] =	vst v9  }
0x16a: {  	v38 =	vld [tilespmem:s28+$0x65A0];
	v41 =	vbroadcast v1, $0x3;
	v10 =	vmul.f32 v33, v15;
	[tilespmem:s28+$0x6530] =	vst v7  }
0x16b: {  	v39 =	vld [tilespmem:s28+$0x65B0];
	v12 =	vmul.f32 v35, v15;
	[tilespmem:s28+$0x6540] =	vst v8  }
0x16c: {  	v42 =	vld [tilespmem:s28+$0x65D0];
	v13 =	vmul.f32 v36, v41;
	[tilespmem:s28+$0x6560] =	vst v10  }
0x16d: {  	v43 =	vld [tilespmem:s28+$0x65E0];
	v11 =	vmul.f32 v31, v15;
	[tilespmem:s28+$0x6570] =	vst v12  }
0x16e: {  	v44 =	vld [tilespmem:s28+$0x65F0];
	v9 =	vmul.f32 v37, v41;
	[tilespmem:s28+$0x6580] =	vst v13  }
0x16f: {  	v40 =	vld [tilespmem:s28+$0x65C0];
	v7 =	vmul.f32 v38, v41;
	[tilespmem:s28+$0x6550] =	vst v11  }
0x170: {  	v45 =	vld [tilespmem:s28+$0x6600];
	v8 =	vmul.f32 v39, v41;
	[tilespmem:s28+$0x6590] =	vst v9  }
0x171: {  	v46 =	vld [tilespmem:s28+$0x6610];
	v10 =	vmul.f32 v42, v41;
	[tilespmem:s28+$0x65A0] =	vst v7  }
0x172: {  	v47 =	vld [tilespmem:s28+$0x6620];
	v12 =	vmul.f32 v43, v41;
	[tilespmem:s28+$0x65B0] =	vst v8  }
0x173: {  	v49 =	vld [tilespmem:s28+$0x6640];
	v50 =	vbroadcast v1, $0x4;
	v13 =	vmul.f32 v44, v41;
	[tilespmem:s28+$0x65D0] =	vst v10  }
0x174: {  	v51 =	vld [tilespmem:s28+$0x6650];
	v11 =	vmul.f32 v40, v41;
	[tilespmem:s28+$0x65E0] =	vst v12  }
0x175: {  	v52 =	vld [tilespmem:s28+$0x6660];
	v9 =	vmul.f32 v45, v50;
	[tilespmem:s28+$0x65F0] =	vst v13  }
0x176: {  	v48 =	vld [tilespmem:s28+$0x6630];
	v7 =	vmul.f32 v46, v50;
	[tilespmem:s28+$0x65C0] =	vst v11  }
0x177: {  	v53 =	vld [tilespmem:s28+$0x6670];
	v8 =	vmul.f32 v47, v50;
	[tilespmem:s28+$0x6600] =	vst v9  }
0x178: {  	v54 =	vld [tilespmem:s28+$0x6680];
	v10 =	vmul.f32 v49, v50;
	[tilespmem:s28+$0x6610] =	vst v7  }
0x179: {  	v55 =	vld [tilespmem:s28+$0x6690];
	v12 =	vmul.f32 v51, v50;
	[tilespmem:s28+$0x6620] =	vst v8  }
0x17a: {  	v57 =	vld [tilespmem:s28+$0x66B0];
	v13 =	vmul.f32 v52, v50;
	[tilespmem:s28+$0x6640] =	vst v10  }
0x17b: {  	v58 =	vld [tilespmem:s28+$0x66C0];
	v59 =	vbroadcast v1, $0x5;
	v11 =	vmul.f32 v48, v50;
	[tilespmem:s28+$0x6650] =	vst v12  }
0x17c: {  	v60 =	vld [tilespmem:s28+$0x66D0];
	v9 =	vmul.f32 v53, v50;
	[tilespmem:s28+$0x6660] =	vst v13  }
0x17d: {  	v56 =	vld [tilespmem:s28+$0x66A0];
	v7 =	vmul.f32 v54, v59;
	[tilespmem:s28+$0x6630] =	vst v11  }
0x17e: {  	v61 =	vld [tilespmem:s28+$0x66E0];
	v8 =	vmul.f32 v55, v59;
	[tilespmem:s28+$0x6670] =	vst v9  }
0x17f: {  	v62 =	vld [tilespmem:s28+$0x66F0];
	v10 =	vmul.f32 v57, v59;
	[tilespmem:s28+$0x6680] =	vst v7  }
0x180: {  	v63 =	vld [tilespmem:s28+$0x6700];
	v12 =	vmul.f32 v58, v59;
	[tilespmem:s28+$0x6690] =	vst v8  }
0x181: {  	v19 =	vld [tilespmem:s28+$0x6720];
	v13 =	vmul.f32 v60, v59;
	[tilespmem:s28+$0x66B0] =	vst v10  }
0x182: {  	v20 =	vld [tilespmem:s28+$0x6730];
	v11 =	vmul.f32 v56, v59;
	[tilespmem:s28+$0x66C0] =	vst v12  }
0x183: {  	v21 =	vld [tilespmem:s28+$0x6740];
	v22 =	vbroadcast v1, $0x6;
	v9 =	vmul.f32 v61, v59;
	[tilespmem:s28+$0x66D0] =	vst v13  }
0x184: {  	v18 =	vld [tilespmem:s28+$0x6710];
	v7 =	vmul.f32 v62, v59;
	[tilespmem:s28+$0x66A0] =	vst v11  }
0x185: {  	v23 =	vld [tilespmem:s28+$0x6750];
	v8 =	vmul.f32 v63, v22;
	[tilespmem:s28+$0x66E0] =	vst v9  }
0x186: {  	v24 =	vld [tilespmem:s28+$0x6760];
	v10 =	vmul.f32 v19, v22;
	[tilespmem:s28+$0x66F0] =	vst v7  }
0x187: {  	v25 =	vld [tilespmem:s28+$0x6770];
	v12 =	vmul.f32 v20, v22;
	[tilespmem:s28+$0x6700] =	vst v8  }
0x188: {  	v27 =	vld [tilespmem:s28+$0x6790];
	v13 =	vmul.f32 v21, v22;
	[tilespmem:s28+$0x6720] =	vst v10  }
0x189: {  	v28 =	vld [tilespmem:s28+$0x67A0];
	v11 =	vmul.f32 v18, v22;
	[tilespmem:s28+$0x6730] =	vst v12  }
0x18a: {  	v29 =	vld [tilespmem:s28+$0x67B0];
	v9 =	vmul.f32 v23, v22;
	[tilespmem:s28+$0x6740] =	vst v13  }
0x18b: {  	v31 =	vbroadcast v1, $0x7;
	v53 =	vld [tilespmem:s28+$0x6900];
	v7 =	vmul.f32 v24, v22;
	[tilespmem:s28+$0x6710] =	vst v11  }
0x18c: {  	v57 =	vld [tilespmem:s28+$0x6940];
	v8 =	vmul.f32 v25, v22;
	[tilespmem:s28+$0x6750] =	vst v9  }
0x18d: {  	v58 =	vld [tilespmem:s28+$0x6950];
	v10 =	vmul.f32 v27, v31;
	[tilespmem:s28+$0x6760] =	vst v7  }
0x18e: {  	v26 =	vld [tilespmem:s28+$0x6780];
	v12 =	vmul.f32 v28, v31;
	[tilespmem:s28+$0x6770] =	vst v8  }
0x18f: {  	v30 =	vld [tilespmem:s28+$0x67C0];
	v13 =	vmul.f32 v29, v31;
	[tilespmem:s28+$0x6790] =	vst v10  }
0x190: {  	v32 =	vld [tilespmem:s28+$0x67D0];
	v59 =	vmul.f32 v53, v5;
	[tilespmem:s28+$0x67A0] =	vst v12  }
0x191: {  	v33 =	vld [tilespmem:s28+$0x67E0];
	v18 =	vmul.f32 v57, v5;
	[tilespmem:s28+$0x67B0] =	vst v13  }
0x192: {  	v35 =	vld [tilespmem:s28+$0x6800];
	v20 =	vmul.f32 v58, v5;
	[tilespmem:s28+$0x6900] =	vst v59  }
0x193: {  	v36 =	vld [tilespmem:s28+$0x6810];
	v11 =	vmul.f32 v26, v31;
	[tilespmem:s28+$0x6940] =	vst v18  }
0x194: {  	v37 =	vld [tilespmem:s28+$0x6820];
	v9 =	vmul.f32 v30, v31;
	[tilespmem:s28+$0x6950] =	vst v20  }
0x195: {  	v4 =	vld [tilespmem:s28+$0x6980];
	v40 =	vbroadcast v1, $0x8;
	v7 =	vmul.f32 v32, v31;
	[tilespmem:s28+$0x6780] =	vst v11  }
0x196: {  	v6 =	vld [tilespmem:s28+$0x6990];
	v8 =	vmul.f32 v33, v31;
	[tilespmem:s28+$0x67C0] =	vst v9  }
0x197: {  	v3 =	vld [tilespmem:s28+$0x6BD0];
	v10 =	vmul.f32 v35, v40;
	[tilespmem:s28+$0x67D0] =	vst v7  }
0x198: {  	v61 =	vld [tilespmem:s28+$0x6400];
	v23 =	vbroadcast v1, $0xB;
	v12 =	vmul.f32 v36, v40;
	[tilespmem:s28+$0x67E0] =	vst v8  }
0x199: {  	v34 =	vld [tilespmem:s28+$0x67F0];
	v13 =	vmul.f32 v37, v40;
	[tilespmem:s28+$0x6800] =	vst v10  }
0x19a: {  	v38 =	vld [tilespmem:s28+$0x6830];
	v27 =	vbroadcast v1, $0xF;
	v4 =	vmul.f32 v4, v23;
	[tilespmem:s28+$0x6810] =	vst v12  }
0x19b: {  	v39 =	vld [tilespmem:s28+$0x6840];
	v6 =	vmul.f32 v6, v23;
	[tilespmem:s28+$0x6820] =	vst v13  }
0x19c: {  	v41 =	vld [tilespmem:s28+$0x6850];
	v3 =	vmul.f32 v3, v27;
	[tilespmem:s28+$0x6980] =	vst v4  }
0x19d: {  	v43 =	vld [tilespmem:s28+$0x6870];
	v24 =	vmul.f32 v2, v61;
	[tilespmem:s28+$0x6990] =	vst v6  }
0x19e: {  	v44 =	vld [tilespmem:s28+$0x6880];
	v11 =	vmul.f32 v34, v31;
	[tilespmem:s28+$0x6BD0] =	vst v3  }
0x19f: {  	v45 =	vld [tilespmem:s28+$0x6890];
	v9 =	vmul.f32 v38, v40;
	[tilespmem:s28+$0x6400] =	vst v24  }
0x1a0: {  	v63 =	vld [tilespmem:s28+$0x6440];
	v7 =	vmul.f32 v39, v40;
	[tilespmem:s28+$0x67F0] =	vst v11  }
0x1a1: {  	v49 =	vbroadcast v1, $0x9;
	v29 =	vld [tilespmem:s28+$0x69F0];
	v8 =	vmul.f32 v41, v40;
	[tilespmem:s28+$0x6830] =	vst v9  }
0x1a2: {  	v42 =	vld [tilespmem:s28+$0x6860];
	v10 =	vmul.f32 v43, v40;
	[tilespmem:s28+$0x6840] =	vst v7  }
0x1a3: {  	v46 =	vld [tilespmem:s28+$0x68A0];
	v12 =	vmul.f32 v44, v49;
	[tilespmem:s28+$0x6850] =	vst v8  }
0x1a4: {  	v47 =	vld [tilespmem:s28+$0x68B0];
	v13 =	vmul.f32 v45, v49;
	[tilespmem:s28+$0x6870] =	vst v10  }
0x1a5: {  	v48 =	vld [tilespmem:s28+$0x68C0];
	v3 =	vmul.f32 v63, v2;
	[tilespmem:s28+$0x6880] =	vst v12  }
0x1a6: {  	v51 =	vld [tilespmem:s28+$0x68E0];
	v6 =	vmul.f32 v29, v23;
	[tilespmem:s28+$0x6890] =	vst v13  }
0x1a7: {  	v52 =	vld [tilespmem:s28+$0x68F0];
	v11 =	vmul.f32 v42, v40;
	[tilespmem:s28+$0x6440] =	vst v3  }
0x1a8: {  	v28 =	vld [tilespmem:s28+$0x69E0];
	v9 =	vmul.f32 v46, v49;
	[tilespmem:s28+$0x69F0] =	vst v6  }
0x1a9: {  	v26 =	vld [tilespmem:s28+$0x69D0];
	v7 =	vmul.f32 v47, v49;
	[tilespmem:s28+$0x6860] =	vst v11  }
0x1aa: {  	v30 =	vld [tilespmem:s28+$0x6A00];
	v8 =	vmul.f32 v48, v49;
	[tilespmem:s28+$0x68A0] =	vst v9  }
0x1ab: {  	v50 =	vld [tilespmem:s28+$0x68D0];
	v10 =	vmul.f32 v51, v49;
	[tilespmem:s28+$0x68B0] =	vst v7  }
0x1ac: {  	v54 =	vld [tilespmem:s28+$0x6910];
	v12 =	vmul.f32 v52, v49;
	[tilespmem:s28+$0x68C0] =	vst v8  }
0x1ad: {  	v55 =	vld [tilespmem:s28+$0x6920];
	v35 =	vbroadcast v1, $0xC;
	v40 =	vmul.f32 v28, v23;
	[tilespmem:s28+$0x68E0] =	vst v10  }
0x1ae: {  	v56 =	vld [tilespmem:s28+$0x6930];
	v32 =	vmul.f32 v26, v23;
	[tilespmem:s28+$0x68F0] =	vst v12  }
0x1af: {  	v60 =	vld [tilespmem:s28+$0x6960];
	v15 =	vmul.f32 v30, v35;
	[tilespmem:s28+$0x69E0] =	vst v40  }
0x1b0: {  	v62 =	vld [tilespmem:s28+$0x6410];
	v11 =	vmul.f32 v50, v49;
	[tilespmem:s28+$0x69D0] =	vst v32  }
0x1b1: {  	v19 =	vld [tilespmem:s28+$0x6450];
	v9 =	vmul.f32 v54, v5;
	[tilespmem:s28+$0x6A00] =	vst v15  }
0x1b2: {  	v33 =	vld [tilespmem:s28+$0x6A30];
	v7 =	vmul.f32 v55, v5;
	[tilespmem:s28+$0x68D0] =	vst v11  }
0x1b3: {  	v61 =	vld [tilespmem:s28+$0x6BF0];
	v8 =	vmul.f32 v56, v5;
	[tilespmem:s28+$0x6910] =	vst v9  }
0x1b4: {  	v38 =	vld [tilespmem:s28+$0x6A70];
	v5 =	vmul.f32 v60, v5;
	[tilespmem:s28+$0x6920] =	vst v7  }
0x1b5: {  	v21 =	vld [tilespmem:s28+$0x69A0];
	v12 =	vmul.f32 v62, v2;
	[tilespmem:s28+$0x6930] =	vst v8  }
0x1b6: {  	v22 =	vld [tilespmem:s28+$0x69B0];
	v2 =	vmul.f32 v19, v2;
	[tilespmem:s28+$0x6960] =	vst v5  }
0x1b7: {  	v25 =	vld [tilespmem:s28+$0x69C0];
	v62 =	vmul.f32 v33, v35;
	[tilespmem:s28+$0x6410] =	vst v12  }
0x1b8: {  	v31 =	vld [tilespmem:s28+$0x6A10];
	v63 =	vmul.f32 v61, v27;
	[tilespmem:s28+$0x6450] =	vst v2  }
0x1b9: {  	v34 =	vld [tilespmem:s28+$0x6A40];
	v15 =	vmul.f32 v38, v35;
	[tilespmem:s28+$0x6A30] =	vst v62  }
0x1ba: {  	v41 =	vld [tilespmem:s28+$0x6AA0];
	v7 =	vmul.f32 v21, v23;
	[tilespmem:s28+$0x6BF0] =	vst v63  }
0x1bb: {  	v46 =	vld [tilespmem:s28+$0x6AE0];
	v8 =	vmul.f32 v22, v23;
	[tilespmem:s28+$0x6A70] =	vst v15  }
0x1bc: {  	v36 =	vld [tilespmem:s28+$0x6A50];
	v5 =	vmul.f32 v25, v23;
	[tilespmem:s28+$0x69A0] =	vst v7  }
0x1bd: {  	v44 =	vbroadcast v1, $0xD;
	v9 =	vmul.f32 v31, v35;
	v2 =	vld [tilespmem:s28+$0x6A90];
	[tilespmem:s28+$0x69B0] =	vst v8  }
0x1be: {  	v37 =	vld [tilespmem:s28+$0x6A60];
	v12 =	vmul.f32 v34, v35;
	[tilespmem:s28+$0x69C0] =	vst v5  }
0x1bf: {  	v39 =	vld [tilespmem:s28+$0x6A80];
	v11 =	vmul.f32 v41, v44;
	[tilespmem:s28+$0x6A10] =	vst v9  }
0x1c0: {  	v42 =	vld [tilespmem:s28+$0x6AB0];
	v51 =	vmul.f32 v46, v44;
	[tilespmem:s28+$0x6A40] =	vst v12  }
0x1c1: {  	v48 =	vld [tilespmem:s28+$0x6B10];
	v8 =	vmul.f32 v36, v35;
	[tilespmem:s28+$0x6AA0] =	vst v11  }
0x1c2: {  	v49 =	vld [tilespmem:s28+$0x6B20];
	[tilespmem:s28+$0x6AE0] =	vst v51;
	v2 =	vmul.f32 v2, v44  }
0x1c3: {  	v50 =	vld [tilespmem:s28+$0x6B30];
	v5 =	vmul.f32 v37, v35;
	[tilespmem:s28+$0x6A50] =	vst v8  }
0x1c4: {  	v1 =	vbroadcast v1, $0xE;
	v9 =	vmul.f32 v39, v44;
	[tilespmem:s28+$0x6A90] =	vst v2;
	v2 =	vld [tilespmem:s28+$0x6B00]  }
0x1c5: {  	v60 =	vld [tilespmem:s28+$0x6BE0];
	v12 =	vmul.f32 v42, v44;
	[tilespmem:s28+$0x6A60] =	vst v5  }
0x1c6: {  	v45 =	vld [tilespmem:s28+$0x6AD0];
	v11 =	vmul.f32 v48, v1;
	[tilespmem:s28+$0x6A80] =	vst v9  }
0x1c7: {  	v47 =	vld [tilespmem:s28+$0x6AF0];
	v10 =	vmul.f32 v49, v1;
	[tilespmem:s28+$0x6AB0] =	vst v12  }
0x1c8: {  	v43 =	vld [tilespmem:s28+$0x6AC0];
	v6 =	vmul.f32 v50, v1;
	[tilespmem:s28+$0x6B10] =	vst v11  }
0x1c9: {  	v55 =	vld [tilespmem:s28+$0x6B80];
	[tilespmem:s28+$0x6B20] =	vst v10;
	v2 =	vmul.f32 v2, v1  }
0x1ca: {  	v57 =	vld [tilespmem:s28+$0x6BA0];
	v4 =	vmul.f32 v60, v27;
	[tilespmem:s28+$0x6B30] =	vst v6  }
0x1cb: {  	v5 =	vmul.f32 v45, v44;
	[tilespmem:s28+$0x6B00] =	vst v2;
	v2 =	vld [tilespmem:s28+$0x6B70]  }
0x1cc: {  	v52 =	vld [tilespmem:s28+$0x6B40];
	v9 =	vmul.f32 v47, v44;
	[tilespmem:s28+$0x6BE0] =	vst v4  }
0x1cd: {  	v56 =	vld [tilespmem:s28+$0x6B90];
	v8 =	vmul.f32 v43, v44;
	[tilespmem:s28+$0x6AD0] =	vst v5  }
0x1ce: {  	v54 =	vld [tilespmem:s28+$0x6B60];
	v11 =	vmul.f32 v55, v27;
	[tilespmem:s28+$0x6AF0] =	vst v9  }
0x1cf: {  	v58 =	vld [tilespmem:s28+$0x6BB0];
	v6 =	vmul.f32 v57, v27;
	[tilespmem:s28+$0x6AC0] =	vst v8  }
0x1d0: {  	v53 =	vld [tilespmem:s28+$0x6B50];
	[tilespmem:s28+$0x6B80] =	vst v11;
	v2 =	vmul.f32 v2, v1  }
0x1d1: {  	v59 =	vld [tilespmem:s28+$0x6BC0];
	v5 =	vmul.f32 v52, v1;
	[tilespmem:s28+$0x6BA0] =	vst v6  }
0x1d2: {  	[tilespmem:s28+$0x6B70] =	vst v2;
	v2 =	vmul.f32 v56, v27  }
0x1d3: {  	v3 =	vld [tilespmem:s28+$0x6A20];
	v9 =	vmul.f32 v54, v1;
	[tilespmem:s28+$0x6B40] =	vst v5  }
0x1d4: {  	[tilespmem:s28+$0x6B90] =	vst v2;
	v2 =	vmul.f32 v58, v27  }
0x1d5: {  	[tilespmem:s28+$0x6B60] =	vst v9;
	v1 =	vmul.f32 v53, v1  }
0x1d6: {  	[tilespmem:s28+$0x6BB0] =	vst v2;
	v2 =	vmul.f32 v59, v27  }
0x1d7: {  	[tilespmem:s28+$0x6B50] =	vst v1  }
0x1d8: {  	s0 =	simm.s32 $0x1;
	[tilespmem:s28+$0x6BC0] =	vst v2;
	v2 =	vmul.f32 v3, v35  }
.LBB2_6:
0x1d9: {  	s2 =	sshll.u32 s0, $0x4  }
0x1da: {  	p0 =	sne.s32 s0, $0x7;
	[tilespmem:s28+$0x6A20] =	vst v2;
	s28 =	smov.u32 s0;
	s0 =	sadd.s32 $0x1, s0  }
0x1db: {  	s2 =	sand.u32 $0x3FFFFFF0, s2  }
0x1dc: {  	v1 =	vld.idx.msk [tilespmem:v0+s2+$0x0 ss:$0x1], $0xffff  }
0x1dd: {  	s2 =	sshll.u32 s28, $0xB  }
0x1de: {  	s28 =	sand.u32 $0x3FFFF800, s2  }
0x1df: {  	v8 =	vld [tilespmem:s28+$0x64C0]  }
0x1e0: {  	v9 =	vld [tilespmem:s28+$0x64D0]  }
0x1e1: {  	v10 =	vld [tilespmem:s28+$0x64B0]  }
0x1e2: {  	v2 =	vbroadcast v1, $0x0;
	v7 =	vbroadcast v1, $0x4;
	v3 =	vld [tilespmem:s28+$0x6420]  }
0x1e3: {  	v5 =	vld [tilespmem:s28+$0x6430]  }
0x1e4: {  	v6 =	vld [tilespmem:s28+$0x6970]  }
0x1e5: {  	v11 =	vld [tilespmem:s28+$0x6460]  }
0x1e6: {  	v12 =	vld [tilespmem:s28+$0x6470]  }
0x1e7: {  	v4 =	vbroadcast v1, $0xA;
	v3 =	vmul.f32 v3, v2;
	v13 =	vld [tilespmem:s28+$0x6480]  }
0x1e8: {  	v5 =	vmul.f32 v5, v2;
	v14 =	vld [tilespmem:s28+$0x6490]  }
0x1e9: {  	[tilespmem:s28+$0x6420] =	vst v3;
	v15 =	vld [tilespmem:s28+$0x64A0];
	v3 =	vmul.f32 v6, v4  }
0x1ea: {  	[tilespmem:s28+$0x6430] =	vst v5;
	v6 =	vmul.f32 v11, v2;
	v11 =	vbroadcast v1, $0x1;
	v5 =	vld [tilespmem:s28+$0x6980]  }
0x1eb: {  	v12 =	vmul.f32 v12, v2;
	[tilespmem:s28+$0x6970] =	vst v3;
	v3 =	vld [tilespmem:s28+$0x6BD0]  }
0x1ec: {  	[tilespmem:s28+$0x6460] =	vst v6;
	v13 =	vmul.f32 v13, v11;
	v6 =	vld [tilespmem:s28+$0x6990]  }
0x1ed: {  	[tilespmem:s28+$0x6470] =	vst v12;
	v12 =	vmul.f32 v14, v11;
	v14 =	vld [tilespmem:s28+$0x64E0]  }
0x1ee: {  	[tilespmem:s28+$0x6480] =	vst v13;
	v13 =	vmul.f32 v15, v11;
	v15 =	vld [tilespmem:s28+$0x64F0]  }
0x1ef: {  	v10 =	vmul.f32 v10, v11;
	[tilespmem:s28+$0x6490] =	vst v12;
	v12 =	vld [tilespmem:s28+$0x6500]  }
0x1f0: {  	v8 =	vmul.f32 v8, v11;
	[tilespmem:s28+$0x64A0] =	vst v13;
	v13 =	vld [tilespmem:s28+$0x6510]  }
0x1f1: {  	v9 =	vmul.f32 v9, v11;
	[tilespmem:s28+$0x64B0] =	vst v10;
	v10 =	vld [tilespmem:s28+$0x6520]  }
0x1f2: {  	[tilespmem:s28+$0x64C0] =	vst v8;
	v8 =	vmul.f32 v14, v11;
	v14 =	vbroadcast v1, $0x2;
	v16 =	vld [tilespmem:s28+$0x6530]  }
0x1f3: {  	[tilespmem:s28+$0x64D0] =	vst v9;
	v9 =	vmul.f32 v15, v11;
	v11 =	vld [tilespmem:s28+$0x6540]  }
0x1f4: {  	[tilespmem:s28+$0x64E0] =	vst v8;
	v8 =	vmul.f32 v12, v14;
	v12 =	vld [tilespmem:s28+$0x6550]  }
0x1f5: {  	[tilespmem:s28+$0x64F0] =	vst v9;
	v9 =	vmul.f32 v13, v14;
	v13 =	vld [tilespmem:s28+$0x6560]  }
0x1f6: {  	[tilespmem:s28+$0x6500] =	vst v8;
	v8 =	vmul.f32 v10, v14;
	v10 =	vld [tilespmem:s28+$0x6570]  }
0x1f7: {  	[tilespmem:s28+$0x6510] =	vst v9;
	v9 =	vmul.f32 v16, v14;
	v15 =	vld [tilespmem:s28+$0x6580]  }
0x1f8: {  	[tilespmem:s28+$0x6520] =	vst v8;
	v8 =	vmul.f32 v11, v14;
	v11 =	vld [tilespmem:s28+$0x6590]  }
0x1f9: {  	[tilespmem:s28+$0x6530] =	vst v9;
	v9 =	vmul.f32 v12, v14;
	v12 =	vld [tilespmem:s28+$0x65A0]  }
0x1fa: {  	[tilespmem:s28+$0x6540] =	vst v8;
	v8 =	vmul.f32 v13, v14;
	v13 =	vbroadcast v1, $0x3;
	v16 =	vld [tilespmem:s28+$0x65B0]  }
0x1fb: {  	[tilespmem:s28+$0x6550] =	vst v9;
	v9 =	vmul.f32 v10, v14;
	v10 =	vld [tilespmem:s28+$0x65C0]  }
0x1fc: {  	[tilespmem:s28+$0x6560] =	vst v8;
	v8 =	vmul.f32 v15, v13;
	v14 =	vld [tilespmem:s28+$0x65D0]  }
0x1fd: {  	[tilespmem:s28+$0x6570] =	vst v9;
	v9 =	vmul.f32 v11, v13;
	v11 =	vld [tilespmem:s28+$0x65E0]  }
0x1fe: {  	[tilespmem:s28+$0x6580] =	vst v8;
	v8 =	vmul.f32 v12, v13;
	v12 =	vld [tilespmem:s28+$0x65F0]  }
0x1ff: {  	[tilespmem:s28+$0x6590] =	vst v9;
	v9 =	vmul.f32 v16, v13;
	v15 =	vld [tilespmem:s28+$0x6600]  }
0x200: {  	[tilespmem:s28+$0x65A0] =	vst v8;
	v8 =	vmul.f32 v10, v13;
	v10 =	vld [tilespmem:s28+$0x6610]  }
0x201: {  	[tilespmem:s28+$0x65B0] =	vst v9;
	v9 =	vmul.f32 v14, v13;
	v14 =	vld [tilespmem:s28+$0x6620]  }
0x202: {  	[tilespmem:s28+$0x65C0] =	vst v8;
	v8 =	vmul.f32 v11, v13;
	v11 =	vld [tilespmem:s28+$0x6630]  }
0x203: {  	[tilespmem:s28+$0x65D0] =	vst v9;
	v9 =	vmul.f32 v12, v13;
	v12 =	vld [tilespmem:s28+$0x6640]  }
0x204: {  	[tilespmem:s28+$0x65E0] =	vst v8;
	v8 =	vmul.f32 v15, v7;
	v13 =	vld [tilespmem:s28+$0x6650]  }
0x205: {  	[tilespmem:s28+$0x65F0] =	vst v9;
	v9 =	vmul.f32 v10, v7;
	v10 =	vld [tilespmem:s28+$0x6660]  }
0x206: {  	[tilespmem:s28+$0x6600] =	vst v8;
	v8 =	vmul.f32 v14, v7;
	v14 =	vld [tilespmem:s28+$0x6670]  }
0x207: {  	[tilespmem:s28+$0x6610] =	vst v9;
	v9 =	vmul.f32 v11, v7;
	v11 =	vld [tilespmem:s28+$0x6680]  }
0x208: {  	[tilespmem:s28+$0x6620] =	vst v8;
	v8 =	vmul.f32 v12, v7;
	v12 =	vld [tilespmem:s28+$0x6690]  }
0x209: {  	[tilespmem:s28+$0x6630] =	vst v9;
	v9 =	vmul.f32 v13, v7;
	v13 =	vld [tilespmem:s28+$0x66A0]  }
0x20a: {  	[tilespmem:s28+$0x6640] =	vst v8;
	v8 =	vmul.f32 v10, v7;
	v10 =	vbroadcast v1, $0x5;
	v15 =	vld [tilespmem:s28+$0x66B0]  }
0x20b: {  	[tilespmem:s28+$0x6650] =	vst v9;
	v7 =	vmul.f32 v14, v7;
	v9 =	vld [tilespmem:s28+$0x66C0]  }
0x20c: {  	[tilespmem:s28+$0x6660] =	vst v8;
	v8 =	vmul.f32 v11, v10;
	v11 =	vld [tilespmem:s28+$0x66D0]  }
0x20d: {  	[tilespmem:s28+$0x6670] =	vst v7;
	v7 =	vmul.f32 v12, v10;
	v12 =	vld [tilespmem:s28+$0x66E0]  }
0x20e: {  	[tilespmem:s28+$0x6680] =	vst v8;
	v8 =	vmul.f32 v13, v10;
	v13 =	vld [tilespmem:s28+$0x66F0]  }
0x20f: {  	[tilespmem:s28+$0x6690] =	vst v7;
	v7 =	vmul.f32 v15, v10;
	v14 =	vld [tilespmem:s28+$0x6700]  }
0x210: {  	[tilespmem:s28+$0x66A0] =	vst v8;
	v8 =	vmul.f32 v9, v10;
	v9 =	vld [tilespmem:s28+$0x6710]  }
0x211: {  	[tilespmem:s28+$0x66B0] =	vst v7;
	v7 =	vmul.f32 v11, v10;
	v11 =	vld [tilespmem:s28+$0x6720]  }
0x212: {  	[tilespmem:s28+$0x66C0] =	vst v8;
	v8 =	vmul.f32 v12, v10;
	v12 =	vbroadcast v1, $0x6;
	v15 =	vld [tilespmem:s28+$0x6730]  }
0x213: {  	[tilespmem:s28+$0x66D0] =	vst v7;
	v7 =	vmul.f32 v13, v10;
	v10 =	vld [tilespmem:s28+$0x6740]  }
0x214: {  	[tilespmem:s28+$0x66E0] =	vst v8;
	v8 =	vmul.f32 v14, v12;
	v13 =	vld [tilespmem:s28+$0x6750]  }
0x215: {  	[tilespmem:s28+$0x66F0] =	vst v7;
	v7 =	vmul.f32 v9, v12;
	v9 =	vld [tilespmem:s28+$0x6760]  }
0x216: {  	[tilespmem:s28+$0x6700] =	vst v8;
	v8 =	vmul.f32 v11, v12;
	v11 =	vld [tilespmem:s28+$0x6770]  }
0x217: {  	[tilespmem:s28+$0x6710] =	vst v7;
	v7 =	vmul.f32 v15, v12;
	v14 =	vld [tilespmem:s28+$0x6780]  }
0x218: {  	[tilespmem:s28+$0x6720] =	vst v8;
	v8 =	vmul.f32 v10, v12;
	v10 =	vld [tilespmem:s28+$0x6790]  }
0x219: {  	[tilespmem:s28+$0x6730] =	vst v7;
	v7 =	vmul.f32 v13, v12;
	v13 =	vld [tilespmem:s28+$0x67A0]  }
0x21a: {  	[tilespmem:s28+$0x6740] =	vst v8;
	v8 =	vmul.f32 v9, v12;
	v9 =	vbroadcast v1, $0x7;
	v15 =	vld [tilespmem:s28+$0x67B0]  }
0x21b: {  	[tilespmem:s28+$0x6750] =	vst v7;
	v7 =	vmul.f32 v11, v12;
	v11 =	vld [tilespmem:s28+$0x67C0]  }
0x21c: {  	[tilespmem:s28+$0x6760] =	vst v8;
	v8 =	vmul.f32 v14, v9;
	v12 =	vld [tilespmem:s28+$0x67D0]  }
0x21d: {  	[tilespmem:s28+$0x6770] =	vst v7;
	v7 =	vmul.f32 v10, v9;
	v10 =	vld [tilespmem:s28+$0x67E0]  }
0x21e: {  	[tilespmem:s28+$0x6780] =	vst v8;
	v8 =	vmul.f32 v13, v9;
	v13 =	vld [tilespmem:s28+$0x67F0]  }
0x21f: {  	[tilespmem:s28+$0x6790] =	vst v7;
	v7 =	vmul.f32 v15, v9;
	v14 =	vld [tilespmem:s28+$0x6800]  }
0x220: {  	[tilespmem:s28+$0x67A0] =	vst v8;
	v8 =	vmul.f32 v11, v9;
	v11 =	vld [tilespmem:s28+$0x6810]  }
0x221: {  	[tilespmem:s28+$0x67B0] =	vst v7;
	v7 =	vmul.f32 v12, v9;
	v12 =	vld [tilespmem:s28+$0x6820]  }
0x222: {  	[tilespmem:s28+$0x67C0] =	vst v8;
	v8 =	vmul.f32 v10, v9;
	v10 =	vbroadcast v1, $0x8;
	v15 =	vld [tilespmem:s28+$0x6830]  }
0x223: {  	[tilespmem:s28+$0x67D0] =	vst v7;
	v7 =	vmul.f32 v13, v9;
	v9 =	vld [tilespmem:s28+$0x6840]  }
0x224: {  	[tilespmem:s28+$0x67E0] =	vst v8;
	v8 =	vmul.f32 v14, v10;
	v13 =	vld [tilespmem:s28+$0x6850]  }
0x225: {  	[tilespmem:s28+$0x67F0] =	vst v7;
	v7 =	vmul.f32 v11, v10;
	v11 =	vld [tilespmem:s28+$0x6860]  }
0x226: {  	[tilespmem:s28+$0x6800] =	vst v8;
	v8 =	vmul.f32 v12, v10;
	v12 =	vld [tilespmem:s28+$0x6870]  }
0x227: {  	[tilespmem:s28+$0x6810] =	vst v7;
	v7 =	vmul.f32 v15, v10;
	v14 =	vld [tilespmem:s28+$0x6880]  }
0x228: {  	[tilespmem:s28+$0x6820] =	vst v8;
	v8 =	vmul.f32 v9, v10;
	v9 =	vld [tilespmem:s28+$0x6890]  }
0x229: {  	[tilespmem:s28+$0x6830] =	vst v7;
	v7 =	vmul.f32 v13, v10;
	v13 =	vld [tilespmem:s28+$0x68A0]  }
0x22a: {  	[tilespmem:s28+$0x6840] =	vst v8;
	v8 =	vmul.f32 v11, v10;
	v11 =	vbroadcast v1, $0x9;
	v15 =	vld [tilespmem:s28+$0x68B0]  }
0x22b: {  	[tilespmem:s28+$0x6850] =	vst v7;
	v7 =	vmul.f32 v12, v10;
	v10 =	vld [tilespmem:s28+$0x68C0]  }
0x22c: {  	[tilespmem:s28+$0x6860] =	vst v8;
	v8 =	vmul.f32 v14, v11;
	v12 =	vld [tilespmem:s28+$0x68D0]  }
0x22d: {  	[tilespmem:s28+$0x6870] =	vst v7;
	v7 =	vmul.f32 v9, v11;
	v9 =	vld [tilespmem:s28+$0x68E0]  }
0x22e: {  	[tilespmem:s28+$0x6880] =	vst v8;
	v8 =	vmul.f32 v13, v11;
	v13 =	vld [tilespmem:s28+$0x68F0]  }
0x22f: {  	[tilespmem:s28+$0x6890] =	vst v7;
	v7 =	vmul.f32 v15, v11;
	v14 =	vld [tilespmem:s28+$0x6900]  }
0x230: {  	[tilespmem:s28+$0x68A0] =	vst v8;
	v8 =	vmul.f32 v10, v11;
	v10 =	vld [tilespmem:s28+$0x6910]  }
0x231: {  	[tilespmem:s28+$0x68B0] =	vst v7;
	v7 =	vmul.f32 v12, v11;
	v12 =	vld [tilespmem:s28+$0x6920]  }
0x232: {  	[tilespmem:s28+$0x68C0] =	vst v8;
	v8 =	vmul.f32 v9, v11;
	v9 =	vld [tilespmem:s28+$0x6930]  }
0x233: {  	[tilespmem:s28+$0x68D0] =	vst v7;
	v7 =	vmul.f32 v13, v11;
	v11 =	vld [tilespmem:s28+$0x6940]  }
0x234: {  	[tilespmem:s28+$0x68E0] =	vst v8;
	v8 =	vmul.f32 v14, v4;
	v13 =	vld [tilespmem:s28+$0x6950]  }
0x235: {  	[tilespmem:s28+$0x68F0] =	vst v7;
	v7 =	vmul.f32 v10, v4;
	v10 =	vld [tilespmem:s28+$0x6960]  }
0x236: {  	v14 =	vld [tilespmem:s28+$0x6400];
	[tilespmem:s28+$0x6900] =	vst v8;
	v8 =	vmul.f32 v12, v4  }
0x237: {  	v12 =	vld [tilespmem:s28+$0x6410];
	[tilespmem:s28+$0x6910] =	vst v7;
	v7 =	vmul.f32 v9, v4  }
0x238: {  	v9 =	vld [tilespmem:s28+$0x6440];
	[tilespmem:s28+$0x6920] =	vst v8;
	v8 =	vmul.f32 v11, v4  }
0x239: {  	v11 =	vld [tilespmem:s28+$0x6450];
	[tilespmem:s28+$0x6930] =	vst v7;
	v7 =	vmul.f32 v13, v4  }
0x23a: {  	[tilespmem:s28+$0x6940] =	vst v8;
	v8 =	vmul.f32 v10, v4;
	v10 =	vbroadcast v1, $0xB;
	v13 =	vld [tilespmem:s28+$0x69A0]  }
0x23b: {  	v4 =	vbroadcast v1, $0xF;
	v14 =	vmul.f32 v2, v14;
	[tilespmem:s28+$0x6950] =	vst v7;
	v7 =	vld [tilespmem:s28+$0x69B0]  }
0x23c: {  	v12 =	vmul.f32 v12, v2;
	[tilespmem:s28+$0x6960] =	vst v8;
	v5 =	vmul.f32 v5, v10;
	v8 =	vld [tilespmem:s28+$0x69C0]  }
0x23d: {  	v6 =	vmul.f32 v6, v10;
	[tilespmem:s28+$0x6400] =	vst v14;
	v9 =	vmul.f32 v9, v2;
	v14 =	vld [tilespmem:s28+$0x69D0]  }
0x23e: {  	v3 =	vmul.f32 v3, v4;
	v11 =	vmul.f32 v11, v2;
	[tilespmem:s28+$0x6980] =	vst v5;
	v2 =	vld [tilespmem:s28+$0x69E0]  }
0x23f: {  	[tilespmem:s28+$0x6990] =	vst v6;
	v5 =	vmul.f32 v13, v10;
	v6 =	vld [tilespmem:s28+$0x69F0]  }
0x240: {  	v7 =	vmul.f32 v7, v10;
	v13 =	vld [tilespmem:s28+$0x6A00];
	[tilespmem:s28+$0x6BD0] =	vst v3  }
0x241: {  	[tilespmem:s28+$0x6410] =	vst v12;
	v3 =	vmul.f32 v8, v10;
	v8 =	vld [tilespmem:s28+$0x6A10]  }
0x242: {  	[tilespmem:s28+$0x6440] =	vst v9;
	v9 =	vmul.f32 v14, v10;
	v12 =	vld [tilespmem:s28+$0x6A20]  }
0x243: {  	v14 =	vbroadcast v1, $0xC;
	[tilespmem:s28+$0x69A0] =	vst v5;
	v5 =	vmul.f32 v2, v10;
	v15 =	vld [tilespmem:s28+$0x6A30]  }
0x244: {  	[tilespmem:s28+$0x69D0] =	vst v9;
	v6 =	vmul.f32 v6, v10;
	v9 =	vld [tilespmem:s28+$0x6A40]  }
0x245: {  	[tilespmem:s28+$0x69B0] =	vst v7;
	v2 =	vmul.f32 v13, v14;
	v7 =	vld [tilespmem:s28+$0x6A50]  }
0x246: {  	[tilespmem:s28+$0x69C0] =	vst v3;
	v3 =	vmul.f32 v8, v14;
	v8 =	vld [tilespmem:s28+$0x6A60]  }
0x247: {  	[tilespmem:s28+$0x6A00] =	vst v2;
	v2 =	vmul.f32 v12, v14;
	v10 =	vld [tilespmem:s28+$0x6A70]  }
0x248: {  	[tilespmem:s28+$0x6A10] =	vst v3;
	v3 =	vld [tilespmem:s28+$0x6A80]  }
0x249: {  	[tilespmem:s28+$0x6450] =	vst v11;
	v9 =	vmul.f32 v9, v14;
	v11 =	vld [tilespmem:s28+$0x6A90]  }
0x24a: {  	[tilespmem:s28+$0x69E0] =	vst v5;
	v5 =	vmul.f32 v7, v14;
	v7 =	vld [tilespmem:s28+$0x6AA0]  }
0x24b: {  	[tilespmem:s28+$0x6A40] =	vst v9;
	v8 =	vmul.f32 v8, v14;
	v9 =	vbroadcast v1, $0xD;
	v12 =	vld [tilespmem:s28+$0x6AB0]  }
0x24c: {  	[tilespmem:s28+$0x6A50] =	vst v5;
	v5 =	vmul.f32 v10, v14;
	v10 =	vld [tilespmem:s28+$0x6AC0]  }
0x24d: {  	[tilespmem:s28+$0x6A60] =	vst v8;
	v3 =	vmul.f32 v3, v9;
	v8 =	vld [tilespmem:s28+$0x6AD0]  }
0x24e: {  	[tilespmem:s28+$0x6A70] =	vst v5;
	v5 =	vmul.f32 v11, v9;
	v11 =	vld [tilespmem:s28+$0x6AE0]  }
0x24f: {  	[tilespmem:s28+$0x6A80] =	vst v3;
	v3 =	vmul.f32 v7, v9;
	v7 =	vld [tilespmem:s28+$0x6AF0]  }
0x250: {  	[tilespmem:s28+$0x6A90] =	vst v5;
	v5 =	vmul.f32 v12, v9;
	v12 =	vld [tilespmem:s28+$0x6B00]  }
0x251: {  	[tilespmem:s28+$0x6AA0] =	vst v3;
	v3 =	vmul.f32 v10, v9;
	v10 =	vld [tilespmem:s28+$0x6B10]  }
0x252: {  	[tilespmem:s28+$0x6AB0] =	vst v5;
	v5 =	vmul.f32 v8, v9;
	v8 =	vld [tilespmem:s28+$0x6B20]  }
0x253: {  	v1 =	vbroadcast v1, $0xE;
	[tilespmem:s28+$0x69F0] =	vst v6;
	v6 =	vmul.f32 v11, v9;
	v11 =	vld [tilespmem:s28+$0x6B30]  }
0x254: {  	[tilespmem:s28+$0x6AD0] =	vst v5;
	v5 =	vmul.f32 v7, v9;
	v7 =	vld [tilespmem:s28+$0x6B40]  }
0x255: {  	[tilespmem:s28+$0x6AE0] =	vst v6;
	v6 =	vmul.f32 v12, v1;
	v9 =	vld [tilespmem:s28+$0x6B50]  }
0x256: {  	[tilespmem:s28+$0x6AF0] =	vst v5;
	v5 =	vmul.f32 v10, v1;
	v10 =	vld [tilespmem:s28+$0x6B60]  }
0x257: {  	[tilespmem:s28+$0x6B00] =	vst v6;
	v6 =	vmul.f32 v8, v1;
	v8 =	vld [tilespmem:s28+$0x6B70]  }
0x258: {  	[tilespmem:s28+$0x6B10] =	vst v5;
	v5 =	vmul.f32 v11, v1;
	v11 =	vld [tilespmem:s28+$0x6B80]  }
0x259: {  	[tilespmem:s28+$0x6B20] =	vst v6;
	v6 =	vmul.f32 v7, v1;
	v7 =	vld [tilespmem:s28+$0x6B90]  }
0x25a: {  	[tilespmem:s28+$0x6B30] =	vst v5;
	v5 =	vmul.f32 v9, v1;
	v9 =	vld [tilespmem:s28+$0x6BA0]  }
0x25b: {  	[tilespmem:s28+$0x6B40] =	vst v6;
	v6 =	vmul.f32 v10, v1;
	v10 =	vld [tilespmem:s28+$0x6BB0]  }
0x25c: {  	[tilespmem:s28+$0x6AC0] =	vst v3;
	v1 =	vmul.f32 v8, v1;
	v3 =	vld [tilespmem:s28+$0x6BC0]  }
0x25d: {  	[tilespmem:s28+$0x6B60] =	vst v6;
	v6 =	vmul.f32 v11, v4;
	v8 =	vld [tilespmem:s28+$0x6BE0]  }
0x25e: {  	[tilespmem:s28+$0x6B70] =	vst v1;
	v1 =	vmul.f32 v7, v4;
	v7 =	vld [tilespmem:s28+$0x6BF0]  }
0x25f: {  	[tilespmem:s28+$0x6B80] =	vst v6;
	v6 =	vmul.f32 v9, v4  }
0x260: {  	[tilespmem:s28+$0x6B90] =	vst v1;
	v1 =	vmul.f32 v10, v4  }
0x261: {  	v9 =	vmul.f32 v15, v14;
	[tilespmem:s28+$0x6BA0] =	vst v6  }
0x262: {  	[tilespmem:s28+$0x6BB0] =	vst v1;
	v1 =	vmul.f32 v3, v4  }
.Ltmp1:
0x263: {  	[tilespmem:s28+$0x6A30] =	vst v9;
	v3 =	vmul.f32 v7, v4;
	(pc) =	sbr.rel @p0 .LBB2_6-.Ltmp1, $4  }
0x264: {  	[tilespmem:s28+$0x6BC0] =	vst v1  }
0x265: {  	v1 =	vmul.f32 v8, v4;
	[tilespmem:s28+$0x6BF0] =	vst v3  }
0x266: {  	[tilespmem:s28+$0x6B50] =	vst v5  }
0x267: {  	[tilespmem:s28+$0x6BE0] =	vst v1  }
0x268: {  	s25 =	sadd.s32 $0x1, s25  }
0x269: {  	p0 =	sne.s32 s25, $0xA  }
.Ltmp2:
0x26a: {  	_ = 	snop;
	(pc) =	sbr.rel @p0 .LBB2_3-.Ltmp2, $3  }
0x26b: {  	_ =	sdelay $0x1  }
0x26c: {  	[tilespmem:s28+$0x6A20] =	vst v2;
	s0 =	sadd.s32 $0xC00, s26  }
0x26d: {  	[spmem:s4] =	stream.indirect.scatter.add.f32 [tilespmem:s20], [sflag:$0x4], $0x80, s0, s17, $0xb8;
	[tilespmem:$0x1E400] =	vst v63  }
0x26e: {  	s24 =	sadd.s32 $0x1, s24  }
0x26f: {  	p0 =	sne.s32 s24, $0x4  }
.Ltmp3:
0x270: {  	_ = 	snop;
	(pc) =	sbr.rel @p0 .LBB2_2-.Ltmp3, $4  }
0x271: {  	_ = 	snop  }
0x272: {  	_ =	swait.ge [sflag:s23], $0x4000  }
0x273: {  	[sflag:s23] =	ssyncset.done $0x0  }
0x274: {  	[sflag:s23] =	ssyncadd.s32 $0xFFFFC000  }
0x275: {  	s5 =	sadd.s32 $0x1, s5  }
0x276: {  	p0 =	sne.s32 s5, s12  }
.Ltmp4:
0x277: {  	[bflag:$0x0] =	sbarrier.arrive $0xFFFF;
	(pc) =	sbr.rel @p0 .LBB2_1-.Ltmp4, $4  }
0x278: {  	[hbm:s11], [sflag:s9] =	dma.local [spmem:s13], $0x2800  }
0x279: {  	_ =	swait.ge [sflag:s14], $0x2800  }
0x27a: {  	[sflag:s14] =	ssyncset.done $0x0  }
0x27b: {  	[sflag:s14] =	ssyncadd.s32 $0xFFFFD800  }
0x27c: {  	_ =	sfence.sel $0x180000  }
0x27d: {  	[bflag:$0x0] =	sbarrier.arrive $0xFFFF  }
0x27e: {  	_ =	strace $0x90000047  }
0x27f: {  	s0 =	stileid.u32;
	[bflag:$0x2] =	sbarrier.arrive $0xFFFF  }
0x280: {  	p0 =	sne.s32 s0, $0x0;
	s0 =	rddreg [dreg:$0x4]  }
0x281: {  	s0 =	sadd.s32 @!p0 $0x100000, s0  }
0x282: {  	[sflag:s0] =	ssyncadd.tile.s32 @!p0 $0x1;
	_ =	shalt  }
.Lfunc_end2:
_tile_overlayer_lowered:
.L_overlay_start_2:
0x283: {  	(tag) =	ssettag $0x2  }
0x284: {  	s0 =	rddreg [dreg:$0x0];
	s2 =	stileid.u32  }
0x285: {  	s1 =	rddreg [dreg:$0x1];
	p0 =	sne.s32 s2, $0x0  }
0x286: {  	s3 =	rddreg [dreg:$0x2];
	[bflag:$0x3] =	sbarrier.arrive $0xFFFF;
	s2 =	simm.s32 @!p0 $0x1C05  }
0x287: {  	[timem:s3], [sflag:s2] =	dma.local @!p0 [hbm:s0], s1  }
0x288: {  	s0 =	simm.s32 @!p0 $0x5  }
0x289: {  	_ =	swait.ge @!p0 [sflag:s0], s1  }
0x28a: {  	s1 =	ssub.s32 @!p0 $0x0, s1;
	[sflag:s0] =	ssyncset.done @!p0 $0x0  }
0x28b: {  	[sflag:s0] =	ssyncadd.s32 @!p0 s1  }
0x28c: {  	[bflag:$0x3] =	sbarrier.arrive $0xFFFF  }
0x28d: {  	_ =	shalt  }

</sc_bundles>
